<compile_context>
chip_gen: v7x
topology: tpu7x:2x2x1
jax: 0.10.2.dev20260603
libtpu: 0.0.44.dev20260713+nightly
codegen_flags: <defaults>
</compile_context>

<pallas_src>
import jax
import jax.numpy as jnp
from jax import lax
from jax.experimental import pallas as pl
from jax.experimental.pallas import tpu as pltpu
from jax.experimental.pallas import tpu_sc as plsc

_NUM_BUCKETS = 1000
_D = 64
_NC, _NS, _L = 2, 16, 16
_NW = _NC * _NS
_B = 128
_W = _D // 2
_WS = _W + 1


def _qr_body(idx_hbm, t_hbm, out_hbm,
             idx_t, tbl, qt, rt, ova, ovb, ssa, ssb):
    wid = lax.axis_index("s") * _NC + lax.axis_index("c")
    f = idx_hbm.shape[0]
    nb_rows = idx_hbm.shape[1]
    rows_w = nb_rows // _NW
    blks = rows_w // _B
    bshift = blks.bit_length() - 1
    n_chunks = f * blks
    nb = jnp.full((_L,), _NUM_BUCKETS, jnp.int32)
    wsplat = jnp.full((_L,), _WS, jnp.int32)
    hmask = jnp.full((_L,), -65536, jnp.int32)
    sh16 = jnp.full((_L,), 16, jnp.int32)

    ov = (ova, ovb)
    sem_s = (ssa, ssb)

    pltpu.sync_copy(t_hbm, tbl)
    pltpu.sync_copy(idx_hbm.at[:, pl.ds(wid * rows_w, rows_w)], idx_t)

    @pl.loop(0, n_chunks, step=2)
    def pipe(c0):
        for b in range(2):
            c = c0 + b
            fld = lax.shift_right_logical(c, bshift)
            blk = lax.bitwise_and(c, blks - 1)

            for m in range(_B // _L):
                v = idx_t[fld, pl.ds(blk * _B + m * _L, _L)]
                qt[pl.ds(m * _L, _L)] = lax.div(v, nb) * wsplat
                rt[pl.ds(m * _L, _L)] = (lax.rem(v, nb) + nb) * wsplat

            @pl.when(c >= 2)
            def _():
                pltpu.make_async_copy(
                    ov[b], out_hbm.at[0, :, pl.ds(0, _B)], sem_s[b]).wait()

            for m in range(_B // _L):
                qv = qt[pl.ds(m * _L, _L)]
                rv = rt[pl.ds(m * _L, _L)]

                @plsc.parallel_loop(0, _W, unroll=4)
                def col_body(k):
                    kk = jnp.zeros((_L,), jnp.int32) + k
                    qw = plsc.load_gather(tbl, [qv + kk])
                    rw = plsc.load_gather(tbl, [rv + kk])
                    qa = plsc.bitcast(lax.shift_left(qw, sh16), jnp.float32)
                    qb = plsc.bitcast(lax.bitwise_and(qw, hmask), jnp.float32)
                    ra = plsc.bitcast(lax.shift_left(rw, sh16), jnp.float32)
                    rb = plsc.bitcast(lax.bitwise_and(rw, hmask), jnp.float32)
                    s = pl.ds(m * _L, _L)
                    ov[b][2 * k, s] = qa * ra
                    ov[b][2 * k + 1, s] = qb * rb

            pltpu.async_copy(
                ov[b],
                out_hbm.at[fld, :, pl.ds(wid * rows_w + blk * _B, _B)],
                sem_s[b])

    pltpu.make_async_copy(ova, out_hbm.at[0, :, pl.ds(0, _B)], ssa).wait()
    pltpu.make_async_copy(ovb, out_hbm.at[0, :, pl.ds(0, _B)], ssb).wait()


def kernel(inputs, q_table, r_table):
    b, f = inputs.shape
    idx_t = inputs.T
    t_stack = jnp.concatenate([q_table, r_table], axis=0).astype(jnp.bfloat16)
    t_packed = jnp.pad(
        lax.bitcast_convert_type(
            t_stack.reshape(2 * _NUM_BUCKETS, _W, 2), jnp.int32),
        ((0, 0), (0, _WS - _W))).reshape(2 * _NUM_BUCKETS * _WS)
    mesh = plsc.VectorSubcoreMesh(core_axis_name="c", subcore_axis_name="s")
    out_phys = pl.kernel(
        _qr_body,
        mesh=mesh,
        compiler_params=pltpu.CompilerParams(needs_layout_passes=False),
        out_type=jax.ShapeDtypeStruct((f, _D, b), jnp.float32),
        scratch_types=(
            [pltpu.VMEM((f, b // _NW), jnp.int32)]
            + [pltpu.VMEM((2 * _NUM_BUCKETS * _WS,), jnp.int32)]
            + [pltpu.VMEM((_B,), jnp.int32)] * 2
            + [pltpu.VMEM((_D, _B), jnp.float32)] * 2
            + [pltpu.SemaphoreType.DMA] * 2
        ),
    )(idx_t, t_packed)
    return jnp.transpose(out_phys, (2, 0, 1))

# --- scband reference (transcript-rebuilt; emitter-appended) ---
"""Pipeline reference for scband-qrembedding-60816736912093 (READ-ONLY COPY).

The authoritative reference and input builder live on the scoring server;
editing this copy changes nothing except your own understanding.
"""

import jax, jax.numpy as jnp
import numpy as np

NUM_BUCKETS = 1000
EMBED_DIM = 64
VOCAB = 1000000
BATCH = 16384
FIELDS = 26


def setup_inputs(seed: int = 0) -> dict:
    key = jax.random.key(seed)
    k_idx, k_q, k_r = jax.random.split(key, 3)
    inputs = jax.random.randint(k_idx, (BATCH, FIELDS), 0, VOCAB, dtype=jnp.int64 if jax.config.jax_enable_x64 else jnp.int32)
    q_table = jax.random.normal(k_q, (NUM_BUCKETS, EMBED_DIM), dtype=jnp.float32) * 0.05
    r_table = jax.random.normal(k_r, (NUM_BUCKETS, EMBED_DIM), dtype=jnp.float32) * 0.05
    return {"inputs": inputs, "q_table": q_table, "r_table": r_table}


def reference(inputs, q_table, r_table):
    quotient_index = inputs // NUM_BUCKETS
    remainder_index = inputs % NUM_BUCKETS
    quotient_embedding = jnp.take(q_table, quotient_index, axis=0)
    remainder_embedding = jnp.take(r_table, remainder_index, axis=0)
    return quotient_embedding * remainder_embedding

if __name__ == "__main__":
    import jax
    _d = setup_inputs()
    print(jax.jit(kernel)(*tuple(_d.values())))

</pallas_src>

<mosaic_0001>
#map = affine_map<(d0, d1) -> (0, 0)>
#map1 = affine_map<(d0, d1) -> (0)>
#map2 = affine_map<(d0, d1) -> (0, 0, 0)>
module attributes {stable_mosaic.version = 14 : i64} {
  func.func @_qr_body(%arg0: i32, %arg1: i32, %arg2: memref<26x16384xi32, #tpu.memory_space<hbm>>, %arg3: memref<66000xi32, #tpu.memory_space<hbm>>, %arg4: memref<26x64x16384xf32, #tpu.memory_space<hbm>>, %arg5: memref<26x512xi32, #tpu.memory_space<vmem>>, %arg6: memref<66000xi32, #tpu.memory_space<vmem>>, %arg7: memref<128xi32, #tpu.memory_space<vmem>>, %arg8: memref<128xi32, #tpu.memory_space<vmem>>, %arg9: memref<64x128xf32, #tpu.memory_space<vmem>>, %arg10: memref<64x128xf32, #tpu.memory_space<vmem>>, %arg11: memref<!tpu.dma_semaphore, #tpu.memory_space<semaphore_mem>>, %arg12: memref<!tpu.dma_semaphore, #tpu.memory_space<semaphore_mem>>) attributes {dimension_semantics = [#tpu.dimension_semantics<core_parallel>, #tpu.dimension_semantics<subcore_parallel>], iteration_bounds = array<i64: 2, 16>, scalar_prefetch = 0 : i64, scratch_operands = 8 : i64, tpu.core_type = #tpu.core_type<sc_vector_subcore>, window_params = [{transform_indices = #map}, {transform_indices = #map1}, {transform_indices = #map2}]} {
    %mul3A = arith.constant 2 : i32
    %mul3A_0 = arith.muli %arg1, %mul3A : i32
    %add3A = arith.addi %mul3A_0, %arg0 : i32
    %broadcast_in_dim3A = arith.constant 1000 : i32
    %broadcast_in_dim3A_1 = vector.broadcast %broadcast_in_dim3A : i32 to vector<16xi32>
    %broadcast_in_dim3A_2 = arith.constant 33 : i32
    %broadcast_in_dim3A_3 = vector.broadcast %broadcast_in_dim3A_2 : i32 to vector<16xi32>
    %broadcast_in_dim3A_4 = arith.constant -65536 : i32
    %broadcast_in_dim3A_5 = vector.broadcast %broadcast_in_dim3A_4 : i32 to vector<16xi32>
    %broadcast_in_dim3A_6 = arith.constant 16 : i32
    %broadcast_in_dim3A_7 = vector.broadcast %broadcast_in_dim3A_6 : i32 to vector<16xi32>
    "tpu.region"() ({
      %run_scoped3A = tpu.sem_alloc : memref<!tpu.dma_semaphore, #tpu.memory_space<semaphore_mem>>
      tpu.enqueue_dma source(%arg3 : memref<66000xi32, #tpu.memory_space<hbm>>) target(%arg6 : memref<66000xi32, #tpu.memory_space<vmem>>) target_semaphore(%run_scoped3A : memref<!tpu.dma_semaphore, #tpu.memory_space<semaphore_mem>>)
      tpu.wait_dma2 semaphore(%run_scoped3A : memref<!tpu.dma_semaphore, #tpu.memory_space<semaphore_mem>>) src(%arg3 : memref<66000xi32, #tpu.memory_space<hbm>>) dst(%arg6 : memref<66000xi32, #tpu.memory_space<vmem>>)
      tpu.yield
    }) : () -> ()
    %mul3A_8 = arith.constant 512 : i32
    %mul3A_9 = arith.muli %add3A, %mul3A_8 : i32
    "tpu.region"() ({
      %run_scoped3A = tpu.sem_alloc : memref<!tpu.dma_semaphore, #tpu.memory_space<semaphore_mem>>
      %dma_start3A = arith.constant 0 : i32
      %dma_start3A_31 = tpu.memref_slice %arg2[%dma_start3A, %mul3A_9] : memref<26x16384xi32, #tpu.memory_space<hbm>> -> memref<26x512xi32, #tpu.memory_space<hbm>>
      %dma_start3A_32 = arith.constant 0 : i32
      %dma_start3A_33 = tpu.memref_slice %arg2[%dma_start3A_32, %mul3A_9] : memref<26x16384xi32, #tpu.memory_space<hbm>> -> memref<26x512xi32, #tpu.memory_space<hbm>>
      tpu.enqueue_dma source(%dma_start3A_33 : memref<26x512xi32, #tpu.memory_space<hbm>>) target(%arg5 : memref<26x512xi32, #tpu.memory_space<vmem>>) target_semaphore(%run_scoped3A : memref<!tpu.dma_semaphore, #tpu.memory_space<semaphore_mem>>)
      %dma_wait3A_34 = arith.constant 0 : i32
      %dma_wait3A_35 = tpu.memref_slice %arg2[%dma_wait3A_34, %mul3A_9] : memref<26x16384xi32, #tpu.memory_space<hbm>> -> memref<26x512xi32, #tpu.memory_space<hbm>>
      %dma_wait3A_36 = arith.constant 0 : i32
      %dma_wait3A_37 = tpu.memref_slice %arg2[%dma_wait3A_36, %mul3A_9] : memref<26x16384xi32, #tpu.memory_space<hbm>> -> memref<26x512xi32, #tpu.memory_space<hbm>>
      tpu.wait_dma2 semaphore(%run_scoped3A : memref<!tpu.dma_semaphore, #tpu.memory_space<semaphore_mem>>) src(%dma_wait3A_37 : memref<26x512xi32, #tpu.memory_space<hbm>>) dst(%arg5 : memref<26x512xi32, #tpu.memory_space<vmem>>)
      tpu.yield
    }) : () -> ()
    %scan3A = arith.constant 0 : i32
    %scan3A_10 = arith.constant 52 : i32
    %scan3A_11 = arith.addi %scan3A, %scan3A_10 : i32
    %scan3A_12 = arith.constant 1 : i32
    scf.for %scan3A_31 = %scan3A to %scan3A_11 step %scan3A_12  : i32 {
      %mul3A_32 = arith.constant 2 : i32
      %mul3A_33 = arith.muli %scan3A_31, %mul3A_32 : i32
      %add3A_34 = arith.constant 0 : i32
      %add3A_35 = arith.addi %add3A_34, %mul3A_33 : i32
      %add3A_36 = arith.constant 0 : i32
      %add3A_37 = arith.addi %add3A_35, %add3A_36 : i32
      %shift_right_logical3A = arith.constant 2 : i32
      %shift_right_logical3A_38 = arith.shrui %add3A_37, %shift_right_logical3A : i32
      %and3A = arith.constant 3 : i32
      %and3A_39 = arith.andi %add3A_37, %and3A : i32
      %mul3A_40 = arith.constant 128 : i32
      %mul3A_41 = arith.muli %and3A_39, %mul3A_40 : i32
      %add3A_42 = arith.constant 0 : i32
      %add3A_43 = arith.addi %mul3A_41, %add3A_42 : i32
      %get3A = arith.index_cast %shift_right_logical3A_38 : i32 to index
      %get3A_44 = arith.index_cast %add3A_43 : i32 to index
      %get3A_45 = tpu.vector_load %arg5[%get3A, %get3A_44] {strides = array<i32>} : memref<26x512xi32, #tpu.memory_space<vmem>>, vector<16xi32>,
      %div3A = arith.divsi %get3A_45, %broadcast_in_dim3A_1 : vector<16xi32>
      %mul3A_46 = arith.muli %div3A, %broadcast_in_dim3A_3 : vector<16xi32>
      %swap3A = arith.constant 0 : index
      %swap3A_47 = tpu.vector_load %arg7[%swap3A] {strides = array<i32>} : memref<128xi32, #tpu.memory_space<vmem>>, vector<16xi32>,
      tpu.vector_store %arg7[%swap3A], %mul3A_46 {strides = array<i32>} : memref<128xi32, #tpu.memory_space<vmem>>, vector<16xi32>,
      %rem3A = arith.remsi %get3A_45, %broadcast_in_dim3A_1 : vector<16xi32>
      %add3A_48 = arith.addi %rem3A, %broadcast_in_dim3A_1 : vector<16xi32>
      %mul3A_49 = arith.muli %add3A_48, %broadcast_in_dim3A_3 : vector<16xi32>
      %swap3A_50 = arith.constant 0 : index
      %swap3A_51 = tpu.vector_load %arg8[%swap3A_50] {strides = array<i32>} : memref<128xi32, #tpu.memory_space<vmem>>, vector<16xi32>,
      tpu.vector_store %arg8[%swap3A_50], %mul3A_49 {strides = array<i32>} : memref<128xi32, #tpu.memory_space<vmem>>, vector<16xi32>,
      %mul3A_52 = arith.constant 128 : i32
      %mul3A_53 = arith.muli %and3A_39, %mul3A_52 : i32
      %add3A_54 = arith.constant 16 : i32
      %add3A_55 = arith.addi %mul3A_53, %add3A_54 : i32
      %get3A_56 = arith.index_cast %shift_right_logical3A_38 : i32 to index
      %get3A_57 = arith.index_cast %add3A_55 : i32 to index
      %get3A_58 = tpu.vector_load %arg5[%get3A_56, %get3A_57] {strides = array<i32>} : memref<26x512xi32, #tpu.memory_space<vmem>>, vector<16xi32>,
      %div3A_59 = arith.divsi %get3A_58, %broadcast_in_dim3A_1 : vector<16xi32>
      %mul3A_60 = arith.muli %div3A_59, %broadcast_in_dim3A_3 : vector<16xi32>
      %swap3A_61 = arith.constant 16 : index
      %swap3A_62 = tpu.vector_load %arg7[%swap3A_61] {strides = array<i32>} : memref<128xi32, #tpu.memory_space<vmem>>, vector<16xi32>,
      tpu.vector_store %arg7[%swap3A_61], %mul3A_60 {strides = array<i32>} : memref<128xi32, #tpu.memory_space<vmem>>, vector<16xi32>,
      %rem3A_63 = arith.remsi %get3A_58, %broadcast_in_dim3A_1 : vector<16xi32>
      %add3A_64 = arith.addi %rem3A_63, %broadcast_in_dim3A_1 : vector<16xi32>
      %mul3A_65 = arith.muli %add3A_64, %broadcast_in_dim3A_3 : vector<16xi32>
      %swap3A_66 = arith.constant 16 : index
      %swap3A_67 = tpu.vector_load %arg8[%swap3A_66] {strides = array<i32>} : memref<128xi32, #tpu.memory_space<vmem>>, vector<16xi32>,
      tpu.vector_store %arg8[%swap3A_66], %mul3A_65 {strides = array<i32>} : memref<128xi32, #tpu.memory_space<vmem>>, vector<16xi32>,
      %mul3A_68 = arith.constant 128 : i32
      %mul3A_69 = arith.muli %and3A_39, %mul3A_68 : i32
      %add3A_70 = arith.constant 32 : i32
      %add3A_71 = arith.addi %mul3A_69, %add3A_70 : i32
      %get3A_72 = arith.index_cast %shift_right_logical3A_38 : i32 to index
      %get3A_73 = arith.index_cast %add3A_71 : i32 to index
      %get3A_74 = tpu.vector_load %arg5[%get3A_72, %get3A_73] {strides = array<i32>} : memref<26x512xi32, #tpu.memory_space<vmem>>, vector<16xi32>,
      %div3A_75 = arith.divsi %get3A_74, %broadcast_in_dim3A_1 : vector<16xi32>
      %mul3A_76 = arith.muli %div3A_75, %broadcast_in_dim3A_3 : vector<16xi32>
      %swap3A_77 = arith.constant 32 : index
      %swap3A_78 = tpu.vector_load %arg7[%swap3A_77] {strides = array<i32>} : memref<128xi32, #tpu.memory_space<vmem>>, vector<16xi32>,
      tpu.vector_store %arg7[%swap3A_77], %mul3A_76 {strides = array<i32>} : memref<128xi32, #tpu.memory_space<vmem>>, vector<16xi32>,
      %rem3A_79 = arith.remsi %get3A_74, %broadcast_in_dim3A_1 : vector<16xi32>
      %add3A_80 = arith.addi %rem3A_79, %broadcast_in_dim3A_1 : vector<16xi32>
      %mul3A_81 = arith.muli %add3A_80, %broadcast_in_dim3A_3 : vector<16xi32>
      %swap3A_82 = arith.constant 32 : index
      %swap3A_83 = tpu.vector_load %arg8[%swap3A_82] {strides = array<i32>} : memref<128xi32, #tpu.memory_space<vmem>>, vector<16xi32>,
      tpu.vector_store %arg8[%swap3A_82], %mul3A_81 {strides = array<i32>} : memref<128xi32, #tpu.memory_space<vmem>>, vector<16xi32>,
      %mul3A_84 = arith.constant 128 : i32
      %mul3A_85 = arith.muli %and3A_39, %mul3A_84 : i32
      %add3A_86 = arith.constant 48 : i32
      %add3A_87 = arith.addi %mul3A_85, %add3A_86 : i32
      %get3A_88 = arith.index_cast %shift_right_logical3A_38 : i32 to index
      %get3A_89 = arith.index_cast %add3A_87 : i32 to index
      %get3A_90 = tpu.vector_load %arg5[%get3A_88, %get3A_89] {strides = array<i32>} : memref<26x512xi32, #tpu.memory_space<vmem>>, vector<16xi32>,
      %div3A_91 = arith.divsi %get3A_90, %broadcast_in_dim3A_1 : vector<16xi32>
      %mul3A_92 = arith.muli %div3A_91, %broadcast_in_dim3A_3 : vector<16xi32>
      %swap3A_93 = arith.constant 48 : index
      %swap3A_94 = tpu.vector_load %arg7[%swap3A_93] {strides = array<i32>} : memref<128xi32, #tpu.memory_space<vmem>>, vector<16xi32>,
      tpu.vector_store %arg7[%swap3A_93], %mul3A_92 {strides = array<i32>} : memref<128xi32, #tpu.memory_space<vmem>>, vector<16xi32>,
      %rem3A_95 = arith.remsi %get3A_90, %broadcast_in_dim3A_1 : vector<16xi32>
      %add3A_96 = arith.addi %rem3A_95, %broadcast_in_dim3A_1 : vector<16xi32>
      %mul3A_97 = arith.muli %add3A_96, %broadcast_in_dim3A_3 : vector<16xi32>
      %swap3A_98 = arith.constant 48 : index
      %swap3A_99 = tpu.vector_load %arg8[%swap3A_98] {strides = array<i32>} : memref<128xi32, #tpu.memory_space<vmem>>, vector<16xi32>,
      tpu.vector_store %arg8[%swap3A_98], %mul3A_97 {strides = array<i32>} : memref<128xi32, #tpu.memory_space<vmem>>, vector<16xi32>,
      %mul3A_100 = arith.constant 128 : i32
      %mul3A_101 = arith.muli %and3A_39, %mul3A_100 : i32
      %add3A_102 = arith.constant 64 : i32
      %add3A_103 = arith.addi %mul3A_101, %add3A_102 : i32
      %get3A_104 = arith.index_cast %shift_right_logical3A_38 : i32 to index
      %get3A_105 = arith.index_cast %add3A_103 : i32 to index
      %get3A_106 = tpu.vector_load %arg5[%get3A_104, %get3A_105] {strides = array<i32>} : memref<26x512xi32, #tpu.memory_space<vmem>>, vector<16xi32>,
      %div3A_107 = arith.divsi %get3A_106, %broadcast_in_dim3A_1 : vector<16xi32>
      %mul3A_108 = arith.muli %div3A_107, %broadcast_in_dim3A_3 : vector<16xi32>
      %swap3A_109 = arith.constant 64 : index
      %swap3A_110 = tpu.vector_load %arg7[%swap3A_109] {strides = array<i32>} : memref<128xi32, #tpu.memory_space<vmem>>, vector<16xi32>,
      tpu.vector_store %arg7[%swap3A_109], %mul3A_108 {strides = array<i32>} : memref<128xi32, #tpu.memory_space<vmem>>, vector<16xi32>,
      %rem3A_111 = arith.remsi %get3A_106, %broadcast_in_dim3A_1 : vector<16xi32>
      %add3A_112 = arith.addi %rem3A_111, %broadcast_in_dim3A_1 : vector<16xi32>
      %mul3A_113 = arith.muli %add3A_112, %broadcast_in_dim3A_3 : vector<16xi32>
      %swap3A_114 = arith.constant 64 : index
      %swap3A_115 = tpu.vector_load %arg8[%swap3A_114] {strides = array<i32>} : memref<128xi32, #tpu.memory_space<vmem>>, vector<16xi32>,
      tpu.vector_store %arg8[%swap3A_114], %mul3A_113 {strides = array<i32>} : memref<128xi32, #tpu.memory_space<vmem>>, vector<16xi32>,
      %mul3A_116 = arith.constant 128 : i32
      %mul3A_117 = arith.muli %and3A_39, %mul3A_116 : i32
      %add3A_118 = arith.constant 80 : i32
      %add3A_119 = arith.addi %mul3A_117, %add3A_118 : i32
      %get3A_120 = arith.index_cast %shift_right_logical3A_38 : i32 to index
      %get3A_121 = arith.index_cast %add3A_119 : i32 to index
      %get3A_122 = tpu.vector_load %arg5[%get3A_120, %get3A_121] {strides = array<i32>} : memref<26x512xi32, #tpu.memory_space<vmem>>, vector<16xi32>,
      %div3A_123 = arith.divsi %get3A_122, %broadcast_in_dim3A_1 : vector<16xi32>
      %mul3A_124 = arith.muli %div3A_123, %broadcast_in_dim3A_3 : vector<16xi32>
      %swap3A_125 = arith.constant 80 : index
      %swap3A_126 = tpu.vector_load %arg7[%swap3A_125] {strides = array<i32>} : memref<128xi32, #tpu.memory_space<vmem>>, vector<16xi32>,
      tpu.vector_store %arg7[%swap3A_125], %mul3A_124 {strides = array<i32>} : memref<128xi32, #tpu.memory_space<vmem>>, vector<16xi32>,
      %rem3A_127 = arith.remsi %get3A_122, %broadcast_in_dim3A_1 : vector<16xi32>
      %add3A_128 = arith.addi %rem3A_127, %broadcast_in_dim3A_1 : vector<16xi32>
      %mul3A_129 = arith.muli %add3A_128, %broadcast_in_dim3A_3 : vector<16xi32>
      %swap3A_130 = arith.constant 80 : index
      %swap3A_131 = tpu.vector_load %arg8[%swap3A_130] {strides = array<i32>} : memref<128xi32, #tpu.memory_space<vmem>>, vector<16xi32>,
      tpu.vector_store %arg8[%swap3A_130], %mul3A_129 {strides = array<i32>} : memref<128xi32, #tpu.memory_space<vmem>>, vector<16xi32>,
      %mul3A_132 = arith.constant 128 : i32
      %mul3A_133 = arith.muli %and3A_39, %mul3A_132 : i32
      %add3A_134 = arith.constant 96 : i32
      %add3A_135 = arith.addi %mul3A_133, %add3A_134 : i32
      %get3A_136 = arith.index_cast %shift_right_logical3A_38 : i32 to index
      %get3A_137 = arith.index_cast %add3A_135 : i32 to index
      %get3A_138 = tpu.vector_load %arg5[%get3A_136, %get3A_137] {strides = array<i32>} : memref<26x512xi32, #tpu.memory_space<vmem>>, vector<16xi32>,
      %div3A_139 = arith.divsi %get3A_138, %broadcast_in_dim3A_1 : vector<16xi32>
      %mul3A_140 = arith.muli %div3A_139, %broadcast_in_dim3A_3 : vector<16xi32>
      %swap3A_141 = arith.constant 96 : index
      %swap3A_142 = tpu.vector_load %arg7[%swap3A_141] {strides = array<i32>} : memref<128xi32, #tpu.memory_space<vmem>>, vector<16xi32>,
      tpu.vector_store %arg7[%swap3A_141], %mul3A_140 {strides = array<i32>} : memref<128xi32, #tpu.memory_space<vmem>>, vector<16xi32>,
      %rem3A_143 = arith.remsi %get3A_138, %broadcast_in_dim3A_1 : vector<16xi32>
      %add3A_144 = arith.addi %rem3A_143, %broadcast_in_dim3A_1 : vector<16xi32>
      %mul3A_145 = arith.muli %add3A_144, %broadcast_in_dim3A_3 : vector<16xi32>
      %swap3A_146 = arith.constant 96 : index
      %swap3A_147 = tpu.vector_load %arg8[%swap3A_146] {strides = array<i32>} : memref<128xi32, #tpu.memory_space<vmem>>, vector<16xi32>,
      tpu.vector_store %arg8[%swap3A_146], %mul3A_145 {strides = array<i32>} : memref<128xi32, #tpu.memory_space<vmem>>, vector<16xi32>,
      %mul3A_148 = arith.constant 128 : i32
      %mul3A_149 = arith.muli %and3A_39, %mul3A_148 : i32
      %add3A_150 = arith.constant 112 : i32
      %add3A_151 = arith.addi %mul3A_149, %add3A_150 : i32
      %get3A_152 = arith.index_cast %shift_right_logical3A_38 : i32 to index
      %get3A_153 = arith.index_cast %add3A_151 : i32 to index
      %get3A_154 = tpu.vector_load %arg5[%get3A_152, %get3A_153] {strides = array<i32>} : memref<26x512xi32, #tpu.memory_space<vmem>>, vector<16xi32>,
      %div3A_155 = arith.divsi %get3A_154, %broadcast_in_dim3A_1 : vector<16xi32>
      %mul3A_156 = arith.muli %div3A_155, %broadcast_in_dim3A_3 : vector<16xi32>
      %swap3A_157 = arith.constant 112 : index
      %swap3A_158 = tpu.vector_load %arg7[%swap3A_157] {strides = array<i32>} : memref<128xi32, #tpu.memory_space<vmem>>, vector<16xi32>,
      tpu.vector_store %arg7[%swap3A_157], %mul3A_156 {strides = array<i32>} : memref<128xi32, #tpu.memory_space<vmem>>, vector<16xi32>,
      %rem3A_159 = arith.remsi %get3A_154, %broadcast_in_dim3A_1 : vector<16xi32>
      %add3A_160 = arith.addi %rem3A_159, %broadcast_in_dim3A_1 : vector<16xi32>
      %mul3A_161 = arith.muli %add3A_160, %broadcast_in_dim3A_3 : vector<16xi32>
      %swap3A_162 = arith.constant 112 : index
      %swap3A_163 = tpu.vector_load %arg8[%swap3A_162] {strides = array<i32>} : memref<128xi32, #tpu.memory_space<vmem>>, vector<16xi32>,
      tpu.vector_store %arg8[%swap3A_162], %mul3A_161 {strides = array<i32>} : memref<128xi32, #tpu.memory_space<vmem>>, vector<16xi32>,
      %ge3A = arith.constant 2 : i32
      %ge3A_164 = arith.cmpi sge, %add3A_37, %ge3A : i32
      %convert_element_type3A = arith.extui %ge3A_164 : i1 to i32
      %cond3A = arith.constant 0 : i32
      %cond3A_165 = arith.cmpi ne, %convert_element_type3A, %cond3A : i32
      scf.if %cond3A_165 {
        %dma_wait3A_437 = arith.constant 0 : i32
        %dma_wait3A_438 = arith.constant 0 : i32
        %dma_wait3A_439 = arith.constant 0 : i32
        %dma_wait3A_440 = tpu.memref_slice %arg4[%dma_wait3A_437, %dma_wait3A_438, %dma_wait3A_439] : memref<26x64x16384xf32, #tpu.memory_space<hbm>> -> memref<1x64x128xf32, #tpu.memory_space<hbm>>
        %dma_wait3A_441 = tpu.memref_squeeze %dma_wait3A_440 : memref<1x64x128xf32, #tpu.memory_space<hbm>> -> memref<64x128xf32, #tpu.memory_space<hbm>>
        %dma_wait3A_442 = arith.constant 0 : i32
        %dma_wait3A_443 = arith.constant 0 : i32
        %dma_wait3A_444 = tpu.memref_slice %arg4[%dma_wait3A_437, %dma_wait3A_442, %dma_wait3A_443] : memref<26x64x16384xf32, #tpu.memory_space<hbm>> -> memref<1x64x128xf32, #tpu.memory_space<hbm>>
        %dma_wait3A_445 = tpu.memref_squeeze %dma_wait3A_444 : memref<1x64x128xf32, #tpu.memory_space<hbm>> -> memref<64x128xf32, #tpu.memory_space<hbm>>
        tpu.wait_dma2 semaphore(%arg11 : memref<!tpu.dma_semaphore, #tpu.memory_space<semaphore_mem>>) src(%arg9 : memref<64x128xf32, #tpu.memory_space<vmem>>) dst(%dma_wait3A_445 : memref<64x128xf32, #tpu.memory_space<hbm>>)
      } else {
      }
      %get3A_166 = arith.constant 0 : index
      %get3A_167 = tpu.vector_load %arg7[%get3A_166] {strides = array<i32>} : memref<128xi32, #tpu.memory_space<vmem>>, vector<16xi32>,
      %get3A_168 = arith.constant 0 : index
      %get3A_169 = tpu.vector_load %arg8[%get3A_168] {strides = array<i32>} : memref<128xi32, #tpu.memory_space<vmem>>, vector<16xi32>,
      %parallel_loop3A = arith.constant 0 : i32
      %parallel_loop3A_170 = arith.constant 32 : i32
      %parallel_loop3A_171 = arith.constant 1 : i32
      scf.for %parallel_loop3A_437 = %parallel_loop3A to %parallel_loop3A_170 step %parallel_loop3A_171  : i32 {
        %parallel_loop3A_438 = arith.constant 0 : i32
        %parallel_loop3A_439 = vector.broadcast %parallel_loop3A_438 : i32 to vector<16xi32>
        %parallel_loop3A_440 = vector.broadcast %parallel_loop3A_437 : i32 to vector<16xi32>
        %parallel_loop3A_441 = arith.addi %parallel_loop3A_439, %parallel_loop3A_440 : vector<16xi32>
        %parallel_loop3A_442 = arith.addi %get3A_167, %parallel_loop3A_441 : vector<16xi32>
        %parallel_loop3A_443 = tpu.vector_load_idx %arg6[%parallel_loop3A_442] : memref<66000xi32, #tpu.memory_space<vmem>>[vector<16xi32>], vector<16xi32>,
        %parallel_loop3A_444 = arith.addi %get3A_169, %parallel_loop3A_441 : vector<16xi32>
        %parallel_loop3A_445 = tpu.vector_load_idx %arg6[%parallel_loop3A_444] : memref<66000xi32, #tpu.memory_space<vmem>>[vector<16xi32>], vector<16xi32>,
        %parallel_loop3A_446 = arith.shli %parallel_loop3A_443, %broadcast_in_dim3A_7 : vector<16xi32>
        %parallel_loop3A_447 = vector.bitcast %parallel_loop3A_446 : vector<16xi32> to vector<16xf32>
        %parallel_loop3A_448 = arith.andi %parallel_loop3A_443, %broadcast_in_dim3A_5 : vector<16xi32>
        %parallel_loop3A_449 = vector.bitcast %parallel_loop3A_448 : vector<16xi32> to vector<16xf32>
        %parallel_loop3A_450 = arith.shli %parallel_loop3A_445, %broadcast_in_dim3A_7 : vector<16xi32>
        %parallel_loop3A_451 = vector.bitcast %parallel_loop3A_450 : vector<16xi32> to vector<16xf32>
        %parallel_loop3A_452 = arith.andi %parallel_loop3A_445, %broadcast_in_dim3A_5 : vector<16xi32>
        %parallel_loop3A_453 = vector.bitcast %parallel_loop3A_452 : vector<16xi32> to vector<16xf32>
        %parallel_loop3A_454 = arith.mulf %parallel_loop3A_447, %parallel_loop3A_451 : vector<16xf32>
        %parallel_loop3A_455 = arith.constant 2 : i32
        %parallel_loop3A_456 = arith.muli %parallel_loop3A_455, %parallel_loop3A_437 : i32
        %parallel_loop3A_457 = arith.index_cast %parallel_loop3A_456 : i32 to index
        %parallel_loop3A_458 = arith.constant 0 : index
        %parallel_loop3A_459 = tpu.vector_load %arg9[%parallel_loop3A_457, %parallel_loop3A_458] {strides = array<i32>} : memref<64x128xf32, #tpu.memory_space<vmem>>, vector<16xf32>,
        tpu.vector_store %arg9[%parallel_loop3A_457, %parallel_loop3A_458], %parallel_loop3A_454 {strides = array<i32>} : memref<64x128xf32, #tpu.memory_space<vmem>>, vector<16xf32>,
        %parallel_loop3A_460 = arith.mulf %parallel_loop3A_449, %parallel_loop3A_453 : vector<16xf32>
        %parallel_loop3A_461 = arith.constant 2 : i32
        %parallel_loop3A_462 = arith.muli %parallel_loop3A_461, %parallel_loop3A_437 : i32
        %parallel_loop3A_463 = arith.constant 1 : i32
        %parallel_loop3A_464 = arith.addi %parallel_loop3A_462, %parallel_loop3A_463 : i32
        %parallel_loop3A_465 = arith.index_cast %parallel_loop3A_464 : i32 to index
        %parallel_loop3A_466 = arith.constant 0 : index
        %parallel_loop3A_467 = tpu.vector_load %arg9[%parallel_loop3A_465, %parallel_loop3A_466] {strides = array<i32>} : memref<64x128xf32, #tpu.memory_space<vmem>>, vector<16xf32>,
        tpu.vector_store %arg9[%parallel_loop3A_465, %parallel_loop3A_466], %parallel_loop3A_460 {strides = array<i32>} : memref<64x128xf32, #tpu.memory_space<vmem>>, vector<16xf32>,
      } {sc.loop_unroll_factor = 4 : i64, sc.parallel_access}
      %get3A_172 = arith.constant 16 : index
      %get3A_173 = tpu.vector_load %arg7[%get3A_172] {strides = array<i32>} : memref<128xi32, #tpu.memory_space<vmem>>, vector<16xi32>,
      %get3A_174 = arith.constant 16 : index
      %get3A_175 = tpu.vector_load %arg8[%get3A_174] {strides = array<i32>} : memref<128xi32, #tpu.memory_space<vmem>>, vector<16xi32>,
      %parallel_loop3A_176 = arith.constant 0 : i32
      %parallel_loop3A_177 = arith.constant 32 : i32
      %parallel_loop3A_178 = arith.constant 1 : i32
      scf.for %parallel_loop3A_437 = %parallel_loop3A_176 to %parallel_loop3A_177 step %parallel_loop3A_178  : i32 {
        %parallel_loop3A_438 = arith.constant 0 : i32
        %parallel_loop3A_439 = vector.broadcast %parallel_loop3A_438 : i32 to vector<16xi32>
        %parallel_loop3A_440 = vector.broadcast %parallel_loop3A_437 : i32 to vector<16xi32>
        %parallel_loop3A_441 = arith.addi %parallel_loop3A_439, %parallel_loop3A_440 : vector<16xi32>
        %parallel_loop3A_442 = arith.addi %get3A_173, %parallel_loop3A_441 : vector<16xi32>
        %parallel_loop3A_443 = tpu.vector_load_idx %arg6[%parallel_loop3A_442] : memref<66000xi32, #tpu.memory_space<vmem>>[vector<16xi32>], vector<16xi32>,
        %parallel_loop3A_444 = arith.addi %get3A_175, %parallel_loop3A_441 : vector<16xi32>
        %parallel_loop3A_445 = tpu.vector_load_idx %arg6[%parallel_loop3A_444] : memref<66000xi32, #tpu.memory_space<vmem>>[vector<16xi32>], vector<16xi32>,
        %parallel_loop3A_446 = arith.shli %parallel_loop3A_443, %broadcast_in_dim3A_7 : vector<16xi32>
        %parallel_loop3A_447 = vector.bitcast %parallel_loop3A_446 : vector<16xi32> to vector<16xf32>
        %parallel_loop3A_448 = arith.andi %parallel_loop3A_443, %broadcast_in_dim3A_5 : vector<16xi32>
        %parallel_loop3A_449 = vector.bitcast %parallel_loop3A_448 : vector<16xi32> to vector<16xf32>
        %parallel_loop3A_450 = arith.shli %parallel_loop3A_445, %broadcast_in_dim3A_7 : vector<16xi32>
        %parallel_loop3A_451 = vector.bitcast %parallel_loop3A_450 : vector<16xi32> to vector<16xf32>
        %parallel_loop3A_452 = arith.andi %parallel_loop3A_445, %broadcast_in_dim3A_5 : vector<16xi32>
        %parallel_loop3A_453 = vector.bitcast %parallel_loop3A_452 : vector<16xi32> to vector<16xf32>
        %parallel_loop3A_454 = arith.mulf %parallel_loop3A_447, %parallel_loop3A_451 : vector<16xf32>
        %parallel_loop3A_455 = arith.constant 2 : i32
        %parallel_loop3A_456 = arith.muli %parallel_loop3A_455, %parallel_loop3A_437 : i32
        %parallel_loop3A_457 = arith.index_cast %parallel_loop3A_456 : i32 to index
        %parallel_loop3A_458 = arith.constant 16 : index
        %parallel_loop3A_459 = tpu.vector_load %arg9[%parallel_loop3A_457, %parallel_loop3A_458] {strides = array<i32>} : memref<64x128xf32, #tpu.memory_space<vmem>>, vector<16xf32>,
        tpu.vector_store %arg9[%parallel_loop3A_457, %parallel_loop3A_458], %parallel_loop3A_454 {strides = array<i32>} : memref<64x128xf32, #tpu.memory_space<vmem>>, vector<16xf32>,
        %parallel_loop3A_460 = arith.mulf %parallel_loop3A_449, %parallel_loop3A_453 : vector<16xf32>
        %parallel_loop3A_461 = arith.constant 2 : i32
        %parallel_loop3A_462 = arith.muli %parallel_loop3A_461, %parallel_loop3A_437 : i32
        %parallel_loop3A_463 = arith.constant 1 : i32
        %parallel_loop3A_464 = arith.addi %parallel_loop3A_462, %parallel_loop3A_463 : i32
        %parallel_loop3A_465 = arith.index_cast %parallel_loop3A_464 : i32 to index
        %parallel_loop3A_466 = arith.constant 16 : index
        %parallel_loop3A_467 = tpu.vector_load %arg9[%parallel_loop3A_465, %parallel_loop3A_466] {strides = array<i32>} : memref<64x128xf32, #tpu.memory_space<vmem>>, vector<16xf32>,
        tpu.vector_store %arg9[%parallel_loop3A_465, %parallel_loop3A_466], %parallel_loop3A_460 {strides = array<i32>} : memref<64x128xf32, #tpu.memory_space<vmem>>, vector<16xf32>,
      } {sc.loop_unroll_factor = 4 : i64, sc.parallel_access}
      %get3A_179 = arith.constant 32 : index
      %get3A_180 = tpu.vector_load %arg7[%get3A_179] {strides = array<i32>} : memref<128xi32, #tpu.memory_space<vmem>>, vector<16xi32>,
      %get3A_181 = arith.constant 32 : index
      %get3A_182 = tpu.vector_load %arg8[%get3A_181] {strides = array<i32>} : memref<128xi32, #tpu.memory_space<vmem>>, vector<16xi32>,
      %parallel_loop3A_183 = arith.constant 0 : i32
      %parallel_loop3A_184 = arith.constant 32 : i32
      %parallel_loop3A_185 = arith.constant 1 : i32
      scf.for %parallel_loop3A_437 = %parallel_loop3A_183 to %parallel_loop3A_184 step %parallel_loop3A_185  : i32 {
        %parallel_loop3A_438 = arith.constant 0 : i32
        %parallel_loop3A_439 = vector.broadcast %parallel_loop3A_438 : i32 to vector<16xi32>
        %parallel_loop3A_440 = vector.broadcast %parallel_loop3A_437 : i32 to vector<16xi32>
        %parallel_loop3A_441 = arith.addi %parallel_loop3A_439, %parallel_loop3A_440 : vector<16xi32>
        %parallel_loop3A_442 = arith.addi %get3A_180, %parallel_loop3A_441 : vector<16xi32>
        %parallel_loop3A_443 = tpu.vector_load_idx %arg6[%parallel_loop3A_442] : memref<66000xi32, #tpu.memory_space<vmem>>[vector<16xi32>], vector<16xi32>,
        %parallel_loop3A_444 = arith.addi %get3A_182, %parallel_loop3A_441 : vector<16xi32>
        %parallel_loop3A_445 = tpu.vector_load_idx %arg6[%parallel_loop3A_444] : memref<66000xi32, #tpu.memory_space<vmem>>[vector<16xi32>], vector<16xi32>,
        %parallel_loop3A_446 = arith.shli %parallel_loop3A_443, %broadcast_in_dim3A_7 : vector<16xi32>
        %parallel_loop3A_447 = vector.bitcast %parallel_loop3A_446 : vector<16xi32> to vector<16xf32>
        %parallel_loop3A_448 = arith.andi %parallel_loop3A_443, %broadcast_in_dim3A_5 : vector<16xi32>
        %parallel_loop3A_449 = vector.bitcast %parallel_loop3A_448 : vector<16xi32> to vector<16xf32>
        %parallel_loop3A_450 = arith.shli %parallel_loop3A_445, %broadcast_in_dim3A_7 : vector<16xi32>
        %parallel_loop3A_451 = vector.bitcast %parallel_loop3A_450 : vector<16xi32> to vector<16xf32>
        %parallel_loop3A_452 = arith.andi %parallel_loop3A_445, %broadcast_in_dim3A_5 : vector<16xi32>
        %parallel_loop3A_453 = vector.bitcast %parallel_loop3A_452 : vector<16xi32> to vector<16xf32>
        %parallel_loop3A_454 = arith.mulf %parallel_loop3A_447, %parallel_loop3A_451 : vector<16xf32>
        %parallel_loop3A_455 = arith.constant 2 : i32
        %parallel_loop3A_456 = arith.muli %parallel_loop3A_455, %parallel_loop3A_437 : i32
        %parallel_loop3A_457 = arith.index_cast %parallel_loop3A_456 : i32 to index
        %parallel_loop3A_458 = arith.constant 32 : index
        %parallel_loop3A_459 = tpu.vector_load %arg9[%parallel_loop3A_457, %parallel_loop3A_458] {strides = array<i32>} : memref<64x128xf32, #tpu.memory_space<vmem>>, vector<16xf32>,
        tpu.vector_store %arg9[%parallel_loop3A_457, %parallel_loop3A_458], %parallel_loop3A_454 {strides = array<i32>} : memref<64x128xf32, #tpu.memory_space<vmem>>, vector<16xf32>,
        %parallel_loop3A_460 = arith.mulf %parallel_loop3A_449, %parallel_loop3A_453 : vector<16xf32>
        %parallel_loop3A_461 = arith.constant 2 : i32
        %parallel_loop3A_462 = arith.muli %parallel_loop3A_461, %parallel_loop3A_437 : i32
        %parallel_loop3A_463 = arith.constant 1 : i32
        %parallel_loop3A_464 = arith.addi %parallel_loop3A_462, %parallel_loop3A_463 : i32
        %parallel_loop3A_465 = arith.index_cast %parallel_loop3A_464 : i32 to index
        %parallel_loop3A_466 = arith.constant 32 : index
        %parallel_loop3A_467 = tpu.vector_load %arg9[%parallel_loop3A_465, %parallel_loop3A_466] {strides = array<i32>} : memref<64x128xf32, #tpu.memory_space<vmem>>, vector<16xf32>,
        tpu.vector_store %arg9[%parallel_loop3A_465, %parallel_loop3A_466], %parallel_loop3A_460 {strides = array<i32>} : memref<64x128xf32, #tpu.memory_space<vmem>>, vector<16xf32>,
      } {sc.loop_unroll_factor = 4 : i64, sc.parallel_access}
      %get3A_186 = arith.constant 48 : index
      %get3A_187 = tpu.vector_load %arg7[%get3A_186] {strides = array<i32>} : memref<128xi32, #tpu.memory_space<vmem>>, vector<16xi32>,
      %get3A_188 = arith.constant 48 : index
      %get3A_189 = tpu.vector_load %arg8[%get3A_188] {strides = array<i32>} : memref<128xi32, #tpu.memory_space<vmem>>, vector<16xi32>,
      %parallel_loop3A_190 = arith.constant 0 : i32
      %parallel_loop3A_191 = arith.constant 32 : i32
      %parallel_loop3A_192 = arith.constant 1 : i32
      scf.for %parallel_loop3A_437 = %parallel_loop3A_190 to %parallel_loop3A_191 step %parallel_loop3A_192  : i32 {
        %parallel_loop3A_438 = arith.constant 0 : i32
        %parallel_loop3A_439 = vector.broadcast %parallel_loop3A_438 : i32 to vector<16xi32>
        %parallel_loop3A_440 = vector.broadcast %parallel_loop3A_437 : i32 to vector<16xi32>
        %parallel_loop3A_441 = arith.addi %parallel_loop3A_439, %parallel_loop3A_440 : vector<16xi32>
        %parallel_loop3A_442 = arith.addi %get3A_187, %parallel_loop3A_441 : vector<16xi32>
        %parallel_loop3A_443 = tpu.vector_load_idx %arg6[%parallel_loop3A_442] : memref<66000xi32, #tpu.memory_space<vmem>>[vector<16xi32>], vector<16xi32>,
        %parallel_loop3A_444 = arith.addi %get3A_189, %parallel_loop3A_441 : vector<16xi32>
        %parallel_loop3A_445 = tpu.vector_load_idx %arg6[%parallel_loop3A_444] : memref<66000xi32, #tpu.memory_space<vmem>>[vector<16xi32>], vector<16xi32>,
        %parallel_loop3A_446 = arith.shli %parallel_loop3A_443, %broadcast_in_dim3A_7 : vector<16xi32>
        %parallel_loop3A_447 = vector.bitcast %parallel_loop3A_446 : vector<16xi32> to vector<16xf32>
        %parallel_loop3A_448 = arith.andi %parallel_loop3A_443, %broadcast_in_dim3A_5 : vector<16xi32>
        %parallel_loop3A_449 = vector.bitcast %parallel_loop3A_448 : vector<16xi32> to vector<16xf32>
        %parallel_loop3A_450 = arith.shli %parallel_loop3A_445, %broadcast_in_dim3A_7 : vector<16xi32>
        %parallel_loop3A_451 = vector.bitcast %parallel_loop3A_450 : vector<16xi32> to vector<16xf32>
        %parallel_loop3A_452 = arith.andi %parallel_loop3A_445, %broadcast_in_dim3A_5 : vector<16xi32>
        %parallel_loop3A_453 = vector.bitcast %parallel_loop3A_452 : vector<16xi32> to vector<16xf32>
        %parallel_loop3A_454 = arith.mulf %parallel_loop3A_447, %parallel_loop3A_451 : vector<16xf32>
        %parallel_loop3A_455 = arith.constant 2 : i32
        %parallel_loop3A_456 = arith.muli %parallel_loop3A_455, %parallel_loop3A_437 : i32
        %parallel_loop3A_457 = arith.index_cast %parallel_loop3A_456 : i32 to index
        %parallel_loop3A_458 = arith.constant 48 : index
        %parallel_loop3A_459 = tpu.vector_load %arg9[%parallel_loop3A_457, %parallel_loop3A_458] {strides = array<i32>} : memref<64x128xf32, #tpu.memory_space<vmem>>, vector<16xf32>,
        tpu.vector_store %arg9[%parallel_loop3A_457, %parallel_loop3A_458], %parallel_loop3A_454 {strides = array<i32>} : memref<64x128xf32, #tpu.memory_space<vmem>>, vector<16xf32>,
        %parallel_loop3A_460 = arith.mulf %parallel_loop3A_449, %parallel_loop3A_453 : vector<16xf32>
        %parallel_loop3A_461 = arith.constant 2 : i32
        %parallel_loop3A_462 = arith.muli %parallel_loop3A_461, %parallel_loop3A_437 : i32
        %parallel_loop3A_463 = arith.constant 1 : i32
        %parallel_loop3A_464 = arith.addi %parallel_loop3A_462, %parallel_loop3A_463 : i32
        %parallel_loop3A_465 = arith.index_cast %parallel_loop3A_464 : i32 to index
        %parallel_loop3A_466 = arith.constant 48 : index
        %parallel_loop3A_467 = tpu.vector_load %arg9[%parallel_loop3A_465, %parallel_loop3A_466] {strides = array<i32>} : memref<64x128xf32, #tpu.memory_space<vmem>>, vector<16xf32>,
        tpu.vector_store %arg9[%parallel_loop3A_465, %parallel_loop3A_466], %parallel_loop3A_460 {strides = array<i32>} : memref<64x128xf32, #tpu.memory_space<vmem>>, vector<16xf32>,
      } {sc.loop_unroll_factor = 4 : i64, sc.parallel_access}
      %get3A_193 = arith.constant 64 : index
      %get3A_194 = tpu.vector_load %arg7[%get3A_193] {strides = array<i32>} : memref<128xi32, #tpu.memory_space<vmem>>, vector<16xi32>,
      %get3A_195 = arith.constant 64 : index
      %get3A_196 = tpu.vector_load %arg8[%get3A_195] {strides = array<i32>} : memref<128xi32, #tpu.memory_space<vmem>>, vector<16xi32>,
      %parallel_loop3A_197 = arith.constant 0 : i32
      %parallel_loop3A_198 = arith.constant 32 : i32
      %parallel_loop3A_199 = arith.constant 1 : i32
      scf.for %parallel_loop3A_437 = %parallel_loop3A_197 to %parallel_loop3A_198 step %parallel_loop3A_199  : i32 {
        %parallel_loop3A_438 = arith.constant 0 : i32
        %parallel_loop3A_439 = vector.broadcast %parallel_loop3A_438 : i32 to vector<16xi32>
        %parallel_loop3A_440 = vector.broadcast %parallel_loop3A_437 : i32 to vector<16xi32>
        %parallel_loop3A_441 = arith.addi %parallel_loop3A_439, %parallel_loop3A_440 : vector<16xi32>
        %parallel_loop3A_442 = arith.addi %get3A_194, %parallel_loop3A_441 : vector<16xi32>
        %parallel_loop3A_443 = tpu.vector_load_idx %arg6[%parallel_loop3A_442] : memref<66000xi32, #tpu.memory_space<vmem>>[vector<16xi32>], vector<16xi32>,
        %parallel_loop3A_444 = arith.addi %get3A_196, %parallel_loop3A_441 : vector<16xi32>
        %parallel_loop3A_445 = tpu.vector_load_idx %arg6[%parallel_loop3A_444] : memref<66000xi32, #tpu.memory_space<vmem>>[vector<16xi32>], vector<16xi32>,
        %parallel_loop3A_446 = arith.shli %parallel_loop3A_443, %broadcast_in_dim3A_7 : vector<16xi32>
        %parallel_loop3A_447 = vector.bitcast %parallel_loop3A_446 : vector<16xi32> to vector<16xf32>
        %parallel_loop3A_448 = arith.andi %parallel_loop3A_443, %broadcast_in_dim3A_5 : vector<16xi32>
        %parallel_loop3A_449 = vector.bitcast %parallel_loop3A_448 : vector<16xi32> to vector<16xf32>
        %parallel_loop3A_450 = arith.shli %parallel_loop3A_445, %broadcast_in_dim3A_7 : vector<16xi32>
        %parallel_loop3A_451 = vector.bitcast %parallel_loop3A_450 : vector<16xi32> to vector<16xf32>
        %parallel_loop3A_452 = arith.andi %parallel_loop3A_445, %broadcast_in_dim3A_5 : vector<16xi32>
        %parallel_loop3A_453 = vector.bitcast %parallel_loop3A_452 : vector<16xi32> to vector<16xf32>
        %parallel_loop3A_454 = arith.mulf %parallel_loop3A_447, %parallel_loop3A_451 : vector<16xf32>
        %parallel_loop3A_455 = arith.constant 2 : i32
        %parallel_loop3A_456 = arith.muli %parallel_loop3A_455, %parallel_loop3A_437 : i32
        %parallel_loop3A_457 = arith.index_cast %parallel_loop3A_456 : i32 to index
        %parallel_loop3A_458 = arith.constant 64 : index
        %parallel_loop3A_459 = tpu.vector_load %arg9[%parallel_loop3A_457, %parallel_loop3A_458] {strides = array<i32>} : memref<64x128xf32, #tpu.memory_space<vmem>>, vector<16xf32>,
        tpu.vector_store %arg9[%parallel_loop3A_457, %parallel_loop3A_458], %parallel_loop3A_454 {strides = array<i32>} : memref<64x128xf32, #tpu.memory_space<vmem>>, vector<16xf32>,
        %parallel_loop3A_460 = arith.mulf %parallel_loop3A_449, %parallel_loop3A_453 : vector<16xf32>
        %parallel_loop3A_461 = arith.constant 2 : i32
        %parallel_loop3A_462 = arith.muli %parallel_loop3A_461, %parallel_loop3A_437 : i32
        %parallel_loop3A_463 = arith.constant 1 : i32
        %parallel_loop3A_464 = arith.addi %parallel_loop3A_462, %parallel_loop3A_463 : i32
        %parallel_loop3A_465 = arith.index_cast %parallel_loop3A_464 : i32 to index
        %parallel_loop3A_466 = arith.constant 64 : index
        %parallel_loop3A_467 = tpu.vector_load %arg9[%parallel_loop3A_465, %parallel_loop3A_466] {strides = array<i32>} : memref<64x128xf32, #tpu.memory_space<vmem>>, vector<16xf32>,
        tpu.vector_store %arg9[%parallel_loop3A_465, %parallel_loop3A_466], %parallel_loop3A_460 {strides = array<i32>} : memref<64x128xf32, #tpu.memory_space<vmem>>, vector<16xf32>,
      } {sc.loop_unroll_factor = 4 : i64, sc.parallel_access}
      %get3A_200 = arith.constant 80 : index
      %get3A_201 = tpu.vector_load %arg7[%get3A_200] {strides = array<i32>} : memref<128xi32, #tpu.memory_space<vmem>>, vector<16xi32>,
      %get3A_202 = arith.constant 80 : index
      %get3A_203 = tpu.vector_load %arg8[%get3A_202] {strides = array<i32>} : memref<128xi32, #tpu.memory_space<vmem>>, vector<16xi32>,
      %parallel_loop3A_204 = arith.constant 0 : i32
      %parallel_loop3A_205 = arith.constant 32 : i32
      %parallel_loop3A_206 = arith.constant 1 : i32
      scf.for %parallel_loop3A_437 = %parallel_loop3A_204 to %parallel_loop3A_205 step %parallel_loop3A_206  : i32 {
        %parallel_loop3A_438 = arith.constant 0 : i32
        %parallel_loop3A_439 = vector.broadcast %parallel_loop3A_438 : i32 to vector<16xi32>
        %parallel_loop3A_440 = vector.broadcast %parallel_loop3A_437 : i32 to vector<16xi32>
        %parallel_loop3A_441 = arith.addi %parallel_loop3A_439, %parallel_loop3A_440 : vector<16xi32>
        %parallel_loop3A_442 = arith.addi %get3A_201, %parallel_loop3A_441 : vector<16xi32>
        %parallel_loop3A_443 = tpu.vector_load_idx %arg6[%parallel_loop3A_442] : memref<66000xi32, #tpu.memory_space<vmem>>[vector<16xi32>], vector<16xi32>,
        %parallel_loop3A_444 = arith.addi %get3A_203, %parallel_loop3A_441 : vector<16xi32>
        %parallel_loop3A_445 = tpu.vector_load_idx %arg6[%parallel_loop3A_444] : memref<66000xi32, #tpu.memory_space<vmem>>[vector<16xi32>], vector<16xi32>,
        %parallel_loop3A_446 = arith.shli %parallel_loop3A_443, %broadcast_in_dim3A_7 : vector<16xi32>
        %parallel_loop3A_447 = vector.bitcast %parallel_loop3A_446 : vector<16xi32> to vector<16xf32>
        %parallel_loop3A_448 = arith.andi %parallel_loop3A_443, %broadcast_in_dim3A_5 : vector<16xi32>
        %parallel_loop3A_449 = vector.bitcast %parallel_loop3A_448 : vector<16xi32> to vector<16xf32>
        %parallel_loop3A_450 = arith.shli %parallel_loop3A_445, %broadcast_in_dim3A_7 : vector<16xi32>
        %parallel_loop3A_451 = vector.bitcast %parallel_loop3A_450 : vector<16xi32> to vector<16xf32>
        %parallel_loop3A_452 = arith.andi %parallel_loop3A_445, %broadcast_in_dim3A_5 : vector<16xi32>
        %parallel_loop3A_453 = vector.bitcast %parallel_loop3A_452 : vector<16xi32> to vector<16xf32>
        %parallel_loop3A_454 = arith.mulf %parallel_loop3A_447, %parallel_loop3A_451 : vector<16xf32>
        %parallel_loop3A_455 = arith.constant 2 : i32
        %parallel_loop3A_456 = arith.muli %parallel_loop3A_455, %parallel_loop3A_437 : i32
        %parallel_loop3A_457 = arith.index_cast %parallel_loop3A_456 : i32 to index
        %parallel_loop3A_458 = arith.constant 80 : index
        %parallel_loop3A_459 = tpu.vector_load %arg9[%parallel_loop3A_457, %parallel_loop3A_458] {strides = array<i32>} : memref<64x128xf32, #tpu.memory_space<vmem>>, vector<16xf32>,
        tpu.vector_store %arg9[%parallel_loop3A_457, %parallel_loop3A_458], %parallel_loop3A_454 {strides = array<i32>} : memref<64x128xf32, #tpu.memory_space<vmem>>, vector<16xf32>,
        %parallel_loop3A_460 = arith.mulf %parallel_loop3A_449, %parallel_loop3A_453 : vector<16xf32>
        %parallel_loop3A_461 = arith.constant 2 : i32
        %parallel_loop3A_462 = arith.muli %parallel_loop3A_461, %parallel_loop3A_437 : i32
        %parallel_loop3A_463 = arith.constant 1 : i32
        %parallel_loop3A_464 = arith.addi %parallel_loop3A_462, %parallel_loop3A_463 : i32
        %parallel_loop3A_465 = arith.index_cast %parallel_loop3A_464 : i32 to index
        %parallel_loop3A_466 = arith.constant 80 : index
        %parallel_loop3A_467 = tpu.vector_load %arg9[%parallel_loop3A_465, %parallel_loop3A_466] {strides = array<i32>} : memref<64x128xf32, #tpu.memory_space<vmem>>, vector<16xf32>,
        tpu.vector_store %arg9[%parallel_loop3A_465, %parallel_loop3A_466], %parallel_loop3A_460 {strides = array<i32>} : memref<64x128xf32, #tpu.memory_space<vmem>>, vector<16xf32>,
      } {sc.loop_unroll_factor = 4 : i64, sc.parallel_access}
      %get3A_207 = arith.constant 96 : index
      %get3A_208 = tpu.vector_load %arg7[%get3A_207] {strides = array<i32>} : memref<128xi32, #tpu.memory_space<vmem>>, vector<16xi32>,
      %get3A_209 = arith.constant 96 : index
      %get3A_210 = tpu.vector_load %arg8[%get3A_209] {strides = array<i32>} : memref<128xi32, #tpu.memory_space<vmem>>, vector<16xi32>,
      %parallel_loop3A_211 = arith.constant 0 : i32
      %parallel_loop3A_212 = arith.constant 32 : i32
      %parallel_loop3A_213 = arith.constant 1 : i32
      scf.for %parallel_loop3A_437 = %parallel_loop3A_211 to %parallel_loop3A_212 step %parallel_loop3A_213  : i32 {
        %parallel_loop3A_438 = arith.constant 0 : i32
        %parallel_loop3A_439 = vector.broadcast %parallel_loop3A_438 : i32 to vector<16xi32>
        %parallel_loop3A_440 = vector.broadcast %parallel_loop3A_437 : i32 to vector<16xi32>
        %parallel_loop3A_441 = arith.addi %parallel_loop3A_439, %parallel_loop3A_440 : vector<16xi32>
        %parallel_loop3A_442 = arith.addi %get3A_208, %parallel_loop3A_441 : vector<16xi32>
        %parallel_loop3A_443 = tpu.vector_load_idx %arg6[%parallel_loop3A_442] : memref<66000xi32, #tpu.memory_space<vmem>>[vector<16xi32>], vector<16xi32>,
        %parallel_loop3A_444 = arith.addi %get3A_210, %parallel_loop3A_441 : vector<16xi32>
        %parallel_loop3A_445 = tpu.vector_load_idx %arg6[%parallel_loop3A_444] : memref<66000xi32, #tpu.memory_space<vmem>>[vector<16xi32>], vector<16xi32>,
        %parallel_loop3A_446 = arith.shli %parallel_loop3A_443, %broadcast_in_dim3A_7 : vector<16xi32>
        %parallel_loop3A_447 = vector.bitcast %parallel_loop3A_446 : vector<16xi32> to vector<16xf32>
        %parallel_loop3A_448 = arith.andi %parallel_loop3A_443, %broadcast_in_dim3A_5 : vector<16xi32>
        %parallel_loop3A_449 = vector.bitcast %parallel_loop3A_448 : vector<16xi32> to vector<16xf32>
        %parallel_loop3A_450 = arith.shli %parallel_loop3A_445, %broadcast_in_dim3A_7 : vector<16xi32>
        %parallel_loop3A_451 = vector.bitcast %parallel_loop3A_450 : vector<16xi32> to vector<16xf32>
        %parallel_loop3A_452 = arith.andi %parallel_loop3A_445, %broadcast_in_dim3A_5 : vector<16xi32>
        %parallel_loop3A_453 = vector.bitcast %parallel_loop3A_452 : vector<16xi32> to vector<16xf32>
        %parallel_loop3A_454 = arith.mulf %parallel_loop3A_447, %parallel_loop3A_451 : vector<16xf32>
        %parallel_loop3A_455 = arith.constant 2 : i32
        %parallel_loop3A_456 = arith.muli %parallel_loop3A_455, %parallel_loop3A_437 : i32
        %parallel_loop3A_457 = arith.index_cast %parallel_loop3A_456 : i32 to index
        %parallel_loop3A_458 = arith.constant 96 : index
        %parallel_loop3A_459 = tpu.vector_load %arg9[%parallel_loop3A_457, %parallel_loop3A_458] {strides = array<i32>} : memref<64x128xf32, #tpu.memory_space<vmem>>, vector<16xf32>,
        tpu.vector_store %arg9[%parallel_loop3A_457, %parallel_loop3A_458], %parallel_loop3A_454 {strides = array<i32>} : memref<64x128xf32, #tpu.memory_space<vmem>>, vector<16xf32>,
        %parallel_loop3A_460 = arith.mulf %parallel_loop3A_449, %parallel_loop3A_453 : vector<16xf32>
        %parallel_loop3A_461 = arith.constant 2 : i32
        %parallel_loop3A_462 = arith.muli %parallel_loop3A_461, %parallel_loop3A_437 : i32
        %parallel_loop3A_463 = arith.constant 1 : i32
        %parallel_loop3A_464 = arith.addi %parallel_loop3A_462, %parallel_loop3A_463 : i32
        %parallel_loop3A_465 = arith.index_cast %parallel_loop3A_464 : i32 to index
        %parallel_loop3A_466 = arith.constant 96 : index
        %parallel_loop3A_467 = tpu.vector_load %arg9[%parallel_loop3A_465, %parallel_loop3A_466] {strides = array<i32>} : memref<64x128xf32, #tpu.memory_space<vmem>>, vector<16xf32>,
        tpu.vector_store %arg9[%parallel_loop3A_465, %parallel_loop3A_466], %parallel_loop3A_460 {strides = array<i32>} : memref<64x128xf32, #tpu.memory_space<vmem>>, vector<16xf32>,
      } {sc.loop_unroll_factor = 4 : i64, sc.parallel_access}
      %get3A_214 = arith.constant 112 : index
      %get3A_215 = tpu.vector_load %arg7[%get3A_214] {strides = array<i32>} : memref<128xi32, #tpu.memory_space<vmem>>, vector<16xi32>,
      %get3A_216 = arith.constant 112 : index
      %get3A_217 = tpu.vector_load %arg8[%get3A_216] {strides = array<i32>} : memref<128xi32, #tpu.memory_space<vmem>>, vector<16xi32>,
      %parallel_loop3A_218 = arith.constant 0 : i32
      %parallel_loop3A_219 = arith.constant 32 : i32
      %parallel_loop3A_220 = arith.constant 1 : i32
      scf.for %parallel_loop3A_437 = %parallel_loop3A_218 to %parallel_loop3A_219 step %parallel_loop3A_220  : i32 {
        %parallel_loop3A_438 = arith.constant 0 : i32
        %parallel_loop3A_439 = vector.broadcast %parallel_loop3A_438 : i32 to vector<16xi32>
        %parallel_loop3A_440 = vector.broadcast %parallel_loop3A_437 : i32 to vector<16xi32>
        %parallel_loop3A_441 = arith.addi %parallel_loop3A_439, %parallel_loop3A_440 : vector<16xi32>
        %parallel_loop3A_442 = arith.addi %get3A_215, %parallel_loop3A_441 : vector<16xi32>
        %parallel_loop3A_443 = tpu.vector_load_idx %arg6[%parallel_loop3A_442] : memref<66000xi32, #tpu.memory_space<vmem>>[vector<16xi32>], vector<16xi32>,
        %parallel_loop3A_444 = arith.addi %get3A_217, %parallel_loop3A_441 : vector<16xi32>
        %parallel_loop3A_445 = tpu.vector_load_idx %arg6[%parallel_loop3A_444] : memref<66000xi32, #tpu.memory_space<vmem>>[vector<16xi32>], vector<16xi32>,
        %parallel_loop3A_446 = arith.shli %parallel_loop3A_443, %broadcast_in_dim3A_7 : vector<16xi32>
        %parallel_loop3A_447 = vector.bitcast %parallel_loop3A_446 : vector<16xi32> to vector<16xf32>
        %parallel_loop3A_448 = arith.andi %parallel_loop3A_443, %broadcast_in_dim3A_5 : vector<16xi32>
        %parallel_loop3A_449 = vector.bitcast %parallel_loop3A_448 : vector<16xi32> to vector<16xf32>
        %parallel_loop3A_450 = arith.shli %parallel_loop3A_445, %broadcast_in_dim3A_7 : vector<16xi32>
        %parallel_loop3A_451 = vector.bitcast %parallel_loop3A_450 : vector<16xi32> to vector<16xf32>
        %parallel_loop3A_452 = arith.andi %parallel_loop3A_445, %broadcast_in_dim3A_5 : vector<16xi32>
        %parallel_loop3A_453 = vector.bitcast %parallel_loop3A_452 : vector<16xi32> to vector<16xf32>
        %parallel_loop3A_454 = arith.mulf %parallel_loop3A_447, %parallel_loop3A_451 : vector<16xf32>
        %parallel_loop3A_455 = arith.constant 2 : i32
        %parallel_loop3A_456 = arith.muli %parallel_loop3A_455, %parallel_loop3A_437 : i32
        %parallel_loop3A_457 = arith.index_cast %parallel_loop3A_456 : i32 to index
        %parallel_loop3A_458 = arith.constant 112 : index
        %parallel_loop3A_459 = tpu.vector_load %arg9[%parallel_loop3A_457, %parallel_loop3A_458] {strides = array<i32>} : memref<64x128xf32, #tpu.memory_space<vmem>>, vector<16xf32>,
        tpu.vector_store %arg9[%parallel_loop3A_457, %parallel_loop3A_458], %parallel_loop3A_454 {strides = array<i32>} : memref<64x128xf32, #tpu.memory_space<vmem>>, vector<16xf32>,
        %parallel_loop3A_460 = arith.mulf %parallel_loop3A_449, %parallel_loop3A_453 : vector<16xf32>
        %parallel_loop3A_461 = arith.constant 2 : i32
        %parallel_loop3A_462 = arith.muli %parallel_loop3A_461, %parallel_loop3A_437 : i32
        %parallel_loop3A_463 = arith.constant 1 : i32
        %parallel_loop3A_464 = arith.addi %parallel_loop3A_462, %parallel_loop3A_463 : i32
        %parallel_loop3A_465 = arith.index_cast %parallel_loop3A_464 : i32 to index
        %parallel_loop3A_466 = arith.constant 112 : index
        %parallel_loop3A_467 = tpu.vector_load %arg9[%parallel_loop3A_465, %parallel_loop3A_466] {strides = array<i32>} : memref<64x128xf32, #tpu.memory_space<vmem>>, vector<16xf32>,
        tpu.vector_store %arg9[%parallel_loop3A_465, %parallel_loop3A_466], %parallel_loop3A_460 {strides = array<i32>} : memref<64x128xf32, #tpu.memory_space<vmem>>, vector<16xf32>,
      } {sc.loop_unroll_factor = 4 : i64, sc.parallel_access}
      %mul3A_221 = arith.constant 512 : i32
      %mul3A_222 = arith.muli %add3A, %mul3A_221 : i32
      %mul3A_223 = arith.constant 128 : i32
      %mul3A_224 = arith.muli %and3A_39, %mul3A_223 : i32
      %add3A_225 = arith.addi %mul3A_222, %mul3A_224 : i32
      %dma_start3A = arith.constant 0 : i32
      %dma_start3A_226 = tpu.memref_slice %arg4[%shift_right_logical3A_38, %dma_start3A, %add3A_225] : memref<26x64x16384xf32, #tpu.memory_space<hbm>> -> memref<1x64x128xf32, #tpu.memory_space<hbm>>
      %dma_start3A_227 = tpu.memref_squeeze %dma_start3A_226 : memref<1x64x128xf32, #tpu.memory_space<hbm>> -> memref<64x128xf32, #tpu.memory_space<hbm>>
      %dma_start3A_228 = arith.constant 0 : i32
      %dma_start3A_229 = tpu.memref_slice %arg4[%shift_right_logical3A_38, %dma_start3A_228, %add3A_225] : memref<26x64x16384xf32, #tpu.memory_space<hbm>> -> memref<1x64x128xf32, #tpu.memory_space<hbm>>
      %dma_start3A_230 = tpu.memref_squeeze %dma_start3A_229 : memref<1x64x128xf32, #tpu.memory_space<hbm>> -> memref<64x128xf32, #tpu.memory_space<hbm>>
      tpu.enqueue_dma source(%arg9 : memref<64x128xf32, #tpu.memory_space<vmem>>) target(%dma_start3A_230 : memref<64x128xf32, #tpu.memory_space<hbm>>) target_semaphore(%arg11 : memref<!tpu.dma_semaphore, #tpu.memory_space<semaphore_mem>>)
      %add3A_231 = arith.constant 1 : i32
      %add3A_232 = arith.addi %add3A_35, %add3A_231 : i32
      %shift_right_logical3A_233 = arith.constant 2 : i32
      %shift_right_logical3A_234 = arith.shrui %add3A_232, %shift_right_logical3A_233 : i32
      %and3A_235 = arith.constant 3 : i32
      %and3A_236 = arith.andi %add3A_232, %and3A_235 : i32
      %mul3A_237 = arith.constant 128 : i32
      %mul3A_238 = arith.muli %and3A_236, %mul3A_237 : i32
      %add3A_239 = arith.constant 0 : i32
      %add3A_240 = arith.addi %mul3A_238, %add3A_239 : i32
      %get3A_241 = arith.index_cast %shift_right_logical3A_234 : i32 to index
      %get3A_242 = arith.index_cast %add3A_240 : i32 to index
      %get3A_243 = tpu.vector_load %arg5[%get3A_241, %get3A_242] {strides = array<i32>} : memref<26x512xi32, #tpu.memory_space<vmem>>, vector<16xi32>,
      %div3A_244 = arith.divsi %get3A_243, %broadcast_in_dim3A_1 : vector<16xi32>
      %mul3A_245 = arith.muli %div3A_244, %broadcast_in_dim3A_3 : vector<16xi32>
      %swap3A_246 = arith.constant 0 : index
      %swap3A_247 = tpu.vector_load %arg7[%swap3A_246] {strides = array<i32>} : memref<128xi32, #tpu.memory_space<vmem>>, vector<16xi32>,
      tpu.vector_store %arg7[%swap3A_246], %mul3A_245 {strides = array<i32>} : memref<128xi32, #tpu.memory_space<vmem>>, vector<16xi32>,
      %rem3A_248 = arith.remsi %get3A_243, %broadcast_in_dim3A_1 : vector<16xi32>
      %add3A_249 = arith.addi %rem3A_248, %broadcast_in_dim3A_1 : vector<16xi32>
      %mul3A_250 = arith.muli %add3A_249, %broadcast_in_dim3A_3 : vector<16xi32>
      %swap3A_251 = arith.constant 0 : index
      %swap3A_252 = tpu.vector_load %arg8[%swap3A_251] {strides = array<i32>} : memref<128xi32, #tpu.memory_space<vmem>>, vector<16xi32>,
      tpu.vector_store %arg8[%swap3A_251], %mul3A_250 {strides = array<i32>} : memref<128xi32, #tpu.memory_space<vmem>>, vector<16xi32>,
      %mul3A_253 = arith.constant 128 : i32
      %mul3A_254 = arith.muli %and3A_236, %mul3A_253 : i32
      %add3A_255 = arith.constant 16 : i32
      %add3A_256 = arith.addi %mul3A_254, %add3A_255 : i32
      %get3A_257 = arith.index_cast %shift_right_logical3A_234 : i32 to index
      %get3A_258 = arith.index_cast %add3A_256 : i32 to index
      %get3A_259 = tpu.vector_load %arg5[%get3A_257, %get3A_258] {strides = array<i32>} : memref<26x512xi32, #tpu.memory_space<vmem>>, vector<16xi32>,
      %div3A_260 = arith.divsi %get3A_259, %broadcast_in_dim3A_1 : vector<16xi32>
      %mul3A_261 = arith.muli %div3A_260, %broadcast_in_dim3A_3 : vector<16xi32>
      %swap3A_262 = arith.constant 16 : index
      %swap3A_263 = tpu.vector_load %arg7[%swap3A_262] {strides = array<i32>} : memref<128xi32, #tpu.memory_space<vmem>>, vector<16xi32>,
      tpu.vector_store %arg7[%swap3A_262], %mul3A_261 {strides = array<i32>} : memref<128xi32, #tpu.memory_space<vmem>>, vector<16xi32>,
      %rem3A_264 = arith.remsi %get3A_259, %broadcast_in_dim3A_1 : vector<16xi32>
      %add3A_265 = arith.addi %rem3A_264, %broadcast_in_dim3A_1 : vector<16xi32>
      %mul3A_266 = arith.muli %add3A_265, %broadcast_in_dim3A_3 : vector<16xi32>
      %swap3A_267 = arith.constant 16 : index
      %swap3A_268 = tpu.vector_load %arg8[%swap3A_267] {strides = array<i32>} : memref<128xi32, #tpu.memory_space<vmem>>, vector<16xi32>,
      tpu.vector_store %arg8[%swap3A_267], %mul3A_266 {strides = array<i32>} : memref<128xi32, #tpu.memory_space<vmem>>, vector<16xi32>,
      %mul3A_269 = arith.constant 128 : i32
      %mul3A_270 = arith.muli %and3A_236, %mul3A_269 : i32
      %add3A_271 = arith.constant 32 : i32
      %add3A_272 = arith.addi %mul3A_270, %add3A_271 : i32
      %get3A_273 = arith.index_cast %shift_right_logical3A_234 : i32 to index
      %get3A_274 = arith.index_cast %add3A_272 : i32 to index
      %get3A_275 = tpu.vector_load %arg5[%get3A_273, %get3A_274] {strides = array<i32>} : memref<26x512xi32, #tpu.memory_space<vmem>>, vector<16xi32>,
      %div3A_276 = arith.divsi %get3A_275, %broadcast_in_dim3A_1 : vector<16xi32>
      %mul3A_277 = arith.muli %div3A_276, %broadcast_in_dim3A_3 : vector<16xi32>
      %swap3A_278 = arith.constant 32 : index
      %swap3A_279 = tpu.vector_load %arg7[%swap3A_278] {strides = array<i32>} : memref<128xi32, #tpu.memory_space<vmem>>, vector<16xi32>,
      tpu.vector_store %arg7[%swap3A_278], %mul3A_277 {strides = array<i32>} : memref<128xi32, #tpu.memory_space<vmem>>, vector<16xi32>,
      %rem3A_280 = arith.remsi %get3A_275, %broadcast_in_dim3A_1 : vector<16xi32>
      %add3A_281 = arith.addi %rem3A_280, %broadcast_in_dim3A_1 : vector<16xi32>
      %mul3A_282 = arith.muli %add3A_281, %broadcast_in_dim3A_3 : vector<16xi32>
      %swap3A_283 = arith.constant 32 : index
      %swap3A_284 = tpu.vector_load %arg8[%swap3A_283] {strides = array<i32>} : memref<128xi32, #tpu.memory_space<vmem>>, vector<16xi32>,
      tpu.vector_store %arg8[%swap3A_283], %mul3A_282 {strides = array<i32>} : memref<128xi32, #tpu.memory_space<vmem>>, vector<16xi32>,
      %mul3A_285 = arith.constant 128 : i32
      %mul3A_286 = arith.muli %and3A_236, %mul3A_285 : i32
      %add3A_287 = arith.constant 48 : i32
      %add3A_288 = arith.addi %mul3A_286, %add3A_287 : i32
      %get3A_289 = arith.index_cast %shift_right_logical3A_234 : i32 to index
      %get3A_290 = arith.index_cast %add3A_288 : i32 to index
      %get3A_291 = tpu.vector_load %arg5[%get3A_289, %get3A_290] {strides = array<i32>} : memref<26x512xi32, #tpu.memory_space<vmem>>, vector<16xi32>,
      %div3A_292 = arith.divsi %get3A_291, %broadcast_in_dim3A_1 : vector<16xi32>
      %mul3A_293 = arith.muli %div3A_292, %broadcast_in_dim3A_3 : vector<16xi32>
      %swap3A_294 = arith.constant 48 : index
      %swap3A_295 = tpu.vector_load %arg7[%swap3A_294] {strides = array<i32>} : memref<128xi32, #tpu.memory_space<vmem>>, vector<16xi32>,
      tpu.vector_store %arg7[%swap3A_294], %mul3A_293 {strides = array<i32>} : memref<128xi32, #tpu.memory_space<vmem>>, vector<16xi32>,
      %rem3A_296 = arith.remsi %get3A_291, %broadcast_in_dim3A_1 : vector<16xi32>
      %add3A_297 = arith.addi %rem3A_296, %broadcast_in_dim3A_1 : vector<16xi32>
      %mul3A_298 = arith.muli %add3A_297, %broadcast_in_dim3A_3 : vector<16xi32>
      %swap3A_299 = arith.constant 48 : index
      %swap3A_300 = tpu.vector_load %arg8[%swap3A_299] {strides = array<i32>} : memref<128xi32, #tpu.memory_space<vmem>>, vector<16xi32>,
      tpu.vector_store %arg8[%swap3A_299], %mul3A_298 {strides = array<i32>} : memref<128xi32, #tpu.memory_space<vmem>>, vector<16xi32>,
      %mul3A_301 = arith.constant 128 : i32
      %mul3A_302 = arith.muli %and3A_236, %mul3A_301 : i32
      %add3A_303 = arith.constant 64 : i32
      %add3A_304 = arith.addi %mul3A_302, %add3A_303 : i32
      %get3A_305 = arith.index_cast %shift_right_logical3A_234 : i32 to index
      %get3A_306 = arith.index_cast %add3A_304 : i32 to index
      %get3A_307 = tpu.vector_load %arg5[%get3A_305, %get3A_306] {strides = array<i32>} : memref<26x512xi32, #tpu.memory_space<vmem>>, vector<16xi32>,
      %div3A_308 = arith.divsi %get3A_307, %broadcast_in_dim3A_1 : vector<16xi32>
      %mul3A_309 = arith.muli %div3A_308, %broadcast_in_dim3A_3 : vector<16xi32>
      %swap3A_310 = arith.constant 64 : index
      %swap3A_311 = tpu.vector_load %arg7[%swap3A_310] {strides = array<i32>} : memref<128xi32, #tpu.memory_space<vmem>>, vector<16xi32>,
      tpu.vector_store %arg7[%swap3A_310], %mul3A_309 {strides = array<i32>} : memref<128xi32, #tpu.memory_space<vmem>>, vector<16xi32>,
      %rem3A_312 = arith.remsi %get3A_307, %broadcast_in_dim3A_1 : vector<16xi32>
      %add3A_313 = arith.addi %rem3A_312, %broadcast_in_dim3A_1 : vector<16xi32>
      %mul3A_314 = arith.muli %add3A_313, %broadcast_in_dim3A_3 : vector<16xi32>
      %swap3A_315 = arith.constant 64 : index
      %swap3A_316 = tpu.vector_load %arg8[%swap3A_315] {strides = array<i32>} : memref<128xi32, #tpu.memory_space<vmem>>, vector<16xi32>,
      tpu.vector_store %arg8[%swap3A_315], %mul3A_314 {strides = array<i32>} : memref<128xi32, #tpu.memory_space<vmem>>, vector<16xi32>,
      %mul3A_317 = arith.constant 128 : i32
      %mul3A_318 = arith.muli %and3A_236, %mul3A_317 : i32
      %add3A_319 = arith.constant 80 : i32
      %add3A_320 = arith.addi %mul3A_318, %add3A_319 : i32
      %get3A_321 = arith.index_cast %shift_right_logical3A_234 : i32 to index
      %get3A_322 = arith.index_cast %add3A_320 : i32 to index
      %get3A_323 = tpu.vector_load %arg5[%get3A_321, %get3A_322] {strides = array<i32>} : memref<26x512xi32, #tpu.memory_space<vmem>>, vector<16xi32>,
      %div3A_324 = arith.divsi %get3A_323, %broadcast_in_dim3A_1 : vector<16xi32>
      %mul3A_325 = arith.muli %div3A_324, %broadcast_in_dim3A_3 : vector<16xi32>
      %swap3A_326 = arith.constant 80 : index
      %swap3A_327 = tpu.vector_load %arg7[%swap3A_326] {strides = array<i32>} : memref<128xi32, #tpu.memory_space<vmem>>, vector<16xi32>,
      tpu.vector_store %arg7[%swap3A_326], %mul3A_325 {strides = array<i32>} : memref<128xi32, #tpu.memory_space<vmem>>, vector<16xi32>,
      %rem3A_328 = arith.remsi %get3A_323, %broadcast_in_dim3A_1 : vector<16xi32>
      %add3A_329 = arith.addi %rem3A_328, %broadcast_in_dim3A_1 : vector<16xi32>
      %mul3A_330 = arith.muli %add3A_329, %broadcast_in_dim3A_3 : vector<16xi32>
      %swap3A_331 = arith.constant 80 : index
      %swap3A_332 = tpu.vector_load %arg8[%swap3A_331] {strides = array<i32>} : memref<128xi32, #tpu.memory_space<vmem>>, vector<16xi32>,
      tpu.vector_store %arg8[%swap3A_331], %mul3A_330 {strides = array<i32>} : memref<128xi32, #tpu.memory_space<vmem>>, vector<16xi32>,
      %mul3A_333 = arith.constant 128 : i32
      %mul3A_334 = arith.muli %and3A_236, %mul3A_333 : i32
      %add3A_335 = arith.constant 96 : i32
      %add3A_336 = arith.addi %mul3A_334, %add3A_335 : i32
      %get3A_337 = arith.index_cast %shift_right_logical3A_234 : i32 to index
      %get3A_338 = arith.index_cast %add3A_336 : i32 to index
      %get3A_339 = tpu.vector_load %arg5[%get3A_337, %get3A_338] {strides = array<i32>} : memref<26x512xi32, #tpu.memory_space<vmem>>, vector<16xi32>,
      %div3A_340 = arith.divsi %get3A_339, %broadcast_in_dim3A_1 : vector<16xi32>
      %mul3A_341 = arith.muli %div3A_340, %broadcast_in_dim3A_3 : vector<16xi32>
      %swap3A_342 = arith.constant 96 : index
      %swap3A_343 = tpu.vector_load %arg7[%swap3A_342] {strides = array<i32>} : memref<128xi32, #tpu.memory_space<vmem>>, vector<16xi32>,
      tpu.vector_store %arg7[%swap3A_342], %mul3A_341 {strides = array<i32>} : memref<128xi32, #tpu.memory_space<vmem>>, vector<16xi32>,
      %rem3A_344 = arith.remsi %get3A_339, %broadcast_in_dim3A_1 : vector<16xi32>
      %add3A_345 = arith.addi %rem3A_344, %broadcast_in_dim3A_1 : vector<16xi32>
      %mul3A_346 = arith.muli %add3A_345, %broadcast_in_dim3A_3 : vector<16xi32>
      %swap3A_347 = arith.constant 96 : index
      %swap3A_348 = tpu.vector_load %arg8[%swap3A_347] {strides = array<i32>} : memref<128xi32, #tpu.memory_space<vmem>>, vector<16xi32>,
      tpu.vector_store %arg8[%swap3A_347], %mul3A_346 {strides = array<i32>} : memref<128xi32, #tpu.memory_space<vmem>>, vector<16xi32>,
      %mul3A_349 = arith.constant 128 : i32
      %mul3A_350 = arith.muli %and3A_236, %mul3A_349 : i32
      %add3A_351 = arith.constant 112 : i32
      %add3A_352 = arith.addi %mul3A_350, %add3A_351 : i32
      %get3A_353 = arith.index_cast %shift_right_logical3A_234 : i32 to index
      %get3A_354 = arith.index_cast %add3A_352 : i32 to index
      %get3A_355 = tpu.vector_load %arg5[%get3A_353, %get3A_354] {strides = array<i32>} : memref<26x512xi32, #tpu.memory_space<vmem>>, vector<16xi32>,
      %div3A_356 = arith.divsi %get3A_355, %broadcast_in_dim3A_1 : vector<16xi32>
      %mul3A_357 = arith.muli %div3A_356, %broadcast_in_dim3A_3 : vector<16xi32>
      %swap3A_358 = arith.constant 112 : index
      %swap3A_359 = tpu.vector_load %arg7[%swap3A_358] {strides = array<i32>} : memref<128xi32, #tpu.memory_space<vmem>>, vector<16xi32>,
      tpu.vector_store %arg7[%swap3A_358], %mul3A_357 {strides = array<i32>} : memref<128xi32, #tpu.memory_space<vmem>>, vector<16xi32>,
      %rem3A_360 = arith.remsi %get3A_355, %broadcast_in_dim3A_1 : vector<16xi32>
      %add3A_361 = arith.addi %rem3A_360, %broadcast_in_dim3A_1 : vector<16xi32>
      %mul3A_362 = arith.muli %add3A_361, %broadcast_in_dim3A_3 : vector<16xi32>
      %swap3A_363 = arith.constant 112 : index
      %swap3A_364 = tpu.vector_load %arg8[%swap3A_363] {strides = array<i32>} : memref<128xi32, #tpu.memory_space<vmem>>, vector<16xi32>,
      tpu.vector_store %arg8[%swap3A_363], %mul3A_362 {strides = array<i32>} : memref<128xi32, #tpu.memory_space<vmem>>, vector<16xi32>,
      %ge3A_365 = arith.constant 2 : i32
      %ge3A_366 = arith.cmpi sge, %add3A_232, %ge3A_365 : i32
      %convert_element_type3A_367 = arith.extui %ge3A_366 : i1 to i32
      %cond3A_368 = arith.constant 0 : i32
      %cond3A_369 = arith.cmpi ne, %convert_element_type3A_367, %cond3A_368 : i32
      scf.if %cond3A_369 {
        %dma_wait3A_437 = arith.constant 0 : i32
        %dma_wait3A_438 = arith.constant 0 : i32
        %dma_wait3A_439 = arith.constant 0 : i32
        %dma_wait3A_440 = tpu.memref_slice %arg4[%dma_wait3A_437, %dma_wait3A_438, %dma_wait3A_439] : memref<26x64x16384xf32, #tpu.memory_space<hbm>> -> memref<1x64x128xf32, #tpu.memory_space<hbm>>
        %dma_wait3A_441 = tpu.memref_squeeze %dma_wait3A_440 : memref<1x64x128xf32, #tpu.memory_space<hbm>> -> memref<64x128xf32, #tpu.memory_space<hbm>>
        %dma_wait3A_442 = arith.constant 0 : i32
        %dma_wait3A_443 = arith.constant 0 : i32
        %dma_wait3A_444 = tpu.memref_slice %arg4[%dma_wait3A_437, %dma_wait3A_442, %dma_wait3A_443] : memref<26x64x16384xf32, #tpu.memory_space<hbm>> -> memref<1x64x128xf32, #tpu.memory_space<hbm>>
        %dma_wait3A_445 = tpu.memref_squeeze %dma_wait3A_444 : memref<1x64x128xf32, #tpu.memory_space<hbm>> -> memref<64x128xf32, #tpu.memory_space<hbm>>
        tpu.wait_dma2 semaphore(%arg12 : memref<!tpu.dma_semaphore, #tpu.memory_space<semaphore_mem>>) src(%arg10 : memref<64x128xf32, #tpu.memory_space<vmem>>) dst(%dma_wait3A_445 : memref<64x128xf32, #tpu.memory_space<hbm>>)
      } else {
      }
      %get3A_370 = arith.constant 0 : index
      %get3A_371 = tpu.vector_load %arg7[%get3A_370] {strides = array<i32>} : memref<128xi32, #tpu.memory_space<vmem>>, vector<16xi32>,
      %get3A_372 = arith.constant 0 : index
      %get3A_373 = tpu.vector_load %arg8[%get3A_372] {strides = array<i32>} : memref<128xi32, #tpu.memory_space<vmem>>, vector<16xi32>,
      %parallel_loop3A_374 = arith.constant 0 : i32
      %parallel_loop3A_375 = arith.constant 32 : i32
      %parallel_loop3A_376 = arith.constant 1 : i32
      scf.for %parallel_loop3A_437 = %parallel_loop3A_374 to %parallel_loop3A_375 step %parallel_loop3A_376  : i32 {
        %parallel_loop3A_438 = arith.constant 0 : i32
        %parallel_loop3A_439 = vector.broadcast %parallel_loop3A_438 : i32 to vector<16xi32>
        %parallel_loop3A_440 = vector.broadcast %parallel_loop3A_437 : i32 to vector<16xi32>
        %parallel_loop3A_441 = arith.addi %parallel_loop3A_439, %parallel_loop3A_440 : vector<16xi32>
        %parallel_loop3A_442 = arith.addi %get3A_371, %parallel_loop3A_441 : vector<16xi32>
        %parallel_loop3A_443 = tpu.vector_load_idx %arg6[%parallel_loop3A_442] : memref<66000xi32, #tpu.memory_space<vmem>>[vector<16xi32>], vector<16xi32>,
        %parallel_loop3A_444 = arith.addi %get3A_373, %parallel_loop3A_441 : vector<16xi32>
        %parallel_loop3A_445 = tpu.vector_load_idx %arg6[%parallel_loop3A_444] : memref<66000xi32, #tpu.memory_space<vmem>>[vector<16xi32>], vector<16xi32>,
        %parallel_loop3A_446 = arith.shli %parallel_loop3A_443, %broadcast_in_dim3A_7 : vector<16xi32>
        %parallel_loop3A_447 = vector.bitcast %parallel_loop3A_446 : vector<16xi32> to vector<16xf32>
        %parallel_loop3A_448 = arith.andi %parallel_loop3A_443, %broadcast_in_dim3A_5 : vector<16xi32>
        %parallel_loop3A_449 = vector.bitcast %parallel_loop3A_448 : vector<16xi32> to vector<16xf32>
        %parallel_loop3A_450 = arith.shli %parallel_loop3A_445, %broadcast_in_dim3A_7 : vector<16xi32>
        %parallel_loop3A_451 = vector.bitcast %parallel_loop3A_450 : vector<16xi32> to vector<16xf32>
        %parallel_loop3A_452 = arith.andi %parallel_loop3A_445, %broadcast_in_dim3A_5 : vector<16xi32>
        %parallel_loop3A_453 = vector.bitcast %parallel_loop3A_452 : vector<16xi32> to vector<16xf32>
        %parallel_loop3A_454 = arith.mulf %parallel_loop3A_447, %parallel_loop3A_451 : vector<16xf32>
        %parallel_loop3A_455 = arith.constant 2 : i32
        %parallel_loop3A_456 = arith.muli %parallel_loop3A_455, %parallel_loop3A_437 : i32
        %parallel_loop3A_457 = arith.index_cast %parallel_loop3A_456 : i32 to index
        %parallel_loop3A_458 = arith.constant 0 : index
        %parallel_loop3A_459 = tpu.vector_load %arg10[%parallel_loop3A_457, %parallel_loop3A_458] {strides = array<i32>} : memref<64x128xf32, #tpu.memory_space<vmem>>, vector<16xf32>,
        tpu.vector_store %arg10[%parallel_loop3A_457, %parallel_loop3A_458], %parallel_loop3A_454 {strides = array<i32>} : memref<64x128xf32, #tpu.memory_space<vmem>>, vector<16xf32>,
        %parallel_loop3A_460 = arith.mulf %parallel_loop3A_449, %parallel_loop3A_453 : vector<16xf32>
        %parallel_loop3A_461 = arith.constant 2 : i32
        %parallel_loop3A_462 = arith.muli %parallel_loop3A_461, %parallel_loop3A_437 : i32
        %parallel_loop3A_463 = arith.constant 1 : i32
        %parallel_loop3A_464 = arith.addi %parallel_loop3A_462, %parallel_loop3A_463 : i32
        %parallel_loop3A_465 = arith.index_cast %parallel_loop3A_464 : i32 to index
        %parallel_loop3A_466 = arith.constant 0 : index
        %parallel_loop3A_467 = tpu.vector_load %arg10[%parallel_loop3A_465, %parallel_loop3A_466] {strides = array<i32>} : memref<64x128xf32, #tpu.memory_space<vmem>>, vector<16xf32>,
        tpu.vector_store %arg10[%parallel_loop3A_465, %parallel_loop3A_466], %parallel_loop3A_460 {strides = array<i32>} : memref<64x128xf32, #tpu.memory_space<vmem>>, vector<16xf32>,
      } {sc.loop_unroll_factor = 4 : i64, sc.parallel_access}
      %get3A_377 = arith.constant 16 : index
      %get3A_378 = tpu.vector_load %arg7[%get3A_377] {strides = array<i32>} : memref<128xi32, #tpu.memory_space<vmem>>, vector<16xi32>,
      %get3A_379 = arith.constant 16 : index
      %get3A_380 = tpu.vector_load %arg8[%get3A_379] {strides = array<i32>} : memref<128xi32, #tpu.memory_space<vmem>>, vector<16xi32>,
      %parallel_loop3A_381 = arith.constant 0 : i32
      %parallel_loop3A_382 = arith.constant 32 : i32
      %parallel_loop3A_383 = arith.constant 1 : i32
      scf.for %parallel_loop3A_437 = %parallel_loop3A_381 to %parallel_loop3A_382 step %parallel_loop3A_383  : i32 {
        %parallel_loop3A_438 = arith.constant 0 : i32
        %parallel_loop3A_439 = vector.broadcast %parallel_loop3A_438 : i32 to vector<16xi32>
        %parallel_loop3A_440 = vector.broadcast %parallel_loop3A_437 : i32 to vector<16xi32>
        %parallel_loop3A_441 = arith.addi %parallel_loop3A_439, %parallel_loop3A_440 : vector<16xi32>
        %parallel_loop3A_442 = arith.addi %get3A_378, %parallel_loop3A_441 : vector<16xi32>
        %parallel_loop3A_443 = tpu.vector_load_idx %arg6[%parallel_loop3A_442] : memref<66000xi32, #tpu.memory_space<vmem>>[vector<16xi32>], vector<16xi32>,
        %parallel_loop3A_444 = arith.addi %get3A_380, %parallel_loop3A_441 : vector<16xi32>
        %parallel_loop3A_445 = tpu.vector_load_idx %arg6[%parallel_loop3A_444] : memref<66000xi32, #tpu.memory_space<vmem>>[vector<16xi32>], vector<16xi32>,
        %parallel_loop3A_446 = arith.shli %parallel_loop3A_443, %broadcast_in_dim3A_7 : vector<16xi32>
        %parallel_loop3A_447 = vector.bitcast %parallel_loop3A_446 : vector<16xi32> to vector<16xf32>
        %parallel_loop3A_448 = arith.andi %parallel_loop3A_443, %broadcast_in_dim3A_5 : vector<16xi32>
        %parallel_loop3A_449 = vector.bitcast %parallel_loop3A_448 : vector<16xi32> to vector<16xf32>
        %parallel_loop3A_450 = arith.shli %parallel_loop3A_445, %broadcast_in_dim3A_7 : vector<16xi32>
        %parallel_loop3A_451 = vector.bitcast %parallel_loop3A_450 : vector<16xi32> to vector<16xf32>
        %parallel_loop3A_452 = arith.andi %parallel_loop3A_445, %broadcast_in_dim3A_5 : vector<16xi32>
        %parallel_loop3A_453 = vector.bitcast %parallel_loop3A_452 : vector<16xi32> to vector<16xf32>
        %parallel_loop3A_454 = arith.mulf %parallel_loop3A_447, %parallel_loop3A_451 : vector<16xf32>
        %parallel_loop3A_455 = arith.constant 2 : i32
        %parallel_loop3A_456 = arith.muli %parallel_loop3A_455, %parallel_loop3A_437 : i32
        %parallel_loop3A_457 = arith.index_cast %parallel_loop3A_456 : i32 to index
        %parallel_loop3A_458 = arith.constant 16 : index
        %parallel_loop3A_459 = tpu.vector_load %arg10[%parallel_loop3A_457, %parallel_loop3A_458] {strides = array<i32>} : memref<64x128xf32, #tpu.memory_space<vmem>>, vector<16xf32>,
        tpu.vector_store %arg10[%parallel_loop3A_457, %parallel_loop3A_458], %parallel_loop3A_454 {strides = array<i32>} : memref<64x128xf32, #tpu.memory_space<vmem>>, vector<16xf32>,
        %parallel_loop3A_460 = arith.mulf %parallel_loop3A_449, %parallel_loop3A_453 : vector<16xf32>
        %parallel_loop3A_461 = arith.constant 2 : i32
        %parallel_loop3A_462 = arith.muli %parallel_loop3A_461, %parallel_loop3A_437 : i32
        %parallel_loop3A_463 = arith.constant 1 : i32
        %parallel_loop3A_464 = arith.addi %parallel_loop3A_462, %parallel_loop3A_463 : i32
        %parallel_loop3A_465 = arith.index_cast %parallel_loop3A_464 : i32 to index
        %parallel_loop3A_466 = arith.constant 16 : index
        %parallel_loop3A_467 = tpu.vector_load %arg10[%parallel_loop3A_465, %parallel_loop3A_466] {strides = array<i32>} : memref<64x128xf32, #tpu.memory_space<vmem>>, vector<16xf32>,
        tpu.vector_store %arg10[%parallel_loop3A_465, %parallel_loop3A_466], %parallel_loop3A_460 {strides = array<i32>} : memref<64x128xf32, #tpu.memory_space<vmem>>, vector<16xf32>,
      } {sc.loop_unroll_factor = 4 : i64, sc.parallel_access}
      %get3A_384 = arith.constant 32 : index
      %get3A_385 = tpu.vector_load %arg7[%get3A_384] {strides = array<i32>} : memref<128xi32, #tpu.memory_space<vmem>>, vector<16xi32>,
      %get3A_386 = arith.constant 32 : index
      %get3A_387 = tpu.vector_load %arg8[%get3A_386] {strides = array<i32>} : memref<128xi32, #tpu.memory_space<vmem>>, vector<16xi32>,
      %parallel_loop3A_388 = arith.constant 0 : i32
      %parallel_loop3A_389 = arith.constant 32 : i32
      %parallel_loop3A_390 = arith.constant 1 : i32
      scf.for %parallel_loop3A_437 = %parallel_loop3A_388 to %parallel_loop3A_389 step %parallel_loop3A_390  : i32 {
        %parallel_loop3A_438 = arith.constant 0 : i32
        %parallel_loop3A_439 = vector.broadcast %parallel_loop3A_438 : i32 to vector<16xi32>
        %parallel_loop3A_440 = vector.broadcast %parallel_loop3A_437 : i32 to vector<16xi32>
        %parallel_loop3A_441 = arith.addi %parallel_loop3A_439, %parallel_loop3A_440 : vector<16xi32>
        %parallel_loop3A_442 = arith.addi %get3A_385, %parallel_loop3A_441 : vector<16xi32>
        %parallel_loop3A_443 = tpu.vector_load_idx %arg6[%parallel_loop3A_442] : memref<66000xi32, #tpu.memory_space<vmem>>[vector<16xi32>], vector<16xi32>,
        %parallel_loop3A_444 = arith.addi %get3A_387, %parallel_loop3A_441 : vector<16xi32>
        %parallel_loop3A_445 = tpu.vector_load_idx %arg6[%parallel_loop3A_444] : memref<66000xi32, #tpu.memory_space<vmem>>[vector<16xi32>], vector<16xi32>,
        %parallel_loop3A_446 = arith.shli %parallel_loop3A_443, %broadcast_in_dim3A_7 : vector<16xi32>
        %parallel_loop3A_447 = vector.bitcast %parallel_loop3A_446 : vector<16xi32> to vector<16xf32>
        %parallel_loop3A_448 = arith.andi %parallel_loop3A_443, %broadcast_in_dim3A_5 : vector<16xi32>
        %parallel_loop3A_449 = vector.bitcast %parallel_loop3A_448 : vector<16xi32> to vector<16xf32>
        %parallel_loop3A_450 = arith.shli %parallel_loop3A_445, %broadcast_in_dim3A_7 : vector<16xi32>
        %parallel_loop3A_451 = vector.bitcast %parallel_loop3A_450 : vector<16xi32> to vector<16xf32>
        %parallel_loop3A_452 = arith.andi %parallel_loop3A_445, %broadcast_in_dim3A_5 : vector<16xi32>
        %parallel_loop3A_453 = vector.bitcast %parallel_loop3A_452 : vector<16xi32> to vector<16xf32>
        %parallel_loop3A_454 = arith.mulf %parallel_loop3A_447, %parallel_loop3A_451 : vector<16xf32>
        %parallel_loop3A_455 = arith.constant 2 : i32
        %parallel_loop3A_456 = arith.muli %parallel_loop3A_455, %parallel_loop3A_437 : i32
        %parallel_loop3A_457 = arith.index_cast %parallel_loop3A_456 : i32 to index
        %parallel_loop3A_458 = arith.constant 32 : index
        %parallel_loop3A_459 = tpu.vector_load %arg10[%parallel_loop3A_457, %parallel_loop3A_458] {strides = array<i32>} : memref<64x128xf32, #tpu.memory_space<vmem>>, vector<16xf32>,
        tpu.vector_store %arg10[%parallel_loop3A_457, %parallel_loop3A_458], %parallel_loop3A_454 {strides = array<i32>} : memref<64x128xf32, #tpu.memory_space<vmem>>, vector<16xf32>,
        %parallel_loop3A_460 = arith.mulf %parallel_loop3A_449, %parallel_loop3A_453 : vector<16xf32>
        %parallel_loop3A_461 = arith.constant 2 : i32
        %parallel_loop3A_462 = arith.muli %parallel_loop3A_461, %parallel_loop3A_437 : i32
        %parallel_loop3A_463 = arith.constant 1 : i32
        %parallel_loop3A_464 = arith.addi %parallel_loop3A_462, %parallel_loop3A_463 : i32
        %parallel_loop3A_465 = arith.index_cast %parallel_loop3A_464 : i32 to index
        %parallel_loop3A_466 = arith.constant 32 : index
        %parallel_loop3A_467 = tpu.vector_load %arg10[%parallel_loop3A_465, %parallel_loop3A_466] {strides = array<i32>} : memref<64x128xf32, #tpu.memory_space<vmem>>, vector<16xf32>,
        tpu.vector_store %arg10[%parallel_loop3A_465, %parallel_loop3A_466], %parallel_loop3A_460 {strides = array<i32>} : memref<64x128xf32, #tpu.memory_space<vmem>>, vector<16xf32>,
      } {sc.loop_unroll_factor = 4 : i64, sc.parallel_access}
      %get3A_391 = arith.constant 48 : index
      %get3A_392 = tpu.vector_load %arg7[%get3A_391] {strides = array<i32>} : memref<128xi32, #tpu.memory_space<vmem>>, vector<16xi32>,
      %get3A_393 = arith.constant 48 : index
      %get3A_394 = tpu.vector_load %arg8[%get3A_393] {strides = array<i32>} : memref<128xi32, #tpu.memory_space<vmem>>, vector<16xi32>,
      %parallel_loop3A_395 = arith.constant 0 : i32
      %parallel_loop3A_396 = arith.constant 32 : i32
      %parallel_loop3A_397 = arith.constant 1 : i32
      scf.for %parallel_loop3A_437 = %parallel_loop3A_395 to %parallel_loop3A_396 step %parallel_loop3A_397  : i32 {
        %parallel_loop3A_438 = arith.constant 0 : i32
        %parallel_loop3A_439 = vector.broadcast %parallel_loop3A_438 : i32 to vector<16xi32>
        %parallel_loop3A_440 = vector.broadcast %parallel_loop3A_437 : i32 to vector<16xi32>
        %parallel_loop3A_441 = arith.addi %parallel_loop3A_439, %parallel_loop3A_440 : vector<16xi32>
        %parallel_loop3A_442 = arith.addi %get3A_392, %parallel_loop3A_441 : vector<16xi32>
        %parallel_loop3A_443 = tpu.vector_load_idx %arg6[%parallel_loop3A_442] : memref<66000xi32, #tpu.memory_space<vmem>>[vector<16xi32>], vector<16xi32>,
        %parallel_loop3A_444 = arith.addi %get3A_394, %parallel_loop3A_441 : vector<16xi32>
        %parallel_loop3A_445 = tpu.vector_load_idx %arg6[%parallel_loop3A_444] : memref<66000xi32, #tpu.memory_space<vmem>>[vector<16xi32>], vector<16xi32>,
        %parallel_loop3A_446 = arith.shli %parallel_loop3A_443, %broadcast_in_dim3A_7 : vector<16xi32>
        %parallel_loop3A_447 = vector.bitcast %parallel_loop3A_446 : vector<16xi32> to vector<16xf32>
        %parallel_loop3A_448 = arith.andi %parallel_loop3A_443, %broadcast_in_dim3A_5 : vector<16xi32>
        %parallel_loop3A_449 = vector.bitcast %parallel_loop3A_448 : vector<16xi32> to vector<16xf32>
        %parallel_loop3A_450 = arith.shli %parallel_loop3A_445, %broadcast_in_dim3A_7 : vector<16xi32>
        %parallel_loop3A_451 = vector.bitcast %parallel_loop3A_450 : vector<16xi32> to vector<16xf32>
        %parallel_loop3A_452 = arith.andi %parallel_loop3A_445, %broadcast_in_dim3A_5 : vector<16xi32>
        %parallel_loop3A_453 = vector.bitcast %parallel_loop3A_452 : vector<16xi32> to vector<16xf32>
        %parallel_loop3A_454 = arith.mulf %parallel_loop3A_447, %parallel_loop3A_451 : vector<16xf32>
        %parallel_loop3A_455 = arith.constant 2 : i32
        %parallel_loop3A_456 = arith.muli %parallel_loop3A_455, %parallel_loop3A_437 : i32
        %parallel_loop3A_457 = arith.index_cast %parallel_loop3A_456 : i32 to index
        %parallel_loop3A_458 = arith.constant 48 : index
        %parallel_loop3A_459 = tpu.vector_load %arg10[%parallel_loop3A_457, %parallel_loop3A_458] {strides = array<i32>} : memref<64x128xf32, #tpu.memory_space<vmem>>, vector<16xf32>,
        tpu.vector_store %arg10[%parallel_loop3A_457, %parallel_loop3A_458], %parallel_loop3A_454 {strides = array<i32>} : memref<64x128xf32, #tpu.memory_space<vmem>>, vector<16xf32>,
        %parallel_loop3A_460 = arith.mulf %parallel_loop3A_449, %parallel_loop3A_453 : vector<16xf32>
        %parallel_loop3A_461 = arith.constant 2 : i32
        %parallel_loop3A_462 = arith.muli %parallel_loop3A_461, %parallel_loop3A_437 : i32
        %parallel_loop3A_463 = arith.constant 1 : i32
        %parallel_loop3A_464 = arith.addi %parallel_loop3A_462, %parallel_loop3A_463 : i32
        %parallel_loop3A_465 = arith.index_cast %parallel_loop3A_464 : i32 to index
        %parallel_loop3A_466 = arith.constant 48 : index
        %parallel_loop3A_467 = tpu.vector_load %arg10[%parallel_loop3A_465, %parallel_loop3A_466] {strides = array<i32>} : memref<64x128xf32, #tpu.memory_space<vmem>>, vector<16xf32>,
        tpu.vector_store %arg10[%parallel_loop3A_465, %parallel_loop3A_466], %parallel_loop3A_460 {strides = array<i32>} : memref<64x128xf32, #tpu.memory_space<vmem>>, vector<16xf32>,
      } {sc.loop_unroll_factor = 4 : i64, sc.parallel_access}
      %get3A_398 = arith.constant 64 : index
      %get3A_399 = tpu.vector_load %arg7[%get3A_398] {strides = array<i32>} : memref<128xi32, #tpu.memory_space<vmem>>, vector<16xi32>,
      %get3A_400 = arith.constant 64 : index
      %get3A_401 = tpu.vector_load %arg8[%get3A_400] {strides = array<i32>} : memref<128xi32, #tpu.memory_space<vmem>>, vector<16xi32>,
      %parallel_loop3A_402 = arith.constant 0 : i32
      %parallel_loop3A_403 = arith.constant 32 : i32
      %parallel_loop3A_404 = arith.constant 1 : i32
      scf.for %parallel_loop3A_437 = %parallel_loop3A_402 to %parallel_loop3A_403 step %parallel_loop3A_404  : i32 {
        %parallel_loop3A_438 = arith.constant 0 : i32
        %parallel_loop3A_439 = vector.broadcast %parallel_loop3A_438 : i32 to vector<16xi32>
        %parallel_loop3A_440 = vector.broadcast %parallel_loop3A_437 : i32 to vector<16xi32>
        %parallel_loop3A_441 = arith.addi %parallel_loop3A_439, %parallel_loop3A_440 : vector<16xi32>
        %parallel_loop3A_442 = arith.addi %get3A_399, %parallel_loop3A_441 : vector<16xi32>
        %parallel_loop3A_443 = tpu.vector_load_idx %arg6[%parallel_loop3A_442] : memref<66000xi32, #tpu.memory_space<vmem>>[vector<16xi32>], vector<16xi32>,
        %parallel_loop3A_444 = arith.addi %get3A_401, %parallel_loop3A_441 : vector<16xi32>
        %parallel_loop3A_445 = tpu.vector_load_idx %arg6[%parallel_loop3A_444] : memref<66000xi32, #tpu.memory_space<vmem>>[vector<16xi32>], vector<16xi32>,
        %parallel_loop3A_446 = arith.shli %parallel_loop3A_443, %broadcast_in_dim3A_7 : vector<16xi32>
        %parallel_loop3A_447 = vector.bitcast %parallel_loop3A_446 : vector<16xi32> to vector<16xf32>
        %parallel_loop3A_448 = arith.andi %parallel_loop3A_443, %broadcast_in_dim3A_5 : vector<16xi32>
        %parallel_loop3A_449 = vector.bitcast %parallel_loop3A_448 : vector<16xi32> to vector<16xf32>
        %parallel_loop3A_450 = arith.shli %parallel_loop3A_445, %broadcast_in_dim3A_7 : vector<16xi32>
        %parallel_loop3A_451 = vector.bitcast %parallel_loop3A_450 : vector<16xi32> to vector<16xf32>
        %parallel_loop3A_452 = arith.andi %parallel_loop3A_445, %broadcast_in_dim3A_5 : vector<16xi32>
        %parallel_loop3A_453 = vector.bitcast %parallel_loop3A_452 : vector<16xi32> to vector<16xf32>
        %parallel_loop3A_454 = arith.mulf %parallel_loop3A_447, %parallel_loop3A_451 : vector<16xf32>
        %parallel_loop3A_455 = arith.constant 2 : i32
        %parallel_loop3A_456 = arith.muli %parallel_loop3A_455, %parallel_loop3A_437 : i32
        %parallel_loop3A_457 = arith.index_cast %parallel_loop3A_456 : i32 to index
        %parallel_loop3A_458 = arith.constant 64 : index
        %parallel_loop3A_459 = tpu.vector_load %arg10[%parallel_loop3A_457, %parallel_loop3A_458] {strides = array<i32>} : memref<64x128xf32, #tpu.memory_space<vmem>>, vector<16xf32>,
        tpu.vector_store %arg10[%parallel_loop3A_457, %parallel_loop3A_458], %parallel_loop3A_454 {strides = array<i32>} : memref<64x128xf32, #tpu.memory_space<vmem>>, vector<16xf32>,
        %parallel_loop3A_460 = arith.mulf %parallel_loop3A_449, %parallel_loop3A_453 : vector<16xf32>
        %parallel_loop3A_461 = arith.constant 2 : i32
        %parallel_loop3A_462 = arith.muli %parallel_loop3A_461, %parallel_loop3A_437 : i32
        %parallel_loop3A_463 = arith.constant 1 : i32
        %parallel_loop3A_464 = arith.addi %parallel_loop3A_462, %parallel_loop3A_463 : i32
        %parallel_loop3A_465 = arith.index_cast %parallel_loop3A_464 : i32 to index
        %parallel_loop3A_466 = arith.constant 64 : index
        %parallel_loop3A_467 = tpu.vector_load %arg10[%parallel_loop3A_465, %parallel_loop3A_466] {strides = array<i32>} : memref<64x128xf32, #tpu.memory_space<vmem>>, vector<16xf32>,
        tpu.vector_store %arg10[%parallel_loop3A_465, %parallel_loop3A_466], %parallel_loop3A_460 {strides = array<i32>} : memref<64x128xf32, #tpu.memory_space<vmem>>, vector<16xf32>,
      } {sc.loop_unroll_factor = 4 : i64, sc.parallel_access}
      %get3A_405 = arith.constant 80 : index
      %get3A_406 = tpu.vector_load %arg7[%get3A_405] {strides = array<i32>} : memref<128xi32, #tpu.memory_space<vmem>>, vector<16xi32>,
      %get3A_407 = arith.constant 80 : index
      %get3A_408 = tpu.vector_load %arg8[%get3A_407] {strides = array<i32>} : memref<128xi32, #tpu.memory_space<vmem>>, vector<16xi32>,
      %parallel_loop3A_409 = arith.constant 0 : i32
      %parallel_loop3A_410 = arith.constant 32 : i32
      %parallel_loop3A_411 = arith.constant 1 : i32
      scf.for %parallel_loop3A_437 = %parallel_loop3A_409 to %parallel_loop3A_410 step %parallel_loop3A_411  : i32 {
        %parallel_loop3A_438 = arith.constant 0 : i32
        %parallel_loop3A_439 = vector.broadcast %parallel_loop3A_438 : i32 to vector<16xi32>
        %parallel_loop3A_440 = vector.broadcast %parallel_loop3A_437 : i32 to vector<16xi32>
        %parallel_loop3A_441 = arith.addi %parallel_loop3A_439, %parallel_loop3A_440 : vector<16xi32>
        %parallel_loop3A_442 = arith.addi %get3A_406, %parallel_loop3A_441 : vector<16xi32>
        %parallel_loop3A_443 = tpu.vector_load_idx %arg6[%parallel_loop3A_442] : memref<66000xi32, #tpu.memory_space<vmem>>[vector<16xi32>], vector<16xi32>,
        %parallel_loop3A_444 = arith.addi %get3A_408, %parallel_loop3A_441 : vector<16xi32>
        %parallel_loop3A_445 = tpu.vector_load_idx %arg6[%parallel_loop3A_444] : memref<66000xi32, #tpu.memory_space<vmem>>[vector<16xi32>], vector<16xi32>,
        %parallel_loop3A_446 = arith.shli %parallel_loop3A_443, %broadcast_in_dim3A_7 : vector<16xi32>
        %parallel_loop3A_447 = vector.bitcast %parallel_loop3A_446 : vector<16xi32> to vector<16xf32>
        %parallel_loop3A_448 = arith.andi %parallel_loop3A_443, %broadcast_in_dim3A_5 : vector<16xi32>
        %parallel_loop3A_449 = vector.bitcast %parallel_loop3A_448 : vector<16xi32> to vector<16xf32>
        %parallel_loop3A_450 = arith.shli %parallel_loop3A_445, %broadcast_in_dim3A_7 : vector<16xi32>
        %parallel_loop3A_451 = vector.bitcast %parallel_loop3A_450 : vector<16xi32> to vector<16xf32>
        %parallel_loop3A_452 = arith.andi %parallel_loop3A_445, %broadcast_in_dim3A_5 : vector<16xi32>
        %parallel_loop3A_453 = vector.bitcast %parallel_loop3A_452 : vector<16xi32> to vector<16xf32>
        %parallel_loop3A_454 = arith.mulf %parallel_loop3A_447, %parallel_loop3A_451 : vector<16xf32>
        %parallel_loop3A_455 = arith.constant 2 : i32
        %parallel_loop3A_456 = arith.muli %parallel_loop3A_455, %parallel_loop3A_437 : i32
        %parallel_loop3A_457 = arith.index_cast %parallel_loop3A_456 : i32 to index
        %parallel_loop3A_458 = arith.constant 80 : index
        %parallel_loop3A_459 = tpu.vector_load %arg10[%parallel_loop3A_457, %parallel_loop3A_458] {strides = array<i32>} : memref<64x128xf32, #tpu.memory_space<vmem>>, vector<16xf32>,
        tpu.vector_store %arg10[%parallel_loop3A_457, %parallel_loop3A_458], %parallel_loop3A_454 {strides = array<i32>} : memref<64x128xf32, #tpu.memory_space<vmem>>, vector<16xf32>,
        %parallel_loop3A_460 = arith.mulf %parallel_loop3A_449, %parallel_loop3A_453 : vector<16xf32>
        %parallel_loop3A_461 = arith.constant 2 : i32
        %parallel_loop3A_462 = arith.muli %parallel_loop3A_461, %parallel_loop3A_437 : i32
        %parallel_loop3A_463 = arith.constant 1 : i32
        %parallel_loop3A_464 = arith.addi %parallel_loop3A_462, %parallel_loop3A_463 : i32
        %parallel_loop3A_465 = arith.index_cast %parallel_loop3A_464 : i32 to index
        %parallel_loop3A_466 = arith.constant 80 : index
        %parallel_loop3A_467 = tpu.vector_load %arg10[%parallel_loop3A_465, %parallel_loop3A_466] {strides = array<i32>} : memref<64x128xf32, #tpu.memory_space<vmem>>, vector<16xf32>,
        tpu.vector_store %arg10[%parallel_loop3A_465, %parallel_loop3A_466], %parallel_loop3A_460 {strides = array<i32>} : memref<64x128xf32, #tpu.memory_space<vmem>>, vector<16xf32>,
      } {sc.loop_unroll_factor = 4 : i64, sc.parallel_access}
      %get3A_412 = arith.constant 96 : index
      %get3A_413 = tpu.vector_load %arg7[%get3A_412] {strides = array<i32>} : memref<128xi32, #tpu.memory_space<vmem>>, vector<16xi32>,
      %get3A_414 = arith.constant 96 : index
      %get3A_415 = tpu.vector_load %arg8[%get3A_414] {strides = array<i32>} : memref<128xi32, #tpu.memory_space<vmem>>, vector<16xi32>,
      %parallel_loop3A_416 = arith.constant 0 : i32
      %parallel_loop3A_417 = arith.constant 32 : i32
      %parallel_loop3A_418 = arith.constant 1 : i32
      scf.for %parallel_loop3A_437 = %parallel_loop3A_416 to %parallel_loop3A_417 step %parallel_loop3A_418  : i32 {
        %parallel_loop3A_438 = arith.constant 0 : i32
        %parallel_loop3A_439 = vector.broadcast %parallel_loop3A_438 : i32 to vector<16xi32>
        %parallel_loop3A_440 = vector.broadcast %parallel_loop3A_437 : i32 to vector<16xi32>
        %parallel_loop3A_441 = arith.addi %parallel_loop3A_439, %parallel_loop3A_440 : vector<16xi32>
        %parallel_loop3A_442 = arith.addi %get3A_413, %parallel_loop3A_441 : vector<16xi32>
        %parallel_loop3A_443 = tpu.vector_load_idx %arg6[%parallel_loop3A_442] : memref<66000xi32, #tpu.memory_space<vmem>>[vector<16xi32>], vector<16xi32>,
        %parallel_loop3A_444 = arith.addi %get3A_415, %parallel_loop3A_441 : vector<16xi32>
        %parallel_loop3A_445 = tpu.vector_load_idx %arg6[%parallel_loop3A_444] : memref<66000xi32, #tpu.memory_space<vmem>>[vector<16xi32>], vector<16xi32>,
        %parallel_loop3A_446 = arith.shli %parallel_loop3A_443, %broadcast_in_dim3A_7 : vector<16xi32>
        %parallel_loop3A_447 = vector.bitcast %parallel_loop3A_446 : vector<16xi32> to vector<16xf32>
        %parallel_loop3A_448 = arith.andi %parallel_loop3A_443, %broadcast_in_dim3A_5 : vector<16xi32>
        %parallel_loop3A_449 = vector.bitcast %parallel_loop3A_448 : vector<16xi32> to vector<16xf32>
        %parallel_loop3A_450 = arith.shli %parallel_loop3A_445, %broadcast_in_dim3A_7 : vector<16xi32>
        %parallel_loop3A_451 = vector.bitcast %parallel_loop3A_450 : vector<16xi32> to vector<16xf32>
        %parallel_loop3A_452 = arith.andi %parallel_loop3A_445, %broadcast_in_dim3A_5 : vector<16xi32>
        %parallel_loop3A_453 = vector.bitcast %parallel_loop3A_452 : vector<16xi32> to vector<16xf32>
        %parallel_loop3A_454 = arith.mulf %parallel_loop3A_447, %parallel_loop3A_451 : vector<16xf32>
        %parallel_loop3A_455 = arith.constant 2 : i32
        %parallel_loop3A_456 = arith.muli %parallel_loop3A_455, %parallel_loop3A_437 : i32
        %parallel_loop3A_457 = arith.index_cast %parallel_loop3A_456 : i32 to index
        %parallel_loop3A_458 = arith.constant 96 : index
        %parallel_loop3A_459 = tpu.vector_load %arg10[%parallel_loop3A_457, %parallel_loop3A_458] {strides = array<i32>} : memref<64x128xf32, #tpu.memory_space<vmem>>, vector<16xf32>,
        tpu.vector_store %arg10[%parallel_loop3A_457, %parallel_loop3A_458], %parallel_loop3A_454 {strides = array<i32>} : memref<64x128xf32, #tpu.memory_space<vmem>>, vector<16xf32>,
        %parallel_loop3A_460 = arith.mulf %parallel_loop3A_449, %parallel_loop3A_453 : vector<16xf32>
        %parallel_loop3A_461 = arith.constant 2 : i32
        %parallel_loop3A_462 = arith.muli %parallel_loop3A_461, %parallel_loop3A_437 : i32
        %parallel_loop3A_463 = arith.constant 1 : i32
        %parallel_loop3A_464 = arith.addi %parallel_loop3A_462, %parallel_loop3A_463 : i32
        %parallel_loop3A_465 = arith.index_cast %parallel_loop3A_464 : i32 to index
        %parallel_loop3A_466 = arith.constant 96 : index
        %parallel_loop3A_467 = tpu.vector_load %arg10[%parallel_loop3A_465, %parallel_loop3A_466] {strides = array<i32>} : memref<64x128xf32, #tpu.memory_space<vmem>>, vector<16xf32>,
        tpu.vector_store %arg10[%parallel_loop3A_465, %parallel_loop3A_466], %parallel_loop3A_460 {strides = array<i32>} : memref<64x128xf32, #tpu.memory_space<vmem>>, vector<16xf32>,
      } {sc.loop_unroll_factor = 4 : i64, sc.parallel_access}
      %get3A_419 = arith.constant 112 : index
      %get3A_420 = tpu.vector_load %arg7[%get3A_419] {strides = array<i32>} : memref<128xi32, #tpu.memory_space<vmem>>, vector<16xi32>,
      %get3A_421 = arith.constant 112 : index
      %get3A_422 = tpu.vector_load %arg8[%get3A_421] {strides = array<i32>} : memref<128xi32, #tpu.memory_space<vmem>>, vector<16xi32>,
      %parallel_loop3A_423 = arith.constant 0 : i32
      %parallel_loop3A_424 = arith.constant 32 : i32
      %parallel_loop3A_425 = arith.constant 1 : i32
      scf.for %parallel_loop3A_437 = %parallel_loop3A_423 to %parallel_loop3A_424 step %parallel_loop3A_425  : i32 {
        %parallel_loop3A_438 = arith.constant 0 : i32
        %parallel_loop3A_439 = vector.broadcast %parallel_loop3A_438 : i32 to vector<16xi32>
        %parallel_loop3A_440 = vector.broadcast %parallel_loop3A_437 : i32 to vector<16xi32>
        %parallel_loop3A_441 = arith.addi %parallel_loop3A_439, %parallel_loop3A_440 : vector<16xi32>
        %parallel_loop3A_442 = arith.addi %get3A_420, %parallel_loop3A_441 : vector<16xi32>
        %parallel_loop3A_443 = tpu.vector_load_idx %arg6[%parallel_loop3A_442] : memref<66000xi32, #tpu.memory_space<vmem>>[vector<16xi32>], vector<16xi32>,
        %parallel_loop3A_444 = arith.addi %get3A_422, %parallel_loop3A_441 : vector<16xi32>
        %parallel_loop3A_445 = tpu.vector_load_idx %arg6[%parallel_loop3A_444] : memref<66000xi32, #tpu.memory_space<vmem>>[vector<16xi32>], vector<16xi32>,
        %parallel_loop3A_446 = arith.shli %parallel_loop3A_443, %broadcast_in_dim3A_7 : vector<16xi32>
        %parallel_loop3A_447 = vector.bitcast %parallel_loop3A_446 : vector<16xi32> to vector<16xf32>
        %parallel_loop3A_448 = arith.andi %parallel_loop3A_443, %broadcast_in_dim3A_5 : vector<16xi32>
        %parallel_loop3A_449 = vector.bitcast %parallel_loop3A_448 : vector<16xi32> to vector<16xf32>
        %parallel_loop3A_450 = arith.shli %parallel_loop3A_445, %broadcast_in_dim3A_7 : vector<16xi32>
        %parallel_loop3A_451 = vector.bitcast %parallel_loop3A_450 : vector<16xi32> to vector<16xf32>
        %parallel_loop3A_452 = arith.andi %parallel_loop3A_445, %broadcast_in_dim3A_5 : vector<16xi32>
        %parallel_loop3A_453 = vector.bitcast %parallel_loop3A_452 : vector<16xi32> to vector<16xf32>
        %parallel_loop3A_454 = arith.mulf %parallel_loop3A_447, %parallel_loop3A_451 : vector<16xf32>
        %parallel_loop3A_455 = arith.constant 2 : i32
        %parallel_loop3A_456 = arith.muli %parallel_loop3A_455, %parallel_loop3A_437 : i32
        %parallel_loop3A_457 = arith.index_cast %parallel_loop3A_456 : i32 to index
        %parallel_loop3A_458 = arith.constant 112 : index
        %parallel_loop3A_459 = tpu.vector_load %arg10[%parallel_loop3A_457, %parallel_loop3A_458] {strides = array<i32>} : memref<64x128xf32, #tpu.memory_space<vmem>>, vector<16xf32>,
        tpu.vector_store %arg10[%parallel_loop3A_457, %parallel_loop3A_458], %parallel_loop3A_454 {strides = array<i32>} : memref<64x128xf32, #tpu.memory_space<vmem>>, vector<16xf32>,
        %parallel_loop3A_460 = arith.mulf %parallel_loop3A_449, %parallel_loop3A_453 : vector<16xf32>
        %parallel_loop3A_461 = arith.constant 2 : i32
        %parallel_loop3A_462 = arith.muli %parallel_loop3A_461, %parallel_loop3A_437 : i32
        %parallel_loop3A_463 = arith.constant 1 : i32
        %parallel_loop3A_464 = arith.addi %parallel_loop3A_462, %parallel_loop3A_463 : i32
        %parallel_loop3A_465 = arith.index_cast %parallel_loop3A_464 : i32 to index
        %parallel_loop3A_466 = arith.constant 112 : index
        %parallel_loop3A_467 = tpu.vector_load %arg10[%parallel_loop3A_465, %parallel_loop3A_466] {strides = array<i32>} : memref<64x128xf32, #tpu.memory_space<vmem>>, vector<16xf32>,
        tpu.vector_store %arg10[%parallel_loop3A_465, %parallel_loop3A_466], %parallel_loop3A_460 {strides = array<i32>} : memref<64x128xf32, #tpu.memory_space<vmem>>, vector<16xf32>,
      } {sc.loop_unroll_factor = 4 : i64, sc.parallel_access}
      %mul3A_426 = arith.constant 512 : i32
      %mul3A_427 = arith.muli %add3A, %mul3A_426 : i32
      %mul3A_428 = arith.constant 128 : i32
      %mul3A_429 = arith.muli %and3A_236, %mul3A_428 : i32
      %add3A_430 = arith.addi %mul3A_427, %mul3A_429 : i32
      %dma_start3A_431 = arith.constant 0 : i32
      %dma_start3A_432 = tpu.memref_slice %arg4[%shift_right_logical3A_234, %dma_start3A_431, %add3A_430] : memref<26x64x16384xf32, #tpu.memory_space<hbm>> -> memref<1x64x128xf32, #tpu.memory_space<hbm>>
      %dma_start3A_433 = tpu.memref_squeeze %dma_start3A_432 : memref<1x64x128xf32, #tpu.memory_space<hbm>> -> memref<64x128xf32, #tpu.memory_space<hbm>>
      %dma_start3A_434 = arith.constant 0 : i32
      %dma_start3A_435 = tpu.memref_slice %arg4[%shift_right_logical3A_234, %dma_start3A_434, %add3A_430] : memref<26x64x16384xf32, #tpu.memory_space<hbm>> -> memref<1x64x128xf32, #tpu.memory_space<hbm>>
      %dma_start3A_436 = tpu.memref_squeeze %dma_start3A_435 : memref<1x64x128xf32, #tpu.memory_space<hbm>> -> memref<64x128xf32, #tpu.memory_space<hbm>>
      tpu.enqueue_dma source(%arg10 : memref<64x128xf32, #tpu.memory_space<vmem>>) target(%dma_start3A_436 : memref<64x128xf32, #tpu.memory_space<hbm>>) target_semaphore(%arg12 : memref<!tpu.dma_semaphore, #tpu.memory_space<semaphore_mem>>)
    }
    %scan3A_13 = arith.constant 52 : i32
    %dma_wait3A = arith.constant 0 : i32
    %dma_wait3A_14 = arith.constant 0 : i32
    %dma_wait3A_15 = arith.constant 0 : i32
    %dma_wait3A_16 = tpu.memref_slice %arg4[%dma_wait3A, %dma_wait3A_14, %dma_wait3A_15] : memref<26x64x16384xf32, #tpu.memory_space<hbm>> -> memref<1x64x128xf32, #tpu.memory_space<hbm>>
    %dma_wait3A_17 = tpu.memref_squeeze %dma_wait3A_16 : memref<1x64x128xf32, #tpu.memory_space<hbm>> -> memref<64x128xf32, #tpu.memory_space<hbm>>
    %dma_wait3A_18 = arith.constant 0 : i32
    %dma_wait3A_19 = arith.constant 0 : i32
    %dma_wait3A_20 = tpu.memref_slice %arg4[%dma_wait3A, %dma_wait3A_18, %dma_wait3A_19] : memref<26x64x16384xf32, #tpu.memory_space<hbm>> -> memref<1x64x128xf32, #tpu.memory_space<hbm>>
    %dma_wait3A_21 = tpu.memref_squeeze %dma_wait3A_20 : memref<1x64x128xf32, #tpu.memory_space<hbm>> -> memref<64x128xf32, #tpu.memory_space<hbm>>
    tpu.wait_dma2 semaphore(%arg11 : memref<!tpu.dma_semaphore, #tpu.memory_space<semaphore_mem>>) src(%arg9 : memref<64x128xf32, #tpu.memory_space<vmem>>) dst(%dma_wait3A_21 : memref<64x128xf32, #tpu.memory_space<hbm>>)
    %dma_wait3A_22 = arith.constant 0 : i32
    %dma_wait3A_23 = arith.constant 0 : i32
    %dma_wait3A_24 = arith.constant 0 : i32
    %dma_wait3A_25 = tpu.memref_slice %arg4[%dma_wait3A_22, %dma_wait3A_23, %dma_wait3A_24] : memref<26x64x16384xf32, #tpu.memory_space<hbm>> -> memref<1x64x128xf32, #tpu.memory_space<hbm>>
    %dma_wait3A_26 = tpu.memref_squeeze %dma_wait3A_25 : memref<1x64x128xf32, #tpu.memory_space<hbm>> -> memref<64x128xf32, #tpu.memory_space<hbm>>
    %dma_wait3A_27 = arith.constant 0 : i32
    %dma_wait3A_28 = arith.constant 0 : i32
    %dma_wait3A_29 = tpu.memref_slice %arg4[%dma_wait3A_22, %dma_wait3A_27, %dma_wait3A_28] : memref<26x64x16384xf32, #tpu.memory_space<hbm>> -> memref<1x64x128xf32, #tpu.memory_space<hbm>>
    %dma_wait3A_30 = tpu.memref_squeeze %dma_wait3A_29 : memref<1x64x128xf32, #tpu.memory_space<hbm>> -> memref<64x128xf32, #tpu.memory_space<hbm>>
    tpu.wait_dma2 semaphore(%arg12 : memref<!tpu.dma_semaphore, #tpu.memory_space<semaphore_mem>>) src(%arg10 : memref<64x128xf32, #tpu.memory_space<vmem>>) dst(%dma_wait3A_30 : memref<64x128xf32, #tpu.memory_space<hbm>>)
    return
  }
}

</mosaic_0001>

<sc_bundles>
// kernel: kernel.3.cloned.1.call-start
scs
__scs_entry_jumppad:
0x0: {  	(pc) =	sbr.rel $0x88, $3  }
0x1: {  	(tag) =	ssettag $0x0;
	lr =	simm.s32 $0x1  }
0x2: {  	[smem:$0x3F9E] =	sst lr;
	_ =	strace $0xD0000000  }
0x3: {  	_ = 	snop  }
0x4: {  	_ = 	snop  }
0x5: {  	_ = 	snop  }
0x6: {  	_ = 	snop  }
0x7: {  	_ = 	snop  }
__scs_overlays_trampoline_lowered:
0x8: {  	[smem:$0x3FAD] =	sst s0  }
0x9: {  	[smem:$0x3FAE] =	sst s1  }
0xa: {  	[smem:$0x3FAF] =	sst s2  }
0xb: {  	[smem:$0x3FB0] =	sst s3  }
0xc: {  	[smem:$0x3FB1] =	sst s4  }
0xd: {  	[smem:$0x3FB2] =	sst s5  }
0xe: {  	[smem:$0x3FB3] =	sst s6  }
0xf: {  	[smem:$0x3FB4] =	sst s7  }
0x10: {  	[smem:$0x3FB5] =	sst s8  }
0x11: {  	[smem:$0x3FB6] =	sst s9;
	s0 =	simm.s32 @!p0 $0x0  }
0x12: {  	s1 =	sld [smem:$0x3F9C];
	s0 =	simm.s32 @p0 $0x1  }
0x13: {  	[smem:$0x3FB7] =	sst s0;
	s0 =	simm.s32 @!p1 $0x0  }
0x14: {  	s2 =	sld [smem:$0x3F9B];
	s0 =	simm.s32 @p1 $0x1  }
0x15: {  	[smem:$0x3FB8] =	sst s0;
	s0 =	simm.s32 @!p2 $0x0  }
0x16: {  	s3 =	sld [smem:$0x3FDB];
	s0 =	simm.s32 @p2 $0x1  }
0x17: {  	s4 =	simm.s32 $0x1BF5;
	[smem:$0x3FBA] =	sst s0  }
0x18: {  	s0 =	sld [smem:$0x3F9D];
	_ =	swait.ge [sflag:s4], $0x0  }
0x19: {  	s7 =	sld [smem:$0x3F9E]  }
0x1a: {  	s8 =	sadd.s32 $0xFFFFE003, lr  }
0x1b: {  	s9 =	sadd.s32 $0xFFFFFEF7, lr;
	s5 =	simm.s32 $0xFFFFFFFF;
	p2 =	slt.u32 s8, $0xFFFFF086  }
0x1c: {  	p1 =	slt.u32 s9, $0xF7A;
	s5 =	simm.s32 @!p2 $0x0  }
0x1d: {  	s5 =	simm.s32 @p1 $0x1;
	p0 =	seq.s32 s7, s2  }
0x1e: {  	s7 =	smul.u32 @!p0 $0xF7A, s2;
	p2 =	seq.s32 @!p0 s5, $0x0  }
0x1f: {  	s9 =	smul.u32 $0xF7A, s1;
	s8 =	simm.s32 @!p0 $0x1BF5;
	p2 =	por !p2, p0  }
0x20: {  	[sflag:s8] =	ssyncset.s32 @!p0 $0xFFFFF086;
	s6 =	sadd.s32 @!p0 s3, s7;
	s7 =	simm.s32 @!p0 $0x108  }
0x21: {  	s3 =	sadd.s32 s3, s9;
	s6 =	sadd.s32 @!p0 $0x88, s6;
	s7 =	simm.s32 @p2 $0x1082  }
0x22: {  	[simem:s7], [sflag:s8] =	dma.local @!p0 [hbm:s6], $0xF7A  }
0x23: {  	s9 =	sor.u32 $0xD0000000, s2;
	s6 =	simm.s32 $0x108;
	_ =	swait.ge @!p0 [sflag:s8], $0x0  }
0x24: {  	s3 =	sadd.s32 $0x88, s3;
	s6 =	simm.s32 @!p1 $0x1082;
	[sflag:s4] =	ssyncset.s32 $0xFFFFF086  }
0x25: {  	[simem:s6], [sflag:s4] =	dma.local [hbm:s3], $0xF7A  }
0x26: {  	[smem:$0x3F9E] =	sst s1;
	(tag) =	ssettag s2;
	_ =	strace s9  }
0x27: {  	s1 =	sld [smem:$0x3FAE]  }
0x28: {  	s2 =	sld [smem:$0x3FAF]  }
0x29: {  	s4 =	sld [smem:$0x3FB1]  }
0x2a: {  	p0 =	seq.s32 s5, $0x0;
	s5 =	sld [smem:$0x3FB2]  }
0x2b: {  	s6 =	sld [smem:$0x3FB3]  }
0x2c: {  	s7 =	sld [smem:$0x3FB4]  }
0x2d: {  	s3 =	simm.s32 $0x108;
	s8 =	sld [smem:$0x3FB5]  }
0x2e: {  	s3 =	simm.s32 @!p0 $0x1082;
	s9 =	sld [smem:$0x3FB6]  }
0x2f: {  	lr =	sadd.s32 s0, s3;
	s0 =	sld [smem:$0x3FAD]  }
0x30: {  	s3 =	sld [smem:$0x3FB0]  }
0x31: {  	[smem:$0x3FB9] =	sst s10  }
0x32: {  	s10 =	sld [smem:$0x3FB7];
	_ =	sdelay $0x3  }
0x33: {  	p0 =	seq.s32 s10, $0x1;
	s10 =	sld [smem:$0x3FB9];
	_ =	sdelay $0x3  }
0x34: {  	[smem:$0x3FB9] =	sst s10  }
0x35: {  	s10 =	sld [smem:$0x3FB8];
	_ =	sdelay $0x3  }
0x36: {  	p1 =	seq.s32 s10, $0x1;
	s10 =	sld [smem:$0x3FB9];
	_ =	sdelay $0x3  }
0x37: {  	[smem:$0x3FB9] =	sst s10  }
0x38: {  	s10 =	sld [smem:$0x3FBA]  }
0x39: {  	_ = 	snop;
	(pc) =	sbr.ind lr, $3  }
0x3a: {  	_ = 	snop  }
0x3b: {  	_ = 	snop  }
0x3c: {  	p2 =	seq.s32 s10, $0x1;
	s10 =	sld [smem:$0x3FB9]  }
0x3d: {  	_ =	shalt  }
0x3e: {  	_ =	shalt  }
0x3f: {  	_ =	shalt  }
0x40: {  	_ =	shalt  }
0x41: {  	_ =	shalt  }
0x42: {  	_ =	shalt  }
0x43: {  	_ =	shalt  }
0x44: {  	_ =	shalt  }
0x45: {  	_ =	shalt  }
0x46: {  	_ =	shalt  }
0x47: {  	_ =	shalt  }
0x48: {  	_ =	shalt  }
0x49: {  	_ =	shalt  }
0x4a: {  	_ =	shalt  }
0x4b: {  	_ =	shalt  }
0x4c: {  	_ =	shalt  }
0x4d: {  	_ =	shalt  }
0x4e: {  	_ =	shalt  }
0x4f: {  	_ =	shalt  }
0x50: {  	_ =	shalt  }
0x51: {  	_ =	shalt  }
0x52: {  	_ =	shalt  }
0x53: {  	_ =	shalt  }
0x54: {  	_ =	shalt  }
0x55: {  	_ =	shalt  }
0x56: {  	_ =	shalt  }
0x57: {  	_ =	shalt  }
0x58: {  	_ =	shalt  }
0x59: {  	_ =	shalt  }
0x5a: {  	_ =	shalt  }
0x5b: {  	_ =	shalt  }
0x5c: {  	_ =	shalt  }
0x5d: {  	_ =	shalt  }
0x5e: {  	_ =	shalt  }
0x5f: {  	_ =	shalt  }
0x60: {  	_ =	shalt  }
0x61: {  	_ =	shalt  }
0x62: {  	_ =	shalt  }
0x63: {  	_ =	shalt  }
0x64: {  	_ =	shalt  }
0x65: {  	_ =	shalt  }
0x66: {  	_ =	shalt  }
0x67: {  	_ =	shalt  }
0x68: {  	_ =	shalt  }
0x69: {  	_ =	shalt  }
0x6a: {  	_ =	shalt  }
0x6b: {  	_ =	shalt  }
0x6c: {  	_ =	shalt  }
0x6d: {  	_ =	shalt  }
0x6e: {  	_ =	shalt  }
0x6f: {  	_ =	shalt  }
0x70: {  	_ =	shalt  }
0x71: {  	_ =	shalt  }
0x72: {  	_ =	shalt  }
0x73: {  	_ =	shalt  }
0x74: {  	_ =	shalt  }
0x75: {  	_ =	shalt  }
0x76: {  	_ =	shalt  }
0x77: {  	_ =	shalt  }
0x78: {  	_ =	shalt  }
0x79: {  	_ =	shalt  }
0x7a: {  	_ =	shalt  }
0x7b: {  	_ =	shalt  }
0x7c: {  	_ =	shalt  }
0x7d: {  	_ =	shalt  }
0x7e: {  	_ =	shalt  }
0x7f: {  	_ =	shalt  }
0x80: {  	_ =	shalt  }
0x81: {  	_ =	shalt  }
0x82: {  	_ =	shalt  }
0x83: {  	_ =	shalt  }
0x84: {  	_ =	shalt  }
0x85: {  	_ =	shalt  }
0x86: {  	_ =	shalt  }
0x87: {  	_ =	shalt  }
.Lfunc_end0:
.L_simem_size_0:
called_computation_lowered:
.L_overlay_start_0:
0x88: {  	s2 =	sld [smem:$0x3FD9]  }
0x89: {  	s3 =	sld [smem:$0x3FFE];
	_ =	sdelay $0x1  }
0x8a: {  	s1 =	srdreg.scid  }
0x8b: {  	s0 =	sand.u32 $0x1, s1  }
0x8c: {  	s17 =	sshll.u32 s0, $0xA;
	s2 =	sadd.s32 s3, s2  }
0x8d: {  	s2 =	sadd.s32 s2, s17  }
0x8e: {  	[smem:$0x3FC5] =	sst s2  }
0x8f: {  	_ = 	snop  }
0x90: {  	s2 =	sld [smem:$0x3FC9]  }
0x91: {  	s18 =	sld [smem:$0x3FD0];
	(tm) =	ssettm $0x1  }
0x92: {  	s4 =	sld [smem:$0x3FFB];
	_ =	sdelay $0x3  }
0x93: {  	_ =	strace s4  }
0x94: {  	s4 =	sld [smem:$0x3FFC];
	_ =	sdelay $0x3  }
0x95: {  	_ =	strace s4  }
0x96: {  	s4 =	sld [smem:$0x3FFD];
	_ =	sdelay $0x3  }
0x97: {  	_ =	strace s4  }
0x98: {  	_ =	strace $0x8FFFFFFF  }
0x99: {  	s19 =	sld [smem:$0x3FDB];
	_ =	sdelay $0x1  }
0x9a: {  	s5 =	simm.s32 $_scs_section_size  }
0x9b: {  	s6 =	simm.s32 $_size__tile_overlayer_lowered;
	s7 =	simm.s32 $_tile_overlayer_lowered  }
0x9c: {  	s22 =	simm.s32 $0x1BFF;
	s21 =	sshll.u32 s7, $0x1;
	s4 =	sadd.s32 s5, s19  }
0x9d: {  	s8 =	simm.s32 $0x0;
	s20 =	sshll.u32 s6, $0x1;
	s6 =	sadd.s32 s21, s4  }
0x9e: {  	[timem:s8], [sflag:s22] =	dma.local [hbm:s6], s20  }
0x9f: {  	_ =	swait.ge [sflag:s22], s20  }
0xa0: {  	s5 =	ssub.s32 $0x0, s20;
	[sflag:s22] =	ssyncset.done $0x0  }
0xa1: {  	[sflag:s22] =	ssyncadd.s32 s5;
	_ =	sdelay $0x1  }
0xa2: {  	s23 =	simm.s32 $0x1B8B  }
0xa3: {  	_ =	swait.ge [sflag:s23], $0x1  }
0xa4: {  	[sflag:s23] =	ssyncset.done $0x0  }
0xa5: {  	s25 =	simm.s32 $0x1B8E;
	s24 =	sld [smem:$0x3FFE];
	[sflag:s23] =	ssyncadd.s32 $0xFFFFFFFF  }
0xa6: {  	s26 =	simm.s32 $execute0_lowered;
	[smem:$0x3FD2] =	sst s25  }
0xa7: {  	s6 =	sshll.u32 s26, $0x1;
	_ =	strace $0x80000046;
	[dreg:$0x1] =	wrdreg $0xFFFFFFFF  }
0xa8: {  	s28 =	simm.s32 $_size_execute0_lowered;
	s4 =	sadd.s32 s4, s6;
	[dreg:$0x0] =	wrdreg $0x0  }
0xa9: {  	s6 =	sshll.u32 s28, $0x1;
	[dreg:$0x2] =	wrdreg s4  }
0xaa: {  	[dreg:$0x3] =	wrdreg s6  }
0xab: {  	[dreg:$0x4] =	wrdreg $0xC0  }
0xac: {  	_ =	task [dreg:s8], $0x5FFFF  }
0xad: {  	[dreg:$0x1] =	wrdreg $0xFFFFFFFF  }
0xae: {  	[dreg:$0x0] =	wrdreg $0x60  }
0xaf: {  	[dreg:$0x2] =	wrdreg s2  }
0xb0: {  	[dreg:$0x3] =	wrdreg s24  }
0xb1: {  	[dreg:$0x4] =	wrdreg s18  }
0xb2: {  	[dreg:$0x5] =	wrdreg $0x9  }
0xb3: {  	_ =	task.clear_ibuf [dreg:s8], $0x6FFFF;
	_ =	strace $0x90000046  }
0xb4: {  	s29 =	simm.s32 $0x9;
	_ =	strace $0x80000048  }
0xb5: {  	_ =	swait.ge [sflag:s29], $0x1  }
0xb6: {  	[sflag:s29] =	ssyncadd.s32 $0xFFFFFFFF  }
0xb7: {  	_ =	strace $0x90000048  }
0xb8: {  	_ =	sfence  }
0xb9: {  	s30 =	sld [smem:$0x0];
	_ =	sdelay $0x2  }
0xba: {  	s31 =	sshll.u32 s1, $0xD;
	s1 =	sshrl.u32 s1, $0x2  }
0xbb: {  	s3 =	sand.u32 $0x4000, s31;
	s1 =	sadd.s32 s1, s30  }
0xbc: {  	s0 =	sor.u32 s3, s0;
	s1 =	sshll.u32 s1, $0x11  }
0xbd: {  	s0 =	sor.u32 s1, s0  }
0xbe: {  	s0 =	sadd.s32 $0x8F2B, s0  }
0xbf: {  	[sflag:s0] =	ssyncadd.remote.s32 $0x1  }
0xc0: {  	_ =	sfence.sel $0xFFFF  }
0xc1: {  	[dreg:$0x0] =	wrdreg $0xFFFFFFFF;
	(pc) =	sbr.abs _section_cstart, $3  }
0xc2: {  	[dreg:$0x1] =	wrdreg $0xFFFFFFFF  }
0xc3: {  	_ =	task.clear_ibuf [dreg:s8], $0x2FFFF;
	_ =	strace $0x9FFFFFFF  }
0xc4: {  	(tm) =	ssettm $0x7FFFFFFF  }
0xc5: {  	_ =	shalt  }
tec
execute0_lowered:
.L_overlay_start_1:
0x0: {  	(tag) =	ssettag $0x1  }
0x1: {  	s4 =	rddreg [dreg:$0x0]  }
0x2: {  	s5 =	rddreg [dreg:$0x2];
	s6 =	srdreg.scid  }
0x3: {  	v0 =	vimm.s32 $0xECA86420;
	s1 =	simm.s32 $0x0;
	s0 =	stileid.u32;
	vm0 =	vcmask $0xB08;
	vm1 =	vcmask $0x1310;
	s6 =	sand.u32 $0x1, s6  }
0x4: {  	vm2 =	vcmask $0x1B18;
	vm3 =	vcmask $0x300;
	vm4 =	vcmask $0x2320;
	s8 =	sshll.u32 s0, $0xA;
	s7 =	ssub.s32 $0x2, s6;
	s6 =	sshll.u32 s6, $0x9  }
0x5: {  	vm5 =	vcmask $0x2B28;
	vm6 =	vcmask $0x3330;
	vm7 =	vcmask $0x3B38;
	[smem:$0x7FF] =	sst s1;
	s6 =	sor.u32 s6, s8  }
0x6: {  	v1 =	vlaneseq.u32;
	vm8 =	vmmov $0xff;
	vm9 =	vcmask $0x704;
	_ =	strace $0x80000047;
	s9 =	sshrl.u32 s7, $0x1;
	s30 =	sadd.s32 s4, s6  }
0x7: {  	vm10 =	vcmask $0xF0C;
	vm11 =	vcmask $0x1714;
	v0 =	vunpack.c.l.s4.s8 v0;
	s7 =	ssub.s32 s7, s9;
	s5 =	sadd.s32 s5, s6;
	[dreg:$0x4] =	wrdreg s30  }
0x8: {  	vm12 =	vcmask $0x1F1C;
	vm13 =	vcmask $0x2724;
	vm14 =	vcmask $0x2F2C;
	s31 =	smax.u32 s7, $0x1;
	[dreg:$0x5] =	wrdreg s5  }
0x9: {  	vm15 =	vcmask $0x3734;
	s2 =	simm.s32 $0x0;
	v1 =	vmul.u32 $0x2, v1;
	v0 =	vunpack.c.0.s8.s32 v0;
	s7 =	simm.s32 $0x4000;
	[dreg:$0x6] =	wrdreg s31  }
.LBB2_1:
0xa: {  	[dreg:$0x7] =	wrdreg s2  }
0xb: {  	s0 =	rddreg [dreg:$0x1];
	s1 =	simm.s32 $0x0;
	s30 =	simm.s32 $0x3  }
0xc: {  	[tilespmem:s7], [sflag:$0x3] =	stream.linear.gather [hbm4b:s0+s1], $0x10200, $0x38;
	[tilespmem:$0x18300] =	vst v63  }
0xd: {  	_ =	swait.ge [sflag:s30], $0x10200  }
0xe: {  	s3 =	simm.s32 $0x1000;
	[sflag:s30] =	ssyncset.done $0x0  }
0xf: {  	s4 =	simm.s32 $0x20000;
	s31 =	rddreg [dreg:$0x4];
	[sflag:s30] =	ssyncadd.s32 $0xFFFEFE00  }
0x10: {  	[tilespmem:s1], [sflag:$0x3] =	stream.strided.gather [hbm4b:s31+s3], $0x4000, s4, s3, $0x38;
	[tilespmem:$0x18300] =	vst v63  }
0x11: {  	_ =	swait.ge [sflag:s30], $0x4000  }
0x12: {  	[sflag:s30] =	ssyncset.done $0x0  }
0x13: {  	s17 =	simm.s32 $0x0;
	[sflag:s30] =	ssyncadd.s32 $0xFFFFC000  }
.LBB2_2:
0x14: {  	s18 =	sshll.u32 s17, $0x8  }
0x15: {  	s1 =	sand.u32 $0x100, s18  }
0x16: {  	s20 =	sshll.u32 s17, $0x6;
	s0 =	sand.u32 $0x3000, s18;
	s21 =	sshll.u32 s1, $0x3  }
0x17: {  	s12 =	sand.u32 $0x380, s20;
	s21 =	sor.u32 s21, s0  }
0x18: {  	s21 =	sor.u32 s12, s21  }
0x19: {  	v2 =	vld [tilespmem:s21+$0x0];
	_ =	sdelay $0x4  }
0x1a: {  	(v2sf) =	vpush v2, $0xD;
	_ =	sdelay $0x1  }
0x1b: {  	(v2sf) =	vpush v2, $0xC;
	_ =	sdelay $0x1  }
0x1c: {  	(v2sf) =	vpush v2, $0xE;
	_ =	sdelay $0x1  }
0x1d: {  	(v2sf) =	vpush v2, $0xF;
	_ =	sdelay $0x1  }
0x1e: {  	(v2sf) =	vpush v2, $0x9;
	_ =	sdelay $0x1  }
0x1f: {  	(v2sf) =	vpush v2, $0x8;
	_ =	sdelay $0x1  }
0x20: {  	(v2sf) =	vpush v2, $0xA;
	_ =	sdelay $0x1  }
0x21: {  	(v2sf) =	vpush v2, $0xB  }
0x22: {  	s22 =	spop (v2sf)  }
0x23: {  	(v2sf) =	vpush v2, $0x0;
	s23 =	smulhi.u32 $0x10624DD3, s22;
	s22 =	sshra.s32 s22, $0x1F  }
0x24: {  	s24 =	spop (v2sf);
	s22 =	smul.u32 $0x10624DD3, s22  }
0x25: {  	(v2sf) =	vpush v2, $0x1;
	s25 =	smulhi.u32 $0x10624DD3, s24;
	s24 =	sshra.s32 s24, $0x1F  }
0x26: {  	s26 =	spop (v2sf);
	s24 =	smul.u32 $0x10624DD3, s24  }
0x27: {  	(v2sf) =	vpush v2, $0x2;
	s28 =	smulhi.u32 $0x10624DD3, s26;
	s26 =	sshra.s32 s26, $0x1F  }
0x28: {  	s29 =	spop (v2sf);
	(v2sf) =	vpush v2, $0x3;
	s26 =	smul.u32 $0x10624DD3, s26  }
0x29: {  	[dreg:$0xa] =	wrdreg s1;
	s30 =	smulhi.u32 $0x10624DD3, s29;
	s29 =	sshra.s32 s29, $0x1F;
	(v2sf) =	vpush v2, $0x4  }
0x2a: {  	s31 =	spop (v2sf);
	s29 =	smul.u32 $0x10624DD3, s29;
	(v2sf) =	vpush v2, $0x5  }
0x2b: {  	[dreg:$0x9] =	wrdreg s0;
	s13 =	smulhi.u32 $0x10624DD3, s31;
	s31 =	sshra.s32 s31, $0x1F;
	(v2sf) =	vpush v2, $0x6  }
0x2c: {  	s2 =	spop (v2sf);
	s31 =	smul.u32 $0x10624DD3, s31;
	(v2sf) =	vpush v2, $0x7  }
0x2d: {  	[dreg:$0xb] =	wrdreg s12;
	s18 =	smulhi.u32 $0x10624DD3, s2;
	s2 =	sshra.s32 s2, $0x1F  }
0x2e: {  	s9 =	spop (v2sf);
	s2 =	smul.u32 $0x10624DD3, s2  }
0x2f: {  	s22 =	sadd.s32 s22, s23;
	s3 =	smulhi.u32 $0x10624DD3, s9;
	s9 =	sshra.s32 s9, $0x1F  }
0x30: {  	s4 =	sshrl.u32 s22, $0x1F;
	s19 =	spop (v2sf);
	s9 =	smul.u32 $0x10624DD3, s9  }
0x31: {  	s25 =	sadd.s32 s24, s25;
	s6 =	smulhi.u32 $0x10624DD3, s19;
	s23 =	sshra.s32 s19, $0x1F  }
0x32: {  	s14 =	sshrl.u32 s25, $0x1F;
	s15 =	smul.u32 $0x10624DD3, s23;
	s20 =	spop (v2sf)  }
0x33: {  	s24 =	sadd.s32 s26, s28;
	s8 =	smulhi.u32 $0x10624DD3, s20;
	s28 =	sshra.s32 s20, $0x1F  }
0x34: {  	s26 =	sadd.s32 s31, s13;
	s5 =	spop (v2sf);
	s16 =	smul.u32 $0x10624DD3, s28  }
0x35: {  	s23 =	sadd.s32 s29, s30;
	s0 =	smulhi.u32 $0x10624DD3, s5;
	s28 =	sshra.s32 s5, $0x1F  }
0x36: {  	s30 =	sadd.s32 s2, s18;
	s10 =	spop (v2sf);
	s1 =	smul.u32 $0x10624DD3, s28  }
0x37: {  	v4 =	vmov s14;
	s11 =	smulhi.u32 $0x10624DD3, s10;
	s2 =	sshra.s32 s10, $0x1F;
	s13 =	spop (v2sf)  }
0x38: {  	v4 =	vsel vm0, s4, v4;
	s4 =	sshrl.u32 s30, $0x1F;
	s2 =	smul.u32 $0x10624DD3, s2;
	s18 =	spop (v2sf)  }
0x39: {  	s19 =	smulhi.u32 $0x10624DD3, s13;
	s12 =	sshra.s32 s13, $0x1F;
	s13 =	spop (v2sf)  }
0x3a: {  	s29 =	sadd.s32 s15, s6;
	s20 =	smul.u32 $0x10624DD3, s12;
	s12 =	spop (v2sf)  }
0x3b: {  	s28 =	sadd.s32 s9, s3;
	s15 =	smulhi.u32 $0x10624DD3, s18;
	s5 =	spop (v2sf)  }
0x3c: {  	s8 =	sadd.s32 s16, s8;
	s10 =	smulhi.u32 $0x10624DD3, s5;
	s16 =	sshra.s32 s5, $0x1F  }
0x3d: {  	s0 =	sadd.s32 s1, s0;
	s3 =	sshra.s32 s18, $0x1F;
	s16 =	smul.u32 $0x10624DD3, s16  }
0x3e: {  	s18 =	sshra.s32 s8, $0x6;
	s2 =	sadd.s32 s2, s11;
	s3 =	smul.u32 $0x10624DD3, s3  }
0x3f: {  	s11 =	sshrl.u32 s8, $0x1F;
	s9 =	smulhi.u32 $0x10624DD3, s13;
	s31 =	sadd.s32 s16, s10  }
0x40: {  	s13 =	sshra.s32 s13, $0x1F;
	s8 =	sshra.s32 s8, $0x1F;
	s16 =	sshra.s32 s31, $0x1F  }
0x41: {  	s6 =	sadd.s32 s20, s19;
	s1 =	smul.u32 $0x10624DD3, s13;
	s19 =	sshrl.u32 s24, $0x1F;
	v3 =	vmov s16  }
0x42: {  	v6 =	vmov s4;
	s13 =	sshrl.u32 s26, $0x1F;
	s20 =	sshrl.u32 s0, $0x1F;
	v5 =	vmov s11;
	s11 =	sshrl.u32 s2, $0x1F;
	v3 =	vsel vm3, s18, v3  }
0x43: {  	s5 =	sshra.s32 s0, $0x6;
	s0 =	sshra.s32 s0, $0x1F;
	v4 =	vsel vm1, s19, v4;
	v5 =	vnsel vm3, $0x0, v5;
	s19 =	sshrl.u32 s6, $0x1F;
	v3 =	vsel vm9, s8, v3  }
0x44: {  	s3 =	sadd.s32 s3, s15;
	v6 =	vsel vm0, s13, v6;
	s13 =	sshra.s32 s6, $0x1F;
	v5 =	vsel vm0, s20, v5;
	s20 =	sshra.s32 s2, $0x6;
	v3 =	vsel vm0, s5, v3  }
0x45: {  	s2 =	sshra.s32 s2, $0x1F;
	s1 =	sadd.s32 s1, s9;
	s10 =	sshrl.u32 s23, $0x1F;
	v3 =	vsel vm10, s0, v3  }
0x46: {  	s15 =	sshra.s32 s3, $0x6;
	v5 =	vsel vm1, s11, v5;
	s11 =	sshra.s32 s6, $0x6;
	v4 =	vsel vm2, s10, v4;
	s10 =	sshrl.u32 s3, $0x1F;
	v3 =	vsel vm1, s20, v3  }
0x47: {  	v5 =	vsel vm2, s19, v5;
	s16 =	smulhi.u32 $0x10624DD3, s12;
	s18 =	sshra.s32 s12, $0x1F;
	s8 =	sshrl.u32 s28, $0x1F;
	v3 =	vsel vm11, s2, v3  }
0x48: {  	v5 =	vsel vm4, s10, v5;
	s12 =	sshrl.u32 s1, $0x1F;
	s5 =	sshrl.u32 s29, $0x1F;
	v6 =	vsel vm1, s8, v6;
	s0 =	smul.u32 $0x10624DD3, s18;
	v3 =	vsel vm2, s11, v3  }
0x49: {  	s19 =	sshra.s32 s3, $0x1F;
	v5 =	vsel vm5, s12, v5;
	v6 =	vsel vm2, s5, v6;
	s18 =	sshra.s32 s30, $0x6;
	s20 =	sshra.s32 s22, $0x6;
	v3 =	vsel vm12, s13, v3  }
0x4a: {  	v4 =	vcombine.low v6, v4;
	s22 =	sshra.s32 s26, $0x6;
	v7 =	vmov s18;
	s0 =	sadd.s32 s0, s16;
	s16 =	sshra.s32 s25, $0x6;
	v3 =	vsel vm4, s15, v3  }
0x4b: {  	s30 =	sshra.s32 s28, $0x6;
	s25 =	sshra.s32 s1, $0x6;
	v7 =	vsel vm0, s22, v7;
	v6 =	vmov s16;
	v3 =	vsel vm13, s19, v3  }
0x4c: {  	s26 =	sshra.s32 s24, $0x6;
	s1 =	sshra.s32 s1, $0x1F;
	s14 =	sshrl.u32 s0, $0x1F;
	v7 =	vsel vm1, s30, v7;
	v6 =	vsel vm0, s20, v6;
	v3 =	vsel vm5, s25, v3  }
0x4d: {  	s4 =	sshra.s32 s29, $0x6;
	s3 =	sshra.s32 s23, $0x6;
	s5 =	sshra.s32 s0, $0x6;
	v5 =	vsel vm6, s14, v5;
	v6 =	vsel vm1, s26, v6;
	v3 =	vsel vm14, s1, v3  }
0x4e: {  	s6 =	sshrl.u32 s31, $0x1F;
	s0 =	sshra.s32 s0, $0x1F;
	v7 =	vsel vm2, s4, v7;
	v6 =	vsel vm2, s3, v6;
	v3 =	vsel vm6, s5, v3  }
0x4f: {  	s8 =	sshra.s32 s31, $0x6;
	v5 =	vsel vm7, s6, v5;
	v6 =	vcombine.low v7, v6;
	v3 =	vsel vm15, s0, v3  }
0x50: {  	v4 =	vperm.xlane v4, v0;
	v5 =	vperm.xlane v5, v1;
	v3 =	vsel vm7, s8, v3  }
0x51: {  	v6 =	vperm.xlane v6, v0;
	v3 =	vperm.xlane v3, v1;
	_ =	sdelay $0x1  }
0x52: {  	v4 =	vsel vm8, v5, v4;
	v3 =	vsel vm8, v3, v6  }
0x53: {  	v3 =	vadd.s32 v4, v3  }
0x54: {  	v4 =	vmul.u32 $0xFFFFFC18, v3;
	_ =	sdelay $0x1  }
0x55: {  	v2 =	vadd.s32 v2, v4  }
0x56: {  	v3 =	vmul.u32 $0x21, v3;
	v2 =	vmul.u32 $0x21, v2;
	_ =	sdelay $0x1  }
0x57: {  	[tilespmem:$0x14200] =	vst v3;
	v2 =	vadd.s32 $0x80E8, v2  }
0x58: {  	[tilespmem:$0x14280] =	vst v2  }
0x59: {  	v2 =	vld [tilespmem:s21+$0x10];
	_ =	sdelay $0x4  }
0x5a: {  	(v2sf) =	vpush v2, $0xD;
	_ =	sdelay $0x1  }
0x5b: {  	(v2sf) =	vpush v2, $0xC;
	_ =	sdelay $0x1  }
0x5c: {  	(v2sf) =	vpush v2, $0xE;
	_ =	sdelay $0x1  }
0x5d: {  	(v2sf) =	vpush v2, $0xF;
	_ =	sdelay $0x1  }
0x5e: {  	(v2sf) =	vpush v2, $0x9;
	_ =	sdelay $0x1  }
0x5f: {  	(v2sf) =	vpush v2, $0x8;
	_ =	sdelay $0x1  }
0x60: {  	(v2sf) =	vpush v2, $0xA;
	_ =	sdelay $0x1  }
0x61: {  	(v2sf) =	vpush v2, $0xB  }
0x62: {  	s9 =	spop (v2sf)  }
0x63: {  	(v2sf) =	vpush v2, $0x0;
	s10 =	smulhi.u32 $0x10624DD3, s9;
	s0 =	sshra.s32 s9, $0x1F  }
0x64: {  	s13 =	spop (v2sf);
	s0 =	smul.u32 $0x10624DD3, s0  }
0x65: {  	(v2sf) =	vpush v2, $0x1;
	s14 =	smulhi.u32 $0x10624DD3, s13;
	s2 =	sshra.s32 s13, $0x1F  }
0x66: {  	s15 =	spop (v2sf);
	s2 =	smul.u32 $0x10624DD3, s2  }
0x67: {  	(v2sf) =	vpush v2, $0x2;
	s16 =	smulhi.u32 $0x10624DD3, s15;
	s4 =	sshra.s32 s15, $0x1F  }
0x68: {  	(v2sf) =	vpush v2, $0x3;
	s22 =	spop (v2sf);
	s4 =	smul.u32 $0x10624DD3, s4  }
0x69: {  	(v2sf) =	vpush v2, $0x4;
	s23 =	smulhi.u32 $0x10624DD3, s22;
	s6 =	sshra.s32 s22, $0x1F  }
0x6a: {  	(v2sf) =	vpush v2, $0x5;
	s25 =	spop (v2sf);
	s6 =	smul.u32 $0x10624DD3, s6  }
0x6b: {  	(v2sf) =	vpush v2, $0x6;
	s26 =	smulhi.u32 $0x10624DD3, s25;
	s9 =	sshra.s32 s25, $0x1F  }
0x6c: {  	s18 =	spop (v2sf);
	(v2sf) =	vpush v2, $0x7;
	s9 =	smul.u32 $0x10624DD3, s9  }
0x6d: {  	s12 =	smulhi.u32 $0x10624DD3, s18;
	s11 =	sshra.s32 s18, $0x1F  }
0x6e: {  	s19 =	spop (v2sf);
	s11 =	smul.u32 $0x10624DD3, s11  }
0x6f: {  	s22 =	sadd.s32 s0, s10;
	s20 =	smulhi.u32 $0x10624DD3, s19;
	s28 =	sshra.s32 s19, $0x1F  }
0x70: {  	s13 =	sshrl.u32 s22, $0x1F;
	s29 =	spop (v2sf);
	s1 =	smul.u32 $0x10624DD3, s28  }
0x71: {  	s25 =	sadd.s32 s2, s14;
	s2 =	smulhi.u32 $0x10624DD3, s29;
	s30 =	sshra.s32 s29, $0x1F  }
0x72: {  	s14 =	sshrl.u32 s25, $0x1F;
	s31 =	spop (v2sf);
	s3 =	smul.u32 $0x10624DD3, s30  }
0x73: {  	s24 =	sadd.s32 s4, s16;
	s4 =	smulhi.u32 $0x10624DD3, s31;
	s15 =	sshra.s32 s31, $0x1F  }
0x74: {  	s23 =	sadd.s32 s6, s23;
	s16 =	spop (v2sf);
	s5 =	smul.u32 $0x10624DD3, s15  }
0x75: {  	s26 =	sadd.s32 s9, s26;
	s18 =	smulhi.u32 $0x10624DD3, s16;
	s6 =	sshra.s32 s16, $0x1F  }
0x76: {  	s30 =	sadd.s32 s11, s12;
	s29 =	spop (v2sf);
	s6 =	smul.u32 $0x10624DD3, s6  }
0x77: {  	s10 =	smulhi.u32 $0x10624DD3, s29;
	s9 =	sshra.s32 s29, $0x1F;
	s31 =	spop (v2sf)  }
0x78: {  	s28 =	sadd.s32 s1, s20;
	s12 =	smul.u32 $0x10624DD3, s9;
	s19 =	spop (v2sf)  }
0x79: {  	s20 =	smulhi.u32 $0x10624DD3, s31;
	s11 =	sshra.s32 s31, $0x1F;
	s31 =	spop (v2sf)  }
0x7a: {  	s29 =	sadd.s32 s3, s2;
	s15 =	smul.u32 $0x10624DD3, s11;
	s3 =	spop (v2sf)  }
0x7b: {  	s4 =	sadd.s32 s5, s4;
	s5 =	smulhi.u32 $0x10624DD3, s19;
	s16 =	spop (v2sf)  }
0x7c: {  	v4 =	vmov s14;
	s6 =	sadd.s32 s6, s18;
	s18 =	smulhi.u32 $0x10624DD3, s16;
	s11 =	sshra.s32 s16, $0x1F  }
0x7d: {  	v4 =	vsel vm0, s13, v4;
	s13 =	sshrl.u32 s30, $0x1F;
	s1 =	sshra.s32 s19, $0x1F;
	s19 =	smul.u32 $0x10624DD3, s11  }
0x7e: {  	s0 =	sadd.s32 s12, s10;
	s10 =	sshrl.u32 s26, $0x1F;
	s1 =	smul.u32 $0x10624DD3, s1  }
0x7f: {  	s9 =	smulhi.u32 $0x10624DD3, s31;
	s12 =	sshra.s32 s31, $0x1F;
	s31 =	sadd.s32 s19, s18  }
0x80: {  	s2 =	sadd.s32 s15, s20;
	s8 =	smul.u32 $0x10624DD3, s12;
	s16 =	sshra.s32 s31, $0x1F  }
0x81: {  	s20 =	sshra.s32 s4, $0x6;
	s15 =	sshrl.u32 s23, $0x1F;
	s12 =	sshrl.u32 s29, $0x1F;
	v3 =	vmov s16  }
0x82: {  	s1 =	sadd.s32 s1, s5;
	s11 =	sshrl.u32 s4, $0x1F;
	s4 =	sshra.s32 s4, $0x1F;
	v3 =	vsel vm3, s20, v3  }
0x83: {  	v6 =	vmov s13;
	s8 =	sadd.s32 s8, s9;
	s9 =	sshra.s32 s2, $0x6;
	s20 =	sshra.s32 s6, $0x6;
	v3 =	vsel vm9, s4, v3  }
0x84: {  	v6 =	vsel vm0, s10, v6;
	v5 =	vmov s11;
	s11 =	sshrl.u32 s28, $0x1F;
	s19 =	sshrl.u32 s6, $0x1F;
	s6 =	sshra.s32 s6, $0x1F;
	v3 =	vsel vm0, s20, v3  }
0x85: {  	s14 =	sshra.s32 s1, $0x6;
	s18 =	sshrl.u32 s24, $0x1F;
	v5 =	vnsel vm3, $0x0, v5;
	v6 =	vsel vm1, s11, v6;
	s20 =	sshra.s32 s0, $0x6;
	v3 =	vsel vm10, s6, v3  }
0x86: {  	s11 =	sshra.s32 s2, $0x1F;
	v4 =	vsel vm1, s18, v4;
	v5 =	vsel vm0, s19, v5;
	s16 =	sshrl.u32 s0, $0x1F;
	s0 =	sshra.s32 s0, $0x1F;
	v3 =	vsel vm1, s20, v3  }
0x87: {  	s24 =	sshra.s32 s24, $0x6;
	s18 =	smulhi.u32 $0x10624DD3, s3;
	s3 =	sshra.s32 s3, $0x1F;
	v6 =	vsel vm2, s12, v6;
	v4 =	vsel vm2, s15, v4;
	v3 =	vsel vm11, s0, v3  }
0x88: {  	s19 =	sshrl.u32 s2, $0x1F;
	s3 =	smul.u32 $0x10624DD3, s3;
	s15 =	sshra.s32 s25, $0x6;
	v5 =	vsel vm1, s16, v5;
	v4 =	vcombine.low v6, v4;
	v3 =	vsel vm2, s9, v3  }
0x89: {  	s25 =	sshra.s32 s28, $0x6;
	s16 =	sshra.s32 s30, $0x6;
	v6 =	vmov s15;
	v5 =	vsel vm2, s19, v5;
	s19 =	sshra.s32 s22, $0x6;
	v3 =	vsel vm12, s11, v3  }
0x8a: {  	s3 =	sadd.s32 s3, s18;
	s18 =	sshra.s32 s1, $0x1F;
	v7 =	vmov s16;
	v6 =	vsel vm0, s19, v6;
	s6 =	sshrl.u32 s1, $0x1F;
	v3 =	vsel vm4, s14, v3  }
0x8b: {  	s28 =	sshra.s32 s23, $0x6;
	s22 =	sshra.s32 s8, $0x6;
	v6 =	vsel vm1, s24, v6;
	v5 =	vsel vm4, s6, v5;
	s20 =	sshra.s32 s26, $0x6;
	v3 =	vsel vm13, s18, v3  }
0x8c: {  	s10 =	sshrl.u32 s8, $0x1F;
	s26 =	sshra.s32 s8, $0x1F;
	v6 =	vsel vm2, s28, v6;
	v7 =	vsel vm0, s20, v7;
	v3 =	vsel vm5, s22, v3  }
0x8d: {  	s30 =	sshra.s32 s29, $0x6;
	s13 =	sshrl.u32 s3, $0x1F;
	s4 =	sshra.s32 s3, $0x6;
	v5 =	vsel vm5, s10, v5;
	v7 =	vsel vm1, s25, v7;
	v3 =	vsel vm14, s26, v3  }
0x8e: {  	s5 =	sshrl.u32 s31, $0x1F;
	s6 =	sshra.s32 s3, $0x1F;
	v5 =	vsel vm6, s13, v5;
	v7 =	vsel vm2, s30, v7;
	v3 =	vsel vm6, s4, v3  }
0x8f: {  	s8 =	sshra.s32 s31, $0x6;
	v5 =	vsel vm7, s5, v5;
	v6 =	vcombine.low v7, v6;
	v3 =	vsel vm15, s6, v3  }
0x90: {  	v4 =	vperm.xlane v4, v0;
	v5 =	vperm.xlane v5, v1;
	v3 =	vsel vm7, s8, v3  }
0x91: {  	v6 =	vperm.xlane v6, v0;
	v3 =	vperm.xlane v3, v1;
	_ =	sdelay $0x1  }
0x92: {  	v4 =	vsel vm8, v5, v4;
	v3 =	vsel vm8, v3, v6  }
0x93: {  	v3 =	vadd.s32 v4, v3  }
0x94: {  	v4 =	vmul.u32 $0xFFFFFC18, v3;
	_ =	sdelay $0x1  }
0x95: {  	v2 =	vadd.s32 v2, v4  }
0x96: {  	v3 =	vmul.u32 $0x21, v3;
	v2 =	vmul.u32 $0x21, v2;
	_ =	sdelay $0x1  }
0x97: {  	[tilespmem:$0x14210] =	vst v3;
	v2 =	vadd.s32 $0x80E8, v2  }
0x98: {  	[tilespmem:$0x14290] =	vst v2  }
0x99: {  	v2 =	vld [tilespmem:s21+$0x20];
	_ =	sdelay $0x4  }
0x9a: {  	(v2sf) =	vpush v2, $0xD;
	_ =	sdelay $0x1  }
0x9b: {  	(v2sf) =	vpush v2, $0xC;
	_ =	sdelay $0x1  }
0x9c: {  	(v2sf) =	vpush v2, $0xE;
	_ =	sdelay $0x1  }
0x9d: {  	(v2sf) =	vpush v2, $0xF;
	_ =	sdelay $0x1  }
0x9e: {  	(v2sf) =	vpush v2, $0x9;
	_ =	sdelay $0x1  }
0x9f: {  	(v2sf) =	vpush v2, $0x8;
	_ =	sdelay $0x1  }
0xa0: {  	(v2sf) =	vpush v2, $0xA;
	_ =	sdelay $0x1  }
0xa1: {  	(v2sf) =	vpush v2, $0xB  }
0xa2: {  	s9 =	spop (v2sf)  }
0xa3: {  	(v2sf) =	vpush v2, $0x0;
	s10 =	smulhi.u32 $0x10624DD3, s9;
	s0 =	sshra.s32 s9, $0x1F  }
0xa4: {  	s13 =	spop (v2sf);
	s0 =	smul.u32 $0x10624DD3, s0  }
0xa5: {  	(v2sf) =	vpush v2, $0x1;
	s14 =	smulhi.u32 $0x10624DD3, s13;
	s2 =	sshra.s32 s13, $0x1F  }
0xa6: {  	s15 =	spop (v2sf);
	s2 =	smul.u32 $0x10624DD3, s2  }
0xa7: {  	(v2sf) =	vpush v2, $0x2;
	s16 =	smulhi.u32 $0x10624DD3, s15;
	s4 =	sshra.s32 s15, $0x1F  }
0xa8: {  	(v2sf) =	vpush v2, $0x3;
	s22 =	spop (v2sf);
	s4 =	smul.u32 $0x10624DD3, s4  }
0xa9: {  	(v2sf) =	vpush v2, $0x4;
	s23 =	smulhi.u32 $0x10624DD3, s22;
	s6 =	sshra.s32 s22, $0x1F  }
0xaa: {  	(v2sf) =	vpush v2, $0x5;
	s25 =	spop (v2sf);
	s6 =	smul.u32 $0x10624DD3, s6  }
0xab: {  	(v2sf) =	vpush v2, $0x6;
	s26 =	smulhi.u32 $0x10624DD3, s25;
	s9 =	sshra.s32 s25, $0x1F  }
0xac: {  	s18 =	spop (v2sf);
	(v2sf) =	vpush v2, $0x7;
	s9 =	smul.u32 $0x10624DD3, s9  }
0xad: {  	s12 =	smulhi.u32 $0x10624DD3, s18;
	s11 =	sshra.s32 s18, $0x1F  }
0xae: {  	s19 =	spop (v2sf);
	s11 =	smul.u32 $0x10624DD3, s11  }
0xaf: {  	s22 =	sadd.s32 s0, s10;
	s20 =	smulhi.u32 $0x10624DD3, s19;
	s28 =	sshra.s32 s19, $0x1F  }
0xb0: {  	s13 =	sshrl.u32 s22, $0x1F;
	s29 =	spop (v2sf);
	s1 =	smul.u32 $0x10624DD3, s28  }
0xb1: {  	s25 =	sadd.s32 s2, s14;
	s2 =	smulhi.u32 $0x10624DD3, s29;
	s30 =	sshra.s32 s29, $0x1F  }
0xb2: {  	s14 =	sshrl.u32 s25, $0x1F;
	s31 =	spop (v2sf);
	s3 =	smul.u32 $0x10624DD3, s30  }
0xb3: {  	s24 =	sadd.s32 s4, s16;
	s4 =	smulhi.u32 $0x10624DD3, s31;
	s15 =	sshra.s32 s31, $0x1F  }
0xb4: {  	s23 =	sadd.s32 s6, s23;
	s16 =	spop (v2sf);
	s5 =	smul.u32 $0x10624DD3, s15  }
0xb5: {  	s26 =	sadd.s32 s9, s26;
	s18 =	smulhi.u32 $0x10624DD3, s16;
	s6 =	sshra.s32 s16, $0x1F  }
0xb6: {  	s30 =	sadd.s32 s11, s12;
	s29 =	spop (v2sf);
	s6 =	smul.u32 $0x10624DD3, s6  }
0xb7: {  	s10 =	smulhi.u32 $0x10624DD3, s29;
	s9 =	sshra.s32 s29, $0x1F;
	s31 =	spop (v2sf)  }
0xb8: {  	s28 =	sadd.s32 s1, s20;
	s12 =	smul.u32 $0x10624DD3, s9;
	s19 =	spop (v2sf)  }
0xb9: {  	s20 =	smulhi.u32 $0x10624DD3, s31;
	s11 =	sshra.s32 s31, $0x1F;
	s31 =	spop (v2sf)  }
0xba: {  	s29 =	sadd.s32 s3, s2;
	s15 =	smul.u32 $0x10624DD3, s11;
	s3 =	spop (v2sf)  }
0xbb: {  	s4 =	sadd.s32 s5, s4;
	s5 =	smulhi.u32 $0x10624DD3, s19;
	s16 =	spop (v2sf)  }
0xbc: {  	v4 =	vmov s14;
	s6 =	sadd.s32 s6, s18;
	s18 =	smulhi.u32 $0x10624DD3, s16;
	s11 =	sshra.s32 s16, $0x1F  }
0xbd: {  	v4 =	vsel vm0, s13, v4;
	s13 =	sshrl.u32 s30, $0x1F;
	s1 =	sshra.s32 s19, $0x1F;
	s19 =	smul.u32 $0x10624DD3, s11  }
0xbe: {  	s0 =	sadd.s32 s12, s10;
	s10 =	sshrl.u32 s26, $0x1F;
	s1 =	smul.u32 $0x10624DD3, s1  }
0xbf: {  	s9 =	smulhi.u32 $0x10624DD3, s31;
	s12 =	sshra.s32 s31, $0x1F;
	s31 =	sadd.s32 s19, s18  }
0xc0: {  	s2 =	sadd.s32 s15, s20;
	s8 =	smul.u32 $0x10624DD3, s12;
	s16 =	sshra.s32 s31, $0x1F  }
0xc1: {  	s20 =	sshra.s32 s4, $0x6;
	s15 =	sshrl.u32 s23, $0x1F;
	s12 =	sshrl.u32 s29, $0x1F;
	v3 =	vmov s16  }
0xc2: {  	s1 =	sadd.s32 s1, s5;
	s11 =	sshrl.u32 s4, $0x1F;
	s4 =	sshra.s32 s4, $0x1F;
	v3 =	vsel vm3, s20, v3  }
0xc3: {  	v6 =	vmov s13;
	s8 =	sadd.s32 s8, s9;
	s9 =	sshra.s32 s2, $0x6;
	s20 =	sshra.s32 s6, $0x6;
	v3 =	vsel vm9, s4, v3  }
0xc4: {  	v6 =	vsel vm0, s10, v6;
	v5 =	vmov s11;
	s11 =	sshrl.u32 s28, $0x1F;
	s19 =	sshrl.u32 s6, $0x1F;
	s6 =	sshra.s32 s6, $0x1F;
	v3 =	vsel vm0, s20, v3  }
0xc5: {  	s14 =	sshra.s32 s1, $0x6;
	s18 =	sshrl.u32 s24, $0x1F;
	v5 =	vnsel vm3, $0x0, v5;
	v6 =	vsel vm1, s11, v6;
	s20 =	sshra.s32 s0, $0x6;
	v3 =	vsel vm10, s6, v3  }
0xc6: {  	s11 =	sshra.s32 s2, $0x1F;
	v4 =	vsel vm1, s18, v4;
	v5 =	vsel vm0, s19, v5;
	s16 =	sshrl.u32 s0, $0x1F;
	s0 =	sshra.s32 s0, $0x1F;
	v3 =	vsel vm1, s20, v3  }
0xc7: {  	s24 =	sshra.s32 s24, $0x6;
	s18 =	smulhi.u32 $0x10624DD3, s3;
	s3 =	sshra.s32 s3, $0x1F;
	v6 =	vsel vm2, s12, v6;
	v4 =	vsel vm2, s15, v4;
	v3 =	vsel vm11, s0, v3  }
0xc8: {  	s19 =	sshrl.u32 s2, $0x1F;
	s3 =	smul.u32 $0x10624DD3, s3;
	s15 =	sshra.s32 s25, $0x6;
	v5 =	vsel vm1, s16, v5;
	v4 =	vcombine.low v6, v4;
	v3 =	vsel vm2, s9, v3  }
0xc9: {  	s25 =	sshra.s32 s28, $0x6;
	s16 =	sshra.s32 s30, $0x6;
	v6 =	vmov s15;
	v5 =	vsel vm2, s19, v5;
	s19 =	sshra.s32 s22, $0x6;
	v3 =	vsel vm12, s11, v3  }
0xca: {  	s3 =	sadd.s32 s3, s18;
	s18 =	sshra.s32 s1, $0x1F;
	v7 =	vmov s16;
	v6 =	vsel vm0, s19, v6;
	s6 =	sshrl.u32 s1, $0x1F;
	v3 =	vsel vm4, s14, v3  }
0xcb: {  	s28 =	sshra.s32 s23, $0x6;
	s22 =	sshra.s32 s8, $0x6;
	v6 =	vsel vm1, s24, v6;
	v5 =	vsel vm4, s6, v5;
	s20 =	sshra.s32 s26, $0x6;
	v3 =	vsel vm13, s18, v3  }
0xcc: {  	s10 =	sshrl.u32 s8, $0x1F;
	s26 =	sshra.s32 s8, $0x1F;
	v6 =	vsel vm2, s28, v6;
	v7 =	vsel vm0, s20, v7;
	v3 =	vsel vm5, s22, v3  }
0xcd: {  	s30 =	sshra.s32 s29, $0x6;
	s13 =	sshrl.u32 s3, $0x1F;
	s4 =	sshra.s32 s3, $0x6;
	v5 =	vsel vm5, s10, v5;
	v7 =	vsel vm1, s25, v7;
	v3 =	vsel vm14, s26, v3  }
0xce: {  	s5 =	sshrl.u32 s31, $0x1F;
	s6 =	sshra.s32 s3, $0x1F;
	v5 =	vsel vm6, s13, v5;
	v7 =	vsel vm2, s30, v7;
	v3 =	vsel vm6, s4, v3  }
0xcf: {  	s8 =	sshra.s32 s31, $0x6;
	v5 =	vsel vm7, s5, v5;
	v6 =	vcombine.low v7, v6;
	v3 =	vsel vm15, s6, v3  }
0xd0: {  	v4 =	vperm.xlane v4, v0;
	v5 =	vperm.xlane v5, v1;
	v3 =	vsel vm7, s8, v3  }
0xd1: {  	v6 =	vperm.xlane v6, v0;
	v3 =	vperm.xlane v3, v1;
	_ =	sdelay $0x1  }
0xd2: {  	v4 =	vsel vm8, v5, v4;
	v3 =	vsel vm8, v3, v6  }
0xd3: {  	v3 =	vadd.s32 v4, v3  }
0xd4: {  	v4 =	vmul.u32 $0xFFFFFC18, v3;
	_ =	sdelay $0x1  }
0xd5: {  	v2 =	vadd.s32 v2, v4  }
0xd6: {  	v3 =	vmul.u32 $0x21, v3;
	v2 =	vmul.u32 $0x21, v2;
	_ =	sdelay $0x1  }
0xd7: {  	[tilespmem:$0x14220] =	vst v3;
	v2 =	vadd.s32 $0x80E8, v2  }
0xd8: {  	[tilespmem:$0x142A0] =	vst v2  }
0xd9: {  	v2 =	vld [tilespmem:s21+$0x30];
	_ =	sdelay $0x4  }
0xda: {  	(v2sf) =	vpush v2, $0xD;
	_ =	sdelay $0x1  }
0xdb: {  	(v2sf) =	vpush v2, $0xC;
	_ =	sdelay $0x1  }
0xdc: {  	(v2sf) =	vpush v2, $0xE;
	_ =	sdelay $0x1  }
0xdd: {  	(v2sf) =	vpush v2, $0xF;
	_ =	sdelay $0x1  }
0xde: {  	(v2sf) =	vpush v2, $0x9;
	_ =	sdelay $0x1  }
0xdf: {  	(v2sf) =	vpush v2, $0x8;
	_ =	sdelay $0x1  }
0xe0: {  	(v2sf) =	vpush v2, $0xA;
	_ =	sdelay $0x1  }
0xe1: {  	(v2sf) =	vpush v2, $0xB  }
0xe2: {  	s9 =	spop (v2sf)  }
0xe3: {  	(v2sf) =	vpush v2, $0x0;
	s10 =	smulhi.u32 $0x10624DD3, s9;
	s0 =	sshra.s32 s9, $0x1F  }
0xe4: {  	s13 =	spop (v2sf);
	s0 =	smul.u32 $0x10624DD3, s0  }
0xe5: {  	(v2sf) =	vpush v2, $0x1;
	s14 =	smulhi.u32 $0x10624DD3, s13;
	s2 =	sshra.s32 s13, $0x1F  }
0xe6: {  	s15 =	spop (v2sf);
	s2 =	smul.u32 $0x10624DD3, s2  }
0xe7: {  	(v2sf) =	vpush v2, $0x2;
	s16 =	smulhi.u32 $0x10624DD3, s15;
	s4 =	sshra.s32 s15, $0x1F  }
0xe8: {  	(v2sf) =	vpush v2, $0x3;
	s22 =	spop (v2sf);
	s4 =	smul.u32 $0x10624DD3, s4  }
0xe9: {  	(v2sf) =	vpush v2, $0x4;
	s23 =	smulhi.u32 $0x10624DD3, s22;
	s6 =	sshra.s32 s22, $0x1F  }
0xea: {  	(v2sf) =	vpush v2, $0x5;
	s25 =	spop (v2sf);
	s6 =	smul.u32 $0x10624DD3, s6  }
0xeb: {  	(v2sf) =	vpush v2, $0x6;
	s26 =	smulhi.u32 $0x10624DD3, s25;
	s9 =	sshra.s32 s25, $0x1F  }
0xec: {  	s18 =	spop (v2sf);
	(v2sf) =	vpush v2, $0x7;
	s9 =	smul.u32 $0x10624DD3, s9  }
0xed: {  	s12 =	smulhi.u32 $0x10624DD3, s18;
	s11 =	sshra.s32 s18, $0x1F  }
0xee: {  	s19 =	spop (v2sf);
	s11 =	smul.u32 $0x10624DD3, s11  }
0xef: {  	s22 =	sadd.s32 s0, s10;
	s20 =	smulhi.u32 $0x10624DD3, s19;
	s28 =	sshra.s32 s19, $0x1F  }
0xf0: {  	s13 =	sshrl.u32 s22, $0x1F;
	s29 =	spop (v2sf);
	s1 =	smul.u32 $0x10624DD3, s28  }
0xf1: {  	s25 =	sadd.s32 s2, s14;
	s2 =	smulhi.u32 $0x10624DD3, s29;
	s30 =	sshra.s32 s29, $0x1F  }
0xf2: {  	s14 =	sshrl.u32 s25, $0x1F;
	s31 =	spop (v2sf);
	s3 =	smul.u32 $0x10624DD3, s30  }
0xf3: {  	s24 =	sadd.s32 s4, s16;
	s4 =	smulhi.u32 $0x10624DD3, s31;
	s15 =	sshra.s32 s31, $0x1F  }
0xf4: {  	s23 =	sadd.s32 s6, s23;
	s16 =	spop (v2sf);
	s5 =	smul.u32 $0x10624DD3, s15  }
0xf5: {  	s26 =	sadd.s32 s9, s26;
	s18 =	smulhi.u32 $0x10624DD3, s16;
	s6 =	sshra.s32 s16, $0x1F  }
0xf6: {  	s30 =	sadd.s32 s11, s12;
	s29 =	spop (v2sf);
	s6 =	smul.u32 $0x10624DD3, s6  }
0xf7: {  	s10 =	smulhi.u32 $0x10624DD3, s29;
	s9 =	sshra.s32 s29, $0x1F;
	s31 =	spop (v2sf)  }
0xf8: {  	s28 =	sadd.s32 s1, s20;
	s12 =	smul.u32 $0x10624DD3, s9;
	s19 =	spop (v2sf)  }
0xf9: {  	s20 =	smulhi.u32 $0x10624DD3, s31;
	s11 =	sshra.s32 s31, $0x1F;
	s31 =	spop (v2sf)  }
0xfa: {  	s29 =	sadd.s32 s3, s2;
	s15 =	smul.u32 $0x10624DD3, s11;
	s3 =	spop (v2sf)  }
0xfb: {  	s4 =	sadd.s32 s5, s4;
	s5 =	smulhi.u32 $0x10624DD3, s19;
	s16 =	spop (v2sf)  }
0xfc: {  	v4 =	vmov s14;
	s6 =	sadd.s32 s6, s18;
	s18 =	smulhi.u32 $0x10624DD3, s16;
	s11 =	sshra.s32 s16, $0x1F  }
0xfd: {  	v4 =	vsel vm0, s13, v4;
	s13 =	sshrl.u32 s30, $0x1F;
	s1 =	sshra.s32 s19, $0x1F;
	s19 =	smul.u32 $0x10624DD3, s11  }
0xfe: {  	s0 =	sadd.s32 s12, s10;
	s10 =	sshrl.u32 s26, $0x1F;
	s1 =	smul.u32 $0x10624DD3, s1  }
0xff: {  	s9 =	smulhi.u32 $0x10624DD3, s31;
	s12 =	sshra.s32 s31, $0x1F;
	s31 =	sadd.s32 s19, s18  }
0x100: {  	s2 =	sadd.s32 s15, s20;
	s8 =	smul.u32 $0x10624DD3, s12;
	s16 =	sshra.s32 s31, $0x1F  }
0x101: {  	s20 =	sshra.s32 s4, $0x6;
	s15 =	sshrl.u32 s23, $0x1F;
	s12 =	sshrl.u32 s29, $0x1F;
	v3 =	vmov s16  }
0x102: {  	s1 =	sadd.s32 s1, s5;
	s11 =	sshrl.u32 s4, $0x1F;
	s4 =	sshra.s32 s4, $0x1F;
	v3 =	vsel vm3, s20, v3  }
0x103: {  	v6 =	vmov s13;
	s8 =	sadd.s32 s8, s9;
	s9 =	sshra.s32 s2, $0x6;
	s20 =	sshra.s32 s6, $0x6;
	v3 =	vsel vm9, s4, v3  }
0x104: {  	v6 =	vsel vm0, s10, v6;
	v5 =	vmov s11;
	s11 =	sshrl.u32 s28, $0x1F;
	s19 =	sshrl.u32 s6, $0x1F;
	s6 =	sshra.s32 s6, $0x1F;
	v3 =	vsel vm0, s20, v3  }
0x105: {  	s14 =	sshra.s32 s1, $0x6;
	s18 =	sshrl.u32 s24, $0x1F;
	v5 =	vnsel vm3, $0x0, v5;
	v6 =	vsel vm1, s11, v6;
	s20 =	sshra.s32 s0, $0x6;
	v3 =	vsel vm10, s6, v3  }
0x106: {  	s11 =	sshra.s32 s2, $0x1F;
	v4 =	vsel vm1, s18, v4;
	v5 =	vsel vm0, s19, v5;
	s16 =	sshrl.u32 s0, $0x1F;
	s0 =	sshra.s32 s0, $0x1F;
	v3 =	vsel vm1, s20, v3  }
0x107: {  	s24 =	sshra.s32 s24, $0x6;
	s18 =	smulhi.u32 $0x10624DD3, s3;
	s3 =	sshra.s32 s3, $0x1F;
	v6 =	vsel vm2, s12, v6;
	v4 =	vsel vm2, s15, v4;
	v3 =	vsel vm11, s0, v3  }
0x108: {  	s19 =	sshrl.u32 s2, $0x1F;
	s3 =	smul.u32 $0x10624DD3, s3;
	s15 =	sshra.s32 s25, $0x6;
	v5 =	vsel vm1, s16, v5;
	v4 =	vcombine.low v6, v4;
	v3 =	vsel vm2, s9, v3  }
0x109: {  	s25 =	sshra.s32 s28, $0x6;
	s16 =	sshra.s32 s30, $0x6;
	v6 =	vmov s15;
	v5 =	vsel vm2, s19, v5;
	s19 =	sshra.s32 s22, $0x6;
	v3 =	vsel vm12, s11, v3  }
0x10a: {  	s3 =	sadd.s32 s3, s18;
	s18 =	sshra.s32 s1, $0x1F;
	v7 =	vmov s16;
	v6 =	vsel vm0, s19, v6;
	s6 =	sshrl.u32 s1, $0x1F;
	v3 =	vsel vm4, s14, v3  }
0x10b: {  	s28 =	sshra.s32 s23, $0x6;
	s22 =	sshra.s32 s8, $0x6;
	v6 =	vsel vm1, s24, v6;
	v5 =	vsel vm4, s6, v5;
	s20 =	sshra.s32 s26, $0x6;
	v3 =	vsel vm13, s18, v3  }
0x10c: {  	s10 =	sshrl.u32 s8, $0x1F;
	s26 =	sshra.s32 s8, $0x1F;
	v6 =	vsel vm2, s28, v6;
	v7 =	vsel vm0, s20, v7;
	v3 =	vsel vm5, s22, v3  }
0x10d: {  	s30 =	sshra.s32 s29, $0x6;
	s13 =	sshrl.u32 s3, $0x1F;
	s4 =	sshra.s32 s3, $0x6;
	v5 =	vsel vm5, s10, v5;
	v7 =	vsel vm1, s25, v7;
	v3 =	vsel vm14, s26, v3  }
0x10e: {  	s5 =	sshrl.u32 s31, $0x1F;
	s6 =	sshra.s32 s3, $0x1F;
	v5 =	vsel vm6, s13, v5;
	v7 =	vsel vm2, s30, v7;
	v3 =	vsel vm6, s4, v3  }
0x10f: {  	s8 =	sshra.s32 s31, $0x6;
	v5 =	vsel vm7, s5, v5;
	v6 =	vcombine.low v7, v6;
	v3 =	vsel vm15, s6, v3  }
0x110: {  	v4 =	vperm.xlane v4, v0;
	v5 =	vperm.xlane v5, v1;
	v3 =	vsel vm7, s8, v3  }
0x111: {  	v6 =	vperm.xlane v6, v0;
	v3 =	vperm.xlane v3, v1;
	_ =	sdelay $0x1  }
0x112: {  	v4 =	vsel vm8, v5, v4;
	v3 =	vsel vm8, v3, v6  }
0x113: {  	v3 =	vadd.s32 v4, v3  }
0x114: {  	v4 =	vmul.u32 $0xFFFFFC18, v3;
	_ =	sdelay $0x1  }
0x115: {  	v2 =	vadd.s32 v2, v4  }
0x116: {  	v3 =	vmul.u32 $0x21, v3;
	v2 =	vmul.u32 $0x21, v2;
	_ =	sdelay $0x1  }
0x117: {  	[tilespmem:$0x14230] =	vst v3;
	v2 =	vadd.s32 $0x80E8, v2  }
0x118: {  	[tilespmem:$0x142B0] =	vst v2  }
0x119: {  	v2 =	vld [tilespmem:s21+$0x40];
	_ =	sdelay $0x4  }
0x11a: {  	(v2sf) =	vpush v2, $0xD;
	_ =	sdelay $0x1  }
0x11b: {  	(v2sf) =	vpush v2, $0xC;
	_ =	sdelay $0x1  }
0x11c: {  	(v2sf) =	vpush v2, $0xE;
	_ =	sdelay $0x1  }
0x11d: {  	(v2sf) =	vpush v2, $0xF;
	_ =	sdelay $0x1  }
0x11e: {  	(v2sf) =	vpush v2, $0x9;
	_ =	sdelay $0x1  }
0x11f: {  	(v2sf) =	vpush v2, $0x8;
	_ =	sdelay $0x1  }
0x120: {  	(v2sf) =	vpush v2, $0xA;
	_ =	sdelay $0x1  }
0x121: {  	(v2sf) =	vpush v2, $0xB  }
0x122: {  	s9 =	spop (v2sf)  }
0x123: {  	(v2sf) =	vpush v2, $0x0;
	s10 =	smulhi.u32 $0x10624DD3, s9;
	s0 =	sshra.s32 s9, $0x1F  }
0x124: {  	s13 =	spop (v2sf);
	s0 =	smul.u32 $0x10624DD3, s0  }
0x125: {  	(v2sf) =	vpush v2, $0x1;
	s14 =	smulhi.u32 $0x10624DD3, s13;
	s2 =	sshra.s32 s13, $0x1F  }
0x126: {  	s15 =	spop (v2sf);
	s2 =	smul.u32 $0x10624DD3, s2  }
0x127: {  	(v2sf) =	vpush v2, $0x2;
	s16 =	smulhi.u32 $0x10624DD3, s15;
	s4 =	sshra.s32 s15, $0x1F  }
0x128: {  	(v2sf) =	vpush v2, $0x3;
	s22 =	spop (v2sf);
	s4 =	smul.u32 $0x10624DD3, s4  }
0x129: {  	(v2sf) =	vpush v2, $0x4;
	s23 =	smulhi.u32 $0x10624DD3, s22;
	s6 =	sshra.s32 s22, $0x1F  }
0x12a: {  	(v2sf) =	vpush v2, $0x5;
	s25 =	spop (v2sf);
	s6 =	smul.u32 $0x10624DD3, s6  }
0x12b: {  	(v2sf) =	vpush v2, $0x6;
	s26 =	smulhi.u32 $0x10624DD3, s25;
	s9 =	sshra.s32 s25, $0x1F  }
0x12c: {  	s18 =	spop (v2sf);
	(v2sf) =	vpush v2, $0x7;
	s9 =	smul.u32 $0x10624DD3, s9  }
0x12d: {  	s12 =	smulhi.u32 $0x10624DD3, s18;
	s11 =	sshra.s32 s18, $0x1F  }
0x12e: {  	s19 =	spop (v2sf);
	s11 =	smul.u32 $0x10624DD3, s11  }
0x12f: {  	s22 =	sadd.s32 s0, s10;
	s20 =	smulhi.u32 $0x10624DD3, s19;
	s28 =	sshra.s32 s19, $0x1F  }
0x130: {  	s13 =	sshrl.u32 s22, $0x1F;
	s29 =	spop (v2sf);
	s1 =	smul.u32 $0x10624DD3, s28  }
0x131: {  	s25 =	sadd.s32 s2, s14;
	s2 =	smulhi.u32 $0x10624DD3, s29;
	s30 =	sshra.s32 s29, $0x1F  }
0x132: {  	s14 =	sshrl.u32 s25, $0x1F;
	s31 =	spop (v2sf);
	s3 =	smul.u32 $0x10624DD3, s30  }
0x133: {  	s24 =	sadd.s32 s4, s16;
	s4 =	smulhi.u32 $0x10624DD3, s31;
	s15 =	sshra.s32 s31, $0x1F  }
0x134: {  	s23 =	sadd.s32 s6, s23;
	s16 =	spop (v2sf);
	s5 =	smul.u32 $0x10624DD3, s15  }
0x135: {  	s26 =	sadd.s32 s9, s26;
	s18 =	smulhi.u32 $0x10624DD3, s16;
	s6 =	sshra.s32 s16, $0x1F  }
0x136: {  	s30 =	sadd.s32 s11, s12;
	s29 =	spop (v2sf);
	s6 =	smul.u32 $0x10624DD3, s6  }
0x137: {  	s10 =	smulhi.u32 $0x10624DD3, s29;
	s9 =	sshra.s32 s29, $0x1F;
	s31 =	spop (v2sf)  }
0x138: {  	s28 =	sadd.s32 s1, s20;
	s12 =	smul.u32 $0x10624DD3, s9;
	s19 =	spop (v2sf)  }
0x139: {  	s20 =	smulhi.u32 $0x10624DD3, s31;
	s11 =	sshra.s32 s31, $0x1F;
	s31 =	spop (v2sf)  }
0x13a: {  	s29 =	sadd.s32 s3, s2;
	s15 =	smul.u32 $0x10624DD3, s11;
	s3 =	spop (v2sf)  }
0x13b: {  	s4 =	sadd.s32 s5, s4;
	s5 =	smulhi.u32 $0x10624DD3, s19;
	s16 =	spop (v2sf)  }
0x13c: {  	v4 =	vmov s14;
	s6 =	sadd.s32 s6, s18;
	s18 =	smulhi.u32 $0x10624DD3, s16;
	s11 =	sshra.s32 s16, $0x1F  }
0x13d: {  	v4 =	vsel vm0, s13, v4;
	s13 =	sshrl.u32 s30, $0x1F;
	s1 =	sshra.s32 s19, $0x1F;
	s19 =	smul.u32 $0x10624DD3, s11  }
0x13e: {  	s0 =	sadd.s32 s12, s10;
	s10 =	sshrl.u32 s26, $0x1F;
	s1 =	smul.u32 $0x10624DD3, s1  }
0x13f: {  	s9 =	smulhi.u32 $0x10624DD3, s31;
	s12 =	sshra.s32 s31, $0x1F;
	s31 =	sadd.s32 s19, s18  }
0x140: {  	s2 =	sadd.s32 s15, s20;
	s8 =	smul.u32 $0x10624DD3, s12;
	s16 =	sshra.s32 s31, $0x1F  }
0x141: {  	s20 =	sshra.s32 s4, $0x6;
	s15 =	sshrl.u32 s23, $0x1F;
	s12 =	sshrl.u32 s29, $0x1F;
	v3 =	vmov s16  }
0x142: {  	s1 =	sadd.s32 s1, s5;
	s11 =	sshrl.u32 s4, $0x1F;
	s4 =	sshra.s32 s4, $0x1F;
	v3 =	vsel vm3, s20, v3  }
0x143: {  	v6 =	vmov s13;
	s8 =	sadd.s32 s8, s9;
	s9 =	sshra.s32 s2, $0x6;
	s20 =	sshra.s32 s6, $0x6;
	v3 =	vsel vm9, s4, v3  }
0x144: {  	v6 =	vsel vm0, s10, v6;
	v5 =	vmov s11;
	s11 =	sshrl.u32 s28, $0x1F;
	s19 =	sshrl.u32 s6, $0x1F;
	s6 =	sshra.s32 s6, $0x1F;
	v3 =	vsel vm0, s20, v3  }
0x145: {  	s14 =	sshra.s32 s1, $0x6;
	s18 =	sshrl.u32 s24, $0x1F;
	v5 =	vnsel vm3, $0x0, v5;
	v6 =	vsel vm1, s11, v6;
	s20 =	sshra.s32 s0, $0x6;
	v3 =	vsel vm10, s6, v3  }
0x146: {  	s11 =	sshra.s32 s2, $0x1F;
	v4 =	vsel vm1, s18, v4;
	v5 =	vsel vm0, s19, v5;
	s16 =	sshrl.u32 s0, $0x1F;
	s0 =	sshra.s32 s0, $0x1F;
	v3 =	vsel vm1, s20, v3  }
0x147: {  	s24 =	sshra.s32 s24, $0x6;
	s18 =	smulhi.u32 $0x10624DD3, s3;
	s3 =	sshra.s32 s3, $0x1F;
	v6 =	vsel vm2, s12, v6;
	v4 =	vsel vm2, s15, v4;
	v3 =	vsel vm11, s0, v3  }
0x148: {  	s19 =	sshrl.u32 s2, $0x1F;
	s3 =	smul.u32 $0x10624DD3, s3;
	s15 =	sshra.s32 s25, $0x6;
	v5 =	vsel vm1, s16, v5;
	v4 =	vcombine.low v6, v4;
	v3 =	vsel vm2, s9, v3  }
0x149: {  	s25 =	sshra.s32 s28, $0x6;
	s16 =	sshra.s32 s30, $0x6;
	v6 =	vmov s15;
	v5 =	vsel vm2, s19, v5;
	s19 =	sshra.s32 s22, $0x6;
	v3 =	vsel vm12, s11, v3  }
0x14a: {  	s3 =	sadd.s32 s3, s18;
	s18 =	sshra.s32 s1, $0x1F;
	v7 =	vmov s16;
	v6 =	vsel vm0, s19, v6;
	s6 =	sshrl.u32 s1, $0x1F;
	v3 =	vsel vm4, s14, v3  }
0x14b: {  	s28 =	sshra.s32 s23, $0x6;
	s22 =	sshra.s32 s8, $0x6;
	v6 =	vsel vm1, s24, v6;
	v5 =	vsel vm4, s6, v5;
	s20 =	sshra.s32 s26, $0x6;
	v3 =	vsel vm13, s18, v3  }
0x14c: {  	s10 =	sshrl.u32 s8, $0x1F;
	s26 =	sshra.s32 s8, $0x1F;
	v6 =	vsel vm2, s28, v6;
	v7 =	vsel vm0, s20, v7;
	v3 =	vsel vm5, s22, v3  }
0x14d: {  	s30 =	sshra.s32 s29, $0x6;
	s13 =	sshrl.u32 s3, $0x1F;
	s4 =	sshra.s32 s3, $0x6;
	v5 =	vsel vm5, s10, v5;
	v7 =	vsel vm1, s25, v7;
	v3 =	vsel vm14, s26, v3  }
0x14e: {  	s5 =	sshrl.u32 s31, $0x1F;
	s6 =	sshra.s32 s3, $0x1F;
	v5 =	vsel vm6, s13, v5;
	v7 =	vsel vm2, s30, v7;
	v3 =	vsel vm6, s4, v3  }
0x14f: {  	s8 =	sshra.s32 s31, $0x6;
	v5 =	vsel vm7, s5, v5;
	v6 =	vcombine.low v7, v6;
	v3 =	vsel vm15, s6, v3  }
0x150: {  	v4 =	vperm.xlane v4, v0;
	v5 =	vperm.xlane v5, v1;
	v3 =	vsel vm7, s8, v3  }
0x151: {  	v6 =	vperm.xlane v6, v0;
	v3 =	vperm.xlane v3, v1;
	_ =	sdelay $0x1  }
0x152: {  	v4 =	vsel vm8, v5, v4;
	v3 =	vsel vm8, v3, v6  }
0x153: {  	v3 =	vadd.s32 v4, v3  }
0x154: {  	v4 =	vmul.u32 $0xFFFFFC18, v3;
	_ =	sdelay $0x1  }
0x155: {  	v2 =	vadd.s32 v2, v4  }
0x156: {  	v3 =	vmul.u32 $0x21, v3;
	v2 =	vmul.u32 $0x21, v2;
	_ =	sdelay $0x1  }
0x157: {  	[tilespmem:$0x14240] =	vst v3;
	v2 =	vadd.s32 $0x80E8, v2  }
0x158: {  	[tilespmem:$0x142C0] =	vst v2  }
0x159: {  	v2 =	vld [tilespmem:s21+$0x50];
	_ =	sdelay $0x4  }
0x15a: {  	(v2sf) =	vpush v2, $0xD;
	_ =	sdelay $0x1  }
0x15b: {  	(v2sf) =	vpush v2, $0xC;
	_ =	sdelay $0x1  }
0x15c: {  	(v2sf) =	vpush v2, $0xE;
	_ =	sdelay $0x1  }
0x15d: {  	(v2sf) =	vpush v2, $0xF;
	_ =	sdelay $0x1  }
0x15e: {  	(v2sf) =	vpush v2, $0x9;
	_ =	sdelay $0x1  }
0x15f: {  	(v2sf) =	vpush v2, $0x8;
	_ =	sdelay $0x1  }
0x160: {  	(v2sf) =	vpush v2, $0xA;
	_ =	sdelay $0x1  }
0x161: {  	(v2sf) =	vpush v2, $0xB  }
0x162: {  	s9 =	spop (v2sf)  }
0x163: {  	(v2sf) =	vpush v2, $0x0;
	s10 =	smulhi.u32 $0x10624DD3, s9;
	s0 =	sshra.s32 s9, $0x1F  }
0x164: {  	s13 =	spop (v2sf);
	s0 =	smul.u32 $0x10624DD3, s0  }
0x165: {  	(v2sf) =	vpush v2, $0x1;
	s14 =	smulhi.u32 $0x10624DD3, s13;
	s2 =	sshra.s32 s13, $0x1F  }
0x166: {  	s15 =	spop (v2sf);
	s2 =	smul.u32 $0x10624DD3, s2  }
0x167: {  	(v2sf) =	vpush v2, $0x2;
	s16 =	smulhi.u32 $0x10624DD3, s15;
	s4 =	sshra.s32 s15, $0x1F  }
0x168: {  	(v2sf) =	vpush v2, $0x3;
	s22 =	spop (v2sf);
	s4 =	smul.u32 $0x10624DD3, s4  }
0x169: {  	(v2sf) =	vpush v2, $0x4;
	s23 =	smulhi.u32 $0x10624DD3, s22;
	s6 =	sshra.s32 s22, $0x1F  }
0x16a: {  	(v2sf) =	vpush v2, $0x5;
	s25 =	spop (v2sf);
	s6 =	smul.u32 $0x10624DD3, s6  }
0x16b: {  	(v2sf) =	vpush v2, $0x6;
	s26 =	smulhi.u32 $0x10624DD3, s25;
	s9 =	sshra.s32 s25, $0x1F  }
0x16c: {  	s18 =	spop (v2sf);
	(v2sf) =	vpush v2, $0x7;
	s9 =	smul.u32 $0x10624DD3, s9  }
0x16d: {  	s12 =	smulhi.u32 $0x10624DD3, s18;
	s11 =	sshra.s32 s18, $0x1F  }
0x16e: {  	s19 =	spop (v2sf);
	s11 =	smul.u32 $0x10624DD3, s11  }
0x16f: {  	s22 =	sadd.s32 s0, s10;
	s20 =	smulhi.u32 $0x10624DD3, s19;
	s28 =	sshra.s32 s19, $0x1F  }
0x170: {  	s13 =	sshrl.u32 s22, $0x1F;
	s29 =	spop (v2sf);
	s1 =	smul.u32 $0x10624DD3, s28  }
0x171: {  	s25 =	sadd.s32 s2, s14;
	s2 =	smulhi.u32 $0x10624DD3, s29;
	s30 =	sshra.s32 s29, $0x1F  }
0x172: {  	s14 =	sshrl.u32 s25, $0x1F;
	s31 =	spop (v2sf);
	s3 =	smul.u32 $0x10624DD3, s30  }
0x173: {  	s24 =	sadd.s32 s4, s16;
	s4 =	smulhi.u32 $0x10624DD3, s31;
	s15 =	sshra.s32 s31, $0x1F  }
0x174: {  	s23 =	sadd.s32 s6, s23;
	s16 =	spop (v2sf);
	s5 =	smul.u32 $0x10624DD3, s15  }
0x175: {  	s26 =	sadd.s32 s9, s26;
	s18 =	smulhi.u32 $0x10624DD3, s16;
	s6 =	sshra.s32 s16, $0x1F  }
0x176: {  	s30 =	sadd.s32 s11, s12;
	s29 =	spop (v2sf);
	s6 =	smul.u32 $0x10624DD3, s6  }
0x177: {  	s10 =	smulhi.u32 $0x10624DD3, s29;
	s9 =	sshra.s32 s29, $0x1F;
	s31 =	spop (v2sf)  }
0x178: {  	s28 =	sadd.s32 s1, s20;
	s12 =	smul.u32 $0x10624DD3, s9;
	s19 =	spop (v2sf)  }
0x179: {  	s20 =	smulhi.u32 $0x10624DD3, s31;
	s11 =	sshra.s32 s31, $0x1F;
	s31 =	spop (v2sf)  }
0x17a: {  	s29 =	sadd.s32 s3, s2;
	s15 =	smul.u32 $0x10624DD3, s11;
	s3 =	spop (v2sf)  }
0x17b: {  	s4 =	sadd.s32 s5, s4;
	s5 =	smulhi.u32 $0x10624DD3, s19;
	s16 =	spop (v2sf)  }
0x17c: {  	v4 =	vmov s14;
	s6 =	sadd.s32 s6, s18;
	s18 =	smulhi.u32 $0x10624DD3, s16;
	s11 =	sshra.s32 s16, $0x1F  }
0x17d: {  	v4 =	vsel vm0, s13, v4;
	s13 =	sshrl.u32 s30, $0x1F;
	s1 =	sshra.s32 s19, $0x1F;
	s19 =	smul.u32 $0x10624DD3, s11  }
0x17e: {  	s0 =	sadd.s32 s12, s10;
	s10 =	sshrl.u32 s26, $0x1F;
	s1 =	smul.u32 $0x10624DD3, s1  }
0x17f: {  	s9 =	smulhi.u32 $0x10624DD3, s31;
	s12 =	sshra.s32 s31, $0x1F;
	s31 =	sadd.s32 s19, s18  }
0x180: {  	s2 =	sadd.s32 s15, s20;
	s8 =	smul.u32 $0x10624DD3, s12;
	s16 =	sshra.s32 s31, $0x1F  }
0x181: {  	s20 =	sshra.s32 s4, $0x6;
	s15 =	sshrl.u32 s23, $0x1F;
	s12 =	sshrl.u32 s29, $0x1F;
	v3 =	vmov s16  }
0x182: {  	s1 =	sadd.s32 s1, s5;
	s11 =	sshrl.u32 s4, $0x1F;
	s4 =	sshra.s32 s4, $0x1F;
	v3 =	vsel vm3, s20, v3  }
0x183: {  	v6 =	vmov s13;
	s8 =	sadd.s32 s8, s9;
	s9 =	sshra.s32 s2, $0x6;
	s20 =	sshra.s32 s6, $0x6;
	v3 =	vsel vm9, s4, v3  }
0x184: {  	v6 =	vsel vm0, s10, v6;
	v5 =	vmov s11;
	s11 =	sshrl.u32 s28, $0x1F;
	s19 =	sshrl.u32 s6, $0x1F;
	s6 =	sshra.s32 s6, $0x1F;
	v3 =	vsel vm0, s20, v3  }
0x185: {  	s14 =	sshra.s32 s1, $0x6;
	s18 =	sshrl.u32 s24, $0x1F;
	v5 =	vnsel vm3, $0x0, v5;
	v6 =	vsel vm1, s11, v6;
	s20 =	sshra.s32 s0, $0x6;
	v3 =	vsel vm10, s6, v3  }
0x186: {  	s11 =	sshra.s32 s2, $0x1F;
	v4 =	vsel vm1, s18, v4;
	v5 =	vsel vm0, s19, v5;
	s16 =	sshrl.u32 s0, $0x1F;
	s0 =	sshra.s32 s0, $0x1F;
	v3 =	vsel vm1, s20, v3  }
0x187: {  	s24 =	sshra.s32 s24, $0x6;
	s18 =	smulhi.u32 $0x10624DD3, s3;
	s3 =	sshra.s32 s3, $0x1F;
	v6 =	vsel vm2, s12, v6;
	v4 =	vsel vm2, s15, v4;
	v3 =	vsel vm11, s0, v3  }
0x188: {  	s19 =	sshrl.u32 s2, $0x1F;
	s3 =	smul.u32 $0x10624DD3, s3;
	s15 =	sshra.s32 s25, $0x6;
	v5 =	vsel vm1, s16, v5;
	v4 =	vcombine.low v6, v4;
	v3 =	vsel vm2, s9, v3  }
0x189: {  	s25 =	sshra.s32 s28, $0x6;
	s16 =	sshra.s32 s30, $0x6;
	v6 =	vmov s15;
	v5 =	vsel vm2, s19, v5;
	s19 =	sshra.s32 s22, $0x6;
	v3 =	vsel vm12, s11, v3  }
0x18a: {  	s3 =	sadd.s32 s3, s18;
	s18 =	sshra.s32 s1, $0x1F;
	v7 =	vmov s16;
	v6 =	vsel vm0, s19, v6;
	s6 =	sshrl.u32 s1, $0x1F;
	v3 =	vsel vm4, s14, v3  }
0x18b: {  	s28 =	sshra.s32 s23, $0x6;
	s22 =	sshra.s32 s8, $0x6;
	v6 =	vsel vm1, s24, v6;
	v5 =	vsel vm4, s6, v5;
	s20 =	sshra.s32 s26, $0x6;
	v3 =	vsel vm13, s18, v3  }
0x18c: {  	s10 =	sshrl.u32 s8, $0x1F;
	s26 =	sshra.s32 s8, $0x1F;
	v6 =	vsel vm2, s28, v6;
	v7 =	vsel vm0, s20, v7;
	v3 =	vsel vm5, s22, v3  }
0x18d: {  	s30 =	sshra.s32 s29, $0x6;
	s13 =	sshrl.u32 s3, $0x1F;
	s4 =	sshra.s32 s3, $0x6;
	v5 =	vsel vm5, s10, v5;
	v7 =	vsel vm1, s25, v7;
	v3 =	vsel vm14, s26, v3  }
0x18e: {  	s5 =	sshrl.u32 s31, $0x1F;
	s6 =	sshra.s32 s3, $0x1F;
	v5 =	vsel vm6, s13, v5;
	v7 =	vsel vm2, s30, v7;
	v3 =	vsel vm6, s4, v3  }
0x18f: {  	s8 =	sshra.s32 s31, $0x6;
	v5 =	vsel vm7, s5, v5;
	v6 =	vcombine.low v7, v6;
	v3 =	vsel vm15, s6, v3  }
0x190: {  	v4 =	vperm.xlane v4, v0;
	v5 =	vperm.xlane v5, v1;
	v3 =	vsel vm7, s8, v3  }
0x191: {  	v6 =	vperm.xlane v6, v0;
	v3 =	vperm.xlane v3, v1;
	_ =	sdelay $0x1  }
0x192: {  	v4 =	vsel vm8, v5, v4;
	v3 =	vsel vm8, v3, v6  }
0x193: {  	v3 =	vadd.s32 v4, v3  }
0x194: {  	v4 =	vmul.u32 $0xFFFFFC18, v3;
	_ =	sdelay $0x1  }
0x195: {  	v2 =	vadd.s32 v2, v4  }
0x196: {  	v3 =	vmul.u32 $0x21, v3;
	v2 =	vmul.u32 $0x21, v2;
	_ =	sdelay $0x1  }
0x197: {  	[tilespmem:$0x14250] =	vst v3;
	v2 =	vadd.s32 $0x80E8, v2  }
0x198: {  	[tilespmem:$0x142D0] =	vst v2  }
0x199: {  	v2 =	vld [tilespmem:s21+$0x60];
	_ =	sdelay $0x4  }
0x19a: {  	(v2sf) =	vpush v2, $0xD;
	_ =	sdelay $0x1  }
0x19b: {  	(v2sf) =	vpush v2, $0xC;
	_ =	sdelay $0x1  }
0x19c: {  	(v2sf) =	vpush v2, $0xE;
	_ =	sdelay $0x1  }
0x19d: {  	(v2sf) =	vpush v2, $0xF;
	_ =	sdelay $0x1  }
0x19e: {  	(v2sf) =	vpush v2, $0x9;
	_ =	sdelay $0x1  }
0x19f: {  	(v2sf) =	vpush v2, $0x8;
	_ =	sdelay $0x1  }
0x1a0: {  	(v2sf) =	vpush v2, $0xA;
	_ =	sdelay $0x1  }
0x1a1: {  	(v2sf) =	vpush v2, $0xB  }
0x1a2: {  	s9 =	spop (v2sf)  }
0x1a3: {  	(v2sf) =	vpush v2, $0x0;
	s10 =	smulhi.u32 $0x10624DD3, s9;
	s0 =	sshra.s32 s9, $0x1F  }
0x1a4: {  	s13 =	spop (v2sf);
	s0 =	smul.u32 $0x10624DD3, s0  }
0x1a5: {  	(v2sf) =	vpush v2, $0x1;
	s14 =	smulhi.u32 $0x10624DD3, s13;
	s2 =	sshra.s32 s13, $0x1F  }
0x1a6: {  	s15 =	spop (v2sf);
	s2 =	smul.u32 $0x10624DD3, s2  }
0x1a7: {  	(v2sf) =	vpush v2, $0x2;
	s16 =	smulhi.u32 $0x10624DD3, s15;
	s4 =	sshra.s32 s15, $0x1F  }
0x1a8: {  	(v2sf) =	vpush v2, $0x3;
	s22 =	spop (v2sf);
	s4 =	smul.u32 $0x10624DD3, s4  }
0x1a9: {  	(v2sf) =	vpush v2, $0x4;
	s23 =	smulhi.u32 $0x10624DD3, s22;
	s6 =	sshra.s32 s22, $0x1F  }
0x1aa: {  	s25 =	spop (v2sf);
	(v2sf) =	vpush v2, $0x5;
	s6 =	smul.u32 $0x10624DD3, s6  }
0x1ab: {  	s26 =	smulhi.u32 $0x10624DD3, s25;
	s9 =	sshra.s32 s25, $0x1F;
	(v2sf) =	vpush v2, $0x6  }
0x1ac: {  	s18 =	spop (v2sf);
	s9 =	smul.u32 $0x10624DD3, s9;
	(v2sf) =	vpush v2, $0x7  }
0x1ad: {  	s12 =	smulhi.u32 $0x10624DD3, s18;
	s11 =	sshra.s32 s18, $0x1F  }
0x1ae: {  	s19 =	spop (v2sf);
	s11 =	smul.u32 $0x10624DD3, s11  }
0x1af: {  	s20 =	smulhi.u32 $0x10624DD3, s19;
	s28 =	sshra.s32 s19, $0x1F  }
0x1b0: {  	s22 =	sadd.s32 s0, s10;
	s29 =	spop (v2sf);
	s1 =	smul.u32 $0x10624DD3, s28  }
0x1b1: {  	s25 =	sadd.s32 s2, s14;
	s2 =	smulhi.u32 $0x10624DD3, s29;
	s30 =	sshra.s32 s29, $0x1F  }
0x1b2: {  	s14 =	sshrl.u32 s25, $0x1F;
	s31 =	spop (v2sf);
	s3 =	smul.u32 $0x10624DD3, s30  }
0x1b3: {  	s24 =	sadd.s32 s4, s16;
	s4 =	smulhi.u32 $0x10624DD3, s31;
	s15 =	sshra.s32 s31, $0x1F  }
0x1b4: {  	s23 =	sadd.s32 s6, s23;
	s5 =	smul.u32 $0x10624DD3, s15;
	s16 =	spop (v2sf)  }
0x1b5: {  	s26 =	sadd.s32 s9, s26;
	s18 =	smulhi.u32 $0x10624DD3, s16;
	s6 =	sshra.s32 s16, $0x1F  }
0x1b6: {  	s30 =	sadd.s32 s11, s12;
	s29 =	spop (v2sf);
	s6 =	smul.u32 $0x10624DD3, s6  }
0x1b7: {  	s10 =	smulhi.u32 $0x10624DD3, s29;
	s9 =	sshra.s32 s29, $0x1F;
	s31 =	spop (v2sf)  }
0x1b8: {  	s28 =	sadd.s32 s1, s20;
	s12 =	smul.u32 $0x10624DD3, s9;
	s19 =	spop (v2sf)  }
0x1b9: {  	s20 =	smulhi.u32 $0x10624DD3, s31;
	s11 =	sshra.s32 s31, $0x1F;
	s31 =	spop (v2sf)  }
0x1ba: {  	s29 =	sadd.s32 s3, s2;
	s15 =	smul.u32 $0x10624DD3, s11;
	s3 =	spop (v2sf)  }
0x1bb: {  	s4 =	sadd.s32 s5, s4;
	s5 =	smulhi.u32 $0x10624DD3, s19;
	s16 =	spop (v2sf)  }
0x1bc: {  	s6 =	sadd.s32 s6, s18;
	s18 =	smulhi.u32 $0x10624DD3, s16;
	s11 =	sshra.s32 s16, $0x1F  }
0x1bd: {  	s13 =	sshrl.u32 s22, $0x1F;
	v4 =	vmov s14;
	s1 =	sshra.s32 s19, $0x1F;
	s19 =	smul.u32 $0x10624DD3, s11  }
0x1be: {  	v4 =	vsel vm0, s13, v4;
	s13 =	sshrl.u32 s30, $0x1F;
	s14 =	sshra.s32 s30, $0x6;
	s0 =	sadd.s32 s12, s10  }
0x1bf: {  	s9 =	smulhi.u32 $0x10624DD3, s31;
	s12 =	sshra.s32 s31, $0x1F;
	s31 =	sadd.s32 s19, s18  }
0x1c0: {  	v6 =	vmov s13;
	s13 =	sshra.s32 s25, $0x6;
	s1 =	smul.u32 $0x10624DD3, s1;
	s16 =	sshra.s32 s31, $0x1F  }
0x1c1: {  	s10 =	sshrl.u32 s26, $0x1F;
	s2 =	sadd.s32 s15, s20;
	s20 =	sshra.s32 s4, $0x6;
	v3 =	vmov s16  }
0x1c2: {  	s8 =	smul.u32 $0x10624DD3, s12;
	s11 =	sshrl.u32 s4, $0x1F;
	s4 =	sshra.s32 s4, $0x1F;
	v3 =	vsel vm3, s20, v3  }
0x1c3: {  	s15 =	sshrl.u32 s23, $0x1F;
	s12 =	sshrl.u32 s29, $0x1F;
	s20 =	sshra.s32 s6, $0x6;
	v3 =	vsel vm9, s4, v3  }
0x1c4: {  	v7 =	vmov s14;
	v6 =	vsel vm0, s10, v6;
	s18 =	sshrl.u32 s24, $0x1F;
	s19 =	sshrl.u32 s6, $0x1F;
	s6 =	sshra.s32 s6, $0x1F;
	v3 =	vsel vm0, s20, v3  }
0x1c5: {  	v5 =	vmov s11;
	s11 =	sshrl.u32 s28, $0x1F;
	v4 =	vsel vm1, s18, v4;
	s18 =	smulhi.u32 $0x10624DD3, s3;
	s20 =	sshra.s32 s0, $0x6;
	v3 =	vsel vm10, s6, v3  }
0x1c6: {  	v5 =	vnsel vm3, $0x0, v5;
	v6 =	vsel vm1, s11, v6;
	s3 =	sshra.s32 s3, $0x1F;
	s16 =	sshrl.u32 s0, $0x1F;
	s0 =	sshra.s32 s0, $0x1F;
	v3 =	vsel vm1, s20, v3  }
0x1c7: {  	v5 =	vsel vm0, s19, v5;
	v6 =	vsel vm2, s12, v6;
	s3 =	smul.u32 $0x10624DD3, s3;
	s6 =	sadd.s32 s8, s9;
	s8 =	sshra.s32 s2, $0x6;
	v3 =	vsel vm11, s0, v3  }
0x1c8: {  	s1 =	sadd.s32 s1, s5;
	s10 =	sshra.s32 s2, $0x1F;
	s19 =	sshrl.u32 s2, $0x1F;
	v4 =	vsel vm2, s15, v4;
	v5 =	vsel vm1, s16, v5;
	v3 =	vsel vm2, s8, v3  }
0x1c9: {  	s12 =	sshra.s32 s1, $0x6;
	v4 =	vcombine.low v6, v4;
	v6 =	vmov s13;
	s3 =	sadd.s32 s3, s18;
	s18 =	sshra.s32 s26, $0x6;
	v3 =	vsel vm12, s10, v3  }
0x1ca: {  	s15 =	sshra.s32 s1, $0x1F;
	s16 =	sshra.s32 s22, $0x6;
	s22 =	sshra.s32 s28, $0x6;
	v5 =	vsel vm2, s19, v5;
	v7 =	vsel vm0, s18, v7;
	v3 =	vsel vm4, s12, v3  }
0x1cb: {  	s5 =	sshrl.u32 s1, $0x1F;
	v6 =	vsel vm0, s16, v6;
	s26 =	sshra.s32 s29, $0x6;
	v7 =	vsel vm1, s22, v7;
	s19 =	sshra.s32 s6, $0x6;
	v3 =	vsel vm13, s15, v3  }
0x1cc: {  	v5 =	vsel vm4, s5, v5;
	s9 =	sshrl.u32 s6, $0x1F;
	s20 =	sshra.s32 s24, $0x6;
	s24 =	sshra.s32 s6, $0x1F;
	v7 =	vsel vm2, s26, v7;
	v3 =	vsel vm5, s19, v3  }
0x1cd: {  	s25 =	sshra.s32 s23, $0x6;
	s11 =	sshrl.u32 s3, $0x1F;
	s28 =	sshra.s32 s3, $0x6;
	v5 =	vsel vm5, s9, v5;
	v6 =	vsel vm1, s20, v6;
	v3 =	vsel vm14, s24, v3  }
0x1ce: {  	s29 =	sshrl.u32 s31, $0x1F;
	s30 =	sshra.s32 s3, $0x1F;
	v5 =	vsel vm6, s11, v5;
	v6 =	vsel vm2, s25, v6;
	v3 =	vsel vm6, s28, v3  }
0x1cf: {  	s1 =	sshra.s32 s31, $0x6;
	v5 =	vsel vm7, s29, v5;
	v6 =	vcombine.low v7, v6;
	v3 =	vsel vm15, s30, v3  }
0x1d0: {  	v4 =	vperm.xlane v4, v0;
	v5 =	vperm.xlane v5, v1;
	v3 =	vsel vm7, s1, v3  }
0x1d1: {  	v6 =	vperm.xlane v6, v0;
	v3 =	vperm.xlane v3, v1;
	_ =	sdelay $0x1  }
0x1d2: {  	v4 =	vsel vm8, v5, v4;
	v3 =	vsel vm8, v3, v6  }
0x1d3: {  	v3 =	vadd.s32 v4, v3  }
0x1d4: {  	v4 =	vmul.u32 $0xFFFFFC18, v3;
	_ =	sdelay $0x1  }
0x1d5: {  	v2 =	vadd.s32 v2, v4  }
0x1d6: {  	v3 =	vmul.u32 $0x21, v3;
	v2 =	vmul.u32 $0x21, v2;
	_ =	sdelay $0x1  }
0x1d7: {  	[tilespmem:$0x14260] =	vst v3;
	v2 =	vadd.s32 $0x80E8, v2  }
0x1d8: {  	[tilespmem:$0x142E0] =	vst v2  }
0x1d9: {  	v2 =	vld [tilespmem:s21+$0x70];
	_ =	sdelay $0x4  }
0x1da: {  	(v2sf) =	vpush v2, $0xD;
	_ =	sdelay $0x1  }
0x1db: {  	(v2sf) =	vpush v2, $0xC;
	_ =	sdelay $0x1  }
0x1dc: {  	(v2sf) =	vpush v2, $0xE;
	_ =	sdelay $0x1  }
0x1dd: {  	(v2sf) =	vpush v2, $0xF;
	_ =	sdelay $0x1  }
0x1de: {  	(v2sf) =	vpush v2, $0x9;
	_ =	sdelay $0x1  }
0x1df: {  	(v2sf) =	vpush v2, $0x8;
	_ =	sdelay $0x1  }
0x1e0: {  	(v2sf) =	vpush v2, $0xA;
	_ =	sdelay $0x1  }
0x1e1: {  	(v2sf) =	vpush v2, $0xB  }
0x1e2: {  	s2 =	spop (v2sf)  }
0x1e3: {  	(v2sf) =	vpush v2, $0x0;
	s3 =	smulhi.u32 $0x10624DD3, s2;
	s0 =	sshra.s32 s2, $0x1F  }
0x1e4: {  	s15 =	spop (v2sf);
	s0 =	smul.u32 $0x10624DD3, s0  }
0x1e5: {  	(v2sf) =	vpush v2, $0x1;
	s16 =	smulhi.u32 $0x10624DD3, s15;
	s2 =	sshra.s32 s15, $0x1F  }
0x1e6: {  	s19 =	spop (v2sf);
	s2 =	smul.u32 $0x10624DD3, s2  }
0x1e7: {  	(v2sf) =	vpush v2, $0x2;
	s5 =	smulhi.u32 $0x10624DD3, s19;
	s4 =	sshra.s32 s19, $0x1F  }
0x1e8: {  	(v2sf) =	vpush v2, $0x3;
	s20 =	spop (v2sf);
	s4 =	smul.u32 $0x10624DD3, s4  }
0x1e9: {  	(v2sf) =	vpush v2, $0x4;
	s8 =	smulhi.u32 $0x10624DD3, s20;
	s6 =	sshra.s32 s20, $0x1F  }
0x1ea: {  	(v2sf) =	vpush v2, $0x5;
	s21 =	spop (v2sf);
	s6 =	smul.u32 $0x10624DD3, s6  }
0x1eb: {  	(v2sf) =	vpush v2, $0x6;
	s11 =	smulhi.u32 $0x10624DD3, s21;
	s9 =	sshra.s32 s21, $0x1F  }
0x1ec: {  	(v2sf) =	vpush v2, $0x7;
	s22 =	spop (v2sf);
	s9 =	smul.u32 $0x10624DD3, s9  }
0x1ed: {  	s14 =	smulhi.u32 $0x10624DD3, s22;
	s10 =	sshra.s32 s22, $0x1F  }
0x1ee: {  	s23 =	spop (v2sf);
	s10 =	smul.u32 $0x10624DD3, s10  }
0x1ef: {  	s24 =	smulhi.u32 $0x10624DD3, s23;
	s12 =	sshra.s32 s23, $0x1F  }
0x1f0: {  	s22 =	sadd.s32 s4, s5;
	s25 =	spop (v2sf);
	s12 =	smul.u32 $0x10624DD3, s12  }
0x1f1: {  	s23 =	sadd.s32 s0, s3;
	s31 =	smulhi.u32 $0x10624DD3, s25;
	s13 =	sshra.s32 s25, $0x1F  }
0x1f2: {  	s21 =	sadd.s32 s6, s8;
	s26 =	spop (v2sf);
	s13 =	smul.u32 $0x10624DD3, s13  }
0x1f3: {  	s25 =	sadd.s32 s2, s16;
	s19 =	smulhi.u32 $0x10624DD3, s26;
	s15 =	sshra.s32 s26, $0x1F  }
0x1f4: {  	s4 =	sshrl.u32 s23, $0x1F;
	s29 =	spop (v2sf);
	s15 =	smul.u32 $0x10624DD3, s15  }
0x1f5: {  	s8 =	sshrl.u32 s25, $0x1F;
	s2 =	smulhi.u32 $0x10624DD3, s29;
	s29 =	sshra.s32 s29, $0x1F  }
0x1f6: {  	s30 =	spop (v2sf);
	s26 =	sadd.s32 s12, s24;
	s3 =	smul.u32 $0x10624DD3, s29  }
0x1f7: {  	s28 =	spop (v2sf);
	s5 =	smulhi.u32 $0x10624DD3, s30;
	s30 =	sshra.s32 s30, $0x1F  }
0x1f8: {  	s29 =	sadd.s32 s9, s11;
	s24 =	sadd.s32 s13, s31;
	s18 =	spop (v2sf)  }
0x1f9: {  	s6 =	smul.u32 $0x10624DD3, s30;
	s30 =	sadd.s32 s10, s14;
	s20 =	spop (v2sf)  }
0x1fa: {  	s11 =	smulhi.u32 $0x10624DD3, s28;
	s14 =	sshra.s32 s28, $0x1F;
	s0 =	spop (v2sf)  }
0x1fb: {  	s13 =	sshrl.u32 s22, $0x1F;
	s10 =	smul.u32 $0x10624DD3, s14;
	s16 =	spop (v2sf)  }
0x1fc: {  	s1 =	sadd.s32 s15, s19;
	s19 =	smulhi.u32 $0x10624DD3, s16;
	s12 =	sshra.s32 s16, $0x1F  }
0x1fd: {  	v4 =	vmov s8;
	s8 =	sshrl.u32 s24, $0x1F;
	s2 =	sadd.s32 s3, s2;
	s12 =	smul.u32 $0x10624DD3, s12  }
0x1fe: {  	s3 =	sshrl.u32 s30, $0x1F;
	s31 =	sshrl.u32 s1, $0x1F;
	s28 =	sshra.s32 s18, $0x1F  }
0x1ff: {  	s5 =	sadd.s32 s6, s5;
	s14 =	smul.u32 $0x10624DD3, s28;
	s28 =	sadd.s32 s12, s19  }
0x200: {  	s6 =	sshrl.u32 s21, $0x1F;
	s15 =	smulhi.u32 $0x10624DD3, s18;
	s12 =	sshra.s32 s28, $0x1F  }
0x201: {  	s9 =	sadd.s32 s10, s11;
	s10 =	sshrl.u32 s29, $0x1F;
	s16 =	sshra.s32 s1, $0x6;
	v3 =	vmov s12  }
0x202: {  	v4 =	vsel vm0, s4, v4;
	s18 =	sshrl.u32 s2, $0x1F;
	s11 =	sadd.s32 s14, s15;
	s1 =	sshra.s32 s1, $0x1F;
	v3 =	vsel vm3, s16, v3  }
0x203: {  	v4 =	vsel vm1, s13, v4;
	s19 =	sshra.s32 s20, $0x1F;
	v3 =	vsel vm9, s1, v3;
	s1 =	smulhi.u32 $0x10624DD3, s20;
	s20 =	sshra.s32 s2, $0x6  }
0x204: {  	v5 =	vmov s31;
	v6 =	vmov s3;
	s14 =	smulhi.u32 $0x10624DD3, s0;
	s0 =	sshra.s32 s0, $0x1F;
	s2 =	sshra.s32 s2, $0x1F;
	v3 =	vsel vm0, s20, v3  }
0x205: {  	v5 =	vnsel vm3, $0x0, v5;
	s31 =	sshrl.u32 s5, $0x1F;
	v4 =	vsel vm2, s6, v4;
	s15 =	sshra.s32 s5, $0x6;
	s0 =	smul.u32 $0x10624DD3, s0;
	v3 =	vsel vm10, s2, v3  }
0x206: {  	v6 =	vsel vm0, s10, v6;
	v5 =	vsel vm0, s18, v5;
	s18 =	sshra.s32 s5, $0x1F;
	s4 =	smul.u32 $0x10624DD3, s19;
	s12 =	sshrl.u32 s26, $0x1F;
	v3 =	vsel vm1, s15, v3  }
0x207: {  	v5 =	vsel vm1, s31, v5;
	s6 =	sshra.s32 s11, $0x6;
	s16 =	sshrl.u32 s9, $0x1F;
	v6 =	vsel vm1, s12, v6;
	s20 =	sshra.s32 s9, $0x6;
	v3 =	vsel vm11, s18, v3  }
0x208: {  	v5 =	vsel vm2, s16, v5;
	v6 =	vsel vm2, s8, v6;
	s8 =	sshra.s32 s25, $0x6;
	s1 =	sadd.s32 s4, s1;
	s4 =	sshra.s32 s9, $0x1F;
	v3 =	vsel vm2, s20, v3  }
0x209: {  	s10 =	sshra.s32 s11, $0x1F;
	s19 =	sshrl.u32 s11, $0x1F;
	s11 =	sshra.s32 s23, $0x6;
	v4 =	vcombine.low v6, v4;
	v6 =	vmov s8;
	v3 =	vsel vm12, s4, v3  }
0x20a: {  	s0 =	sadd.s32 s0, s14;
	s14 =	sshra.s32 s22, $0x6;
	v5 =	vsel vm4, s19, v5;
	s9 =	sshra.s32 s30, $0x6;
	v6 =	vsel vm0, s11, v6;
	v3 =	vsel vm4, s6, v3  }
0x20b: {  	s12 =	sshra.s32 s29, $0x6;
	s31 =	sshrl.u32 s1, $0x1F;
	v7 =	vmov s9;
	s13 =	sshra.s32 s1, $0x6;
	v6 =	vsel vm1, s14, v6;
	v3 =	vsel vm13, s10, v3  }
0x20c: {  	s16 =	sshra.s32 s21, $0x6;
	s15 =	sshra.s32 s26, $0x6;
	s1 =	sshra.s32 s1, $0x1F;
	v5 =	vsel vm5, s31, v5;
	v7 =	vsel vm0, s12, v7;
	v3 =	vsel vm5, s13, v3  }
0x20d: {  	s5 =	sshrl.u32 s0, $0x1F;
	s19 =	sshra.s32 s0, $0x6;
	s18 =	sshra.s32 s24, $0x6;
	v6 =	vsel vm2, s16, v6;
	v7 =	vsel vm1, s15, v7;
	v3 =	vsel vm14, s1, v3  }
0x20e: {  	s0 =	sshra.s32 s0, $0x1F;
	v5 =	vsel vm6, s5, v5;
	s20 =	sshrl.u32 s28, $0x1F;
	v7 =	vsel vm2, s18, v7;
	v3 =	vsel vm6, s19, v3  }
0x20f: {  	s21 =	sshra.s32 s28, $0x6;
	v5 =	vsel vm7, s20, v5;
	v6 =	vcombine.low v7, v6;
	v3 =	vsel vm15, s0, v3  }
0x210: {  	v4 =	vperm.xlane v4, v0;
	v5 =	vperm.xlane v5, v1;
	v3 =	vsel vm7, s21, v3  }
0x211: {  	v6 =	vperm.xlane v6, v0;
	v3 =	vperm.xlane v3, v1;
	_ =	sdelay $0x1  }
0x212: {  	v4 =	vsel vm8, v5, v4;
	v3 =	vsel vm8, v3, v6  }
0x213: {  	v3 =	vadd.s32 v4, v3  }
0x214: {  	v4 =	vmul.u32 $0xFFFFFC18, v3;
	_ =	sdelay $0x1  }
0x215: {  	v2 =	vadd.s32 v2, v4  }
0x216: {  	v3 =	vmul.u32 $0x21, v3;
	v2 =	vmul.u32 $0x21, v2;
	_ =	sdelay $0x1  }
0x217: {  	p0 =	seq.s32 s17, $0x0;
	[tilespmem:$0x14270] =	vst v3;
	v2 =	vadd.s32 $0x80E8, v2  }
0x218: {  	s0 =	simm.s32 @!p0 $0x1;
	[tilespmem:$0x142F0] =	vst v2  }
0x219: {  	_ =	swait.ge @!p0 [sflag:s0], $0x2000  }
0x21a: {  	[sflag:s0] =	ssyncset.done @!p0 $0x0  }
0x21b: {  	[sflag:s0] =	ssyncadd.s32 @!p0 $0xFFFFE000  }
0x21c: {  	v5 =	vld [tilespmem:$0x14200];
	_ =	sdelay $0x1  }
0x21d: {  	v4 =	vld [tilespmem:$0x14280];
	_ =	sdelay $0x1  }
0x21e: {  	s22 =	simm.s32 $0x1  }
0x21f: {  	s23 =	simm.s32 $0x3;
	v2 =	vadd.s32 s22, v5  }
0x220: {  	v3 =	vadd.s32 s23, v5  }
0x221: {  	v6 =	vadd.s32 s23, v4  }
0x222: {  	s24 =	simm.s32 $0x2;
	v7 =	vadd.s32 s22, v4  }
0x223: {  	v8 =	vadd.s32 s24, v5  }
0x224: {  	v9 =	vadd.s32 s24, v4;
	v10 =	vld.idx.msk [tilespmem:v2+s7+$0x0], $0xffff  }
0x225: {  	v11 =	vld.idx.msk [tilespmem:v3+s7+$0x0], $0xffff  }
0x226: {  	v6 =	vld.idx.msk [tilespmem:v6+s7+$0x0], $0xffff  }
0x227: {  	v7 =	vld.idx.msk [tilespmem:v7+s7+$0x0], $0xffff  }
0x228: {  	s25 =	simm.s32 $0x5;
	s26 =	simm.s32 $0x6;
	v8 =	vld.idx.msk [tilespmem:v8+s7+$0x0], $0xffff  }
0x229: {  	s28 =	simm.s32 $0x7;
	v12 =	vadd.s32 s25, v5;
	v13 =	vadd.s32 s25, v4;
	v14 =	vadd.s32 s26, v5;
	v9 =	vld.idx.msk [tilespmem:v9+s7+$0x0], $0xffff  }
0x22a: {  	v16 =	vadd.s32 s28, v5;
	v21 =	vadd.s32 s28, v4;
	v15 =	vshll.u32 v10, $0x10  }
0x22b: {  	v19 =	vshll.u32 v11, $0x10;
	v11 =	vand.u32 $0xFFFF0000, v11;
	v20 =	vand.u32 $0xFFFF0000, v6  }
0x22c: {  	v18 =	vld.idx.msk [tilespmem:v5+s7+$0x0], $0xffff;
	v10 =	vand.u32 $0xFFFF0000, v10;
	v23 =	vshll.u32 v7, $0x10;
	v11 =	vmul.f32 v20, v11  }
0x22d: {  	s22 =	simm.s32 $0x14500;
	v22 =	vld.idx.msk [tilespmem:v4+s7+$0x0], $0xffff;
	v6 =	vshll.u32 v6, $0x10;
	v7 =	vand.u32 $0xFFFF0000, v7;
	v15 =	vmul.f32 v23, v15  }
0x22e: {  	v7 =	vmul.f32 v7, v10;
	v10 =	vshll.u32 v8, $0x10;
	v20 =	vshll.u32 v9, $0x10;
	[tilespmem:s22+$0x180] =	vst v11  }
0x22f: {  	v8 =	vand.u32 $0xFFFF0000, v8;
	v9 =	vand.u32 $0xFFFF0000, v9;
	v6 =	vmul.f32 v6, v19;
	[tilespmem:s22+$0xFFFFFF00] =	vst v15  }
0x230: {  	s29 =	simm.s32 $0x0;
	v17 =	vadd.s32 s26, v4;
	v3 =	vadd.s32 $0x4, v5;
	v23 =	vld.idx.msk [tilespmem:v12+s7+$0x0], $0xffff;
	v8 =	vmul.f32 v9, v8;
	[tilespmem:s22+$0xFFFFFF80] =	vst v7  }
0x231: {  	v2 =	vadd.s32 $0x4, v4;
	v12 =	vadd.s32 s29, v3;
	v11 =	vmul.f32 v20, v10;
	v10 =	vld.idx.msk [tilespmem:v16+s7+$0x0], $0xffff;
	[tilespmem:s22+$0x100] =	vst v6  }
0x232: {  	v9 =	vshll.u32 v18, $0x10;
	v7 =	vld.idx.msk [tilespmem:v21+s7+$0x0], $0xffff;
	v15 =	vadd.s32 s29, v2;
	v16 =	vshll.u32 v22, $0x10;
	[tilespmem:s22+$0x80] =	vst v8  }
0x233: {  	s30 =	simm.s32 $0x9;
	s31 =	simm.s32 $0xA;
	v13 =	vld.idx.msk [tilespmem:v13+s7+$0x0], $0xffff;
	v19 =	vand.u32 $0xFFFF0000, v22;
	v18 =	vand.u32 $0xFFFF0000, v18;
	v20 =	vmul.f32 v16, v9;
	[tilespmem:s22+$0x0] =	vst v11  }
0x234: {  	v21 =	vmul.f32 v19, v18;
	v6 =	vadd.s32 s31, v4;
	v16 =	vadd.s32 s30, v5;
	v11 =	vld.idx.msk [tilespmem:v14+s7+$0x0], $0xffff;
	[dreg:$0x8] =	wrdreg s17  }
0x235: {  	s21 =	sshrl.u32 s17, $0x1;
	s26 =	simm.s32 $0xB;
	v9 =	vadd.s32 s30, v4;
	v8 =	vadd.s32 s31, v5;
	v19 =	vshll.u32 v23, $0x10;
	v14 =	vld.idx.msk [tilespmem:v17+s7+$0x0], $0xffff;
	[tilespmem:s22+$0xFFFFFE00] =	vst v20  }
0x236: {  	s23 =	simm.s32 $0x4;
	s24 =	simm.s32 $0x8;
	s25 =	simm.s32 $0xC;
	v17 =	vadd.s32 s26, v5;
	v12 =	vld.idx.msk [tilespmem:v12+s7+$0x0], $0xffff;
	v20 =	vand.u32 $0xFFFF0000, v23;
	[tilespmem:s22+$0xFFFFFE80] =	vst v21;
	v18 =	vshll.u32 v10, $0x10  }
.LBB2_3:
0x237: {  	p1 =	slt.u32 s25, $0x1C;
	v21 =	vadd.s32 s26, v4;
	v22 =	vld.idx.msk [tilespmem:v15+s7+$0x0], $0xffff;
	v10 =	vand.u32 $0xFFFF0000, v10;
	v15 =	vand.u32 $0xFFFF0000, v7  }
0x238: {  	v23 =	vshll.u32 v13, $0x10;
	v7 =	vshll.u32 v7, $0x10;
	v10 =	vmul.f32 v15, v10  }
0x239: {  	v13 =	vand.u32 $0xFFFF0000, v13;
	s22 =	sadd.s32 $0x400, s22;
	v15 =	vmul.f32 v23, v19;
	v18 =	vmul.f32 v7, v18  }
0x23a: {  	v13 =	vmul.f32 v13, v20;
	v7 =	vshll.u32 v11, $0x10;
	v23 =	vld.idx.msk [tilespmem:v16+s7+$0x0], $0xffff;
	v16 =	vshll.u32 v14, $0x10;
	[tilespmem:s22+$0x180] =	vst v10  }
0x23b: {  	v11 =	vand.u32 $0xFFFF0000, v11;
	v14 =	vand.u32 $0xFFFF0000, v14;
	v10 =	vld.idx.msk [tilespmem:v17+s7+$0x0], $0xffff;
	[tilespmem:s22+$0xFFFFFF00] =	vst v15;
	v16 =	vmul.f32 v16, v7  }
0x23c: {  	v20 =	vadd.s32 s23, v3;
	v14 =	vmul.f32 v14, v11;
	v7 =	vld.idx.msk [tilespmem:v21+s7+$0x0], $0xffff;
	[tilespmem:s22+$0xFFFFFF80] =	vst v13  }
.Ltmp0:
0x23d: {  	v15 =	vadd.s32 s23, v2;
	s23 =	smov.u32 s24;
	s24 =	smov.u32 s25;
	v17 =	vshll.u32 v22, $0x10;
	v13 =	vld.idx.msk [tilespmem:v9+s7+$0x0], $0xffff;
	v9 =	vshll.u32 v12, $0x10;
	[tilespmem:s22+$0x0] =	vst v16;
	(pc) =	sbr.rel @p1 .LBB2_3-.Ltmp0, $4  }
0x23e: {  	s0 =	sadd.s32 $0x1, s25;
	v11 =	vld.idx.msk [tilespmem:v8+s7+$0x0], $0xffff;
	v8 =	vand.u32 $0xFFFF0000, v12;
	v12 =	vand.u32 $0xFFFF0000, v22;
	v17 =	vmul.f32 v17, v9;
	[tilespmem:s22+$0x80] =	vst v14  }
0x23f: {  	v16 =	vadd.s32 s0, v5;
	v9 =	vadd.s32 s0, v4;
	s0 =	sadd.s32 $0x2, s25;
	v14 =	vld.idx.msk [tilespmem:v6+s7+$0x0], $0xffff;
	v21 =	vmul.f32 v12, v8;
	[tilespmem:s22+$0x100] =	vst v18  }
0x240: {  	s26 =	sadd.s32 $0x3, s25;
	v8 =	vadd.s32 s0, v5;
	v6 =	vadd.s32 s0, v4;
	v19 =	vshll.u32 v23, $0x10;
	[tilespmem:s22+$0xFFFFFE00] =	vst v17  }
0x241: {  	s25 =	sadd.s32 $0x4, s25;
	v17 =	vadd.s32 s26, v5;
	v18 =	vshll.u32 v10, $0x10;
	v12 =	vld.idx.msk [tilespmem:v20+s7+$0x0], $0xffff;
	v20 =	vand.u32 $0xFFFF0000, v23;
	[tilespmem:s22+$0xFFFFFE80] =	vst v21  }
0x242: {  	_ =	sdelay $0x2  }
0x243: {  	v4 =	vadd.s32 s26, v4  }
0x244: {  	v5 =	vld.idx.msk [tilespmem:v15+s7+$0x0], $0xffff;
	v10 =	vand.u32 $0xFFFF0000, v10;
	v15 =	vand.u32 $0xFFFF0000, v7;
	v21 =	vshll.u32 v13, $0x10  }
0x245: {  	v13 =	vand.u32 $0xFFFF0000, v13;
	v17 =	vld.idx.msk [tilespmem:v17+s7+$0x0], $0xffff;
	v3 =	vadd.s32 s23, v3;
	v10 =	vmul.f32 v15, v10  }
0x246: {  	s0 =	sadd.s32 $0x400, s22;
	v2 =	vadd.s32 s23, v2;
	v7 =	vshll.u32 v7, $0x10;
	v15 =	vld.idx.msk [tilespmem:v16+s7+$0x0], $0xffff;
	v16 =	vmul.f32 v21, v19  }
0x247: {  	v9 =	vld.idx.msk [tilespmem:v9+s7+$0x0], $0xffff;
	v13 =	vmul.f32 v13, v20;
	v19 =	vshll.u32 v11, $0x10;
	v7 =	vmul.f32 v7, v18;
	[tilespmem:s0+$0x180] =	vst v10  }
0x248: {  	v20 =	vshll.u32 v14, $0x10;
	v10 =	vand.u32 $0xFFFF0000, v11;
	[tilespmem:s0+$0xFFFFFF00] =	vst v16;
	v11 =	vand.u32 $0xFFFF0000, v14;
	v4 =	vld.idx.msk [tilespmem:v4+s7+$0x0], $0xffff  }
0x249: {  	[tilespmem:s0+$0xFFFFFF80] =	vst v13;
	v10 =	vmul.f32 v11, v10;
	v11 =	vshll.u32 v12, $0x10;
	v13 =	vshll.u32 v5, $0x10  }
0x24a: {  	v8 =	vld.idx.msk [tilespmem:v8+s7+$0x0], $0xffff;
	[tilespmem:s0+$0x100] =	vst v7;
	v12 =	vand.u32 $0xFFFF0000, v12;
	v5 =	vand.u32 $0xFFFF0000, v5;
	v11 =	vmul.f32 v13, v11  }
0x24b: {  	v6 =	vld.idx.msk [tilespmem:v6+s7+$0x0], $0xffff;
	v14 =	vmul.f32 v20, v19;
	[tilespmem:s0+$0x80] =	vst v10;
	v5 =	vmul.f32 v5, v12  }
0x24c: {  	v3 =	vld.idx.msk [tilespmem:v3+s7+$0x0], $0xffff;
	v7 =	vand.u32 $0xFFFF0000, v17;
	v12 =	vshll.u32 v15, $0x10;
	[tilespmem:s0+$0xFFFFFE00] =	vst v11;
	v11 =	vshll.u32 v9, $0x10  }
0x24d: {  	v2 =	vld.idx.msk [tilespmem:v2+s7+$0x0], $0xffff;
	[tilespmem:s0+$0xFFFFFE80] =	vst v5;
	v5 =	vand.u32 $0xFFFF0000, v9;
	v9 =	vmul.f32 v11, v12;
	v10 =	vand.u32 $0xFFFF0000, v4  }
0x24e: {  	[tilespmem:s0+$0x0] =	vst v14;
	s0 =	sadd.s32 $0x400, s0;
	v7 =	vmul.f32 v10, v7;
	v10 =	vand.u32 $0xFFFF0000, v15  }
0x24f: {  	v4 =	vshll.u32 v4, $0x10;
	[tilespmem:s0+$0xFFFFFF00] =	vst v9;
	v9 =	vshll.u32 v17, $0x10;
	v5 =	vmul.f32 v5, v10  }
0x250: {  	v11 =	vshll.u32 v6, $0x10;
	v10 =	vshll.u32 v8, $0x10;
	v4 =	vmul.f32 v4, v9;
	[tilespmem:s0+$0x180] =	vst v7  }
0x251: {  	v6 =	vand.u32 $0xFFFF0000, v6;
	v7 =	vand.u32 $0xFFFF0000, v8;
	v8 =	vmul.f32 v11, v10;
	[tilespmem:s0+$0xFFFFFF80] =	vst v5  }
0x252: {  	v5 =	vmul.f32 v6, v7;
	v6 =	vshll.u32 v3, $0x10;
	v7 =	vshll.u32 v2, $0x10;
	[tilespmem:s0+$0x100] =	vst v4  }
0x253: {  	v3 =	vand.u32 $0xFFFF0000, v3;
	v2 =	vand.u32 $0xFFFF0000, v2;
	[tilespmem:s0+$0x0] =	vst v8;
	v6 =	vmul.f32 v7, v6  }
0x254: {  	v2 =	vmul.f32 v2, v3;
	[tilespmem:s0+$0x80] =	vst v5  }
0x255: {  	[tilespmem:s0+$0xFFFFFE00] =	vst v6  }
0x256: {  	[tilespmem:s0+$0xFFFFFE80] =	vst v2  }
0x257: {  	v5 =	vld [tilespmem:$0x14210];
	_ =	sdelay $0x1  }
0x258: {  	v4 =	vld [tilespmem:$0x14290];
	_ =	sdelay $0x1  }
0x259: {  	s23 =	simm.s32 $0x1  }
0x25a: {  	s1 =	simm.s32 $0x3;
	v2 =	vadd.s32 s23, v5  }
0x25b: {  	v3 =	vadd.s32 s1, v5  }
0x25c: {  	v6 =	vadd.s32 s1, v4  }
0x25d: {  	s24 =	simm.s32 $0x2;
	v7 =	vadd.s32 s23, v4  }
0x25e: {  	v8 =	vadd.s32 s24, v5  }
0x25f: {  	v9 =	vadd.s32 s24, v4;
	v10 =	vld.idx.msk [tilespmem:v2+s7+$0x0], $0xffff  }
0x260: {  	v11 =	vld.idx.msk [tilespmem:v3+s7+$0x0], $0xffff  }
0x261: {  	s25 =	simm.s32 $0x5;
	v6 =	vld.idx.msk [tilespmem:v6+s7+$0x0], $0xffff  }
0x262: {  	s26 =	simm.s32 $0x6;
	v12 =	vadd.s32 s25, v5;
	v7 =	vld.idx.msk [tilespmem:v7+s7+$0x0], $0xffff  }
0x263: {  	s28 =	simm.s32 $0x7;
	v13 =	vadd.s32 s25, v4;
	v14 =	vadd.s32 s26, v5;
	v17 =	vadd.s32 s26, v4;
	v8 =	vld.idx.msk [tilespmem:v8+s7+$0x0], $0xffff  }
0x264: {  	v16 =	vadd.s32 s28, v5;
	v21 =	vadd.s32 s28, v4;
	v3 =	vadd.s32 $0x4, v5;
	v9 =	vld.idx.msk [tilespmem:v9+s7+$0x0], $0xffff  }
0x265: {  	v2 =	vadd.s32 $0x4, v4;
	v15 =	vshll.u32 v10, $0x10;
	v10 =	vand.u32 $0xFFFF0000, v10  }
0x266: {  	v22 =	vld.idx.msk [tilespmem:v4+s7+$0x0], $0xffff;
	v19 =	vshll.u32 v11, $0x10;
	v11 =	vand.u32 $0xFFFF0000, v11;
	v20 =	vand.u32 $0xFFFF0000, v6  }
0x267: {  	v18 =	vld.idx.msk [tilespmem:v5+s7+$0x0], $0xffff;
	v23 =	vshll.u32 v7, $0x10;
	v7 =	vand.u32 $0xFFFF0000, v7;
	v11 =	vmul.f32 v20, v11  }
0x268: {  	s22 =	simm.s32 $0x14510;
	v6 =	vshll.u32 v6, $0x10;
	v15 =	vmul.f32 v23, v15;
	v7 =	vmul.f32 v7, v10  }
0x269: {  	s29 =	simm.s32 $0x0;
	v10 =	vshll.u32 v8, $0x10;
	v20 =	vshll.u32 v9, $0x10;
	v8 =	vand.u32 $0xFFFF0000, v8;
	[tilespmem:s22+$0x180] =	vst v11  }
0x26a: {  	v23 =	vld.idx.msk [tilespmem:v12+s7+$0x0], $0xffff;
	v9 =	vand.u32 $0xFFFF0000, v9;
	v6 =	vmul.f32 v6, v19;
	v12 =	vadd.s32 s29, v3;
	[tilespmem:s22+$0xFFFFFF00] =	vst v15  }
0x26b: {  	v19 =	vand.u32 $0xFFFF0000, v22;
	v8 =	vmul.f32 v9, v8;
	v11 =	vmul.f32 v20, v10;
	v10 =	vld.idx.msk [tilespmem:v16+s7+$0x0], $0xffff;
	[tilespmem:s22+$0xFFFFFF80] =	vst v7  }
0x26c: {  	v9 =	vshll.u32 v18, $0x10;
	v18 =	vand.u32 $0xFFFF0000, v18;
	v7 =	vld.idx.msk [tilespmem:v21+s7+$0x0], $0xffff;
	v15 =	vadd.s32 s29, v2;
	[tilespmem:s22+$0x100] =	vst v6  }
0x26d: {  	s30 =	simm.s32 $0x9;
	v13 =	vld.idx.msk [tilespmem:v13+s7+$0x0], $0xffff;
	v16 =	vshll.u32 v22, $0x10;
	v21 =	vmul.f32 v19, v18;
	[tilespmem:s22+$0x80] =	vst v8  }
0x26e: {  	s31 =	simm.s32 $0xA;
	s26 =	simm.s32 $0xB;
	v20 =	vmul.f32 v16, v9;
	v16 =	vadd.s32 s30, v5;
	v9 =	vadd.s32 s30, v4;
	[tilespmem:s22+$0x0] =	vst v11;
	v11 =	vld.idx.msk [tilespmem:v14+s7+$0x0], $0xffff  }
0x26f: {  	v6 =	vadd.s32 s31, v4;
	v8 =	vadd.s32 s31, v5;
	v14 =	vld.idx.msk [tilespmem:v17+s7+$0x0], $0xffff;
	v17 =	vadd.s32 s26, v5;
	[tilespmem:s22+$0xFFFFFE80] =	vst v21  }
0x270: {  	s23 =	simm.s32 $0x4;
	s24 =	simm.s32 $0x8;
	s25 =	simm.s32 $0xC;
	v19 =	vshll.u32 v23, $0x10;
	[tilespmem:s22+$0xFFFFFE00] =	vst v20;
	v12 =	vld.idx.msk [tilespmem:v12+s7+$0x0], $0xffff;
	v20 =	vand.u32 $0xFFFF0000, v23;
	v18 =	vshll.u32 v10, $0x10  }
.LBB2_5:
0x271: {  	p1 =	slt.u32 s25, $0x1C;
	v21 =	vadd.s32 s26, v4;
	v22 =	vld.idx.msk [tilespmem:v15+s7+$0x0], $0xffff;
	v10 =	vand.u32 $0xFFFF0000, v10;
	v15 =	vand.u32 $0xFFFF0000, v7  }
0x272: {  	v23 =	vshll.u32 v13, $0x10;
	v7 =	vshll.u32 v7, $0x10;
	v10 =	vmul.f32 v15, v10  }
0x273: {  	v13 =	vand.u32 $0xFFFF0000, v13;
	s22 =	sadd.s32 $0x400, s22;
	v15 =	vmul.f32 v23, v19;
	v18 =	vmul.f32 v7, v18  }
0x274: {  	v13 =	vmul.f32 v13, v20;
	v7 =	vshll.u32 v11, $0x10;
	v23 =	vld.idx.msk [tilespmem:v16+s7+$0x0], $0xffff;
	v16 =	vshll.u32 v14, $0x10;
	[tilespmem:s22+$0x180] =	vst v10  }
0x275: {  	v11 =	vand.u32 $0xFFFF0000, v11;
	v14 =	vand.u32 $0xFFFF0000, v14;
	v10 =	vld.idx.msk [tilespmem:v17+s7+$0x0], $0xffff;
	[tilespmem:s22+$0xFFFFFF00] =	vst v15;
	v16 =	vmul.f32 v16, v7  }
0x276: {  	v20 =	vadd.s32 s23, v3;
	v14 =	vmul.f32 v14, v11;
	v7 =	vld.idx.msk [tilespmem:v21+s7+$0x0], $0xffff;
	[tilespmem:s22+$0xFFFFFF80] =	vst v13  }
.Ltmp1:
0x277: {  	v15 =	vadd.s32 s23, v2;
	s23 =	smov.u32 s24;
	s24 =	smov.u32 s25;
	v17 =	vshll.u32 v22, $0x10;
	v13 =	vld.idx.msk [tilespmem:v9+s7+$0x0], $0xffff;
	v9 =	vshll.u32 v12, $0x10;
	[tilespmem:s22+$0x0] =	vst v16;
	(pc) =	sbr.rel @p1 .LBB2_5-.Ltmp1, $4  }
0x278: {  	s0 =	sadd.s32 $0x1, s25;
	v11 =	vld.idx.msk [tilespmem:v8+s7+$0x0], $0xffff;
	v8 =	vand.u32 $0xFFFF0000, v12;
	v12 =	vand.u32 $0xFFFF0000, v22;
	v17 =	vmul.f32 v17, v9;
	[tilespmem:s22+$0x80] =	vst v14  }
0x279: {  	v16 =	vadd.s32 s0, v5;
	v9 =	vadd.s32 s0, v4;
	s0 =	sadd.s32 $0x2, s25;
	v14 =	vld.idx.msk [tilespmem:v6+s7+$0x0], $0xffff;
	v21 =	vmul.f32 v12, v8;
	[tilespmem:s22+$0x100] =	vst v18  }
0x27a: {  	s26 =	sadd.s32 $0x3, s25;
	v8 =	vadd.s32 s0, v5;
	v6 =	vadd.s32 s0, v4;
	v19 =	vshll.u32 v23, $0x10;
	[tilespmem:s22+$0xFFFFFE00] =	vst v17  }
0x27b: {  	s25 =	sadd.s32 $0x4, s25;
	v17 =	vadd.s32 s26, v5;
	v18 =	vshll.u32 v10, $0x10;
	v12 =	vld.idx.msk [tilespmem:v20+s7+$0x0], $0xffff;
	v20 =	vand.u32 $0xFFFF0000, v23;
	[tilespmem:s22+$0xFFFFFE80] =	vst v21  }
0x27c: {  	_ =	sdelay $0x2  }
0x27d: {  	v4 =	vadd.s32 s26, v4  }
0x27e: {  	v5 =	vld.idx.msk [tilespmem:v15+s7+$0x0], $0xffff;
	v10 =	vand.u32 $0xFFFF0000, v10;
	v15 =	vand.u32 $0xFFFF0000, v7;
	v21 =	vshll.u32 v13, $0x10  }
0x27f: {  	v13 =	vand.u32 $0xFFFF0000, v13;
	v17 =	vld.idx.msk [tilespmem:v17+s7+$0x0], $0xffff;
	v3 =	vadd.s32 s23, v3;
	v10 =	vmul.f32 v15, v10  }
0x280: {  	s0 =	sadd.s32 $0x400, s22;
	v2 =	vadd.s32 s23, v2;
	v7 =	vshll.u32 v7, $0x10;
	v15 =	vld.idx.msk [tilespmem:v16+s7+$0x0], $0xffff;
	v16 =	vmul.f32 v21, v19  }
0x281: {  	v9 =	vld.idx.msk [tilespmem:v9+s7+$0x0], $0xffff;
	v13 =	vmul.f32 v13, v20;
	v19 =	vshll.u32 v11, $0x10;
	v7 =	vmul.f32 v7, v18;
	[tilespmem:s0+$0x180] =	vst v10  }
0x282: {  	v20 =	vshll.u32 v14, $0x10;
	v10 =	vand.u32 $0xFFFF0000, v11;
	[tilespmem:s0+$0xFFFFFF00] =	vst v16;
	v11 =	vand.u32 $0xFFFF0000, v14;
	v4 =	vld.idx.msk [tilespmem:v4+s7+$0x0], $0xffff  }
0x283: {  	[tilespmem:s0+$0xFFFFFF80] =	vst v13;
	v10 =	vmul.f32 v11, v10;
	v11 =	vshll.u32 v12, $0x10;
	v13 =	vshll.u32 v5, $0x10  }
0x284: {  	v8 =	vld.idx.msk [tilespmem:v8+s7+$0x0], $0xffff;
	[tilespmem:s0+$0x100] =	vst v7;
	v12 =	vand.u32 $0xFFFF0000, v12;
	v5 =	vand.u32 $0xFFFF0000, v5;
	v11 =	vmul.f32 v13, v11  }
0x285: {  	v6 =	vld.idx.msk [tilespmem:v6+s7+$0x0], $0xffff;
	v14 =	vmul.f32 v20, v19;
	[tilespmem:s0+$0x80] =	vst v10;
	v5 =	vmul.f32 v5, v12  }
0x286: {  	v3 =	vld.idx.msk [tilespmem:v3+s7+$0x0], $0xffff;
	v7 =	vand.u32 $0xFFFF0000, v17;
	v12 =	vshll.u32 v15, $0x10;
	[tilespmem:s0+$0xFFFFFE00] =	vst v11;
	v11 =	vshll.u32 v9, $0x10  }
0x287: {  	v2 =	vld.idx.msk [tilespmem:v2+s7+$0x0], $0xffff;
	[tilespmem:s0+$0xFFFFFE80] =	vst v5;
	v5 =	vand.u32 $0xFFFF0000, v9;
	v9 =	vmul.f32 v11, v12;
	v10 =	vand.u32 $0xFFFF0000, v4  }
0x288: {  	[tilespmem:s0+$0x0] =	vst v14;
	s0 =	sadd.s32 $0x400, s0;
	v7 =	vmul.f32 v10, v7;
	v10 =	vand.u32 $0xFFFF0000, v15  }
0x289: {  	v4 =	vshll.u32 v4, $0x10;
	[tilespmem:s0+$0xFFFFFF00] =	vst v9;
	v9 =	vshll.u32 v17, $0x10;
	v5 =	vmul.f32 v5, v10  }
0x28a: {  	v11 =	vshll.u32 v6, $0x10;
	v10 =	vshll.u32 v8, $0x10;
	v4 =	vmul.f32 v4, v9;
	[tilespmem:s0+$0x180] =	vst v7  }
0x28b: {  	v6 =	vand.u32 $0xFFFF0000, v6;
	v7 =	vand.u32 $0xFFFF0000, v8;
	v8 =	vmul.f32 v11, v10;
	[tilespmem:s0+$0xFFFFFF80] =	vst v5  }
0x28c: {  	v5 =	vmul.f32 v6, v7;
	v6 =	vshll.u32 v3, $0x10;
	v7 =	vshll.u32 v2, $0x10;
	[tilespmem:s0+$0x100] =	vst v4  }
0x28d: {  	v3 =	vand.u32 $0xFFFF0000, v3;
	v2 =	vand.u32 $0xFFFF0000, v2;
	[tilespmem:s0+$0x0] =	vst v8;
	v6 =	vmul.f32 v7, v6  }
0x28e: {  	v2 =	vmul.f32 v2, v3;
	[tilespmem:s0+$0x80] =	vst v5  }
0x28f: {  	[tilespmem:s0+$0xFFFFFE00] =	vst v6  }
0x290: {  	[tilespmem:s0+$0xFFFFFE80] =	vst v2  }
0x291: {  	v5 =	vld [tilespmem:$0x14220];
	_ =	sdelay $0x1  }
0x292: {  	v4 =	vld [tilespmem:$0x142A0];
	_ =	sdelay $0x1  }
0x293: {  	s23 =	simm.s32 $0x1  }
0x294: {  	s1 =	simm.s32 $0x3;
	v2 =	vadd.s32 s23, v5  }
0x295: {  	v3 =	vadd.s32 s1, v5  }
0x296: {  	v6 =	vadd.s32 s1, v4  }
0x297: {  	s24 =	simm.s32 $0x2;
	v7 =	vadd.s32 s23, v4  }
0x298: {  	v8 =	vadd.s32 s24, v5  }
0x299: {  	v9 =	vadd.s32 s24, v4;
	v10 =	vld.idx.msk [tilespmem:v2+s7+$0x0], $0xffff  }
0x29a: {  	v11 =	vld.idx.msk [tilespmem:v3+s7+$0x0], $0xffff  }
0x29b: {  	v6 =	vld.idx.msk [tilespmem:v6+s7+$0x0], $0xffff  }
0x29c: {  	s25 =	simm.s32 $0x5;
	s26 =	simm.s32 $0x6;
	v7 =	vld.idx.msk [tilespmem:v7+s7+$0x0], $0xffff  }
0x29d: {  	s28 =	simm.s32 $0x7;
	v12 =	vadd.s32 s25, v5;
	v13 =	vadd.s32 s25, v4;
	v14 =	vadd.s32 s26, v5;
	v8 =	vld.idx.msk [tilespmem:v8+s7+$0x0], $0xffff  }
0x29e: {  	v17 =	vadd.s32 s26, v4;
	v16 =	vadd.s32 s28, v5;
	v21 =	vadd.s32 s28, v4;
	v9 =	vld.idx.msk [tilespmem:v9+s7+$0x0], $0xffff  }
0x29f: {  	v3 =	vadd.s32 $0x4, v5;
	v2 =	vadd.s32 $0x4, v4;
	v15 =	vshll.u32 v10, $0x10  }
0x2a0: {  	v22 =	vld.idx.msk [tilespmem:v4+s7+$0x0], $0xffff;
	v19 =	vshll.u32 v11, $0x10;
	v11 =	vand.u32 $0xFFFF0000, v11;
	v20 =	vand.u32 $0xFFFF0000, v6  }
0x2a1: {  	v18 =	vld.idx.msk [tilespmem:v5+s7+$0x0], $0xffff;
	v10 =	vand.u32 $0xFFFF0000, v10;
	v23 =	vshll.u32 v7, $0x10;
	v11 =	vmul.f32 v20, v11  }
0x2a2: {  	s22 =	simm.s32 $0x14520;
	v6 =	vshll.u32 v6, $0x10;
	v7 =	vand.u32 $0xFFFF0000, v7;
	v15 =	vmul.f32 v23, v15  }
0x2a3: {  	v7 =	vmul.f32 v7, v10;
	v10 =	vshll.u32 v8, $0x10;
	v20 =	vshll.u32 v9, $0x10;
	[tilespmem:s22+$0x180] =	vst v11  }
0x2a4: {  	s29 =	simm.s32 $0x0;
	v8 =	vand.u32 $0xFFFF0000, v8;
	v9 =	vand.u32 $0xFFFF0000, v9;
	v6 =	vmul.f32 v6, v19;
	[tilespmem:s22+$0xFFFFFF00] =	vst v15  }
0x2a5: {  	v23 =	vld.idx.msk [tilespmem:v12+s7+$0x0], $0xffff;
	v12 =	vadd.s32 s29, v3;
	v19 =	vand.u32 $0xFFFF0000, v22;
	v8 =	vmul.f32 v9, v8;
	[tilespmem:s22+$0xFFFFFF80] =	vst v7  }
0x2a6: {  	v9 =	vshll.u32 v18, $0x10;
	v18 =	vand.u32 $0xFFFF0000, v18;
	v11 =	vmul.f32 v20, v10;
	v10 =	vld.idx.msk [tilespmem:v16+s7+$0x0], $0xffff;
	[tilespmem:s22+$0x100] =	vst v6  }
0x2a7: {  	v7 =	vld.idx.msk [tilespmem:v21+s7+$0x0], $0xffff;
	v15 =	vadd.s32 s29, v2;
	v16 =	vshll.u32 v22, $0x10;
	v21 =	vmul.f32 v19, v18;
	[tilespmem:s22+$0x80] =	vst v8  }
0x2a8: {  	s30 =	simm.s32 $0x9;
	v13 =	vld.idx.msk [tilespmem:v13+s7+$0x0], $0xffff;
	v20 =	vmul.f32 v16, v9;
	[tilespmem:s22+$0x0] =	vst v11  }
0x2a9: {  	s31 =	simm.s32 $0xA;
	s26 =	simm.s32 $0xB;
	v16 =	vadd.s32 s30, v5;
	v9 =	vadd.s32 s30, v4;
	v11 =	vld.idx.msk [tilespmem:v14+s7+$0x0], $0xffff;
	[tilespmem:s22+$0xFFFFFE80] =	vst v21  }
0x2aa: {  	s23 =	simm.s32 $0x4;
	v6 =	vadd.s32 s31, v4;
	v8 =	vadd.s32 s31, v5;
	v14 =	vld.idx.msk [tilespmem:v17+s7+$0x0], $0xffff;
	v17 =	vadd.s32 s26, v5;
	[tilespmem:s22+$0xFFFFFE00] =	vst v20  }
0x2ab: {  	s24 =	simm.s32 $0x8;
	s25 =	simm.s32 $0xC;
	v19 =	vshll.u32 v23, $0x10;
	v12 =	vld.idx.msk [tilespmem:v12+s7+$0x0], $0xffff;
	v20 =	vand.u32 $0xFFFF0000, v23;
	s2 =	rddreg [dreg:$0x5];
	v18 =	vshll.u32 v10, $0x10  }
.LBB2_7:
0x2ac: {  	p1 =	slt.u32 s25, $0x1C;
	v21 =	vadd.s32 s26, v4;
	v22 =	vld.idx.msk [tilespmem:v15+s7+$0x0], $0xffff;
	v10 =	vand.u32 $0xFFFF0000, v10;
	v15 =	vand.u32 $0xFFFF0000, v7  }
0x2ad: {  	v23 =	vshll.u32 v13, $0x10;
	v7 =	vshll.u32 v7, $0x10;
	v10 =	vmul.f32 v15, v10  }
0x2ae: {  	v13 =	vand.u32 $0xFFFF0000, v13;
	s22 =	sadd.s32 $0x400, s22;
	v15 =	vmul.f32 v23, v19;
	v18 =	vmul.f32 v7, v18  }
0x2af: {  	v13 =	vmul.f32 v13, v20;
	v7 =	vshll.u32 v11, $0x10;
	v23 =	vld.idx.msk [tilespmem:v16+s7+$0x0], $0xffff;
	v16 =	vshll.u32 v14, $0x10;
	[tilespmem:s22+$0x180] =	vst v10  }
0x2b0: {  	v11 =	vand.u32 $0xFFFF0000, v11;
	v14 =	vand.u32 $0xFFFF0000, v14;
	v10 =	vld.idx.msk [tilespmem:v17+s7+$0x0], $0xffff;
	[tilespmem:s22+$0xFFFFFF00] =	vst v15;
	v16 =	vmul.f32 v16, v7  }
0x2b1: {  	v20 =	vadd.s32 s23, v3;
	v14 =	vmul.f32 v14, v11;
	v7 =	vld.idx.msk [tilespmem:v21+s7+$0x0], $0xffff;
	[tilespmem:s22+$0xFFFFFF80] =	vst v13  }
.Ltmp2:
0x2b2: {  	v15 =	vadd.s32 s23, v2;
	s23 =	smov.u32 s24;
	s24 =	smov.u32 s25;
	v17 =	vshll.u32 v22, $0x10;
	v13 =	vld.idx.msk [tilespmem:v9+s7+$0x0], $0xffff;
	v9 =	vshll.u32 v12, $0x10;
	[tilespmem:s22+$0x0] =	vst v16;
	(pc) =	sbr.rel @p1 .LBB2_7-.Ltmp2, $4  }
0x2b3: {  	s0 =	sadd.s32 $0x1, s25;
	v11 =	vld.idx.msk [tilespmem:v8+s7+$0x0], $0xffff;
	v8 =	vand.u32 $0xFFFF0000, v12;
	v12 =	vand.u32 $0xFFFF0000, v22;
	v17 =	vmul.f32 v17, v9;
	[tilespmem:s22+$0x80] =	vst v14  }
0x2b4: {  	v16 =	vadd.s32 s0, v5;
	v9 =	vadd.s32 s0, v4;
	s0 =	sadd.s32 $0x2, s25;
	v14 =	vld.idx.msk [tilespmem:v6+s7+$0x0], $0xffff;
	v21 =	vmul.f32 v12, v8;
	[tilespmem:s22+$0x100] =	vst v18  }
0x2b5: {  	s26 =	sadd.s32 $0x3, s25;
	v8 =	vadd.s32 s0, v5;
	v6 =	vadd.s32 s0, v4;
	v19 =	vshll.u32 v23, $0x10;
	[tilespmem:s22+$0xFFFFFE00] =	vst v17  }
0x2b6: {  	s25 =	sadd.s32 $0x4, s25;
	v17 =	vadd.s32 s26, v5;
	v18 =	vshll.u32 v10, $0x10;
	v12 =	vld.idx.msk [tilespmem:v20+s7+$0x0], $0xffff;
	v20 =	vand.u32 $0xFFFF0000, v23;
	[tilespmem:s22+$0xFFFFFE80] =	vst v21  }
0x2b7: {  	_ =	sdelay $0x2  }
0x2b8: {  	v4 =	vadd.s32 s26, v4  }
0x2b9: {  	v5 =	vld.idx.msk [tilespmem:v15+s7+$0x0], $0xffff;
	v10 =	vand.u32 $0xFFFF0000, v10;
	v15 =	vand.u32 $0xFFFF0000, v7;
	v21 =	vshll.u32 v13, $0x10  }
0x2ba: {  	v13 =	vand.u32 $0xFFFF0000, v13;
	v17 =	vld.idx.msk [tilespmem:v17+s7+$0x0], $0xffff;
	v3 =	vadd.s32 s23, v3;
	v10 =	vmul.f32 v15, v10  }
0x2bb: {  	s0 =	sadd.s32 $0x400, s22;
	v2 =	vadd.s32 s23, v2;
	v7 =	vshll.u32 v7, $0x10;
	v15 =	vld.idx.msk [tilespmem:v16+s7+$0x0], $0xffff;
	v16 =	vmul.f32 v21, v19  }
0x2bc: {  	v9 =	vld.idx.msk [tilespmem:v9+s7+$0x0], $0xffff;
	v13 =	vmul.f32 v13, v20;
	v19 =	vshll.u32 v11, $0x10;
	v7 =	vmul.f32 v7, v18;
	[tilespmem:s0+$0x180] =	vst v10  }
0x2bd: {  	v20 =	vshll.u32 v14, $0x10;
	v10 =	vand.u32 $0xFFFF0000, v11;
	[tilespmem:s0+$0xFFFFFF00] =	vst v16;
	v11 =	vand.u32 $0xFFFF0000, v14;
	v4 =	vld.idx.msk [tilespmem:v4+s7+$0x0], $0xffff  }
0x2be: {  	[tilespmem:s0+$0xFFFFFF80] =	vst v13;
	v10 =	vmul.f32 v11, v10;
	v11 =	vshll.u32 v12, $0x10;
	v13 =	vshll.u32 v5, $0x10  }
0x2bf: {  	v8 =	vld.idx.msk [tilespmem:v8+s7+$0x0], $0xffff;
	[tilespmem:s0+$0x100] =	vst v7;
	v12 =	vand.u32 $0xFFFF0000, v12;
	v5 =	vand.u32 $0xFFFF0000, v5;
	v11 =	vmul.f32 v13, v11  }
0x2c0: {  	v6 =	vld.idx.msk [tilespmem:v6+s7+$0x0], $0xffff;
	v14 =	vmul.f32 v20, v19;
	[tilespmem:s0+$0x80] =	vst v10;
	v5 =	vmul.f32 v5, v12  }
0x2c1: {  	v3 =	vld.idx.msk [tilespmem:v3+s7+$0x0], $0xffff;
	v7 =	vand.u32 $0xFFFF0000, v17;
	v12 =	vshll.u32 v15, $0x10;
	[tilespmem:s0+$0xFFFFFE00] =	vst v11;
	v11 =	vshll.u32 v9, $0x10  }
0x2c2: {  	v2 =	vld.idx.msk [tilespmem:v2+s7+$0x0], $0xffff;
	[tilespmem:s0+$0xFFFFFE80] =	vst v5;
	v5 =	vand.u32 $0xFFFF0000, v9;
	v9 =	vmul.f32 v11, v12;
	v10 =	vand.u32 $0xFFFF0000, v4  }
0x2c3: {  	[tilespmem:s0+$0x0] =	vst v14;
	s0 =	sadd.s32 $0x400, s0;
	v7 =	vmul.f32 v10, v7;
	v10 =	vand.u32 $0xFFFF0000, v15  }
0x2c4: {  	v4 =	vshll.u32 v4, $0x10;
	[tilespmem:s0+$0xFFFFFF00] =	vst v9;
	v9 =	vshll.u32 v17, $0x10;
	v5 =	vmul.f32 v5, v10  }
0x2c5: {  	v11 =	vshll.u32 v6, $0x10;
	v10 =	vshll.u32 v8, $0x10;
	v4 =	vmul.f32 v4, v9;
	[tilespmem:s0+$0x180] =	vst v7  }
0x2c6: {  	v6 =	vand.u32 $0xFFFF0000, v6;
	v7 =	vand.u32 $0xFFFF0000, v8;
	v8 =	vmul.f32 v11, v10;
	[tilespmem:s0+$0xFFFFFF80] =	vst v5  }
0x2c7: {  	v5 =	vmul.f32 v6, v7;
	v6 =	vshll.u32 v3, $0x10;
	v7 =	vshll.u32 v2, $0x10;
	[tilespmem:s0+$0x100] =	vst v4  }
0x2c8: {  	v3 =	vand.u32 $0xFFFF0000, v3;
	v2 =	vand.u32 $0xFFFF0000, v2;
	[tilespmem:s0+$0x0] =	vst v8;
	v6 =	vmul.f32 v7, v6  }
0x2c9: {  	v2 =	vmul.f32 v2, v3;
	[tilespmem:s0+$0x80] =	vst v5  }
0x2ca: {  	[tilespmem:s0+$0xFFFFFE00] =	vst v6  }
0x2cb: {  	[tilespmem:s0+$0xFFFFFE80] =	vst v2  }
0x2cc: {  	v5 =	vld [tilespmem:$0x14230];
	_ =	sdelay $0x1  }
0x2cd: {  	v4 =	vld [tilespmem:$0x142B0];
	_ =	sdelay $0x1  }
0x2ce: {  	s23 =	simm.s32 $0x1  }
0x2cf: {  	s1 =	simm.s32 $0x3;
	v2 =	vadd.s32 s23, v5  }
0x2d0: {  	v3 =	vadd.s32 s1, v5  }
0x2d1: {  	v6 =	vadd.s32 s1, v4  }
0x2d2: {  	s24 =	simm.s32 $0x2;
	v7 =	vadd.s32 s23, v4  }
0x2d3: {  	v8 =	vadd.s32 s24, v5  }
0x2d4: {  	v9 =	vadd.s32 s24, v4;
	v10 =	vld.idx.msk [tilespmem:v2+s7+$0x0], $0xffff  }
0x2d5: {  	v11 =	vld.idx.msk [tilespmem:v3+s7+$0x0], $0xffff  }
0x2d6: {  	s25 =	simm.s32 $0x5;
	v6 =	vld.idx.msk [tilespmem:v6+s7+$0x0], $0xffff  }
0x2d7: {  	s26 =	simm.s32 $0x6;
	v12 =	vadd.s32 s25, v5;
	v7 =	vld.idx.msk [tilespmem:v7+s7+$0x0], $0xffff  }
0x2d8: {  	s28 =	simm.s32 $0x7;
	v13 =	vadd.s32 s25, v4;
	v14 =	vadd.s32 s26, v5;
	v17 =	vadd.s32 s26, v4;
	v8 =	vld.idx.msk [tilespmem:v8+s7+$0x0], $0xffff  }
0x2d9: {  	v16 =	vadd.s32 s28, v5;
	v21 =	vadd.s32 s28, v4;
	v3 =	vadd.s32 $0x4, v5;
	v9 =	vld.idx.msk [tilespmem:v9+s7+$0x0], $0xffff  }
0x2da: {  	v2 =	vadd.s32 $0x4, v4;
	v15 =	vshll.u32 v10, $0x10;
	v10 =	vand.u32 $0xFFFF0000, v10  }
0x2db: {  	v22 =	vld.idx.msk [tilespmem:v4+s7+$0x0], $0xffff;
	v19 =	vshll.u32 v11, $0x10;
	v11 =	vand.u32 $0xFFFF0000, v11;
	v20 =	vand.u32 $0xFFFF0000, v6  }
0x2dc: {  	v18 =	vld.idx.msk [tilespmem:v5+s7+$0x0], $0xffff;
	v23 =	vshll.u32 v7, $0x10;
	v7 =	vand.u32 $0xFFFF0000, v7;
	v11 =	vmul.f32 v20, v11  }
0x2dd: {  	s22 =	simm.s32 $0x14530;
	v6 =	vshll.u32 v6, $0x10;
	v15 =	vmul.f32 v23, v15;
	v7 =	vmul.f32 v7, v10  }
0x2de: {  	s29 =	simm.s32 $0x0;
	v10 =	vshll.u32 v8, $0x10;
	v20 =	vshll.u32 v9, $0x10;
	v8 =	vand.u32 $0xFFFF0000, v8;
	[tilespmem:s22+$0x180] =	vst v11  }
0x2df: {  	v23 =	vld.idx.msk [tilespmem:v12+s7+$0x0], $0xffff;
	v9 =	vand.u32 $0xFFFF0000, v9;
	v6 =	vmul.f32 v6, v19;
	v12 =	vadd.s32 s29, v3;
	[tilespmem:s22+$0xFFFFFF00] =	vst v15  }
0x2e0: {  	v19 =	vand.u32 $0xFFFF0000, v22;
	v8 =	vmul.f32 v9, v8;
	v11 =	vmul.f32 v20, v10;
	v10 =	vld.idx.msk [tilespmem:v16+s7+$0x0], $0xffff;
	[tilespmem:s22+$0xFFFFFF80] =	vst v7  }
0x2e1: {  	v9 =	vshll.u32 v18, $0x10;
	v18 =	vand.u32 $0xFFFF0000, v18;
	v7 =	vld.idx.msk [tilespmem:v21+s7+$0x0], $0xffff;
	v15 =	vadd.s32 s29, v2;
	[tilespmem:s22+$0x100] =	vst v6  }
0x2e2: {  	s30 =	simm.s32 $0x9;
	v13 =	vld.idx.msk [tilespmem:v13+s7+$0x0], $0xffff;
	v16 =	vshll.u32 v22, $0x10;
	v21 =	vmul.f32 v19, v18;
	[tilespmem:s22+$0x80] =	vst v8  }
0x2e3: {  	s31 =	simm.s32 $0xA;
	s26 =	simm.s32 $0xB;
	v20 =	vmul.f32 v16, v9;
	v16 =	vadd.s32 s30, v5;
	v9 =	vadd.s32 s30, v4;
	[tilespmem:s22+$0x0] =	vst v11;
	v11 =	vld.idx.msk [tilespmem:v14+s7+$0x0], $0xffff  }
0x2e4: {  	v6 =	vadd.s32 s31, v4;
	v8 =	vadd.s32 s31, v5;
	v14 =	vld.idx.msk [tilespmem:v17+s7+$0x0], $0xffff;
	v17 =	vadd.s32 s26, v5;
	[tilespmem:s22+$0xFFFFFE80] =	vst v21  }
0x2e5: {  	s23 =	simm.s32 $0x4;
	s24 =	simm.s32 $0x8;
	s25 =	simm.s32 $0xC;
	v19 =	vshll.u32 v23, $0x10;
	[tilespmem:s22+$0xFFFFFE00] =	vst v20;
	v12 =	vld.idx.msk [tilespmem:v12+s7+$0x0], $0xffff;
	v20 =	vand.u32 $0xFFFF0000, v23;
	v18 =	vshll.u32 v10, $0x10  }
.LBB2_9:
0x2e6: {  	p1 =	slt.u32 s25, $0x1C;
	v21 =	vadd.s32 s26, v4;
	v22 =	vld.idx.msk [tilespmem:v15+s7+$0x0], $0xffff;
	v10 =	vand.u32 $0xFFFF0000, v10;
	v15 =	vand.u32 $0xFFFF0000, v7  }
0x2e7: {  	v23 =	vshll.u32 v13, $0x10;
	v7 =	vshll.u32 v7, $0x10;
	v10 =	vmul.f32 v15, v10  }
0x2e8: {  	v13 =	vand.u32 $0xFFFF0000, v13;
	s22 =	sadd.s32 $0x400, s22;
	v15 =	vmul.f32 v23, v19;
	v18 =	vmul.f32 v7, v18  }
0x2e9: {  	v13 =	vmul.f32 v13, v20;
	v7 =	vshll.u32 v11, $0x10;
	v23 =	vld.idx.msk [tilespmem:v16+s7+$0x0], $0xffff;
	v16 =	vshll.u32 v14, $0x10;
	[tilespmem:s22+$0x180] =	vst v10  }
0x2ea: {  	v11 =	vand.u32 $0xFFFF0000, v11;
	v14 =	vand.u32 $0xFFFF0000, v14;
	v10 =	vld.idx.msk [tilespmem:v17+s7+$0x0], $0xffff;
	[tilespmem:s22+$0xFFFFFF00] =	vst v15;
	v16 =	vmul.f32 v16, v7  }
0x2eb: {  	v20 =	vadd.s32 s23, v3;
	v14 =	vmul.f32 v14, v11;
	v7 =	vld.idx.msk [tilespmem:v21+s7+$0x0], $0xffff;
	[tilespmem:s22+$0xFFFFFF80] =	vst v13  }
.Ltmp3:
0x2ec: {  	v15 =	vadd.s32 s23, v2;
	s23 =	smov.u32 s24;
	s24 =	smov.u32 s25;
	v17 =	vshll.u32 v22, $0x10;
	v13 =	vld.idx.msk [tilespmem:v9+s7+$0x0], $0xffff;
	v9 =	vshll.u32 v12, $0x10;
	[tilespmem:s22+$0x0] =	vst v16;
	(pc) =	sbr.rel @p1 .LBB2_9-.Ltmp3, $4  }
0x2ed: {  	s0 =	sadd.s32 $0x1, s25;
	v11 =	vld.idx.msk [tilespmem:v8+s7+$0x0], $0xffff;
	v8 =	vand.u32 $0xFFFF0000, v12;
	v12 =	vand.u32 $0xFFFF0000, v22;
	v17 =	vmul.f32 v17, v9;
	[tilespmem:s22+$0x80] =	vst v14  }
0x2ee: {  	v16 =	vadd.s32 s0, v5;
	v9 =	vadd.s32 s0, v4;
	s0 =	sadd.s32 $0x2, s25;
	v14 =	vld.idx.msk [tilespmem:v6+s7+$0x0], $0xffff;
	v21 =	vmul.f32 v12, v8;
	[tilespmem:s22+$0x100] =	vst v18  }
0x2ef: {  	s26 =	sadd.s32 $0x3, s25;
	v8 =	vadd.s32 s0, v5;
	v6 =	vadd.s32 s0, v4;
	v19 =	vshll.u32 v23, $0x10;
	[tilespmem:s22+$0xFFFFFE00] =	vst v17  }
0x2f0: {  	s25 =	sadd.s32 $0x4, s25;
	v17 =	vadd.s32 s26, v5;
	v18 =	vshll.u32 v10, $0x10;
	v12 =	vld.idx.msk [tilespmem:v20+s7+$0x0], $0xffff;
	v20 =	vand.u32 $0xFFFF0000, v23;
	[tilespmem:s22+$0xFFFFFE80] =	vst v21  }
0x2f1: {  	_ =	sdelay $0x2  }
0x2f2: {  	v4 =	vadd.s32 s26, v4  }
0x2f3: {  	v5 =	vld.idx.msk [tilespmem:v15+s7+$0x0], $0xffff;
	v10 =	vand.u32 $0xFFFF0000, v10;
	v15 =	vand.u32 $0xFFFF0000, v7;
	v21 =	vshll.u32 v13, $0x10  }
0x2f4: {  	v13 =	vand.u32 $0xFFFF0000, v13;
	v17 =	vld.idx.msk [tilespmem:v17+s7+$0x0], $0xffff;
	v3 =	vadd.s32 s23, v3;
	v10 =	vmul.f32 v15, v10  }
0x2f5: {  	s0 =	sadd.s32 $0x400, s22;
	v2 =	vadd.s32 s23, v2;
	v7 =	vshll.u32 v7, $0x10;
	v15 =	vld.idx.msk [tilespmem:v16+s7+$0x0], $0xffff;
	v16 =	vmul.f32 v21, v19  }
0x2f6: {  	v9 =	vld.idx.msk [tilespmem:v9+s7+$0x0], $0xffff;
	v13 =	vmul.f32 v13, v20;
	v19 =	vshll.u32 v11, $0x10;
	v7 =	vmul.f32 v7, v18;
	[tilespmem:s0+$0x180] =	vst v10  }
0x2f7: {  	v20 =	vshll.u32 v14, $0x10;
	v10 =	vand.u32 $0xFFFF0000, v11;
	[tilespmem:s0+$0xFFFFFF00] =	vst v16;
	v11 =	vand.u32 $0xFFFF0000, v14;
	v4 =	vld.idx.msk [tilespmem:v4+s7+$0x0], $0xffff  }
0x2f8: {  	[tilespmem:s0+$0xFFFFFF80] =	vst v13;
	v10 =	vmul.f32 v11, v10;
	v11 =	vshll.u32 v12, $0x10;
	v13 =	vshll.u32 v5, $0x10  }
0x2f9: {  	v8 =	vld.idx.msk [tilespmem:v8+s7+$0x0], $0xffff;
	[tilespmem:s0+$0x100] =	vst v7;
	v12 =	vand.u32 $0xFFFF0000, v12;
	v5 =	vand.u32 $0xFFFF0000, v5;
	v11 =	vmul.f32 v13, v11  }
0x2fa: {  	v6 =	vld.idx.msk [tilespmem:v6+s7+$0x0], $0xffff;
	v14 =	vmul.f32 v20, v19;
	[tilespmem:s0+$0x80] =	vst v10;
	v5 =	vmul.f32 v5, v12  }
0x2fb: {  	v3 =	vld.idx.msk [tilespmem:v3+s7+$0x0], $0xffff;
	v7 =	vand.u32 $0xFFFF0000, v17;
	v12 =	vshll.u32 v15, $0x10;
	[tilespmem:s0+$0xFFFFFE00] =	vst v11;
	v11 =	vshll.u32 v9, $0x10  }
0x2fc: {  	v2 =	vld.idx.msk [tilespmem:v2+s7+$0x0], $0xffff;
	[tilespmem:s0+$0xFFFFFE80] =	vst v5;
	v5 =	vand.u32 $0xFFFF0000, v9;
	v9 =	vmul.f32 v11, v12;
	v10 =	vand.u32 $0xFFFF0000, v4  }
0x2fd: {  	[tilespmem:s0+$0x0] =	vst v14;
	s0 =	sadd.s32 $0x400, s0;
	v7 =	vmul.f32 v10, v7;
	v10 =	vand.u32 $0xFFFF0000, v15  }
0x2fe: {  	v4 =	vshll.u32 v4, $0x10;
	[tilespmem:s0+$0xFFFFFF00] =	vst v9;
	v9 =	vshll.u32 v17, $0x10;
	v5 =	vmul.f32 v5, v10  }
0x2ff: {  	v11 =	vshll.u32 v6, $0x10;
	v10 =	vshll.u32 v8, $0x10;
	v4 =	vmul.f32 v4, v9;
	[tilespmem:s0+$0x180] =	vst v7  }
0x300: {  	v6 =	vand.u32 $0xFFFF0000, v6;
	v7 =	vand.u32 $0xFFFF0000, v8;
	v8 =	vmul.f32 v11, v10;
	[tilespmem:s0+$0xFFFFFF80] =	vst v5  }
0x301: {  	v5 =	vmul.f32 v6, v7;
	v6 =	vshll.u32 v3, $0x10;
	v7 =	vshll.u32 v2, $0x10;
	[tilespmem:s0+$0x100] =	vst v4  }
0x302: {  	v3 =	vand.u32 $0xFFFF0000, v3;
	v2 =	vand.u32 $0xFFFF0000, v2;
	[tilespmem:s0+$0x0] =	vst v8;
	v6 =	vmul.f32 v7, v6  }
0x303: {  	v2 =	vmul.f32 v2, v3;
	[tilespmem:s0+$0x80] =	vst v5  }
0x304: {  	[tilespmem:s0+$0xFFFFFE00] =	vst v6  }
0x305: {  	[tilespmem:s0+$0xFFFFFE80] =	vst v2  }
0x306: {  	v5 =	vld [tilespmem:$0x14240];
	_ =	sdelay $0x1  }
0x307: {  	v4 =	vld [tilespmem:$0x142C0];
	_ =	sdelay $0x1  }
0x308: {  	s23 =	simm.s32 $0x1  }
0x309: {  	s1 =	simm.s32 $0x3;
	v2 =	vadd.s32 s23, v5  }
0x30a: {  	v3 =	vadd.s32 s1, v5  }
0x30b: {  	v6 =	vadd.s32 s1, v4  }
0x30c: {  	s24 =	simm.s32 $0x2;
	v7 =	vadd.s32 s23, v4  }
0x30d: {  	v8 =	vadd.s32 s24, v5  }
0x30e: {  	v9 =	vadd.s32 s24, v4;
	v10 =	vld.idx.msk [tilespmem:v2+s7+$0x0], $0xffff  }
0x30f: {  	v11 =	vld.idx.msk [tilespmem:v3+s7+$0x0], $0xffff  }
0x310: {  	s25 =	simm.s32 $0x5;
	v6 =	vld.idx.msk [tilespmem:v6+s7+$0x0], $0xffff  }
0x311: {  	s26 =	simm.s32 $0x6;
	v12 =	vadd.s32 s25, v5;
	v7 =	vld.idx.msk [tilespmem:v7+s7+$0x0], $0xffff  }
0x312: {  	s28 =	simm.s32 $0x7;
	v13 =	vadd.s32 s25, v4;
	v14 =	vadd.s32 s26, v5;
	v17 =	vadd.s32 s26, v4;
	v8 =	vld.idx.msk [tilespmem:v8+s7+$0x0], $0xffff  }
0x313: {  	v16 =	vadd.s32 s28, v5;
	v21 =	vadd.s32 s28, v4;
	v3 =	vadd.s32 $0x4, v5;
	v9 =	vld.idx.msk [tilespmem:v9+s7+$0x0], $0xffff  }
0x314: {  	v2 =	vadd.s32 $0x4, v4;
	v15 =	vshll.u32 v10, $0x10;
	v10 =	vand.u32 $0xFFFF0000, v10  }
0x315: {  	v22 =	vld.idx.msk [tilespmem:v4+s7+$0x0], $0xffff;
	v19 =	vshll.u32 v11, $0x10;
	v11 =	vand.u32 $0xFFFF0000, v11;
	v20 =	vand.u32 $0xFFFF0000, v6  }
0x316: {  	v18 =	vld.idx.msk [tilespmem:v5+s7+$0x0], $0xffff;
	v23 =	vshll.u32 v7, $0x10;
	v7 =	vand.u32 $0xFFFF0000, v7;
	v11 =	vmul.f32 v20, v11  }
0x317: {  	s22 =	simm.s32 $0x14540;
	v6 =	vshll.u32 v6, $0x10;
	v15 =	vmul.f32 v23, v15;
	v7 =	vmul.f32 v7, v10  }
0x318: {  	s29 =	simm.s32 $0x0;
	v10 =	vshll.u32 v8, $0x10;
	v20 =	vshll.u32 v9, $0x10;
	v8 =	vand.u32 $0xFFFF0000, v8;
	[tilespmem:s22+$0x180] =	vst v11  }
0x319: {  	v23 =	vld.idx.msk [tilespmem:v12+s7+$0x0], $0xffff;
	v9 =	vand.u32 $0xFFFF0000, v9;
	v6 =	vmul.f32 v6, v19;
	v12 =	vadd.s32 s29, v3;
	[tilespmem:s22+$0xFFFFFF00] =	vst v15  }
0x31a: {  	v19 =	vand.u32 $0xFFFF0000, v22;
	v8 =	vmul.f32 v9, v8;
	v11 =	vmul.f32 v20, v10;
	v10 =	vld.idx.msk [tilespmem:v16+s7+$0x0], $0xffff;
	[tilespmem:s22+$0xFFFFFF80] =	vst v7  }
0x31b: {  	v9 =	vshll.u32 v18, $0x10;
	v18 =	vand.u32 $0xFFFF0000, v18;
	v7 =	vld.idx.msk [tilespmem:v21+s7+$0x0], $0xffff;
	v15 =	vadd.s32 s29, v2;
	[tilespmem:s22+$0x100] =	vst v6  }
0x31c: {  	s30 =	simm.s32 $0x9;
	v13 =	vld.idx.msk [tilespmem:v13+s7+$0x0], $0xffff;
	v16 =	vshll.u32 v22, $0x10;
	v21 =	vmul.f32 v19, v18;
	[tilespmem:s22+$0x80] =	vst v8  }
0x31d: {  	s31 =	simm.s32 $0xA;
	s26 =	simm.s32 $0xB;
	v20 =	vmul.f32 v16, v9;
	v16 =	vadd.s32 s30, v5;
	v9 =	vadd.s32 s30, v4;
	[tilespmem:s22+$0x0] =	vst v11;
	v11 =	vld.idx.msk [tilespmem:v14+s7+$0x0], $0xffff  }
0x31e: {  	v6 =	vadd.s32 s31, v4;
	v8 =	vadd.s32 s31, v5;
	v14 =	vld.idx.msk [tilespmem:v17+s7+$0x0], $0xffff;
	v17 =	vadd.s32 s26, v5;
	[tilespmem:s22+$0xFFFFFE80] =	vst v21  }
0x31f: {  	s23 =	simm.s32 $0x4;
	s24 =	simm.s32 $0x8;
	s25 =	simm.s32 $0xC;
	v19 =	vshll.u32 v23, $0x10;
	[tilespmem:s22+$0xFFFFFE00] =	vst v20;
	v12 =	vld.idx.msk [tilespmem:v12+s7+$0x0], $0xffff;
	v20 =	vand.u32 $0xFFFF0000, v23;
	v18 =	vshll.u32 v10, $0x10  }
.LBB2_11:
0x320: {  	p1 =	slt.u32 s25, $0x1C;
	v21 =	vadd.s32 s26, v4;
	v22 =	vld.idx.msk [tilespmem:v15+s7+$0x0], $0xffff;
	v10 =	vand.u32 $0xFFFF0000, v10;
	v15 =	vand.u32 $0xFFFF0000, v7  }
0x321: {  	v23 =	vshll.u32 v13, $0x10;
	v7 =	vshll.u32 v7, $0x10;
	v10 =	vmul.f32 v15, v10  }
0x322: {  	v13 =	vand.u32 $0xFFFF0000, v13;
	s22 =	sadd.s32 $0x400, s22;
	v15 =	vmul.f32 v23, v19;
	v18 =	vmul.f32 v7, v18  }
0x323: {  	v13 =	vmul.f32 v13, v20;
	v7 =	vshll.u32 v11, $0x10;
	v23 =	vld.idx.msk [tilespmem:v16+s7+$0x0], $0xffff;
	v16 =	vshll.u32 v14, $0x10;
	[tilespmem:s22+$0x180] =	vst v10  }
0x324: {  	v11 =	vand.u32 $0xFFFF0000, v11;
	v14 =	vand.u32 $0xFFFF0000, v14;
	v10 =	vld.idx.msk [tilespmem:v17+s7+$0x0], $0xffff;
	[tilespmem:s22+$0xFFFFFF00] =	vst v15;
	v16 =	vmul.f32 v16, v7  }
0x325: {  	v20 =	vadd.s32 s23, v3;
	v14 =	vmul.f32 v14, v11;
	v7 =	vld.idx.msk [tilespmem:v21+s7+$0x0], $0xffff;
	[tilespmem:s22+$0xFFFFFF80] =	vst v13  }
.Ltmp4:
0x326: {  	v15 =	vadd.s32 s23, v2;
	s23 =	smov.u32 s24;
	s24 =	smov.u32 s25;
	v17 =	vshll.u32 v22, $0x10;
	v13 =	vld.idx.msk [tilespmem:v9+s7+$0x0], $0xffff;
	v9 =	vshll.u32 v12, $0x10;
	[tilespmem:s22+$0x0] =	vst v16;
	(pc) =	sbr.rel @p1 .LBB2_11-.Ltmp4, $4  }
0x327: {  	s0 =	sadd.s32 $0x1, s25;
	v11 =	vld.idx.msk [tilespmem:v8+s7+$0x0], $0xffff;
	v8 =	vand.u32 $0xFFFF0000, v12;
	v12 =	vand.u32 $0xFFFF0000, v22;
	v17 =	vmul.f32 v17, v9;
	[tilespmem:s22+$0x80] =	vst v14  }
0x328: {  	v16 =	vadd.s32 s0, v5;
	v9 =	vadd.s32 s0, v4;
	s0 =	sadd.s32 $0x2, s25;
	v14 =	vld.idx.msk [tilespmem:v6+s7+$0x0], $0xffff;
	v21 =	vmul.f32 v12, v8;
	[tilespmem:s22+$0x100] =	vst v18  }
0x329: {  	s26 =	sadd.s32 $0x3, s25;
	v8 =	vadd.s32 s0, v5;
	v6 =	vadd.s32 s0, v4;
	v19 =	vshll.u32 v23, $0x10;
	[tilespmem:s22+$0xFFFFFE00] =	vst v17  }
0x32a: {  	s25 =	sadd.s32 $0x4, s25;
	v17 =	vadd.s32 s26, v5;
	v18 =	vshll.u32 v10, $0x10;
	v12 =	vld.idx.msk [tilespmem:v20+s7+$0x0], $0xffff;
	v20 =	vand.u32 $0xFFFF0000, v23;
	[tilespmem:s22+$0xFFFFFE80] =	vst v21  }
0x32b: {  	_ =	sdelay $0x2  }
0x32c: {  	v4 =	vadd.s32 s26, v4  }
0x32d: {  	v5 =	vld.idx.msk [tilespmem:v15+s7+$0x0], $0xffff;
	v10 =	vand.u32 $0xFFFF0000, v10;
	v15 =	vand.u32 $0xFFFF0000, v7;
	v21 =	vshll.u32 v13, $0x10  }
0x32e: {  	v13 =	vand.u32 $0xFFFF0000, v13;
	v17 =	vld.idx.msk [tilespmem:v17+s7+$0x0], $0xffff;
	v3 =	vadd.s32 s23, v3;
	v10 =	vmul.f32 v15, v10  }
0x32f: {  	s0 =	sadd.s32 $0x400, s22;
	v2 =	vadd.s32 s23, v2;
	v7 =	vshll.u32 v7, $0x10;
	v15 =	vld.idx.msk [tilespmem:v16+s7+$0x0], $0xffff;
	v16 =	vmul.f32 v21, v19  }
0x330: {  	v9 =	vld.idx.msk [tilespmem:v9+s7+$0x0], $0xffff;
	v13 =	vmul.f32 v13, v20;
	v19 =	vshll.u32 v11, $0x10;
	v7 =	vmul.f32 v7, v18;
	[tilespmem:s0+$0x180] =	vst v10  }
0x331: {  	v20 =	vshll.u32 v14, $0x10;
	v10 =	vand.u32 $0xFFFF0000, v11;
	[tilespmem:s0+$0xFFFFFF00] =	vst v16;
	v11 =	vand.u32 $0xFFFF0000, v14;
	v4 =	vld.idx.msk [tilespmem:v4+s7+$0x0], $0xffff  }
0x332: {  	[tilespmem:s0+$0xFFFFFF80] =	vst v13;
	v10 =	vmul.f32 v11, v10;
	v11 =	vshll.u32 v12, $0x10;
	v13 =	vshll.u32 v5, $0x10  }
0x333: {  	v8 =	vld.idx.msk [tilespmem:v8+s7+$0x0], $0xffff;
	[tilespmem:s0+$0x100] =	vst v7;
	v12 =	vand.u32 $0xFFFF0000, v12;
	v5 =	vand.u32 $0xFFFF0000, v5;
	v11 =	vmul.f32 v13, v11  }
0x334: {  	v6 =	vld.idx.msk [tilespmem:v6+s7+$0x0], $0xffff;
	v14 =	vmul.f32 v20, v19;
	[tilespmem:s0+$0x80] =	vst v10;
	v5 =	vmul.f32 v5, v12  }
0x335: {  	v3 =	vld.idx.msk [tilespmem:v3+s7+$0x0], $0xffff;
	v7 =	vand.u32 $0xFFFF0000, v17;
	v12 =	vshll.u32 v15, $0x10;
	[tilespmem:s0+$0xFFFFFE00] =	vst v11;
	v11 =	vshll.u32 v9, $0x10  }
0x336: {  	v2 =	vld.idx.msk [tilespmem:v2+s7+$0x0], $0xffff;
	[tilespmem:s0+$0xFFFFFE80] =	vst v5;
	v5 =	vand.u32 $0xFFFF0000, v9;
	v9 =	vmul.f32 v11, v12;
	v10 =	vand.u32 $0xFFFF0000, v4  }
0x337: {  	[tilespmem:s0+$0x0] =	vst v14;
	s0 =	sadd.s32 $0x400, s0;
	v7 =	vmul.f32 v10, v7;
	v10 =	vand.u32 $0xFFFF0000, v15  }
0x338: {  	v4 =	vshll.u32 v4, $0x10;
	[tilespmem:s0+$0xFFFFFF00] =	vst v9;
	v9 =	vshll.u32 v17, $0x10;
	v5 =	vmul.f32 v5, v10  }
0x339: {  	v11 =	vshll.u32 v6, $0x10;
	v10 =	vshll.u32 v8, $0x10;
	v4 =	vmul.f32 v4, v9;
	[tilespmem:s0+$0x180] =	vst v7  }
0x33a: {  	v6 =	vand.u32 $0xFFFF0000, v6;
	v7 =	vand.u32 $0xFFFF0000, v8;
	v8 =	vmul.f32 v11, v10;
	[tilespmem:s0+$0xFFFFFF80] =	vst v5  }
0x33b: {  	v5 =	vmul.f32 v6, v7;
	v6 =	vshll.u32 v3, $0x10;
	v7 =	vshll.u32 v2, $0x10;
	[tilespmem:s0+$0x100] =	vst v4  }
0x33c: {  	v3 =	vand.u32 $0xFFFF0000, v3;
	v2 =	vand.u32 $0xFFFF0000, v2;
	[tilespmem:s0+$0x0] =	vst v8;
	v6 =	vmul.f32 v7, v6  }
0x33d: {  	v2 =	vmul.f32 v2, v3;
	[tilespmem:s0+$0x80] =	vst v5  }
0x33e: {  	[tilespmem:s0+$0xFFFFFE00] =	vst v6  }
0x33f: {  	[tilespmem:s0+$0xFFFFFE80] =	vst v2  }
0x340: {  	v5 =	vld [tilespmem:$0x14250];
	_ =	sdelay $0x1  }
0x341: {  	v4 =	vld [tilespmem:$0x142D0];
	_ =	sdelay $0x1  }
0x342: {  	s23 =	simm.s32 $0x1  }
0x343: {  	s1 =	simm.s32 $0x3;
	v2 =	vadd.s32 s23, v5  }
0x344: {  	v3 =	vadd.s32 s1, v5  }
0x345: {  	v6 =	vadd.s32 s1, v4  }
0x346: {  	s24 =	simm.s32 $0x2;
	v7 =	vadd.s32 s23, v4  }
0x347: {  	v8 =	vadd.s32 s24, v5  }
0x348: {  	v9 =	vadd.s32 s24, v4;
	v10 =	vld.idx.msk [tilespmem:v2+s7+$0x0], $0xffff  }
0x349: {  	v11 =	vld.idx.msk [tilespmem:v3+s7+$0x0], $0xffff  }
0x34a: {  	s25 =	simm.s32 $0x5;
	v6 =	vld.idx.msk [tilespmem:v6+s7+$0x0], $0xffff  }
0x34b: {  	s26 =	simm.s32 $0x6;
	v12 =	vadd.s32 s25, v5;
	v7 =	vld.idx.msk [tilespmem:v7+s7+$0x0], $0xffff  }
0x34c: {  	s28 =	simm.s32 $0x7;
	v13 =	vadd.s32 s25, v4;
	v14 =	vadd.s32 s26, v5;
	v17 =	vadd.s32 s26, v4;
	v8 =	vld.idx.msk [tilespmem:v8+s7+$0x0], $0xffff  }
0x34d: {  	v16 =	vadd.s32 s28, v5;
	v21 =	vadd.s32 s28, v4;
	v3 =	vadd.s32 $0x4, v5;
	v9 =	vld.idx.msk [tilespmem:v9+s7+$0x0], $0xffff  }
0x34e: {  	v2 =	vadd.s32 $0x4, v4;
	v15 =	vshll.u32 v10, $0x10;
	v10 =	vand.u32 $0xFFFF0000, v10  }
0x34f: {  	v22 =	vld.idx.msk [tilespmem:v4+s7+$0x0], $0xffff;
	v19 =	vshll.u32 v11, $0x10;
	v11 =	vand.u32 $0xFFFF0000, v11;
	v20 =	vand.u32 $0xFFFF0000, v6  }
0x350: {  	v18 =	vld.idx.msk [tilespmem:v5+s7+$0x0], $0xffff;
	v23 =	vshll.u32 v7, $0x10;
	v7 =	vand.u32 $0xFFFF0000, v7;
	v11 =	vmul.f32 v20, v11  }
0x351: {  	s22 =	simm.s32 $0x14550;
	v6 =	vshll.u32 v6, $0x10;
	v15 =	vmul.f32 v23, v15;
	v7 =	vmul.f32 v7, v10  }
0x352: {  	s29 =	simm.s32 $0x0;
	v10 =	vshll.u32 v8, $0x10;
	v20 =	vshll.u32 v9, $0x10;
	v8 =	vand.u32 $0xFFFF0000, v8;
	[tilespmem:s22+$0x180] =	vst v11  }
0x353: {  	v23 =	vld.idx.msk [tilespmem:v12+s7+$0x0], $0xffff;
	v9 =	vand.u32 $0xFFFF0000, v9;
	v6 =	vmul.f32 v6, v19;
	v12 =	vadd.s32 s29, v3;
	[tilespmem:s22+$0xFFFFFF00] =	vst v15  }
0x354: {  	v19 =	vand.u32 $0xFFFF0000, v22;
	v8 =	vmul.f32 v9, v8;
	v11 =	vmul.f32 v20, v10;
	v10 =	vld.idx.msk [tilespmem:v16+s7+$0x0], $0xffff;
	[tilespmem:s22+$0xFFFFFF80] =	vst v7  }
0x355: {  	v9 =	vshll.u32 v18, $0x10;
	v18 =	vand.u32 $0xFFFF0000, v18;
	v7 =	vld.idx.msk [tilespmem:v21+s7+$0x0], $0xffff;
	v15 =	vadd.s32 s29, v2;
	[tilespmem:s22+$0x100] =	vst v6  }
0x356: {  	s30 =	simm.s32 $0x9;
	v13 =	vld.idx.msk [tilespmem:v13+s7+$0x0], $0xffff;
	v16 =	vshll.u32 v22, $0x10;
	v21 =	vmul.f32 v19, v18;
	[tilespmem:s22+$0x80] =	vst v8  }
0x357: {  	s31 =	simm.s32 $0xA;
	s26 =	simm.s32 $0xB;
	v20 =	vmul.f32 v16, v9;
	v16 =	vadd.s32 s30, v5;
	v9 =	vadd.s32 s30, v4;
	[tilespmem:s22+$0x0] =	vst v11;
	v11 =	vld.idx.msk [tilespmem:v14+s7+$0x0], $0xffff  }
0x358: {  	v6 =	vadd.s32 s31, v4;
	v8 =	vadd.s32 s31, v5;
	v14 =	vld.idx.msk [tilespmem:v17+s7+$0x0], $0xffff;
	v17 =	vadd.s32 s26, v5;
	[tilespmem:s22+$0xFFFFFE80] =	vst v21  }
0x359: {  	s23 =	simm.s32 $0x4;
	s24 =	simm.s32 $0x8;
	s25 =	simm.s32 $0xC;
	v19 =	vshll.u32 v23, $0x10;
	[tilespmem:s22+$0xFFFFFE00] =	vst v20;
	v12 =	vld.idx.msk [tilespmem:v12+s7+$0x0], $0xffff;
	v20 =	vand.u32 $0xFFFF0000, v23;
	v18 =	vshll.u32 v10, $0x10  }
.LBB2_13:
0x35a: {  	p1 =	slt.u32 s25, $0x1C;
	v21 =	vadd.s32 s26, v4;
	v22 =	vld.idx.msk [tilespmem:v15+s7+$0x0], $0xffff;
	v10 =	vand.u32 $0xFFFF0000, v10;
	v15 =	vand.u32 $0xFFFF0000, v7  }
0x35b: {  	v23 =	vshll.u32 v13, $0x10;
	v7 =	vshll.u32 v7, $0x10;
	v10 =	vmul.f32 v15, v10  }
0x35c: {  	v13 =	vand.u32 $0xFFFF0000, v13;
	s22 =	sadd.s32 $0x400, s22;
	v15 =	vmul.f32 v23, v19;
	v18 =	vmul.f32 v7, v18  }
0x35d: {  	v13 =	vmul.f32 v13, v20;
	v7 =	vshll.u32 v11, $0x10;
	v23 =	vld.idx.msk [tilespmem:v16+s7+$0x0], $0xffff;
	v16 =	vshll.u32 v14, $0x10;
	[tilespmem:s22+$0x180] =	vst v10  }
0x35e: {  	v11 =	vand.u32 $0xFFFF0000, v11;
	v14 =	vand.u32 $0xFFFF0000, v14;
	v10 =	vld.idx.msk [tilespmem:v17+s7+$0x0], $0xffff;
	[tilespmem:s22+$0xFFFFFF00] =	vst v15;
	v16 =	vmul.f32 v16, v7  }
0x35f: {  	v20 =	vadd.s32 s23, v3;
	v14 =	vmul.f32 v14, v11;
	v7 =	vld.idx.msk [tilespmem:v21+s7+$0x0], $0xffff;
	[tilespmem:s22+$0xFFFFFF80] =	vst v13  }
.Ltmp5:
0x360: {  	v15 =	vadd.s32 s23, v2;
	s23 =	smov.u32 s24;
	s24 =	smov.u32 s25;
	v17 =	vshll.u32 v22, $0x10;
	v13 =	vld.idx.msk [tilespmem:v9+s7+$0x0], $0xffff;
	v9 =	vshll.u32 v12, $0x10;
	[tilespmem:s22+$0x0] =	vst v16;
	(pc) =	sbr.rel @p1 .LBB2_13-.Ltmp5, $4  }
0x361: {  	s0 =	sadd.s32 $0x1, s25;
	v11 =	vld.idx.msk [tilespmem:v8+s7+$0x0], $0xffff;
	v8 =	vand.u32 $0xFFFF0000, v12;
	v12 =	vand.u32 $0xFFFF0000, v22;
	v17 =	vmul.f32 v17, v9;
	[tilespmem:s22+$0x80] =	vst v14  }
0x362: {  	v16 =	vadd.s32 s0, v5;
	v9 =	vadd.s32 s0, v4;
	s0 =	sadd.s32 $0x2, s25;
	v14 =	vld.idx.msk [tilespmem:v6+s7+$0x0], $0xffff;
	v21 =	vmul.f32 v12, v8;
	[tilespmem:s22+$0x100] =	vst v18  }
0x363: {  	s26 =	sadd.s32 $0x3, s25;
	v8 =	vadd.s32 s0, v5;
	v6 =	vadd.s32 s0, v4;
	v19 =	vshll.u32 v23, $0x10;
	[tilespmem:s22+$0xFFFFFE00] =	vst v17  }
0x364: {  	s25 =	sadd.s32 $0x4, s25;
	v17 =	vadd.s32 s26, v5;
	v18 =	vshll.u32 v10, $0x10;
	v12 =	vld.idx.msk [tilespmem:v20+s7+$0x0], $0xffff;
	v20 =	vand.u32 $0xFFFF0000, v23;
	[tilespmem:s22+$0xFFFFFE80] =	vst v21  }
0x365: {  	_ =	sdelay $0x2  }
0x366: {  	v4 =	vadd.s32 s26, v4  }
0x367: {  	v5 =	vld.idx.msk [tilespmem:v15+s7+$0x0], $0xffff;
	v10 =	vand.u32 $0xFFFF0000, v10;
	v15 =	vand.u32 $0xFFFF0000, v7;
	v21 =	vshll.u32 v13, $0x10  }
0x368: {  	v13 =	vand.u32 $0xFFFF0000, v13;
	v17 =	vld.idx.msk [tilespmem:v17+s7+$0x0], $0xffff;
	v3 =	vadd.s32 s23, v3;
	v10 =	vmul.f32 v15, v10  }
0x369: {  	s0 =	sadd.s32 $0x400, s22;
	v2 =	vadd.s32 s23, v2;
	v7 =	vshll.u32 v7, $0x10;
	v15 =	vld.idx.msk [tilespmem:v16+s7+$0x0], $0xffff;
	v16 =	vmul.f32 v21, v19  }
0x36a: {  	v9 =	vld.idx.msk [tilespmem:v9+s7+$0x0], $0xffff;
	v13 =	vmul.f32 v13, v20;
	v19 =	vshll.u32 v11, $0x10;
	v7 =	vmul.f32 v7, v18;
	[tilespmem:s0+$0x180] =	vst v10  }
0x36b: {  	v20 =	vshll.u32 v14, $0x10;
	v10 =	vand.u32 $0xFFFF0000, v11;
	[tilespmem:s0+$0xFFFFFF00] =	vst v16;
	v11 =	vand.u32 $0xFFFF0000, v14;
	v4 =	vld.idx.msk [tilespmem:v4+s7+$0x0], $0xffff  }
0x36c: {  	[tilespmem:s0+$0xFFFFFF80] =	vst v13;
	v10 =	vmul.f32 v11, v10;
	v11 =	vshll.u32 v12, $0x10;
	v13 =	vshll.u32 v5, $0x10  }
0x36d: {  	v8 =	vld.idx.msk [tilespmem:v8+s7+$0x0], $0xffff;
	[tilespmem:s0+$0x100] =	vst v7;
	v12 =	vand.u32 $0xFFFF0000, v12;
	v5 =	vand.u32 $0xFFFF0000, v5;
	v11 =	vmul.f32 v13, v11  }
0x36e: {  	v6 =	vld.idx.msk [tilespmem:v6+s7+$0x0], $0xffff;
	v14 =	vmul.f32 v20, v19;
	[tilespmem:s0+$0x80] =	vst v10;
	v5 =	vmul.f32 v5, v12  }
0x36f: {  	v3 =	vld.idx.msk [tilespmem:v3+s7+$0x0], $0xffff;
	v7 =	vand.u32 $0xFFFF0000, v17;
	v12 =	vshll.u32 v15, $0x10;
	[tilespmem:s0+$0xFFFFFE00] =	vst v11;
	v11 =	vshll.u32 v9, $0x10  }
0x370: {  	v2 =	vld.idx.msk [tilespmem:v2+s7+$0x0], $0xffff;
	[tilespmem:s0+$0xFFFFFE80] =	vst v5;
	v5 =	vand.u32 $0xFFFF0000, v9;
	v9 =	vmul.f32 v11, v12;
	v10 =	vand.u32 $0xFFFF0000, v4  }
0x371: {  	[tilespmem:s0+$0x0] =	vst v14;
	s0 =	sadd.s32 $0x400, s0;
	v7 =	vmul.f32 v10, v7;
	v10 =	vand.u32 $0xFFFF0000, v15  }
0x372: {  	v4 =	vshll.u32 v4, $0x10;
	[tilespmem:s0+$0xFFFFFF00] =	vst v9;
	v9 =	vshll.u32 v17, $0x10;
	v5 =	vmul.f32 v5, v10  }
0x373: {  	v11 =	vshll.u32 v6, $0x10;
	v10 =	vshll.u32 v8, $0x10;
	v4 =	vmul.f32 v4, v9;
	[tilespmem:s0+$0x180] =	vst v7  }
0x374: {  	v6 =	vand.u32 $0xFFFF0000, v6;
	v7 =	vand.u32 $0xFFFF0000, v8;
	v8 =	vmul.f32 v11, v10;
	[tilespmem:s0+$0xFFFFFF80] =	vst v5  }
0x375: {  	v5 =	vmul.f32 v6, v7;
	v6 =	vshll.u32 v3, $0x10;
	v7 =	vshll.u32 v2, $0x10;
	[tilespmem:s0+$0x100] =	vst v4  }
0x376: {  	v3 =	vand.u32 $0xFFFF0000, v3;
	v2 =	vand.u32 $0xFFFF0000, v2;
	[tilespmem:s0+$0x0] =	vst v8;
	v6 =	vmul.f32 v7, v6  }
0x377: {  	v2 =	vmul.f32 v2, v3;
	[tilespmem:s0+$0x80] =	vst v5  }
0x378: {  	[tilespmem:s0+$0xFFFFFE00] =	vst v6  }
0x379: {  	[tilespmem:s0+$0xFFFFFE80] =	vst v2  }
0x37a: {  	v5 =	vld [tilespmem:$0x14260];
	_ =	sdelay $0x1  }
0x37b: {  	v4 =	vld [tilespmem:$0x142E0];
	_ =	sdelay $0x1  }
0x37c: {  	s23 =	simm.s32 $0x1  }
0x37d: {  	s1 =	simm.s32 $0x3;
	v2 =	vadd.s32 s23, v5  }
0x37e: {  	v3 =	vadd.s32 s1, v5  }
0x37f: {  	v6 =	vadd.s32 s1, v4  }
0x380: {  	s24 =	simm.s32 $0x2;
	v7 =	vadd.s32 s23, v4  }
0x381: {  	v8 =	vadd.s32 s24, v5  }
0x382: {  	v9 =	vadd.s32 s24, v4;
	v10 =	vld.idx.msk [tilespmem:v2+s7+$0x0], $0xffff  }
0x383: {  	v11 =	vld.idx.msk [tilespmem:v3+s7+$0x0], $0xffff  }
0x384: {  	s25 =	simm.s32 $0x5;
	v6 =	vld.idx.msk [tilespmem:v6+s7+$0x0], $0xffff  }
0x385: {  	s26 =	simm.s32 $0x6;
	v12 =	vadd.s32 s25, v5;
	v7 =	vld.idx.msk [tilespmem:v7+s7+$0x0], $0xffff  }
0x386: {  	s28 =	simm.s32 $0x7;
	v13 =	vadd.s32 s25, v4;
	v14 =	vadd.s32 s26, v5;
	v17 =	vadd.s32 s26, v4;
	v8 =	vld.idx.msk [tilespmem:v8+s7+$0x0], $0xffff  }
0x387: {  	v16 =	vadd.s32 s28, v5;
	v21 =	vadd.s32 s28, v4;
	v3 =	vadd.s32 $0x4, v5;
	v9 =	vld.idx.msk [tilespmem:v9+s7+$0x0], $0xffff  }
0x388: {  	v2 =	vadd.s32 $0x4, v4;
	v15 =	vshll.u32 v10, $0x10;
	v10 =	vand.u32 $0xFFFF0000, v10  }
0x389: {  	v22 =	vld.idx.msk [tilespmem:v4+s7+$0x0], $0xffff;
	v19 =	vshll.u32 v11, $0x10;
	v11 =	vand.u32 $0xFFFF0000, v11;
	v20 =	vand.u32 $0xFFFF0000, v6  }
0x38a: {  	v18 =	vld.idx.msk [tilespmem:v5+s7+$0x0], $0xffff;
	v23 =	vshll.u32 v7, $0x10;
	v7 =	vand.u32 $0xFFFF0000, v7;
	v11 =	vmul.f32 v20, v11  }
0x38b: {  	s22 =	simm.s32 $0x14560;
	v6 =	vshll.u32 v6, $0x10;
	v15 =	vmul.f32 v23, v15;
	v7 =	vmul.f32 v7, v10  }
0x38c: {  	s29 =	simm.s32 $0x0;
	v10 =	vshll.u32 v8, $0x10;
	v20 =	vshll.u32 v9, $0x10;
	v8 =	vand.u32 $0xFFFF0000, v8;
	[tilespmem:s22+$0x180] =	vst v11  }
0x38d: {  	v23 =	vld.idx.msk [tilespmem:v12+s7+$0x0], $0xffff;
	v9 =	vand.u32 $0xFFFF0000, v9;
	v6 =	vmul.f32 v6, v19;
	v12 =	vadd.s32 s29, v3;
	[tilespmem:s22+$0xFFFFFF00] =	vst v15  }
0x38e: {  	v19 =	vand.u32 $0xFFFF0000, v22;
	v8 =	vmul.f32 v9, v8;
	v11 =	vmul.f32 v20, v10;
	v10 =	vld.idx.msk [tilespmem:v16+s7+$0x0], $0xffff;
	[tilespmem:s22+$0xFFFFFF80] =	vst v7  }
0x38f: {  	v9 =	vshll.u32 v18, $0x10;
	v18 =	vand.u32 $0xFFFF0000, v18;
	v7 =	vld.idx.msk [tilespmem:v21+s7+$0x0], $0xffff;
	v15 =	vadd.s32 s29, v2;
	[tilespmem:s22+$0x100] =	vst v6  }
0x390: {  	s30 =	simm.s32 $0x9;
	v13 =	vld.idx.msk [tilespmem:v13+s7+$0x0], $0xffff;
	v16 =	vshll.u32 v22, $0x10;
	v21 =	vmul.f32 v19, v18;
	[tilespmem:s22+$0x80] =	vst v8  }
0x391: {  	s31 =	simm.s32 $0xA;
	s26 =	simm.s32 $0xB;
	v20 =	vmul.f32 v16, v9;
	v16 =	vadd.s32 s30, v5;
	v9 =	vadd.s32 s30, v4;
	[tilespmem:s22+$0x0] =	vst v11;
	v11 =	vld.idx.msk [tilespmem:v14+s7+$0x0], $0xffff  }
0x392: {  	v6 =	vadd.s32 s31, v4;
	v8 =	vadd.s32 s31, v5;
	v14 =	vld.idx.msk [tilespmem:v17+s7+$0x0], $0xffff;
	v17 =	vadd.s32 s26, v5;
	[tilespmem:s22+$0xFFFFFE80] =	vst v21  }
0x393: {  	s23 =	simm.s32 $0x4;
	s24 =	simm.s32 $0x8;
	s25 =	simm.s32 $0xC;
	v19 =	vshll.u32 v23, $0x10;
	[tilespmem:s22+$0xFFFFFE00] =	vst v20;
	v12 =	vld.idx.msk [tilespmem:v12+s7+$0x0], $0xffff;
	v20 =	vand.u32 $0xFFFF0000, v23;
	v18 =	vshll.u32 v10, $0x10  }
.LBB2_15:
0x394: {  	p1 =	slt.u32 s25, $0x1C;
	v21 =	vadd.s32 s26, v4;
	v22 =	vld.idx.msk [tilespmem:v15+s7+$0x0], $0xffff;
	v10 =	vand.u32 $0xFFFF0000, v10;
	v15 =	vand.u32 $0xFFFF0000, v7  }
0x395: {  	v23 =	vshll.u32 v13, $0x10;
	v7 =	vshll.u32 v7, $0x10;
	v10 =	vmul.f32 v15, v10  }
0x396: {  	v13 =	vand.u32 $0xFFFF0000, v13;
	s22 =	sadd.s32 $0x400, s22;
	v15 =	vmul.f32 v23, v19;
	v18 =	vmul.f32 v7, v18  }
0x397: {  	v13 =	vmul.f32 v13, v20;
	v7 =	vshll.u32 v11, $0x10;
	v23 =	vld.idx.msk [tilespmem:v16+s7+$0x0], $0xffff;
	v16 =	vshll.u32 v14, $0x10;
	[tilespmem:s22+$0x180] =	vst v10  }
0x398: {  	v11 =	vand.u32 $0xFFFF0000, v11;
	v14 =	vand.u32 $0xFFFF0000, v14;
	v10 =	vld.idx.msk [tilespmem:v17+s7+$0x0], $0xffff;
	[tilespmem:s22+$0xFFFFFF00] =	vst v15;
	v16 =	vmul.f32 v16, v7  }
0x399: {  	v20 =	vadd.s32 s23, v3;
	v14 =	vmul.f32 v14, v11;
	v7 =	vld.idx.msk [tilespmem:v21+s7+$0x0], $0xffff;
	[tilespmem:s22+$0xFFFFFF80] =	vst v13  }
.Ltmp6:
0x39a: {  	v15 =	vadd.s32 s23, v2;
	s23 =	smov.u32 s24;
	s24 =	smov.u32 s25;
	v17 =	vshll.u32 v22, $0x10;
	v13 =	vld.idx.msk [tilespmem:v9+s7+$0x0], $0xffff;
	v9 =	vshll.u32 v12, $0x10;
	[tilespmem:s22+$0x0] =	vst v16;
	(pc) =	sbr.rel @p1 .LBB2_15-.Ltmp6, $4  }
0x39b: {  	s0 =	sadd.s32 $0x1, s25;
	v11 =	vld.idx.msk [tilespmem:v8+s7+$0x0], $0xffff;
	v8 =	vand.u32 $0xFFFF0000, v12;
	v12 =	vand.u32 $0xFFFF0000, v22;
	v17 =	vmul.f32 v17, v9;
	[tilespmem:s22+$0x80] =	vst v14  }
0x39c: {  	v16 =	vadd.s32 s0, v5;
	v9 =	vadd.s32 s0, v4;
	s0 =	sadd.s32 $0x2, s25;
	v14 =	vld.idx.msk [tilespmem:v6+s7+$0x0], $0xffff;
	v21 =	vmul.f32 v12, v8;
	[tilespmem:s22+$0x100] =	vst v18  }
0x39d: {  	s26 =	sadd.s32 $0x3, s25;
	v8 =	vadd.s32 s0, v5;
	v6 =	vadd.s32 s0, v4;
	v19 =	vshll.u32 v23, $0x10;
	[tilespmem:s22+$0xFFFFFE00] =	vst v17  }
0x39e: {  	s25 =	sadd.s32 $0x4, s25;
	v17 =	vadd.s32 s26, v5;
	v18 =	vshll.u32 v10, $0x10;
	v12 =	vld.idx.msk [tilespmem:v20+s7+$0x0], $0xffff;
	v20 =	vand.u32 $0xFFFF0000, v23;
	[tilespmem:s22+$0xFFFFFE80] =	vst v21  }
0x39f: {  	_ =	sdelay $0x2  }
0x3a0: {  	v4 =	vadd.s32 s26, v4  }
0x3a1: {  	v5 =	vld.idx.msk [tilespmem:v15+s7+$0x0], $0xffff;
	v10 =	vand.u32 $0xFFFF0000, v10;
	v15 =	vand.u32 $0xFFFF0000, v7;
	v21 =	vshll.u32 v13, $0x10  }
0x3a2: {  	v13 =	vand.u32 $0xFFFF0000, v13;
	v17 =	vld.idx.msk [tilespmem:v17+s7+$0x0], $0xffff;
	v3 =	vadd.s32 s23, v3;
	v10 =	vmul.f32 v15, v10  }
0x3a3: {  	s0 =	sadd.s32 $0x400, s22;
	v2 =	vadd.s32 s23, v2;
	v7 =	vshll.u32 v7, $0x10;
	v15 =	vld.idx.msk [tilespmem:v16+s7+$0x0], $0xffff;
	v16 =	vmul.f32 v21, v19  }
0x3a4: {  	v9 =	vld.idx.msk [tilespmem:v9+s7+$0x0], $0xffff;
	v13 =	vmul.f32 v13, v20;
	v19 =	vshll.u32 v11, $0x10;
	v7 =	vmul.f32 v7, v18;
	[tilespmem:s0+$0x180] =	vst v10  }
0x3a5: {  	v20 =	vshll.u32 v14, $0x10;
	v10 =	vand.u32 $0xFFFF0000, v11;
	[tilespmem:s0+$0xFFFFFF00] =	vst v16;
	v11 =	vand.u32 $0xFFFF0000, v14;
	v4 =	vld.idx.msk [tilespmem:v4+s7+$0x0], $0xffff  }
0x3a6: {  	[tilespmem:s0+$0xFFFFFF80] =	vst v13;
	v10 =	vmul.f32 v11, v10;
	v11 =	vshll.u32 v12, $0x10;
	v13 =	vshll.u32 v5, $0x10  }
0x3a7: {  	v8 =	vld.idx.msk [tilespmem:v8+s7+$0x0], $0xffff;
	[tilespmem:s0+$0x100] =	vst v7;
	v12 =	vand.u32 $0xFFFF0000, v12;
	v5 =	vand.u32 $0xFFFF0000, v5;
	v11 =	vmul.f32 v13, v11  }
0x3a8: {  	v6 =	vld.idx.msk [tilespmem:v6+s7+$0x0], $0xffff;
	v14 =	vmul.f32 v20, v19;
	[tilespmem:s0+$0x80] =	vst v10;
	v5 =	vmul.f32 v5, v12  }
0x3a9: {  	v3 =	vld.idx.msk [tilespmem:v3+s7+$0x0], $0xffff;
	v7 =	vand.u32 $0xFFFF0000, v17;
	v12 =	vshll.u32 v15, $0x10;
	[tilespmem:s0+$0xFFFFFE00] =	vst v11;
	v11 =	vshll.u32 v9, $0x10  }
0x3aa: {  	v2 =	vld.idx.msk [tilespmem:v2+s7+$0x0], $0xffff;
	[tilespmem:s0+$0xFFFFFE80] =	vst v5;
	v5 =	vand.u32 $0xFFFF0000, v9;
	v9 =	vmul.f32 v11, v12;
	v10 =	vand.u32 $0xFFFF0000, v4  }
0x3ab: {  	[tilespmem:s0+$0x0] =	vst v14;
	s0 =	sadd.s32 $0x400, s0;
	v7 =	vmul.f32 v10, v7;
	v10 =	vand.u32 $0xFFFF0000, v15  }
0x3ac: {  	v4 =	vshll.u32 v4, $0x10;
	[tilespmem:s0+$0xFFFFFF00] =	vst v9;
	v9 =	vshll.u32 v17, $0x10;
	v5 =	vmul.f32 v5, v10  }
0x3ad: {  	v11 =	vshll.u32 v6, $0x10;
	v10 =	vshll.u32 v8, $0x10;
	v4 =	vmul.f32 v4, v9;
	[tilespmem:s0+$0x180] =	vst v7  }
0x3ae: {  	v6 =	vand.u32 $0xFFFF0000, v6;
	v7 =	vand.u32 $0xFFFF0000, v8;
	v8 =	vmul.f32 v11, v10;
	[tilespmem:s0+$0xFFFFFF80] =	vst v5  }
0x3af: {  	v5 =	vmul.f32 v6, v7;
	v6 =	vshll.u32 v3, $0x10;
	v7 =	vshll.u32 v2, $0x10;
	[tilespmem:s0+$0x100] =	vst v4  }
0x3b0: {  	v3 =	vand.u32 $0xFFFF0000, v3;
	v2 =	vand.u32 $0xFFFF0000, v2;
	[tilespmem:s0+$0x0] =	vst v8;
	v6 =	vmul.f32 v7, v6  }
0x3b1: {  	v2 =	vmul.f32 v2, v3;
	[tilespmem:s0+$0x80] =	vst v5  }
0x3b2: {  	[tilespmem:s0+$0xFFFFFE00] =	vst v6  }
0x3b3: {  	[tilespmem:s0+$0xFFFFFE80] =	vst v2  }
0x3b4: {  	v5 =	vld [tilespmem:$0x14270];
	_ =	sdelay $0x1  }
0x3b5: {  	v4 =	vld [tilespmem:$0x142F0];
	_ =	sdelay $0x1  }
0x3b6: {  	s23 =	simm.s32 $0x1  }
0x3b7: {  	s1 =	simm.s32 $0x3;
	v2 =	vadd.s32 s23, v5  }
0x3b8: {  	v3 =	vadd.s32 s1, v5  }
0x3b9: {  	v6 =	vadd.s32 s1, v4  }
0x3ba: {  	s24 =	simm.s32 $0x2;
	v7 =	vadd.s32 s23, v4  }
0x3bb: {  	v8 =	vadd.s32 s24, v5  }
0x3bc: {  	v9 =	vadd.s32 s24, v4;
	v10 =	vld.idx.msk [tilespmem:v2+s7+$0x0], $0xffff  }
0x3bd: {  	v11 =	vld.idx.msk [tilespmem:v3+s7+$0x0], $0xffff  }
0x3be: {  	s25 =	simm.s32 $0x5;
	v6 =	vld.idx.msk [tilespmem:v6+s7+$0x0], $0xffff  }
0x3bf: {  	s26 =	simm.s32 $0x6;
	v12 =	vadd.s32 s25, v5;
	v7 =	vld.idx.msk [tilespmem:v7+s7+$0x0], $0xffff  }
0x3c0: {  	s28 =	simm.s32 $0x7;
	v13 =	vadd.s32 s25, v4;
	v14 =	vadd.s32 s26, v5;
	v17 =	vadd.s32 s26, v4;
	v8 =	vld.idx.msk [tilespmem:v8+s7+$0x0], $0xffff  }
0x3c1: {  	v16 =	vadd.s32 s28, v5;
	v21 =	vadd.s32 s28, v4;
	v3 =	vadd.s32 $0x4, v5;
	v9 =	vld.idx.msk [tilespmem:v9+s7+$0x0], $0xffff  }
0x3c2: {  	v2 =	vadd.s32 $0x4, v4;
	v15 =	vshll.u32 v10, $0x10;
	v10 =	vand.u32 $0xFFFF0000, v10  }
0x3c3: {  	v22 =	vld.idx.msk [tilespmem:v4+s7+$0x0], $0xffff;
	v19 =	vshll.u32 v11, $0x10;
	v11 =	vand.u32 $0xFFFF0000, v11;
	v20 =	vand.u32 $0xFFFF0000, v6  }
0x3c4: {  	v18 =	vld.idx.msk [tilespmem:v5+s7+$0x0], $0xffff;
	v23 =	vshll.u32 v7, $0x10;
	v7 =	vand.u32 $0xFFFF0000, v7;
	v11 =	vmul.f32 v20, v11  }
0x3c5: {  	s22 =	simm.s32 $0x14570;
	v6 =	vshll.u32 v6, $0x10;
	v15 =	vmul.f32 v23, v15;
	v7 =	vmul.f32 v7, v10  }
0x3c6: {  	s29 =	simm.s32 $0x0;
	v10 =	vshll.u32 v8, $0x10;
	v20 =	vshll.u32 v9, $0x10;
	v8 =	vand.u32 $0xFFFF0000, v8;
	[tilespmem:s22+$0x180] =	vst v11  }
0x3c7: {  	v23 =	vld.idx.msk [tilespmem:v12+s7+$0x0], $0xffff;
	v9 =	vand.u32 $0xFFFF0000, v9;
	v6 =	vmul.f32 v6, v19;
	v12 =	vadd.s32 s29, v3;
	[tilespmem:s22+$0xFFFFFF00] =	vst v15  }
0x3c8: {  	v19 =	vand.u32 $0xFFFF0000, v22;
	v8 =	vmul.f32 v9, v8;
	v11 =	vmul.f32 v20, v10;
	v10 =	vld.idx.msk [tilespmem:v16+s7+$0x0], $0xffff;
	[tilespmem:s22+$0xFFFFFF80] =	vst v7  }
0x3c9: {  	v9 =	vshll.u32 v18, $0x10;
	v18 =	vand.u32 $0xFFFF0000, v18;
	v7 =	vld.idx.msk [tilespmem:v21+s7+$0x0], $0xffff;
	v15 =	vadd.s32 s29, v2;
	[tilespmem:s22+$0x100] =	vst v6  }
0x3ca: {  	s30 =	simm.s32 $0x9;
	v13 =	vld.idx.msk [tilespmem:v13+s7+$0x0], $0xffff;
	v16 =	vshll.u32 v22, $0x10;
	v21 =	vmul.f32 v19, v18;
	[tilespmem:s22+$0x80] =	vst v8  }
0x3cb: {  	s31 =	simm.s32 $0xA;
	s26 =	simm.s32 $0xB;
	v20 =	vmul.f32 v16, v9;
	v16 =	vadd.s32 s30, v5;
	v9 =	vadd.s32 s30, v4;
	[tilespmem:s22+$0x0] =	vst v11;
	v11 =	vld.idx.msk [tilespmem:v14+s7+$0x0], $0xffff  }
0x3cc: {  	v6 =	vadd.s32 s31, v4;
	v8 =	vadd.s32 s31, v5;
	v14 =	vld.idx.msk [tilespmem:v17+s7+$0x0], $0xffff;
	v17 =	vadd.s32 s26, v5;
	[tilespmem:s22+$0xFFFFFE80] =	vst v21  }
0x3cd: {  	s23 =	simm.s32 $0x4;
	s24 =	simm.s32 $0x8;
	s25 =	simm.s32 $0xC;
	v19 =	vshll.u32 v23, $0x10;
	[tilespmem:s22+$0xFFFFFE00] =	vst v20;
	v12 =	vld.idx.msk [tilespmem:v12+s7+$0x0], $0xffff;
	v20 =	vand.u32 $0xFFFF0000, v23;
	v18 =	vshll.u32 v10, $0x10  }
.LBB2_17:
0x3ce: {  	p1 =	slt.u32 s25, $0x1C;
	v21 =	vadd.s32 s26, v4;
	v22 =	vld.idx.msk [tilespmem:v15+s7+$0x0], $0xffff;
	v10 =	vand.u32 $0xFFFF0000, v10;
	v15 =	vand.u32 $0xFFFF0000, v7  }
0x3cf: {  	v23 =	vshll.u32 v13, $0x10;
	v7 =	vshll.u32 v7, $0x10;
	v10 =	vmul.f32 v15, v10  }
0x3d0: {  	v13 =	vand.u32 $0xFFFF0000, v13;
	s22 =	sadd.s32 $0x400, s22;
	v15 =	vmul.f32 v23, v19;
	v18 =	vmul.f32 v7, v18  }
0x3d1: {  	v13 =	vmul.f32 v13, v20;
	v7 =	vshll.u32 v11, $0x10;
	v23 =	vld.idx.msk [tilespmem:v16+s7+$0x0], $0xffff;
	v16 =	vshll.u32 v14, $0x10;
	[tilespmem:s22+$0x180] =	vst v10  }
0x3d2: {  	v11 =	vand.u32 $0xFFFF0000, v11;
	v14 =	vand.u32 $0xFFFF0000, v14;
	v10 =	vld.idx.msk [tilespmem:v17+s7+$0x0], $0xffff;
	[tilespmem:s22+$0xFFFFFF00] =	vst v15;
	v16 =	vmul.f32 v16, v7  }
0x3d3: {  	v20 =	vadd.s32 s23, v3;
	v14 =	vmul.f32 v14, v11;
	v7 =	vld.idx.msk [tilespmem:v21+s7+$0x0], $0xffff;
	[tilespmem:s22+$0xFFFFFF80] =	vst v13  }
.Ltmp7:
0x3d4: {  	v15 =	vadd.s32 s23, v2;
	s23 =	smov.u32 s24;
	s24 =	smov.u32 s25;
	v17 =	vshll.u32 v22, $0x10;
	v13 =	vld.idx.msk [tilespmem:v9+s7+$0x0], $0xffff;
	v9 =	vshll.u32 v12, $0x10;
	[tilespmem:s22+$0x0] =	vst v16;
	(pc) =	sbr.rel @p1 .LBB2_17-.Ltmp7, $4  }
0x3d5: {  	s0 =	sadd.s32 $0x1, s25;
	v11 =	vld.idx.msk [tilespmem:v8+s7+$0x0], $0xffff;
	v8 =	vand.u32 $0xFFFF0000, v12;
	v12 =	vand.u32 $0xFFFF0000, v22;
	v17 =	vmul.f32 v17, v9;
	[tilespmem:s22+$0x80] =	vst v14  }
0x3d6: {  	v16 =	vadd.s32 s0, v5;
	v9 =	vadd.s32 s0, v4;
	s0 =	sadd.s32 $0x2, s25;
	v14 =	vld.idx.msk [tilespmem:v6+s7+$0x0], $0xffff;
	v21 =	vmul.f32 v12, v8;
	[tilespmem:s22+$0x100] =	vst v18  }
0x3d7: {  	s26 =	sadd.s32 $0x3, s25;
	v8 =	vadd.s32 s0, v5;
	v6 =	vadd.s32 s0, v4;
	v19 =	vshll.u32 v23, $0x10;
	[tilespmem:s22+$0xFFFFFE00] =	vst v17  }
0x3d8: {  	s25 =	sadd.s32 $0x4, s25;
	v17 =	vadd.s32 s26, v5;
	v18 =	vshll.u32 v10, $0x10;
	v12 =	vld.idx.msk [tilespmem:v20+s7+$0x0], $0xffff;
	v20 =	vand.u32 $0xFFFF0000, v23;
	[tilespmem:s22+$0xFFFFFE80] =	vst v21  }
0x3d9: {  	_ =	sdelay $0x2  }
0x3da: {  	v4 =	vadd.s32 s26, v4  }
0x3db: {  	v5 =	vld.idx.msk [tilespmem:v15+s7+$0x0], $0xffff;
	v10 =	vand.u32 $0xFFFF0000, v10;
	v15 =	vand.u32 $0xFFFF0000, v7;
	v21 =	vshll.u32 v13, $0x10  }
0x3dc: {  	v13 =	vand.u32 $0xFFFF0000, v13;
	v17 =	vld.idx.msk [tilespmem:v17+s7+$0x0], $0xffff;
	v3 =	vadd.s32 s23, v3;
	v10 =	vmul.f32 v15, v10  }
0x3dd: {  	s0 =	sadd.s32 $0x400, s22;
	v2 =	vadd.s32 s23, v2;
	v7 =	vshll.u32 v7, $0x10;
	v15 =	vld.idx.msk [tilespmem:v16+s7+$0x0], $0xffff;
	v16 =	vmul.f32 v21, v19  }
0x3de: {  	v9 =	vld.idx.msk [tilespmem:v9+s7+$0x0], $0xffff;
	v13 =	vmul.f32 v13, v20;
	v19 =	vshll.u32 v11, $0x10;
	v7 =	vmul.f32 v7, v18;
	[tilespmem:s0+$0x180] =	vst v10  }
0x3df: {  	v20 =	vshll.u32 v14, $0x10;
	v10 =	vand.u32 $0xFFFF0000, v11;
	[tilespmem:s0+$0xFFFFFF00] =	vst v16;
	v11 =	vand.u32 $0xFFFF0000, v14;
	v4 =	vld.idx.msk [tilespmem:v4+s7+$0x0], $0xffff  }
0x3e0: {  	[tilespmem:s0+$0xFFFFFF80] =	vst v13;
	v10 =	vmul.f32 v11, v10;
	v11 =	vshll.u32 v12, $0x10;
	v13 =	vshll.u32 v5, $0x10  }
0x3e1: {  	v8 =	vld.idx.msk [tilespmem:v8+s7+$0x0], $0xffff;
	[tilespmem:s0+$0x100] =	vst v7;
	v12 =	vand.u32 $0xFFFF0000, v12;
	v5 =	vand.u32 $0xFFFF0000, v5;
	v11 =	vmul.f32 v13, v11  }
0x3e2: {  	v6 =	vld.idx.msk [tilespmem:v6+s7+$0x0], $0xffff;
	v14 =	vmul.f32 v20, v19;
	[tilespmem:s0+$0x80] =	vst v10;
	v5 =	vmul.f32 v5, v12  }
0x3e3: {  	v3 =	vld.idx.msk [tilespmem:v3+s7+$0x0], $0xffff;
	v7 =	vand.u32 $0xFFFF0000, v17;
	v12 =	vshll.u32 v15, $0x10;
	[tilespmem:s0+$0xFFFFFE00] =	vst v11;
	v11 =	vshll.u32 v9, $0x10  }
0x3e4: {  	v2 =	vld.idx.msk [tilespmem:v2+s7+$0x0], $0xffff;
	[tilespmem:s0+$0xFFFFFE80] =	vst v5;
	v5 =	vand.u32 $0xFFFF0000, v9;
	v9 =	vmul.f32 v11, v12;
	v10 =	vand.u32 $0xFFFF0000, v4  }
0x3e5: {  	[tilespmem:s0+$0x0] =	vst v14;
	s0 =	sadd.s32 $0x400, s0;
	v7 =	vmul.f32 v10, v7;
	v10 =	vand.u32 $0xFFFF0000, v15  }
0x3e6: {  	v4 =	vshll.u32 v4, $0x10;
	[tilespmem:s0+$0xFFFFFF00] =	vst v9;
	v9 =	vshll.u32 v17, $0x10;
	v5 =	vmul.f32 v5, v10  }
0x3e7: {  	v11 =	vshll.u32 v6, $0x10;
	v10 =	vshll.u32 v8, $0x10;
	v4 =	vmul.f32 v4, v9;
	[tilespmem:s0+$0x180] =	vst v7  }
0x3e8: {  	v6 =	vand.u32 $0xFFFF0000, v6;
	v7 =	vand.u32 $0xFFFF0000, v8;
	v8 =	vmul.f32 v11, v10;
	[tilespmem:s0+$0xFFFFFF80] =	vst v5  }
0x3e9: {  	v5 =	vmul.f32 v6, v7;
	v6 =	vshll.u32 v3, $0x10;
	v7 =	vshll.u32 v2, $0x10;
	[tilespmem:s0+$0x100] =	vst v4  }
0x3ea: {  	[tilespmem:s0+$0x0] =	vst v8;
	v6 =	vmul.f32 v7, v6  }
0x3eb: {  	[tilespmem:s0+$0x80] =	vst v5  }
0x3ec: {  	v3 =	vand.u32 $0xFFFF0000, v3;
	v2 =	vand.u32 $0xFFFF0000, v2;
	[tilespmem:s0+$0xFFFFFE00] =	vst v6  }
0x3ed: {  	s1 =	sshll.u32 s21, $0x11;
	v2 =	vmul.f32 v2, v3;
	s4 =	rddreg [dreg:$0xa]  }
0x3ee: {  	s10 =	simm.s32 $0x20000;
	s11 =	simm.s32 $0x400;
	[dreg:$0xc] =	wrdreg s1  }
0x3ef: {  	s3 =	simm.s32 $0x14300;
	s1 =	sor.u32 s1, s4;
	[tilespmem:s0+$0xFFFFFE80] =	vst v2;
	s12 =	sor.u32 $0x80, s4  }
0x3f0: {  	s9 =	sadd.s32 s1, s2;
	s0 =	sshll.u32 s12, $0x3;
	s13 =	rddreg [dreg:$0x9]  }
0x3f1: {  	[hbm4b:s9+s11] =	stream.strided.scatter [tilespmem:s3], [sflag:$0x1], $0x2000, s10, s11, $0x38;
	[tilespmem:$0x18300] =	vst v63  }
0x3f2: {  	s14 =	rddreg [dreg:$0xb];
	s0 =	sadd.s32 s0, s13  }
0x3f3: {  	s18 =	sadd.s32 s14, s0  }
0x3f4: {  	v2 =	vld [tilespmem:s18+$0x0];
	_ =	sdelay $0x4  }
0x3f5: {  	(v2sf) =	vpush v2, $0xD;
	_ =	sdelay $0x1  }
0x3f6: {  	(v2sf) =	vpush v2, $0xC;
	_ =	sdelay $0x1  }
0x3f7: {  	(v2sf) =	vpush v2, $0xE;
	_ =	sdelay $0x1  }
0x3f8: {  	(v2sf) =	vpush v2, $0xF;
	_ =	sdelay $0x1  }
0x3f9: {  	(v2sf) =	vpush v2, $0x9;
	_ =	sdelay $0x1  }
0x3fa: {  	(v2sf) =	vpush v2, $0x8;
	_ =	sdelay $0x1  }
0x3fb: {  	(v2sf) =	vpush v2, $0xA;
	_ =	sdelay $0x1  }
0x3fc: {  	(v2sf) =	vpush v2, $0xB  }
0x3fd: {  	s15 =	spop (v2sf)  }
0x3fe: {  	(v2sf) =	vpush v2, $0x0;
	s16 =	smulhi.u32 $0x10624DD3, s15;
	s0 =	sshra.s32 s15, $0x1F  }
0x3ff: {  	s17 =	spop (v2sf);
	s0 =	smul.u32 $0x10624DD3, s0  }
0x400: {  	(v2sf) =	vpush v2, $0x1;
	s19 =	smulhi.u32 $0x10624DD3, s17;
	s2 =	sshra.s32 s17, $0x1F  }
0x401: {  	s20 =	spop (v2sf);
	(v2sf) =	vpush v2, $0x2;
	s2 =	smul.u32 $0x10624DD3, s2  }
0x402: {  	s5 =	smulhi.u32 $0x10624DD3, s20;
	s4 =	sshra.s32 s20, $0x1F;
	(v2sf) =	vpush v2, $0x3  }
0x403: {  	s6 =	spop (v2sf);
	s4 =	smul.u32 $0x10624DD3, s4;
	(v2sf) =	vpush v2, $0x4  }
0x404: {  	s8 =	smulhi.u32 $0x10624DD3, s6;
	s6 =	sshra.s32 s6, $0x1F;
	(v2sf) =	vpush v2, $0x5  }
0x405: {  	s9 =	spop (v2sf);
	s6 =	smul.u32 $0x10624DD3, s6;
	(v2sf) =	vpush v2, $0x6  }
0x406: {  	[dreg:$0xd] =	wrdreg s12;
	s10 =	smulhi.u32 $0x10624DD3, s9;
	s9 =	sshra.s32 s9, $0x1F;
	(v2sf) =	vpush v2, $0x7  }
0x407: {  	s11 =	spop (v2sf);
	s9 =	smul.u32 $0x10624DD3, s9  }
0x408: {  	s20 =	sadd.s32 s0, s16;
	s12 =	smulhi.u32 $0x10624DD3, s11;
	s11 =	sshra.s32 s11, $0x1F  }
0x409: {  	s24 =	sadd.s32 s2, s19;
	s13 =	spop (v2sf);
	s11 =	smul.u32 $0x10624DD3, s11  }
0x40a: {  	s23 =	sadd.s32 s4, s5;
	s21 =	smulhi.u32 $0x10624DD3, s13;
	s26 =	sshra.s32 s13, $0x1F  }
0x40b: {  	s13 =	sshrl.u32 s20, $0x1F;
	s14 =	spop (v2sf);
	s1 =	smul.u32 $0x10624DD3, s26  }
0x40c: {  	s22 =	sadd.s32 s6, s8;
	s28 =	smulhi.u32 $0x10624DD3, s14;
	s15 =	sshra.s32 s14, $0x1F  }
0x40d: {  	s14 =	sshrl.u32 s24, $0x1F;
	s3 =	smul.u32 $0x10624DD3, s15;
	s15 =	spop (v2sf)  }
0x40e: {  	s25 =	sadd.s32 s9, s10;
	s4 =	smulhi.u32 $0x10624DD3, s15;
	s16 =	sshra.s32 s15, $0x1F  }
0x40f: {  	s29 =	sadd.s32 s11, s12;
	s17 =	spop (v2sf);
	s5 =	smul.u32 $0x10624DD3, s16  }
0x410: {  	s19 =	smulhi.u32 $0x10624DD3, s17;
	s6 =	sshra.s32 s17, $0x1F;
	s30 =	spop (v2sf)  }
0x411: {  	s26 =	sadd.s32 s1, s21;
	s6 =	smul.u32 $0x10624DD3, s6;
	s31 =	spop (v2sf)  }
0x412: {  	s10 =	smulhi.u32 $0x10624DD3, s30;
	s9 =	sshra.s32 s30, $0x1F;
	s21 =	spop (v2sf)  }
0x413: {  	s30 =	smulhi.u32 $0x10624DD3, s31;
	s11 =	sshra.s32 s31, $0x1F;
	s31 =	spop (v2sf)  }
0x414: {  	s28 =	sadd.s32 s3, s28;
	s12 =	smul.u32 $0x10624DD3, s9;
	s3 =	spop (v2sf)  }
0x415: {  	v4 =	vmov s14;
	s14 =	sshrl.u32 s26, $0x1F;
	s16 =	smul.u32 $0x10624DD3, s11;
	s17 =	spop (v2sf)  }
0x416: {  	s6 =	sadd.s32 s6, s19;
	s19 =	smulhi.u32 $0x10624DD3, s17;
	s11 =	sshra.s32 s17, $0x1F  }
0x417: {  	s15 =	sshrl.u32 s23, $0x1F;
	s4 =	sadd.s32 s5, s4;
	s11 =	smul.u32 $0x10624DD3, s11  }
0x418: {  	s5 =	smulhi.u32 $0x10624DD3, s21;
	s1 =	sshra.s32 s21, $0x1F;
	s0 =	sadd.s32 s12, s10  }
0x419: {  	s1 =	smul.u32 $0x10624DD3, s1;
	s2 =	sadd.s32 s16, s30;
	s30 =	sadd.s32 s11, s19  }
0x41a: {  	s10 =	sshrl.u32 s4, $0x1F;
	s9 =	smulhi.u32 $0x10624DD3, s31;
	s17 =	sshra.s32 s30, $0x1F  }
0x41b: {  	v4 =	vsel vm0, s13, v4;
	s21 =	sshra.s32 s31, $0x1F;
	s31 =	sshra.s32 s4, $0x6;
	s4 =	sshra.s32 s4, $0x1F;
	v3 =	vmov s17  }
0x41c: {  	v4 =	vsel vm1, s15, v4;
	s13 =	sshra.s32 s6, $0x6;
	s16 =	sshrl.u32 s25, $0x1F;
	v5 =	vmov s10;
	s15 =	sshrl.u32 s0, $0x1F;
	v3 =	vsel vm3, s31, v3  }
0x41d: {  	v5 =	vnsel vm3, $0x0, v5;
	s1 =	sadd.s32 s1, s5;
	s19 =	sshrl.u32 s22, $0x1F;
	s11 =	sshrl.u32 s29, $0x1F;
	v3 =	vsel vm9, s4, v3  }
0x41e: {  	v4 =	vsel vm2, s19, v4;
	v6 =	vmov s11;
	s4 =	smul.u32 $0x10624DD3, s21;
	s21 =	sshrl.u32 s6, $0x1F;
	s6 =	sshra.s32 s6, $0x1F;
	v3 =	vsel vm0, s13, v3  }
0x41f: {  	s5 =	sshrl.u32 s1, $0x1F;
	s19 =	smulhi.u32 $0x10624DD3, s3;
	v6 =	vsel vm0, s16, v6;
	v5 =	vsel vm0, s21, v5;
	s21 =	sshra.s32 s0, $0x6;
	v3 =	vsel vm10, s6, v3  }
0x420: {  	s3 =	sshra.s32 s3, $0x1F;
	s31 =	sshrl.u32 s28, $0x1F;
	v6 =	vsel vm1, s14, v6;
	s0 =	sshra.s32 s0, $0x1F;
	v3 =	vsel vm1, s21, v3  }
0x421: {  	s11 =	sshra.s32 s2, $0x1F;
	v6 =	vsel vm2, s31, v6;
	s4 =	sadd.s32 s4, s9;
	s9 =	sshra.s32 s2, $0x6;
	v3 =	vsel vm11, s0, v3  }
0x422: {  	s17 =	sshrl.u32 s2, $0x1F;
	s3 =	smul.u32 $0x10624DD3, s3;
	s14 =	sshra.s32 s24, $0x6;
	v4 =	vcombine.low v6, v4;
	v5 =	vsel vm1, s15, v5;
	v3 =	vsel vm2, s9, v3  }
0x423: {  	s16 =	sshra.s32 s1, $0x1F;
	s13 =	sshra.s32 s1, $0x6;
	v6 =	vmov s14;
	s15 =	sshra.s32 s29, $0x6;
	v5 =	vsel vm2, s17, v5;
	v3 =	vsel vm12, s11, v3  }
0x424: {  	s3 =	sadd.s32 s3, s19;
	s19 =	sshra.s32 s25, $0x6;
	s17 =	sshra.s32 s20, $0x6;
	v7 =	vmov s15;
	v5 =	vsel vm4, s5, v5;
	v3 =	vsel vm4, s13, v3  }
0x425: {  	s10 =	sshrl.u32 s4, $0x1F;
	s20 =	sshra.s32 s4, $0x6;
	s21 =	sshra.s32 s23, $0x6;
	v6 =	vsel vm0, s17, v6;
	v7 =	vsel vm0, s19, v7;
	v3 =	vsel vm13, s16, v3  }
0x426: {  	s12 =	sshrl.u32 s3, $0x1F;
	s23 =	sshra.s32 s26, $0x6;
	s24 =	sshra.s32 s4, $0x1F;
	v5 =	vsel vm5, s10, v5;
	v6 =	vsel vm1, s21, v6;
	v3 =	vsel vm5, s20, v3  }
0x427: {  	s25 =	sshra.s32 s22, $0x6;
	s26 =	sshra.s32 s28, $0x6;
	s28 =	sshra.s32 s3, $0x6;
	v7 =	vsel vm1, s23, v7;
	v5 =	vsel vm6, s12, v5;
	v3 =	vsel vm14, s24, v3  }
0x428: {  	s31 =	sshra.s32 s3, $0x1F;
	s29 =	sshrl.u32 s30, $0x1F;
	v6 =	vsel vm2, s25, v6;
	v7 =	vsel vm2, s26, v7;
	v3 =	vsel vm6, s28, v3  }
0x429: {  	s1 =	sshra.s32 s30, $0x6;
	v5 =	vsel vm7, s29, v5;
	v6 =	vcombine.low v7, v6;
	v3 =	vsel vm15, s31, v3  }
0x42a: {  	v4 =	vperm.xlane v4, v0;
	v5 =	vperm.xlane v5, v1;
	v3 =	vsel vm7, s1, v3  }
0x42b: {  	v6 =	vperm.xlane v6, v0;
	v3 =	vperm.xlane v3, v1;
	_ =	sdelay $0x1  }
0x42c: {  	v4 =	vsel vm8, v5, v4;
	v3 =	vsel vm8, v3, v6  }
0x42d: {  	v3 =	vadd.s32 v4, v3  }
0x42e: {  	v4 =	vmul.u32 $0xFFFFFC18, v3;
	_ =	sdelay $0x1  }
0x42f: {  	v2 =	vadd.s32 v2, v4  }
0x430: {  	v3 =	vmul.u32 $0x21, v3;
	v2 =	vmul.u32 $0x21, v2;
	_ =	sdelay $0x1  }
0x431: {  	[tilespmem:$0x14200] =	vst v3;
	v2 =	vadd.s32 $0x80E8, v2  }
0x432: {  	[tilespmem:$0x14280] =	vst v2  }
0x433: {  	v2 =	vld [tilespmem:s18+$0x10];
	_ =	sdelay $0x4  }
0x434: {  	(v2sf) =	vpush v2, $0xD;
	_ =	sdelay $0x1  }
0x435: {  	(v2sf) =	vpush v2, $0xC;
	_ =	sdelay $0x1  }
0x436: {  	(v2sf) =	vpush v2, $0xE;
	_ =	sdelay $0x1  }
0x437: {  	(v2sf) =	vpush v2, $0xF;
	_ =	sdelay $0x1  }
0x438: {  	(v2sf) =	vpush v2, $0x9  }
0x439: {  	(v2sf) =	vpush v2, $0x8;
	_ =	sdelay $0x2  }
0x43a: {  	(v2sf) =	vpush v2, $0xA;
	_ =	sdelay $0x1  }
0x43b: {  	(v2sf) =	vpush v2, $0xB  }
0x43c: {  	s2 =	spop (v2sf)  }
0x43d: {  	(v2sf) =	vpush v2, $0x0;
	s3 =	smulhi.u32 $0x10624DD3, s2;
	s0 =	sshra.s32 s2, $0x1F  }
0x43e: {  	s4 =	spop (v2sf);
	s0 =	smul.u32 $0x10624DD3, s0  }
0x43f: {  	(v2sf) =	vpush v2, $0x1;
	s5 =	smulhi.u32 $0x10624DD3, s4;
	s2 =	sshra.s32 s4, $0x1F  }
0x440: {  	(v2sf) =	vpush v2, $0x2;
	s6 =	spop (v2sf);
	s2 =	smul.u32 $0x10624DD3, s2  }
0x441: {  	(v2sf) =	vpush v2, $0x3;
	s8 =	smulhi.u32 $0x10624DD3, s6;
	s4 =	sshra.s32 s6, $0x1F  }
0x442: {  	(v2sf) =	vpush v2, $0x4;
	s9 =	spop (v2sf);
	s4 =	smul.u32 $0x10624DD3, s4  }
0x443: {  	(v2sf) =	vpush v2, $0x5;
	s10 =	smulhi.u32 $0x10624DD3, s9;
	s6 =	sshra.s32 s9, $0x1F  }
0x444: {  	s11 =	spop (v2sf);
	(v2sf) =	vpush v2, $0x6;
	s6 =	smul.u32 $0x10624DD3, s6  }
0x445: {  	s12 =	smulhi.u32 $0x10624DD3, s11;
	s9 =	sshra.s32 s11, $0x1F;
	s28 =	spop (v2sf);
	(v2sf) =	vpush v2, $0x7  }
0x446: {  	s9 =	smul.u32 $0x10624DD3, s9  }
0x447: {  	s20 =	sadd.s32 s0, s3;
	s29 =	smulhi.u32 $0x10624DD3, s28;
	s11 =	sshra.s32 s28, $0x1F  }
0x448: {  	s13 =	sshrl.u32 s20, $0x1F;
	s19 =	spop (v2sf);
	s11 =	smul.u32 $0x10624DD3, s11  }
0x449: {  	s24 =	sadd.s32 s2, s5;
	s21 =	smulhi.u32 $0x10624DD3, s19;
	s25 =	sshra.s32 s19, $0x1F  }
0x44a: {  	s14 =	sshrl.u32 s24, $0x1F;
	s26 =	spop (v2sf);
	s1 =	smul.u32 $0x10624DD3, s25  }
0x44b: {  	s23 =	sadd.s32 s4, s8;
	s28 =	smulhi.u32 $0x10624DD3, s26;
	s30 =	sshra.s32 s26, $0x1F  }
0x44c: {  	s22 =	sadd.s32 s6, s10;
	s31 =	spop (v2sf);
	s3 =	smul.u32 $0x10624DD3, s30  }
0x44d: {  	s25 =	sadd.s32 s9, s12;
	s4 =	smulhi.u32 $0x10624DD3, s31;
	s16 =	sshra.s32 s31, $0x1F  }
0x44e: {  	s17 =	spop (v2sf);
	s29 =	sadd.s32 s11, s29;
	s5 =	smul.u32 $0x10624DD3, s16  }
0x44f: {  	s19 =	smulhi.u32 $0x10624DD3, s17;
	s6 =	sshra.s32 s17, $0x1F;
	s30 =	spop (v2sf)  }
0x450: {  	s26 =	sadd.s32 s1, s21;
	s6 =	smul.u32 $0x10624DD3, s6;
	s31 =	spop (v2sf)  }
0x451: {  	s10 =	smulhi.u32 $0x10624DD3, s30;
	s9 =	sshra.s32 s30, $0x1F;
	s21 =	spop (v2sf)  }
0x452: {  	s30 =	smulhi.u32 $0x10624DD3, s31;
	s11 =	sshra.s32 s31, $0x1F;
	s31 =	spop (v2sf)  }
0x453: {  	s28 =	sadd.s32 s3, s28;
	s12 =	smul.u32 $0x10624DD3, s9;
	s3 =	spop (v2sf)  }
0x454: {  	s15 =	sshrl.u32 s23, $0x1F;
	s16 =	smul.u32 $0x10624DD3, s11;
	s17 =	spop (v2sf)  }
0x455: {  	s6 =	sadd.s32 s6, s19;
	s19 =	smulhi.u32 $0x10624DD3, s17;
	s11 =	sshra.s32 s17, $0x1F  }
0x456: {  	v4 =	vmov s14;
	s14 =	sshrl.u32 s26, $0x1F;
	s4 =	sadd.s32 s5, s4;
	s11 =	smul.u32 $0x10624DD3, s11  }
0x457: {  	s0 =	sadd.s32 s12, s10;
	s10 =	sshrl.u32 s4, $0x1F;
	s5 =	smulhi.u32 $0x10624DD3, s21  }
0x458: {  	s1 =	sshra.s32 s21, $0x1F;
	s2 =	sadd.s32 s16, s30;
	s30 =	sadd.s32 s11, s19  }
0x459: {  	v4 =	vsel vm0, s13, v4;
	s13 =	sshra.s32 s6, $0x6;
	s1 =	smul.u32 $0x10624DD3, s1;
	s17 =	sshra.s32 s30, $0x1F  }
0x45a: {  	s9 =	smulhi.u32 $0x10624DD3, s31;
	s21 =	sshra.s32 s31, $0x1F;
	s31 =	sshra.s32 s4, $0x6;
	v3 =	vmov s17  }
0x45b: {  	v4 =	vsel vm1, s15, v4;
	v5 =	vmov s10;
	s15 =	sshrl.u32 s0, $0x1F;
	s4 =	sshra.s32 s4, $0x1F;
	s16 =	sshrl.u32 s25, $0x1F;
	v3 =	vsel vm3, s31, v3  }
0x45c: {  	v5 =	vnsel vm3, $0x0, v5;
	s1 =	sadd.s32 s1, s5;
	s19 =	sshrl.u32 s22, $0x1F;
	s11 =	sshrl.u32 s29, $0x1F;
	v3 =	vsel vm9, s4, v3  }
0x45d: {  	v4 =	vsel vm2, s19, v4;
	v6 =	vmov s11;
	s4 =	smul.u32 $0x10624DD3, s21;
	s21 =	sshrl.u32 s6, $0x1F;
	s6 =	sshra.s32 s6, $0x1F;
	v3 =	vsel vm0, s13, v3  }
0x45e: {  	s5 =	sshrl.u32 s1, $0x1F;
	s19 =	smulhi.u32 $0x10624DD3, s3;
	v6 =	vsel vm0, s16, v6;
	v5 =	vsel vm0, s21, v5;
	s21 =	sshra.s32 s0, $0x6;
	v3 =	vsel vm10, s6, v3  }
0x45f: {  	s3 =	sshra.s32 s3, $0x1F;
	s31 =	sshrl.u32 s28, $0x1F;
	v6 =	vsel vm1, s14, v6;
	s0 =	sshra.s32 s0, $0x1F;
	v3 =	vsel vm1, s21, v3  }
0x460: {  	s11 =	sshra.s32 s2, $0x1F;
	v6 =	vsel vm2, s31, v6;
	s4 =	sadd.s32 s4, s9;
	s9 =	sshra.s32 s2, $0x6;
	v3 =	vsel vm11, s0, v3  }
0x461: {  	s17 =	sshrl.u32 s2, $0x1F;
	s3 =	smul.u32 $0x10624DD3, s3;
	s14 =	sshra.s32 s24, $0x6;
	v4 =	vcombine.low v6, v4;
	v5 =	vsel vm1, s15, v5;
	v3 =	vsel vm2, s9, v3  }
0x462: {  	s16 =	sshra.s32 s1, $0x1F;
	s13 =	sshra.s32 s1, $0x6;
	v6 =	vmov s14;
	s15 =	sshra.s32 s29, $0x6;
	v5 =	vsel vm2, s17, v5;
	v3 =	vsel vm12, s11, v3  }
0x463: {  	s3 =	sadd.s32 s3, s19;
	s19 =	sshra.s32 s25, $0x6;
	s17 =	sshra.s32 s20, $0x6;
	v7 =	vmov s15;
	v5 =	vsel vm4, s5, v5;
	v3 =	vsel vm4, s13, v3  }
0x464: {  	s10 =	sshrl.u32 s4, $0x1F;
	s20 =	sshra.s32 s4, $0x6;
	s21 =	sshra.s32 s23, $0x6;
	v6 =	vsel vm0, s17, v6;
	v7 =	vsel vm0, s19, v7;
	v3 =	vsel vm13, s16, v3  }
0x465: {  	s12 =	sshrl.u32 s3, $0x1F;
	s23 =	sshra.s32 s26, $0x6;
	s24 =	sshra.s32 s4, $0x1F;
	v5 =	vsel vm5, s10, v5;
	v6 =	vsel vm1, s21, v6;
	v3 =	vsel vm5, s20, v3  }
0x466: {  	s25 =	sshra.s32 s22, $0x6;
	s26 =	sshra.s32 s28, $0x6;
	s28 =	sshra.s32 s3, $0x6;
	v7 =	vsel vm1, s23, v7;
	v5 =	vsel vm6, s12, v5;
	v3 =	vsel vm14, s24, v3  }
0x467: {  	s31 =	sshra.s32 s3, $0x1F;
	s29 =	sshrl.u32 s30, $0x1F;
	v6 =	vsel vm2, s25, v6;
	v7 =	vsel vm2, s26, v7;
	v3 =	vsel vm6, s28, v3  }
0x468: {  	s1 =	sshra.s32 s30, $0x6;
	v5 =	vsel vm7, s29, v5;
	v6 =	vcombine.low v7, v6;
	v3 =	vsel vm15, s31, v3  }
0x469: {  	v4 =	vperm.xlane v4, v0;
	v5 =	vperm.xlane v5, v1;
	v3 =	vsel vm7, s1, v3  }
0x46a: {  	v6 =	vperm.xlane v6, v0;
	v3 =	vperm.xlane v3, v1;
	_ =	sdelay $0x1  }
0x46b: {  	v4 =	vsel vm8, v5, v4;
	v3 =	vsel vm8, v3, v6  }
0x46c: {  	v3 =	vadd.s32 v4, v3  }
0x46d: {  	v4 =	vmul.u32 $0xFFFFFC18, v3;
	_ =	sdelay $0x1  }
0x46e: {  	v2 =	vadd.s32 v2, v4  }
0x46f: {  	v3 =	vmul.u32 $0x21, v3;
	v2 =	vmul.u32 $0x21, v2;
	_ =	sdelay $0x1  }
0x470: {  	[tilespmem:$0x14210] =	vst v3;
	v2 =	vadd.s32 $0x80E8, v2  }
0x471: {  	[tilespmem:$0x14290] =	vst v2  }
0x472: {  	v2 =	vld [tilespmem:s18+$0x20];
	_ =	sdelay $0x4  }
0x473: {  	(v2sf) =	vpush v2, $0xD;
	_ =	sdelay $0x1  }
0x474: {  	(v2sf) =	vpush v2, $0xC;
	_ =	sdelay $0x1  }
0x475: {  	(v2sf) =	vpush v2, $0xE;
	_ =	sdelay $0x1  }
0x476: {  	(v2sf) =	vpush v2, $0xF;
	_ =	sdelay $0x1  }
0x477: {  	(v2sf) =	vpush v2, $0x9  }
0x478: {  	(v2sf) =	vpush v2, $0x8;
	_ =	sdelay $0x2  }
0x479: {  	(v2sf) =	vpush v2, $0xA;
	_ =	sdelay $0x1  }
0x47a: {  	(v2sf) =	vpush v2, $0xB  }
0x47b: {  	s2 =	spop (v2sf)  }
0x47c: {  	(v2sf) =	vpush v2, $0x0;
	s3 =	smulhi.u32 $0x10624DD3, s2;
	s0 =	sshra.s32 s2, $0x1F  }
0x47d: {  	s4 =	spop (v2sf);
	s0 =	smul.u32 $0x10624DD3, s0  }
0x47e: {  	(v2sf) =	vpush v2, $0x1;
	s5 =	smulhi.u32 $0x10624DD3, s4;
	s2 =	sshra.s32 s4, $0x1F  }
0x47f: {  	(v2sf) =	vpush v2, $0x2;
	s6 =	spop (v2sf);
	s2 =	smul.u32 $0x10624DD3, s2  }
0x480: {  	(v2sf) =	vpush v2, $0x3;
	s8 =	smulhi.u32 $0x10624DD3, s6;
	s4 =	sshra.s32 s6, $0x1F  }
0x481: {  	(v2sf) =	vpush v2, $0x4;
	s9 =	spop (v2sf);
	s4 =	smul.u32 $0x10624DD3, s4  }
0x482: {  	(v2sf) =	vpush v2, $0x5;
	s10 =	smulhi.u32 $0x10624DD3, s9;
	s6 =	sshra.s32 s9, $0x1F  }
0x483: {  	s11 =	spop (v2sf);
	(v2sf) =	vpush v2, $0x6;
	s6 =	smul.u32 $0x10624DD3, s6  }
0x484: {  	s12 =	smulhi.u32 $0x10624DD3, s11;
	s9 =	sshra.s32 s11, $0x1F;
	s28 =	spop (v2sf);
	(v2sf) =	vpush v2, $0x7  }
0x485: {  	s9 =	smul.u32 $0x10624DD3, s9  }
0x486: {  	s20 =	sadd.s32 s0, s3;
	s29 =	smulhi.u32 $0x10624DD3, s28;
	s11 =	sshra.s32 s28, $0x1F  }
0x487: {  	s13 =	sshrl.u32 s20, $0x1F;
	s19 =	spop (v2sf);
	s11 =	smul.u32 $0x10624DD3, s11  }
0x488: {  	s24 =	sadd.s32 s2, s5;
	s21 =	smulhi.u32 $0x10624DD3, s19;
	s25 =	sshra.s32 s19, $0x1F  }
0x489: {  	s14 =	sshrl.u32 s24, $0x1F;
	s26 =	spop (v2sf);
	s1 =	smul.u32 $0x10624DD3, s25  }
0x48a: {  	s23 =	sadd.s32 s4, s8;
	s28 =	smulhi.u32 $0x10624DD3, s26;
	s30 =	sshra.s32 s26, $0x1F  }
0x48b: {  	s22 =	sadd.s32 s6, s10;
	s31 =	spop (v2sf);
	s3 =	smul.u32 $0x10624DD3, s30  }
0x48c: {  	s25 =	sadd.s32 s9, s12;
	s4 =	smulhi.u32 $0x10624DD3, s31;
	s16 =	sshra.s32 s31, $0x1F  }
0x48d: {  	s17 =	spop (v2sf);
	s29 =	sadd.s32 s11, s29;
	s5 =	smul.u32 $0x10624DD3, s16  }
0x48e: {  	s19 =	smulhi.u32 $0x10624DD3, s17;
	s6 =	sshra.s32 s17, $0x1F;
	s30 =	spop (v2sf)  }
0x48f: {  	s26 =	sadd.s32 s1, s21;
	s6 =	smul.u32 $0x10624DD3, s6;
	s31 =	spop (v2sf)  }
0x490: {  	s10 =	smulhi.u32 $0x10624DD3, s30;
	s9 =	sshra.s32 s30, $0x1F;
	s21 =	spop (v2sf)  }
0x491: {  	s30 =	smulhi.u32 $0x10624DD3, s31;
	s11 =	sshra.s32 s31, $0x1F;
	s31 =	spop (v2sf)  }
0x492: {  	s28 =	sadd.s32 s3, s28;
	s12 =	smul.u32 $0x10624DD3, s9;
	s3 =	spop (v2sf)  }
0x493: {  	s15 =	sshrl.u32 s23, $0x1F;
	s16 =	smul.u32 $0x10624DD3, s11;
	s17 =	spop (v2sf)  }
0x494: {  	s6 =	sadd.s32 s6, s19;
	s19 =	smulhi.u32 $0x10624DD3, s17;
	s11 =	sshra.s32 s17, $0x1F  }
0x495: {  	v4 =	vmov s14;
	s14 =	sshrl.u32 s26, $0x1F;
	s4 =	sadd.s32 s5, s4;
	s11 =	smul.u32 $0x10624DD3, s11  }
0x496: {  	s0 =	sadd.s32 s12, s10;
	s10 =	sshrl.u32 s4, $0x1F;
	s5 =	smulhi.u32 $0x10624DD3, s21  }
0x497: {  	s1 =	sshra.s32 s21, $0x1F;
	s2 =	sadd.s32 s16, s30;
	s30 =	sadd.s32 s11, s19  }
0x498: {  	v4 =	vsel vm0, s13, v4;
	s13 =	sshra.s32 s6, $0x6;
	s1 =	smul.u32 $0x10624DD3, s1;
	s17 =	sshra.s32 s30, $0x1F  }
0x499: {  	s9 =	smulhi.u32 $0x10624DD3, s31;
	s21 =	sshra.s32 s31, $0x1F;
	s31 =	sshra.s32 s4, $0x6;
	v3 =	vmov s17  }
0x49a: {  	v4 =	vsel vm1, s15, v4;
	v5 =	vmov s10;
	s15 =	sshrl.u32 s0, $0x1F;
	s4 =	sshra.s32 s4, $0x1F;
	s16 =	sshrl.u32 s25, $0x1F;
	v3 =	vsel vm3, s31, v3  }
0x49b: {  	v5 =	vnsel vm3, $0x0, v5;
	s1 =	sadd.s32 s1, s5;
	s19 =	sshrl.u32 s22, $0x1F;
	s11 =	sshrl.u32 s29, $0x1F;
	v3 =	vsel vm9, s4, v3  }
0x49c: {  	v4 =	vsel vm2, s19, v4;
	v6 =	vmov s11;
	s4 =	smul.u32 $0x10624DD3, s21;
	s21 =	sshrl.u32 s6, $0x1F;
	s6 =	sshra.s32 s6, $0x1F;
	v3 =	vsel vm0, s13, v3  }
0x49d: {  	s5 =	sshrl.u32 s1, $0x1F;
	s19 =	smulhi.u32 $0x10624DD3, s3;
	v6 =	vsel vm0, s16, v6;
	v5 =	vsel vm0, s21, v5;
	s21 =	sshra.s32 s0, $0x6;
	v3 =	vsel vm10, s6, v3  }
0x49e: {  	s3 =	sshra.s32 s3, $0x1F;
	s31 =	sshrl.u32 s28, $0x1F;
	v6 =	vsel vm1, s14, v6;
	s0 =	sshra.s32 s0, $0x1F;
	v3 =	vsel vm1, s21, v3  }
0x49f: {  	s11 =	sshra.s32 s2, $0x1F;
	v6 =	vsel vm2, s31, v6;
	s4 =	sadd.s32 s4, s9;
	s9 =	sshra.s32 s2, $0x6;
	v3 =	vsel vm11, s0, v3  }
0x4a0: {  	s17 =	sshrl.u32 s2, $0x1F;
	s3 =	smul.u32 $0x10624DD3, s3;
	s14 =	sshra.s32 s24, $0x6;
	v4 =	vcombine.low v6, v4;
	v5 =	vsel vm1, s15, v5;
	v3 =	vsel vm2, s9, v3  }
0x4a1: {  	s16 =	sshra.s32 s1, $0x1F;
	s13 =	sshra.s32 s1, $0x6;
	v6 =	vmov s14;
	s15 =	sshra.s32 s29, $0x6;
	v5 =	vsel vm2, s17, v5;
	v3 =	vsel vm12, s11, v3  }
0x4a2: {  	s3 =	sadd.s32 s3, s19;
	s19 =	sshra.s32 s25, $0x6;
	s17 =	sshra.s32 s20, $0x6;
	v7 =	vmov s15;
	v5 =	vsel vm4, s5, v5;
	v3 =	vsel vm4, s13, v3  }
0x4a3: {  	s10 =	sshrl.u32 s4, $0x1F;
	s20 =	sshra.s32 s4, $0x6;
	s21 =	sshra.s32 s23, $0x6;
	v6 =	vsel vm0, s17, v6;
	v7 =	vsel vm0, s19, v7;
	v3 =	vsel vm13, s16, v3  }
0x4a4: {  	s12 =	sshrl.u32 s3, $0x1F;
	s23 =	sshra.s32 s26, $0x6;
	s24 =	sshra.s32 s4, $0x1F;
	v5 =	vsel vm5, s10, v5;
	v6 =	vsel vm1, s21, v6;
	v3 =	vsel vm5, s20, v3  }
0x4a5: {  	s25 =	sshra.s32 s22, $0x6;
	s26 =	sshra.s32 s28, $0x6;
	s28 =	sshra.s32 s3, $0x6;
	v7 =	vsel vm1, s23, v7;
	v5 =	vsel vm6, s12, v5;
	v3 =	vsel vm14, s24, v3  }
0x4a6: {  	s31 =	sshra.s32 s3, $0x1F;
	s29 =	sshrl.u32 s30, $0x1F;
	v6 =	vsel vm2, s25, v6;
	v7 =	vsel vm2, s26, v7;
	v3 =	vsel vm6, s28, v3  }
0x4a7: {  	s1 =	sshra.s32 s30, $0x6;
	v5 =	vsel vm7, s29, v5;
	v6 =	vcombine.low v7, v6;
	v3 =	vsel vm15, s31, v3  }
0x4a8: {  	v4 =	vperm.xlane v4, v0;
	v5 =	vperm.xlane v5, v1;
	v3 =	vsel vm7, s1, v3  }
0x4a9: {  	v6 =	vperm.xlane v6, v0;
	v3 =	vperm.xlane v3, v1;
	_ =	sdelay $0x1  }
0x4aa: {  	v4 =	vsel vm8, v5, v4;
	v3 =	vsel vm8, v3, v6  }
0x4ab: {  	v3 =	vadd.s32 v4, v3  }
0x4ac: {  	v4 =	vmul.u32 $0xFFFFFC18, v3;
	_ =	sdelay $0x1  }
0x4ad: {  	v2 =	vadd.s32 v2, v4  }
0x4ae: {  	v3 =	vmul.u32 $0x21, v3;
	v2 =	vmul.u32 $0x21, v2;
	_ =	sdelay $0x1  }
0x4af: {  	[tilespmem:$0x14220] =	vst v3;
	v2 =	vadd.s32 $0x80E8, v2  }
0x4b0: {  	[tilespmem:$0x142A0] =	vst v2  }
0x4b1: {  	v2 =	vld [tilespmem:s18+$0x30];
	_ =	sdelay $0x4  }
0x4b2: {  	(v2sf) =	vpush v2, $0xD;
	_ =	sdelay $0x1  }
0x4b3: {  	(v2sf) =	vpush v2, $0xC;
	_ =	sdelay $0x1  }
0x4b4: {  	(v2sf) =	vpush v2, $0xE;
	_ =	sdelay $0x1  }
0x4b5: {  	(v2sf) =	vpush v2, $0xF;
	_ =	sdelay $0x1  }
0x4b6: {  	(v2sf) =	vpush v2, $0x9  }
0x4b7: {  	(v2sf) =	vpush v2, $0x8;
	_ =	sdelay $0x2  }
0x4b8: {  	(v2sf) =	vpush v2, $0xA;
	_ =	sdelay $0x1  }
0x4b9: {  	(v2sf) =	vpush v2, $0xB  }
0x4ba: {  	s2 =	spop (v2sf)  }
0x4bb: {  	(v2sf) =	vpush v2, $0x0;
	s3 =	smulhi.u32 $0x10624DD3, s2;
	s0 =	sshra.s32 s2, $0x1F  }
0x4bc: {  	s4 =	spop (v2sf);
	s0 =	smul.u32 $0x10624DD3, s0  }
0x4bd: {  	(v2sf) =	vpush v2, $0x1;
	s5 =	smulhi.u32 $0x10624DD3, s4;
	s2 =	sshra.s32 s4, $0x1F  }
0x4be: {  	(v2sf) =	vpush v2, $0x2;
	s6 =	spop (v2sf);
	s2 =	smul.u32 $0x10624DD3, s2  }
0x4bf: {  	(v2sf) =	vpush v2, $0x3;
	s8 =	smulhi.u32 $0x10624DD3, s6;
	s4 =	sshra.s32 s6, $0x1F  }
0x4c0: {  	(v2sf) =	vpush v2, $0x4;
	s9 =	spop (v2sf);
	s4 =	smul.u32 $0x10624DD3, s4  }
0x4c1: {  	(v2sf) =	vpush v2, $0x5;
	s10 =	smulhi.u32 $0x10624DD3, s9;
	s6 =	sshra.s32 s9, $0x1F  }
0x4c2: {  	s11 =	spop (v2sf);
	(v2sf) =	vpush v2, $0x6;
	s6 =	smul.u32 $0x10624DD3, s6  }
0x4c3: {  	s12 =	smulhi.u32 $0x10624DD3, s11;
	s9 =	sshra.s32 s11, $0x1F;
	s28 =	spop (v2sf);
	(v2sf) =	vpush v2, $0x7  }
0x4c4: {  	s9 =	smul.u32 $0x10624DD3, s9  }
0x4c5: {  	s20 =	sadd.s32 s0, s3;
	s29 =	smulhi.u32 $0x10624DD3, s28;
	s11 =	sshra.s32 s28, $0x1F  }
0x4c6: {  	s13 =	sshrl.u32 s20, $0x1F;
	s19 =	spop (v2sf);
	s11 =	smul.u32 $0x10624DD3, s11  }
0x4c7: {  	s24 =	sadd.s32 s2, s5;
	s21 =	smulhi.u32 $0x10624DD3, s19;
	s25 =	sshra.s32 s19, $0x1F  }
0x4c8: {  	s14 =	sshrl.u32 s24, $0x1F;
	s26 =	spop (v2sf);
	s1 =	smul.u32 $0x10624DD3, s25  }
0x4c9: {  	s23 =	sadd.s32 s4, s8;
	s28 =	smulhi.u32 $0x10624DD3, s26;
	s30 =	sshra.s32 s26, $0x1F  }
0x4ca: {  	s22 =	sadd.s32 s6, s10;
	s31 =	spop (v2sf);
	s3 =	smul.u32 $0x10624DD3, s30  }
0x4cb: {  	s25 =	sadd.s32 s9, s12;
	s4 =	smulhi.u32 $0x10624DD3, s31;
	s16 =	sshra.s32 s31, $0x1F  }
0x4cc: {  	s17 =	spop (v2sf);
	s29 =	sadd.s32 s11, s29;
	s5 =	smul.u32 $0x10624DD3, s16  }
0x4cd: {  	s19 =	smulhi.u32 $0x10624DD3, s17;
	s6 =	sshra.s32 s17, $0x1F;
	s30 =	spop (v2sf)  }
0x4ce: {  	s26 =	sadd.s32 s1, s21;
	s6 =	smul.u32 $0x10624DD3, s6;
	s31 =	spop (v2sf)  }
0x4cf: {  	s10 =	smulhi.u32 $0x10624DD3, s30;
	s9 =	sshra.s32 s30, $0x1F;
	s21 =	spop (v2sf)  }
0x4d0: {  	s30 =	smulhi.u32 $0x10624DD3, s31;
	s11 =	sshra.s32 s31, $0x1F;
	s31 =	spop (v2sf)  }
0x4d1: {  	s28 =	sadd.s32 s3, s28;
	s12 =	smul.u32 $0x10624DD3, s9;
	s3 =	spop (v2sf)  }
0x4d2: {  	s15 =	sshrl.u32 s23, $0x1F;
	s16 =	smul.u32 $0x10624DD3, s11;
	s17 =	spop (v2sf)  }
0x4d3: {  	s6 =	sadd.s32 s6, s19;
	s19 =	smulhi.u32 $0x10624DD3, s17;
	s11 =	sshra.s32 s17, $0x1F  }
0x4d4: {  	v4 =	vmov s14;
	s14 =	sshrl.u32 s26, $0x1F;
	s4 =	sadd.s32 s5, s4;
	s11 =	smul.u32 $0x10624DD3, s11  }
0x4d5: {  	s0 =	sadd.s32 s12, s10;
	s10 =	sshrl.u32 s4, $0x1F;
	s5 =	smulhi.u32 $0x10624DD3, s21  }
0x4d6: {  	s1 =	sshra.s32 s21, $0x1F;
	s2 =	sadd.s32 s16, s30;
	s30 =	sadd.s32 s11, s19  }
0x4d7: {  	v4 =	vsel vm0, s13, v4;
	s13 =	sshra.s32 s6, $0x6;
	s1 =	smul.u32 $0x10624DD3, s1;
	s17 =	sshra.s32 s30, $0x1F  }
0x4d8: {  	s9 =	smulhi.u32 $0x10624DD3, s31;
	s21 =	sshra.s32 s31, $0x1F;
	s31 =	sshra.s32 s4, $0x6;
	v3 =	vmov s17  }
0x4d9: {  	v4 =	vsel vm1, s15, v4;
	v5 =	vmov s10;
	s15 =	sshrl.u32 s0, $0x1F;
	s4 =	sshra.s32 s4, $0x1F;
	s16 =	sshrl.u32 s25, $0x1F;
	v3 =	vsel vm3, s31, v3  }
0x4da: {  	v5 =	vnsel vm3, $0x0, v5;
	s1 =	sadd.s32 s1, s5;
	s19 =	sshrl.u32 s22, $0x1F;
	s11 =	sshrl.u32 s29, $0x1F;
	v3 =	vsel vm9, s4, v3  }
0x4db: {  	v4 =	vsel vm2, s19, v4;
	v6 =	vmov s11;
	s4 =	smul.u32 $0x10624DD3, s21;
	s21 =	sshrl.u32 s6, $0x1F;
	s6 =	sshra.s32 s6, $0x1F;
	v3 =	vsel vm0, s13, v3  }
0x4dc: {  	s5 =	sshrl.u32 s1, $0x1F;
	s19 =	smulhi.u32 $0x10624DD3, s3;
	v6 =	vsel vm0, s16, v6;
	v5 =	vsel vm0, s21, v5;
	s21 =	sshra.s32 s0, $0x6;
	v3 =	vsel vm10, s6, v3  }
0x4dd: {  	s3 =	sshra.s32 s3, $0x1F;
	s31 =	sshrl.u32 s28, $0x1F;
	v6 =	vsel vm1, s14, v6;
	s0 =	sshra.s32 s0, $0x1F;
	v3 =	vsel vm1, s21, v3  }
0x4de: {  	s11 =	sshra.s32 s2, $0x1F;
	v6 =	vsel vm2, s31, v6;
	s4 =	sadd.s32 s4, s9;
	s9 =	sshra.s32 s2, $0x6;
	v3 =	vsel vm11, s0, v3  }
0x4df: {  	s17 =	sshrl.u32 s2, $0x1F;
	s3 =	smul.u32 $0x10624DD3, s3;
	s14 =	sshra.s32 s24, $0x6;
	v4 =	vcombine.low v6, v4;
	v5 =	vsel vm1, s15, v5;
	v3 =	vsel vm2, s9, v3  }
0x4e0: {  	s16 =	sshra.s32 s1, $0x1F;
	s13 =	sshra.s32 s1, $0x6;
	v6 =	vmov s14;
	s15 =	sshra.s32 s29, $0x6;
	v5 =	vsel vm2, s17, v5;
	v3 =	vsel vm12, s11, v3  }
0x4e1: {  	s3 =	sadd.s32 s3, s19;
	s19 =	sshra.s32 s25, $0x6;
	s17 =	sshra.s32 s20, $0x6;
	v7 =	vmov s15;
	v5 =	vsel vm4, s5, v5;
	v3 =	vsel vm4, s13, v3  }
0x4e2: {  	s10 =	sshrl.u32 s4, $0x1F;
	s20 =	sshra.s32 s4, $0x6;
	s21 =	sshra.s32 s23, $0x6;
	v6 =	vsel vm0, s17, v6;
	v7 =	vsel vm0, s19, v7;
	v3 =	vsel vm13, s16, v3  }
0x4e3: {  	s12 =	sshrl.u32 s3, $0x1F;
	s23 =	sshra.s32 s26, $0x6;
	s24 =	sshra.s32 s4, $0x1F;
	v5 =	vsel vm5, s10, v5;
	v6 =	vsel vm1, s21, v6;
	v3 =	vsel vm5, s20, v3  }
0x4e4: {  	s25 =	sshra.s32 s22, $0x6;
	s26 =	sshra.s32 s28, $0x6;
	s28 =	sshra.s32 s3, $0x6;
	v7 =	vsel vm1, s23, v7;
	v5 =	vsel vm6, s12, v5;
	v3 =	vsel vm14, s24, v3  }
0x4e5: {  	s31 =	sshra.s32 s3, $0x1F;
	s29 =	sshrl.u32 s30, $0x1F;
	v6 =	vsel vm2, s25, v6;
	v7 =	vsel vm2, s26, v7;
	v3 =	vsel vm6, s28, v3  }
0x4e6: {  	s1 =	sshra.s32 s30, $0x6;
	v5 =	vsel vm7, s29, v5;
	v6 =	vcombine.low v7, v6;
	v3 =	vsel vm15, s31, v3  }
0x4e7: {  	v4 =	vperm.xlane v4, v0;
	v5 =	vperm.xlane v5, v1;
	v3 =	vsel vm7, s1, v3  }
0x4e8: {  	v6 =	vperm.xlane v6, v0;
	v3 =	vperm.xlane v3, v1;
	_ =	sdelay $0x1  }
0x4e9: {  	v4 =	vsel vm8, v5, v4;
	v3 =	vsel vm8, v3, v6  }
0x4ea: {  	v3 =	vadd.s32 v4, v3  }
0x4eb: {  	v4 =	vmul.u32 $0xFFFFFC18, v3;
	_ =	sdelay $0x1  }
0x4ec: {  	v2 =	vadd.s32 v2, v4  }
0x4ed: {  	v3 =	vmul.u32 $0x21, v3;
	v2 =	vmul.u32 $0x21, v2;
	_ =	sdelay $0x1  }
0x4ee: {  	[tilespmem:$0x14230] =	vst v3;
	v2 =	vadd.s32 $0x80E8, v2  }
0x4ef: {  	[tilespmem:$0x142B0] =	vst v2  }
0x4f0: {  	v2 =	vld [tilespmem:s18+$0x40];
	_ =	sdelay $0x4  }
0x4f1: {  	(v2sf) =	vpush v2, $0xD;
	_ =	sdelay $0x1  }
0x4f2: {  	(v2sf) =	vpush v2, $0xC;
	_ =	sdelay $0x1  }
0x4f3: {  	(v2sf) =	vpush v2, $0xE;
	_ =	sdelay $0x1  }
0x4f4: {  	(v2sf) =	vpush v2, $0xF;
	_ =	sdelay $0x1  }
0x4f5: {  	(v2sf) =	vpush v2, $0x9  }
0x4f6: {  	(v2sf) =	vpush v2, $0x8;
	_ =	sdelay $0x2  }
0x4f7: {  	(v2sf) =	vpush v2, $0xA;
	_ =	sdelay $0x1  }
0x4f8: {  	(v2sf) =	vpush v2, $0xB  }
0x4f9: {  	s2 =	spop (v2sf)  }
0x4fa: {  	(v2sf) =	vpush v2, $0x0;
	s3 =	smulhi.u32 $0x10624DD3, s2;
	s0 =	sshra.s32 s2, $0x1F  }
0x4fb: {  	s4 =	spop (v2sf);
	s0 =	smul.u32 $0x10624DD3, s0  }
0x4fc: {  	(v2sf) =	vpush v2, $0x1;
	s5 =	smulhi.u32 $0x10624DD3, s4;
	s2 =	sshra.s32 s4, $0x1F  }
0x4fd: {  	(v2sf) =	vpush v2, $0x2;
	s6 =	spop (v2sf);
	s2 =	smul.u32 $0x10624DD3, s2  }
0x4fe: {  	(v2sf) =	vpush v2, $0x3;
	s8 =	smulhi.u32 $0x10624DD3, s6;
	s4 =	sshra.s32 s6, $0x1F  }
0x4ff: {  	(v2sf) =	vpush v2, $0x4;
	s9 =	spop (v2sf);
	s4 =	smul.u32 $0x10624DD3, s4  }
0x500: {  	(v2sf) =	vpush v2, $0x5;
	s10 =	smulhi.u32 $0x10624DD3, s9;
	s6 =	sshra.s32 s9, $0x1F  }
0x501: {  	s11 =	spop (v2sf);
	(v2sf) =	vpush v2, $0x6;
	s6 =	smul.u32 $0x10624DD3, s6  }
0x502: {  	s12 =	smulhi.u32 $0x10624DD3, s11;
	s9 =	sshra.s32 s11, $0x1F;
	s28 =	spop (v2sf);
	(v2sf) =	vpush v2, $0x7  }
0x503: {  	s9 =	smul.u32 $0x10624DD3, s9  }
0x504: {  	s20 =	sadd.s32 s0, s3;
	s29 =	smulhi.u32 $0x10624DD3, s28;
	s11 =	sshra.s32 s28, $0x1F  }
0x505: {  	s13 =	sshrl.u32 s20, $0x1F;
	s19 =	spop (v2sf);
	s11 =	smul.u32 $0x10624DD3, s11  }
0x506: {  	s24 =	sadd.s32 s2, s5;
	s21 =	smulhi.u32 $0x10624DD3, s19;
	s25 =	sshra.s32 s19, $0x1F  }
0x507: {  	s14 =	sshrl.u32 s24, $0x1F;
	s26 =	spop (v2sf);
	s1 =	smul.u32 $0x10624DD3, s25  }
0x508: {  	s23 =	sadd.s32 s4, s8;
	s28 =	smulhi.u32 $0x10624DD3, s26;
	s30 =	sshra.s32 s26, $0x1F  }
0x509: {  	s22 =	sadd.s32 s6, s10;
	s31 =	spop (v2sf);
	s3 =	smul.u32 $0x10624DD3, s30  }
0x50a: {  	s25 =	sadd.s32 s9, s12;
	s4 =	smulhi.u32 $0x10624DD3, s31;
	s16 =	sshra.s32 s31, $0x1F  }
0x50b: {  	s17 =	spop (v2sf);
	s29 =	sadd.s32 s11, s29;
	s5 =	smul.u32 $0x10624DD3, s16  }
0x50c: {  	s19 =	smulhi.u32 $0x10624DD3, s17;
	s6 =	sshra.s32 s17, $0x1F;
	s30 =	spop (v2sf)  }
0x50d: {  	s26 =	sadd.s32 s1, s21;
	s6 =	smul.u32 $0x10624DD3, s6;
	s31 =	spop (v2sf)  }
0x50e: {  	s10 =	smulhi.u32 $0x10624DD3, s30;
	s9 =	sshra.s32 s30, $0x1F;
	s21 =	spop (v2sf)  }
0x50f: {  	s30 =	smulhi.u32 $0x10624DD3, s31;
	s11 =	sshra.s32 s31, $0x1F;
	s31 =	spop (v2sf)  }
0x510: {  	s28 =	sadd.s32 s3, s28;
	s12 =	smul.u32 $0x10624DD3, s9;
	s3 =	spop (v2sf)  }
0x511: {  	s15 =	sshrl.u32 s23, $0x1F;
	s16 =	smul.u32 $0x10624DD3, s11;
	s17 =	spop (v2sf)  }
0x512: {  	s6 =	sadd.s32 s6, s19;
	s19 =	smulhi.u32 $0x10624DD3, s17;
	s11 =	sshra.s32 s17, $0x1F  }
0x513: {  	v4 =	vmov s14;
	s14 =	sshrl.u32 s26, $0x1F;
	s4 =	sadd.s32 s5, s4;
	s11 =	smul.u32 $0x10624DD3, s11  }
0x514: {  	s0 =	sadd.s32 s12, s10;
	s10 =	sshrl.u32 s4, $0x1F;
	s5 =	smulhi.u32 $0x10624DD3, s21  }
0x515: {  	s1 =	sshra.s32 s21, $0x1F;
	s2 =	sadd.s32 s16, s30;
	s30 =	sadd.s32 s11, s19  }
0x516: {  	v4 =	vsel vm0, s13, v4;
	s13 =	sshra.s32 s6, $0x6;
	s1 =	smul.u32 $0x10624DD3, s1;
	s17 =	sshra.s32 s30, $0x1F  }
0x517: {  	s9 =	smulhi.u32 $0x10624DD3, s31;
	s21 =	sshra.s32 s31, $0x1F;
	s31 =	sshra.s32 s4, $0x6;
	v3 =	vmov s17  }
0x518: {  	v4 =	vsel vm1, s15, v4;
	v5 =	vmov s10;
	s15 =	sshrl.u32 s0, $0x1F;
	s4 =	sshra.s32 s4, $0x1F;
	s16 =	sshrl.u32 s25, $0x1F;
	v3 =	vsel vm3, s31, v3  }
0x519: {  	v5 =	vnsel vm3, $0x0, v5;
	s1 =	sadd.s32 s1, s5;
	s19 =	sshrl.u32 s22, $0x1F;
	s11 =	sshrl.u32 s29, $0x1F;
	v3 =	vsel vm9, s4, v3  }
0x51a: {  	v4 =	vsel vm2, s19, v4;
	v6 =	vmov s11;
	s4 =	smul.u32 $0x10624DD3, s21;
	s21 =	sshrl.u32 s6, $0x1F;
	s6 =	sshra.s32 s6, $0x1F;
	v3 =	vsel vm0, s13, v3  }
0x51b: {  	s5 =	sshrl.u32 s1, $0x1F;
	s19 =	smulhi.u32 $0x10624DD3, s3;
	v6 =	vsel vm0, s16, v6;
	v5 =	vsel vm0, s21, v5;
	s21 =	sshra.s32 s0, $0x6;
	v3 =	vsel vm10, s6, v3  }
0x51c: {  	s3 =	sshra.s32 s3, $0x1F;
	s31 =	sshrl.u32 s28, $0x1F;
	v6 =	vsel vm1, s14, v6;
	s0 =	sshra.s32 s0, $0x1F;
	v3 =	vsel vm1, s21, v3  }
0x51d: {  	s11 =	sshra.s32 s2, $0x1F;
	v6 =	vsel vm2, s31, v6;
	s4 =	sadd.s32 s4, s9;
	s9 =	sshra.s32 s2, $0x6;
	v3 =	vsel vm11, s0, v3  }
0x51e: {  	s17 =	sshrl.u32 s2, $0x1F;
	s3 =	smul.u32 $0x10624DD3, s3;
	s14 =	sshra.s32 s24, $0x6;
	v4 =	vcombine.low v6, v4;
	v5 =	vsel vm1, s15, v5;
	v3 =	vsel vm2, s9, v3  }
0x51f: {  	s16 =	sshra.s32 s1, $0x1F;
	s13 =	sshra.s32 s1, $0x6;
	v6 =	vmov s14;
	s15 =	sshra.s32 s29, $0x6;
	v5 =	vsel vm2, s17, v5;
	v3 =	vsel vm12, s11, v3  }
0x520: {  	s3 =	sadd.s32 s3, s19;
	s19 =	sshra.s32 s25, $0x6;
	s17 =	sshra.s32 s20, $0x6;
	v7 =	vmov s15;
	v5 =	vsel vm4, s5, v5;
	v3 =	vsel vm4, s13, v3  }
0x521: {  	s10 =	sshrl.u32 s4, $0x1F;
	s20 =	sshra.s32 s4, $0x6;
	s21 =	sshra.s32 s23, $0x6;
	v6 =	vsel vm0, s17, v6;
	v7 =	vsel vm0, s19, v7;
	v3 =	vsel vm13, s16, v3  }
0x522: {  	s12 =	sshrl.u32 s3, $0x1F;
	s23 =	sshra.s32 s26, $0x6;
	s24 =	sshra.s32 s4, $0x1F;
	v5 =	vsel vm5, s10, v5;
	v6 =	vsel vm1, s21, v6;
	v3 =	vsel vm5, s20, v3  }
0x523: {  	s25 =	sshra.s32 s22, $0x6;
	s26 =	sshra.s32 s28, $0x6;
	s28 =	sshra.s32 s3, $0x6;
	v7 =	vsel vm1, s23, v7;
	v5 =	vsel vm6, s12, v5;
	v3 =	vsel vm14, s24, v3  }
0x524: {  	s31 =	sshra.s32 s3, $0x1F;
	s29 =	sshrl.u32 s30, $0x1F;
	v6 =	vsel vm2, s25, v6;
	v7 =	vsel vm2, s26, v7;
	v3 =	vsel vm6, s28, v3  }
0x525: {  	s1 =	sshra.s32 s30, $0x6;
	v5 =	vsel vm7, s29, v5;
	v6 =	vcombine.low v7, v6;
	v3 =	vsel vm15, s31, v3  }
0x526: {  	v4 =	vperm.xlane v4, v0;
	v5 =	vperm.xlane v5, v1;
	v3 =	vsel vm7, s1, v3  }
0x527: {  	v6 =	vperm.xlane v6, v0;
	v3 =	vperm.xlane v3, v1;
	_ =	sdelay $0x1  }
0x528: {  	v4 =	vsel vm8, v5, v4;
	v3 =	vsel vm8, v3, v6  }
0x529: {  	v3 =	vadd.s32 v4, v3  }
0x52a: {  	v4 =	vmul.u32 $0xFFFFFC18, v3;
	_ =	sdelay $0x1  }
0x52b: {  	v2 =	vadd.s32 v2, v4  }
0x52c: {  	v3 =	vmul.u32 $0x21, v3;
	v2 =	vmul.u32 $0x21, v2;
	_ =	sdelay $0x1  }
0x52d: {  	[tilespmem:$0x14240] =	vst v3;
	v2 =	vadd.s32 $0x80E8, v2  }
0x52e: {  	[tilespmem:$0x142C0] =	vst v2  }
0x52f: {  	v2 =	vld [tilespmem:s18+$0x50];
	_ =	sdelay $0x4  }
0x530: {  	(v2sf) =	vpush v2, $0xD;
	_ =	sdelay $0x1  }
0x531: {  	(v2sf) =	vpush v2, $0xC;
	_ =	sdelay $0x1  }
0x532: {  	(v2sf) =	vpush v2, $0xE;
	_ =	sdelay $0x1  }
0x533: {  	(v2sf) =	vpush v2, $0xF;
	_ =	sdelay $0x1  }
0x534: {  	(v2sf) =	vpush v2, $0x9  }
0x535: {  	(v2sf) =	vpush v2, $0x8;
	_ =	sdelay $0x2  }
0x536: {  	(v2sf) =	vpush v2, $0xA;
	_ =	sdelay $0x1  }
0x537: {  	(v2sf) =	vpush v2, $0xB  }
0x538: {  	s2 =	spop (v2sf)  }
0x539: {  	(v2sf) =	vpush v2, $0x0;
	s3 =	smulhi.u32 $0x10624DD3, s2;
	s0 =	sshra.s32 s2, $0x1F  }
0x53a: {  	s4 =	spop (v2sf);
	s0 =	smul.u32 $0x10624DD3, s0  }
0x53b: {  	(v2sf) =	vpush v2, $0x1;
	s5 =	smulhi.u32 $0x10624DD3, s4;
	s2 =	sshra.s32 s4, $0x1F  }
0x53c: {  	(v2sf) =	vpush v2, $0x2;
	s6 =	spop (v2sf);
	s2 =	smul.u32 $0x10624DD3, s2  }
0x53d: {  	(v2sf) =	vpush v2, $0x3;
	s8 =	smulhi.u32 $0x10624DD3, s6;
	s4 =	sshra.s32 s6, $0x1F  }
0x53e: {  	(v2sf) =	vpush v2, $0x4;
	s9 =	spop (v2sf);
	s4 =	smul.u32 $0x10624DD3, s4  }
0x53f: {  	(v2sf) =	vpush v2, $0x5;
	s10 =	smulhi.u32 $0x10624DD3, s9;
	s6 =	sshra.s32 s9, $0x1F  }
0x540: {  	s11 =	spop (v2sf);
	(v2sf) =	vpush v2, $0x6;
	s6 =	smul.u32 $0x10624DD3, s6  }
0x541: {  	s12 =	smulhi.u32 $0x10624DD3, s11;
	s9 =	sshra.s32 s11, $0x1F;
	s28 =	spop (v2sf);
	(v2sf) =	vpush v2, $0x7  }
0x542: {  	s9 =	smul.u32 $0x10624DD3, s9  }
0x543: {  	s20 =	sadd.s32 s0, s3;
	s29 =	smulhi.u32 $0x10624DD3, s28;
	s11 =	sshra.s32 s28, $0x1F  }
0x544: {  	s13 =	sshrl.u32 s20, $0x1F;
	s19 =	spop (v2sf);
	s11 =	smul.u32 $0x10624DD3, s11  }
0x545: {  	s24 =	sadd.s32 s2, s5;
	s21 =	smulhi.u32 $0x10624DD3, s19;
	s25 =	sshra.s32 s19, $0x1F  }
0x546: {  	s14 =	sshrl.u32 s24, $0x1F;
	s26 =	spop (v2sf);
	s1 =	smul.u32 $0x10624DD3, s25  }
0x547: {  	s23 =	sadd.s32 s4, s8;
	s28 =	smulhi.u32 $0x10624DD3, s26;
	s30 =	sshra.s32 s26, $0x1F  }
0x548: {  	s22 =	sadd.s32 s6, s10;
	s31 =	spop (v2sf);
	s3 =	smul.u32 $0x10624DD3, s30  }
0x549: {  	s25 =	sadd.s32 s9, s12;
	s4 =	smulhi.u32 $0x10624DD3, s31;
	s16 =	sshra.s32 s31, $0x1F  }
0x54a: {  	s17 =	spop (v2sf);
	s29 =	sadd.s32 s11, s29;
	s5 =	smul.u32 $0x10624DD3, s16  }
0x54b: {  	s19 =	smulhi.u32 $0x10624DD3, s17;
	s6 =	sshra.s32 s17, $0x1F;
	s30 =	spop (v2sf)  }
0x54c: {  	s26 =	sadd.s32 s1, s21;
	s6 =	smul.u32 $0x10624DD3, s6;
	s31 =	spop (v2sf)  }
0x54d: {  	s10 =	smulhi.u32 $0x10624DD3, s30;
	s9 =	sshra.s32 s30, $0x1F;
	s21 =	spop (v2sf)  }
0x54e: {  	s30 =	smulhi.u32 $0x10624DD3, s31;
	s11 =	sshra.s32 s31, $0x1F;
	s31 =	spop (v2sf)  }
0x54f: {  	s28 =	sadd.s32 s3, s28;
	s12 =	smul.u32 $0x10624DD3, s9;
	s3 =	spop (v2sf)  }
0x550: {  	s15 =	sshrl.u32 s23, $0x1F;
	s16 =	smul.u32 $0x10624DD3, s11;
	s17 =	spop (v2sf)  }
0x551: {  	s6 =	sadd.s32 s6, s19;
	s19 =	smulhi.u32 $0x10624DD3, s17;
	s11 =	sshra.s32 s17, $0x1F  }
0x552: {  	v4 =	vmov s14;
	s14 =	sshrl.u32 s26, $0x1F;
	s4 =	sadd.s32 s5, s4;
	s11 =	smul.u32 $0x10624DD3, s11  }
0x553: {  	s0 =	sadd.s32 s12, s10;
	s10 =	sshrl.u32 s4, $0x1F;
	s5 =	smulhi.u32 $0x10624DD3, s21  }
0x554: {  	s1 =	sshra.s32 s21, $0x1F;
	s2 =	sadd.s32 s16, s30;
	s30 =	sadd.s32 s11, s19  }
0x555: {  	v4 =	vsel vm0, s13, v4;
	s13 =	sshra.s32 s6, $0x6;
	s1 =	smul.u32 $0x10624DD3, s1;
	s17 =	sshra.s32 s30, $0x1F  }
0x556: {  	s9 =	smulhi.u32 $0x10624DD3, s31;
	s21 =	sshra.s32 s31, $0x1F;
	s31 =	sshra.s32 s4, $0x6;
	v3 =	vmov s17  }
0x557: {  	v4 =	vsel vm1, s15, v4;
	v5 =	vmov s10;
	s15 =	sshrl.u32 s0, $0x1F;
	s4 =	sshra.s32 s4, $0x1F;
	s16 =	sshrl.u32 s25, $0x1F;
	v3 =	vsel vm3, s31, v3  }
0x558: {  	v5 =	vnsel vm3, $0x0, v5;
	s1 =	sadd.s32 s1, s5;
	s19 =	sshrl.u32 s22, $0x1F;
	s11 =	sshrl.u32 s29, $0x1F;
	v3 =	vsel vm9, s4, v3  }
0x559: {  	v4 =	vsel vm2, s19, v4;
	v6 =	vmov s11;
	s4 =	smul.u32 $0x10624DD3, s21;
	s21 =	sshrl.u32 s6, $0x1F;
	s6 =	sshra.s32 s6, $0x1F;
	v3 =	vsel vm0, s13, v3  }
0x55a: {  	s5 =	sshrl.u32 s1, $0x1F;
	s19 =	smulhi.u32 $0x10624DD3, s3;
	v6 =	vsel vm0, s16, v6;
	v5 =	vsel vm0, s21, v5;
	s21 =	sshra.s32 s0, $0x6;
	v3 =	vsel vm10, s6, v3  }
0x55b: {  	s3 =	sshra.s32 s3, $0x1F;
	s31 =	sshrl.u32 s28, $0x1F;
	v6 =	vsel vm1, s14, v6;
	s0 =	sshra.s32 s0, $0x1F;
	v3 =	vsel vm1, s21, v3  }
0x55c: {  	s11 =	sshra.s32 s2, $0x1F;
	v6 =	vsel vm2, s31, v6;
	s4 =	sadd.s32 s4, s9;
	s9 =	sshra.s32 s2, $0x6;
	v3 =	vsel vm11, s0, v3  }
0x55d: {  	s17 =	sshrl.u32 s2, $0x1F;
	s3 =	smul.u32 $0x10624DD3, s3;
	s14 =	sshra.s32 s24, $0x6;
	v4 =	vcombine.low v6, v4;
	v5 =	vsel vm1, s15, v5;
	v3 =	vsel vm2, s9, v3  }
0x55e: {  	s16 =	sshra.s32 s1, $0x1F;
	s13 =	sshra.s32 s1, $0x6;
	v6 =	vmov s14;
	s15 =	sshra.s32 s29, $0x6;
	v5 =	vsel vm2, s17, v5;
	v3 =	vsel vm12, s11, v3  }
0x55f: {  	s3 =	sadd.s32 s3, s19;
	s19 =	sshra.s32 s25, $0x6;
	s17 =	sshra.s32 s20, $0x6;
	v7 =	vmov s15;
	v5 =	vsel vm4, s5, v5;
	v3 =	vsel vm4, s13, v3  }
0x560: {  	s10 =	sshrl.u32 s4, $0x1F;
	s20 =	sshra.s32 s4, $0x6;
	s21 =	sshra.s32 s23, $0x6;
	v6 =	vsel vm0, s17, v6;
	v7 =	vsel vm0, s19, v7;
	v3 =	vsel vm13, s16, v3  }
0x561: {  	s12 =	sshrl.u32 s3, $0x1F;
	s23 =	sshra.s32 s26, $0x6;
	s24 =	sshra.s32 s4, $0x1F;
	v5 =	vsel vm5, s10, v5;
	v6 =	vsel vm1, s21, v6;
	v3 =	vsel vm5, s20, v3  }
0x562: {  	s25 =	sshra.s32 s22, $0x6;
	s26 =	sshra.s32 s28, $0x6;
	s28 =	sshra.s32 s3, $0x6;
	v7 =	vsel vm1, s23, v7;
	v5 =	vsel vm6, s12, v5;
	v3 =	vsel vm14, s24, v3  }
0x563: {  	s31 =	sshra.s32 s3, $0x1F;
	s29 =	sshrl.u32 s30, $0x1F;
	v6 =	vsel vm2, s25, v6;
	v7 =	vsel vm2, s26, v7;
	v3 =	vsel vm6, s28, v3  }
0x564: {  	s1 =	sshra.s32 s30, $0x6;
	v5 =	vsel vm7, s29, v5;
	v6 =	vcombine.low v7, v6;
	v3 =	vsel vm15, s31, v3  }
0x565: {  	v4 =	vperm.xlane v4, v0;
	v5 =	vperm.xlane v5, v1;
	v3 =	vsel vm7, s1, v3  }
0x566: {  	v6 =	vperm.xlane v6, v0;
	v3 =	vperm.xlane v3, v1;
	_ =	sdelay $0x1  }
0x567: {  	v4 =	vsel vm8, v5, v4;
	v3 =	vsel vm8, v3, v6  }
0x568: {  	v3 =	vadd.s32 v4, v3  }
0x569: {  	v4 =	vmul.u32 $0xFFFFFC18, v3;
	_ =	sdelay $0x1  }
0x56a: {  	v2 =	vadd.s32 v2, v4  }
0x56b: {  	v3 =	vmul.u32 $0x21, v3;
	v2 =	vmul.u32 $0x21, v2;
	_ =	sdelay $0x1  }
0x56c: {  	[tilespmem:$0x14250] =	vst v3;
	v2 =	vadd.s32 $0x80E8, v2  }
0x56d: {  	[tilespmem:$0x142D0] =	vst v2  }
0x56e: {  	v2 =	vld [tilespmem:s18+$0x60];
	_ =	sdelay $0x4  }
0x56f: {  	(v2sf) =	vpush v2, $0xD;
	_ =	sdelay $0x1  }
0x570: {  	(v2sf) =	vpush v2, $0xC;
	_ =	sdelay $0x1  }
0x571: {  	(v2sf) =	vpush v2, $0xE;
	_ =	sdelay $0x1  }
0x572: {  	(v2sf) =	vpush v2, $0xF;
	_ =	sdelay $0x1  }
0x573: {  	(v2sf) =	vpush v2, $0x9  }
0x574: {  	(v2sf) =	vpush v2, $0x8;
	_ =	sdelay $0x2  }
0x575: {  	(v2sf) =	vpush v2, $0xA;
	_ =	sdelay $0x1  }
0x576: {  	(v2sf) =	vpush v2, $0xB  }
0x577: {  	s2 =	spop (v2sf)  }
0x578: {  	(v2sf) =	vpush v2, $0x0;
	s3 =	smulhi.u32 $0x10624DD3, s2;
	s0 =	sshra.s32 s2, $0x1F  }
0x579: {  	s4 =	spop (v2sf);
	s0 =	smul.u32 $0x10624DD3, s0  }
0x57a: {  	(v2sf) =	vpush v2, $0x1;
	s5 =	smulhi.u32 $0x10624DD3, s4;
	s2 =	sshra.s32 s4, $0x1F  }
0x57b: {  	(v2sf) =	vpush v2, $0x2;
	s6 =	spop (v2sf);
	s2 =	smul.u32 $0x10624DD3, s2  }
0x57c: {  	(v2sf) =	vpush v2, $0x3;
	s8 =	smulhi.u32 $0x10624DD3, s6;
	s4 =	sshra.s32 s6, $0x1F  }
0x57d: {  	s9 =	spop (v2sf);
	(v2sf) =	vpush v2, $0x4;
	s4 =	smul.u32 $0x10624DD3, s4  }
0x57e: {  	s10 =	smulhi.u32 $0x10624DD3, s9;
	s6 =	sshra.s32 s9, $0x1F;
	(v2sf) =	vpush v2, $0x5  }
0x57f: {  	s11 =	spop (v2sf);
	s6 =	smul.u32 $0x10624DD3, s6;
	(v2sf) =	vpush v2, $0x6  }
0x580: {  	s12 =	smulhi.u32 $0x10624DD3, s11;
	s9 =	sshra.s32 s11, $0x1F;
	s28 =	spop (v2sf);
	(v2sf) =	vpush v2, $0x7  }
0x581: {  	s9 =	smul.u32 $0x10624DD3, s9  }
0x582: {  	s20 =	sadd.s32 s0, s3;
	s29 =	smulhi.u32 $0x10624DD3, s28;
	s11 =	sshra.s32 s28, $0x1F  }
0x583: {  	s13 =	sshrl.u32 s20, $0x1F;
	s19 =	spop (v2sf);
	s11 =	smul.u32 $0x10624DD3, s11  }
0x584: {  	s24 =	sadd.s32 s2, s5;
	s21 =	smulhi.u32 $0x10624DD3, s19;
	s25 =	sshra.s32 s19, $0x1F  }
0x585: {  	s14 =	sshrl.u32 s24, $0x1F;
	s26 =	spop (v2sf);
	s1 =	smul.u32 $0x10624DD3, s25  }
0x586: {  	s23 =	sadd.s32 s4, s8;
	s28 =	smulhi.u32 $0x10624DD3, s26;
	s30 =	sshra.s32 s26, $0x1F  }
0x587: {  	s22 =	sadd.s32 s6, s10;
	s31 =	spop (v2sf);
	s3 =	smul.u32 $0x10624DD3, s30  }
0x588: {  	s25 =	sadd.s32 s9, s12;
	s4 =	smulhi.u32 $0x10624DD3, s31;
	s16 =	sshra.s32 s31, $0x1F  }
0x589: {  	s29 =	sadd.s32 s11, s29;
	s5 =	smul.u32 $0x10624DD3, s16;
	s17 =	spop (v2sf)  }
0x58a: {  	s19 =	smulhi.u32 $0x10624DD3, s17;
	s6 =	sshra.s32 s17, $0x1F;
	s30 =	spop (v2sf)  }
0x58b: {  	s26 =	sadd.s32 s1, s21;
	s6 =	smul.u32 $0x10624DD3, s6;
	s31 =	spop (v2sf)  }
0x58c: {  	s10 =	smulhi.u32 $0x10624DD3, s30;
	s9 =	sshra.s32 s30, $0x1F;
	s21 =	spop (v2sf)  }
0x58d: {  	s30 =	smulhi.u32 $0x10624DD3, s31;
	s11 =	sshra.s32 s31, $0x1F;
	s31 =	spop (v2sf)  }
0x58e: {  	s28 =	sadd.s32 s3, s28;
	s12 =	smul.u32 $0x10624DD3, s9;
	s3 =	spop (v2sf)  }
0x58f: {  	s15 =	sshrl.u32 s23, $0x1F;
	s16 =	smul.u32 $0x10624DD3, s11;
	s17 =	spop (v2sf)  }
0x590: {  	s6 =	sadd.s32 s6, s19;
	s19 =	smulhi.u32 $0x10624DD3, s17;
	s11 =	sshra.s32 s17, $0x1F  }
0x591: {  	v4 =	vmov s14;
	s14 =	sshrl.u32 s26, $0x1F;
	s4 =	sadd.s32 s5, s4;
	s11 =	smul.u32 $0x10624DD3, s11  }
0x592: {  	s5 =	smulhi.u32 $0x10624DD3, s21;
	s1 =	sshra.s32 s21, $0x1F;
	s0 =	sadd.s32 s12, s10  }
0x593: {  	s1 =	smul.u32 $0x10624DD3, s1;
	s2 =	sadd.s32 s16, s30;
	s30 =	sadd.s32 s11, s19  }
0x594: {  	s10 =	sshrl.u32 s4, $0x1F;
	s9 =	smulhi.u32 $0x10624DD3, s31;
	s17 =	sshra.s32 s30, $0x1F  }
0x595: {  	v4 =	vsel vm0, s13, v4;
	s21 =	sshra.s32 s31, $0x1F;
	s31 =	sshra.s32 s4, $0x6;
	s4 =	sshra.s32 s4, $0x1F;
	v3 =	vmov s17  }
0x596: {  	v4 =	vsel vm1, s15, v4;
	s13 =	sshra.s32 s6, $0x6;
	s16 =	sshrl.u32 s25, $0x1F;
	v5 =	vmov s10;
	s15 =	sshrl.u32 s0, $0x1F;
	v3 =	vsel vm3, s31, v3  }
0x597: {  	v5 =	vnsel vm3, $0x0, v5;
	s1 =	sadd.s32 s1, s5;
	s19 =	sshrl.u32 s22, $0x1F;
	s11 =	sshrl.u32 s29, $0x1F;
	v3 =	vsel vm9, s4, v3  }
0x598: {  	v4 =	vsel vm2, s19, v4;
	v6 =	vmov s11;
	s4 =	smul.u32 $0x10624DD3, s21;
	s21 =	sshrl.u32 s6, $0x1F;
	s6 =	sshra.s32 s6, $0x1F;
	v3 =	vsel vm0, s13, v3  }
0x599: {  	s5 =	sshrl.u32 s1, $0x1F;
	s19 =	smulhi.u32 $0x10624DD3, s3;
	v6 =	vsel vm0, s16, v6;
	v5 =	vsel vm0, s21, v5;
	s21 =	sshra.s32 s0, $0x6;
	v3 =	vsel vm10, s6, v3  }
0x59a: {  	s3 =	sshra.s32 s3, $0x1F;
	s31 =	sshrl.u32 s28, $0x1F;
	v6 =	vsel vm1, s14, v6;
	s0 =	sshra.s32 s0, $0x1F;
	v3 =	vsel vm1, s21, v3  }
0x59b: {  	s11 =	sshra.s32 s2, $0x1F;
	v6 =	vsel vm2, s31, v6;
	s4 =	sadd.s32 s4, s9;
	s9 =	sshra.s32 s2, $0x6;
	v3 =	vsel vm11, s0, v3  }
0x59c: {  	s17 =	sshrl.u32 s2, $0x1F;
	s3 =	smul.u32 $0x10624DD3, s3;
	s14 =	sshra.s32 s24, $0x6;
	v4 =	vcombine.low v6, v4;
	v5 =	vsel vm1, s15, v5;
	v3 =	vsel vm2, s9, v3  }
0x59d: {  	s16 =	sshra.s32 s1, $0x1F;
	s13 =	sshra.s32 s1, $0x6;
	v6 =	vmov s14;
	s15 =	sshra.s32 s29, $0x6;
	v5 =	vsel vm2, s17, v5;
	v3 =	vsel vm12, s11, v3  }
0x59e: {  	s3 =	sadd.s32 s3, s19;
	s19 =	sshra.s32 s25, $0x6;
	s17 =	sshra.s32 s20, $0x6;
	v7 =	vmov s15;
	v5 =	vsel vm4, s5, v5;
	v3 =	vsel vm4, s13, v3  }
0x59f: {  	s10 =	sshrl.u32 s4, $0x1F;
	s20 =	sshra.s32 s4, $0x6;
	s21 =	sshra.s32 s23, $0x6;
	v6 =	vsel vm0, s17, v6;
	v7 =	vsel vm0, s19, v7;
	v3 =	vsel vm13, s16, v3  }
0x5a0: {  	s12 =	sshrl.u32 s3, $0x1F;
	s23 =	sshra.s32 s26, $0x6;
	s24 =	sshra.s32 s4, $0x1F;
	v5 =	vsel vm5, s10, v5;
	v6 =	vsel vm1, s21, v6;
	v3 =	vsel vm5, s20, v3  }
0x5a1: {  	s25 =	sshra.s32 s22, $0x6;
	s26 =	sshra.s32 s28, $0x6;
	s28 =	sshra.s32 s3, $0x6;
	v7 =	vsel vm1, s23, v7;
	v5 =	vsel vm6, s12, v5;
	v3 =	vsel vm14, s24, v3  }
0x5a2: {  	s31 =	sshra.s32 s3, $0x1F;
	s29 =	sshrl.u32 s30, $0x1F;
	v6 =	vsel vm2, s25, v6;
	v7 =	vsel vm2, s26, v7;
	v3 =	vsel vm6, s28, v3  }
0x5a3: {  	s1 =	sshra.s32 s30, $0x6;
	v5 =	vsel vm7, s29, v5;
	v6 =	vcombine.low v7, v6;
	v3 =	vsel vm15, s31, v3  }
0x5a4: {  	v4 =	vperm.xlane v4, v0;
	v5 =	vperm.xlane v5, v1;
	v3 =	vsel vm7, s1, v3  }
0x5a5: {  	v6 =	vperm.xlane v6, v0;
	v3 =	vperm.xlane v3, v1;
	_ =	sdelay $0x1  }
0x5a6: {  	v4 =	vsel vm8, v5, v4;
	v3 =	vsel vm8, v3, v6  }
0x5a7: {  	v3 =	vadd.s32 v4, v3  }
0x5a8: {  	v4 =	vmul.u32 $0xFFFFFC18, v3;
	_ =	sdelay $0x1  }
0x5a9: {  	v2 =	vadd.s32 v2, v4  }
0x5aa: {  	v3 =	vmul.u32 $0x21, v3;
	v2 =	vmul.u32 $0x21, v2;
	_ =	sdelay $0x1  }
0x5ab: {  	[tilespmem:$0x14260] =	vst v3;
	v2 =	vadd.s32 $0x80E8, v2  }
0x5ac: {  	[tilespmem:$0x142E0] =	vst v2  }
0x5ad: {  	v2 =	vld [tilespmem:s18+$0x70];
	_ =	sdelay $0x4  }
0x5ae: {  	(v2sf) =	vpush v2, $0xD;
	_ =	sdelay $0x1  }
0x5af: {  	(v2sf) =	vpush v2, $0xC;
	_ =	sdelay $0x1  }
0x5b0: {  	(v2sf) =	vpush v2, $0xE;
	_ =	sdelay $0x1  }
0x5b1: {  	(v2sf) =	vpush v2, $0xF;
	_ =	sdelay $0x1  }
0x5b2: {  	(v2sf) =	vpush v2, $0x9;
	_ =	sdelay $0x1  }
0x5b3: {  	(v2sf) =	vpush v2, $0x8;
	_ =	sdelay $0x1  }
0x5b4: {  	(v2sf) =	vpush v2, $0xA;
	_ =	sdelay $0x1  }
0x5b5: {  	(v2sf) =	vpush v2, $0xB  }
0x5b6: {  	s2 =	spop (v2sf)  }
0x5b7: {  	(v2sf) =	vpush v2, $0x0;
	s3 =	smulhi.u32 $0x10624DD3, s2;
	s0 =	sshra.s32 s2, $0x1F  }
0x5b8: {  	(v2sf) =	vpush v2, $0x1;
	s4 =	spop (v2sf);
	s0 =	smul.u32 $0x10624DD3, s0  }
0x5b9: {  	s5 =	smulhi.u32 $0x10624DD3, s4;
	s2 =	sshra.s32 s4, $0x1F  }
0x5ba: {  	(v2sf) =	vpush v2, $0x2;
	s6 =	spop (v2sf);
	s2 =	smul.u32 $0x10624DD3, s2  }
0x5bb: {  	(v2sf) =	vpush v2, $0x3;
	s8 =	smulhi.u32 $0x10624DD3, s6;
	s4 =	sshra.s32 s6, $0x1F  }
0x5bc: {  	s17 =	spop (v2sf);
	s4 =	smul.u32 $0x10624DD3, s4  }
0x5bd: {  	(v2sf) =	vpush v2, $0x4;
	s18 =	smulhi.u32 $0x10624DD3, s17;
	s6 =	sshra.s32 s17, $0x1F  }
0x5be: {  	(v2sf) =	vpush v2, $0x5;
	s19 =	spop (v2sf);
	s6 =	smul.u32 $0x10624DD3, s6  }
0x5bf: {  	(v2sf) =	vpush v2, $0x6;
	s11 =	smulhi.u32 $0x10624DD3, s19;
	s9 =	sshra.s32 s19, $0x1F  }
0x5c0: {  	(v2sf) =	vpush v2, $0x7;
	s20 =	spop (v2sf);
	s9 =	smul.u32 $0x10624DD3, s9  }
0x5c1: {  	s14 =	smulhi.u32 $0x10624DD3, s20;
	s10 =	sshra.s32 s20, $0x1F  }
0x5c2: {  	s21 =	spop (v2sf);
	s10 =	smul.u32 $0x10624DD3, s10  }
0x5c3: {  	s23 =	smulhi.u32 $0x10624DD3, s21;
	s12 =	sshra.s32 s21, $0x1F  }
0x5c4: {  	s20 =	sadd.s32 s4, s8;
	s22 =	spop (v2sf);
	s12 =	smul.u32 $0x10624DD3, s12  }
0x5c5: {  	s18 =	sadd.s32 s6, s18;
	s31 =	smulhi.u32 $0x10624DD3, s22;
	s13 =	sshra.s32 s22, $0x1F  }
0x5c6: {  	s24 =	spop (v2sf);
	s22 =	sadd.s32 s0, s3;
	s13 =	smul.u32 $0x10624DD3, s13  }
0x5c7: {  	s25 =	spop (v2sf);
	s17 =	smulhi.u32 $0x10624DD3, s24;
	s15 =	sshra.s32 s24, $0x1F  }
0x5c8: {  	s24 =	sadd.s32 s2, s5;
	s3 =	sshrl.u32 s22, $0x1F;
	s0 =	smul.u32 $0x10624DD3, s15  }
0x5c9: {  	s28 =	spop (v2sf);
	s1 =	smulhi.u32 $0x10624DD3, s25;
	s29 =	sshra.s32 s25, $0x1F  }
0x5ca: {  	s6 =	sshrl.u32 s24, $0x1F;
	s26 =	spop (v2sf);
	s2 =	smul.u32 $0x10624DD3, s29  }
0x5cb: {  	s4 =	smulhi.u32 $0x10624DD3, s28;
	s8 =	sshra.s32 s28, $0x1F;
	s28 =	sadd.s32 s9, s11  }
0x5cc: {  	s29 =	sadd.s32 s10, s14;
	s5 =	smul.u32 $0x10624DD3, s8;
	s21 =	spop (v2sf)  }
0x5cd: {  	s10 =	sshrl.u32 s20, $0x1F;
	s11 =	smulhi.u32 $0x10624DD3, s26;
	s19 =	spop (v2sf)  }
0x5ce: {  	s14 =	sshra.s32 s26, $0x1F;
	s26 =	sadd.s32 s12, s23;
	s30 =	spop (v2sf)  }
0x5cf: {  	s23 =	sadd.s32 s13, s31;
	s9 =	smul.u32 $0x10624DD3, s14;
	s16 =	spop (v2sf)  }
0x5d0: {  	s0 =	sadd.s32 s0, s17;
	s25 =	smulhi.u32 $0x10624DD3, s16;
	s12 =	sshra.s32 s16, $0x1F  }
0x5d1: {  	s1 =	sadd.s32 s2, s1;
	s14 =	sshrl.u32 s18, $0x1F;
	s12 =	smul.u32 $0x10624DD3, s12  }
0x5d2: {  	s4 =	sadd.s32 s5, s4;
	s15 =	smulhi.u32 $0x10624DD3, s21;
	s31 =	sshra.s32 s21, $0x1F  }
0x5d3: {  	s5 =	sshrl.u32 s28, $0x1F;
	s2 =	smul.u32 $0x10624DD3, s31;
	s25 =	sadd.s32 s12, s25  }
0x5d4: {  	s17 =	sshrl.u32 s1, $0x1F;
	s8 =	sadd.s32 s9, s11;
	s13 =	sshra.s32 s25, $0x1F  }
0x5d5: {  	v4 =	vmov s6;
	s11 =	sshrl.u32 s26, $0x1F;
	s2 =	sadd.s32 s2, s15;
	s15 =	sshra.s32 s0, $0x6;
	v3 =	vmov s13  }
0x5d6: {  	v4 =	vsel vm0, s3, v4;
	s9 =	sshrl.u32 s23, $0x1F;
	s16 =	sshrl.u32 s0, $0x1F;
	s0 =	sshra.s32 s0, $0x1F;
	v3 =	vsel vm3, s15, v3  }
0x5d7: {  	v4 =	vsel vm1, s10, v4;
	s21 =	sshra.s32 s1, $0x6;
	s3 =	smulhi.u32 $0x10624DD3, s19;
	s19 =	sshra.s32 s19, $0x1F;
	v3 =	vsel vm9, s0, v3  }
0x5d8: {  	v4 =	vsel vm2, s14, v4;
	s1 =	sshra.s32 s1, $0x1F;
	s6 =	smul.u32 $0x10624DD3, s19;
	v5 =	vmov s16;
	s12 =	sshrl.u32 s29, $0x1F;
	v3 =	vsel vm0, s21, v3  }
0x5d9: {  	s31 =	sshrl.u32 s4, $0x1F;
	s10 =	smulhi.u32 $0x10624DD3, s30;
	v5 =	vnsel vm3, $0x0, v5;
	v6 =	vmov s12;
	s15 =	sshra.s32 s4, $0x6;
	v3 =	vsel vm10, s1, v3  }
0x5da: {  	s14 =	sshra.s32 s30, $0x1F;
	s30 =	sshra.s32 s8, $0x6;
	v5 =	vsel vm0, s17, v5;
	v6 =	vsel vm0, s5, v6;
	s4 =	sshra.s32 s4, $0x1F;
	v3 =	vsel vm1, s15, v3  }
0x5db: {  	s16 =	sshrl.u32 s8, $0x1F;
	s19 =	sadd.s32 s6, s3;
	s17 =	smul.u32 $0x10624DD3, s14;
	v5 =	vsel vm1, s31, v5;
	v6 =	vsel vm1, s11, v6;
	v3 =	vsel vm11, s4, v3  }
0x5dc: {  	s31 =	sshrl.u32 s19, $0x1F;
	v5 =	vsel vm2, s16, v5;
	s5 =	sshra.s32 s8, $0x1F;
	v6 =	vsel vm2, s9, v6;
	s9 =	sshra.s32 s24, $0x6;
	v3 =	vsel vm2, s30, v3  }
0x5dd: {  	s8 =	sshra.s32 s2, $0x6;
	s11 =	sshra.s32 s22, $0x6;
	s21 =	sshrl.u32 s2, $0x1F;
	v4 =	vcombine.low v6, v4;
	v6 =	vmov s9;
	v3 =	vsel vm12, s5, v3  }
0x5de: {  	s2 =	sshra.s32 s2, $0x1F;
	v5 =	vsel vm4, s21, v5;
	s1 =	sadd.s32 s17, s10;
	s10 =	sshra.s32 s29, $0x6;
	v6 =	vsel vm0, s11, v6;
	v3 =	vsel vm4, s8, v3  }
0x5df: {  	s14 =	sshra.s32 s20, $0x6;
	s12 =	sshra.s32 s28, $0x6;
	s13 =	sshra.s32 s19, $0x6;
	v5 =	vsel vm5, s31, v5;
	v7 =	vmov s10;
	v3 =	vsel vm13, s2, v3  }
0x5e0: {  	s0 =	sshra.s32 s19, $0x1F;
	s6 =	sshrl.u32 s1, $0x1F;
	s15 =	sshra.s32 s26, $0x6;
	v6 =	vsel vm1, s14, v6;
	v7 =	vsel vm0, s12, v7;
	v3 =	vsel vm5, s13, v3  }
0x5e1: {  	s16 =	sshra.s32 s18, $0x6;
	s17 =	sshra.s32 s23, $0x6;
	s18 =	sshra.s32 s1, $0x6;
	v5 =	vsel vm6, s6, v5;
	v7 =	vsel vm1, s15, v7;
	v3 =	vsel vm14, s0, v3  }
0x5e2: {  	s19 =	sshrl.u32 s25, $0x1F;
	s20 =	sshra.s32 s1, $0x1F;
	v6 =	vsel vm2, s16, v6;
	v7 =	vsel vm2, s17, v7;
	v3 =	vsel vm6, s18, v3  }
0x5e3: {  	s21 =	sshra.s32 s25, $0x6;
	v5 =	vsel vm7, s19, v5;
	v6 =	vcombine.low v7, v6;
	v3 =	vsel vm15, s20, v3  }
0x5e4: {  	v4 =	vperm.xlane v4, v0;
	v5 =	vperm.xlane v5, v1;
	v3 =	vsel vm7, s21, v3  }
0x5e5: {  	v6 =	vperm.xlane v6, v0;
	v3 =	vperm.xlane v3, v1;
	_ =	sdelay $0x1  }
0x5e6: {  	v4 =	vsel vm8, v5, v4;
	v3 =	vsel vm8, v3, v6  }
0x5e7: {  	v3 =	vadd.s32 v4, v3  }
0x5e8: {  	v4 =	vmul.u32 $0xFFFFFC18, v3;
	_ =	sdelay $0x1  }
0x5e9: {  	v2 =	vadd.s32 v2, v4  }
0x5ea: {  	v3 =	vmul.u32 $0x21, v3;
	v2 =	vmul.u32 $0x21, v2;
	_ =	sdelay $0x1  }
0x5eb: {  	[tilespmem:$0x14270] =	vst v3;
	v2 =	vadd.s32 $0x80E8, v2  }
0x5ec: {  	s0 =	simm.s32 @!p0 $0x2;
	[tilespmem:$0x142F0] =	vst v2  }
0x5ed: {  	_ =	swait.ge @!p0 [sflag:s0], $0x2000  }
0x5ee: {  	[sflag:s0] =	ssyncset.done @!p0 $0x0  }
0x5ef: {  	[sflag:s0] =	ssyncadd.s32 @!p0 $0xFFFFE000  }
0x5f0: {  	v5 =	vld [tilespmem:$0x14200];
	_ =	sdelay $0x1  }
0x5f1: {  	v4 =	vld [tilespmem:$0x14280];
	_ =	sdelay $0x1  }
0x5f2: {  	s22 =	simm.s32 $0x1  }
0x5f3: {  	s23 =	simm.s32 $0x3;
	v2 =	vadd.s32 s22, v5  }
0x5f4: {  	v3 =	vadd.s32 s23, v5  }
0x5f5: {  	v6 =	vadd.s32 s23, v4  }
0x5f6: {  	s24 =	simm.s32 $0x2;
	v7 =	vadd.s32 s22, v4  }
0x5f7: {  	v8 =	vadd.s32 s24, v5  }
0x5f8: {  	v9 =	vadd.s32 s24, v4;
	v10 =	vld.idx.msk [tilespmem:v2+s7+$0x0], $0xffff  }
0x5f9: {  	v11 =	vld.idx.msk [tilespmem:v3+s7+$0x0], $0xffff  }
0x5fa: {  	s25 =	simm.s32 $0x5;
	v6 =	vld.idx.msk [tilespmem:v6+s7+$0x0], $0xffff  }
0x5fb: {  	s26 =	simm.s32 $0x6;
	v12 =	vadd.s32 s25, v5;
	v7 =	vld.idx.msk [tilespmem:v7+s7+$0x0], $0xffff  }
0x5fc: {  	s28 =	simm.s32 $0x7;
	v13 =	vadd.s32 s25, v4;
	v14 =	vadd.s32 s26, v5;
	v17 =	vadd.s32 s26, v4;
	v8 =	vld.idx.msk [tilespmem:v8+s7+$0x0], $0xffff  }
0x5fd: {  	v16 =	vadd.s32 s28, v5;
	v21 =	vadd.s32 s28, v4;
	v3 =	vadd.s32 $0x4, v5;
	v9 =	vld.idx.msk [tilespmem:v9+s7+$0x0], $0xffff  }
0x5fe: {  	v2 =	vadd.s32 $0x4, v4;
	v15 =	vshll.u32 v10, $0x10;
	v10 =	vand.u32 $0xFFFF0000, v10  }
0x5ff: {  	v22 =	vld.idx.msk [tilespmem:v4+s7+$0x0], $0xffff;
	v19 =	vshll.u32 v11, $0x10;
	v11 =	vand.u32 $0xFFFF0000, v11;
	v20 =	vand.u32 $0xFFFF0000, v6  }
0x600: {  	v18 =	vld.idx.msk [tilespmem:v5+s7+$0x0], $0xffff;
	v23 =	vshll.u32 v7, $0x10;
	v7 =	vand.u32 $0xFFFF0000, v7;
	v11 =	vmul.f32 v20, v11  }
0x601: {  	s18 =	simm.s32 $0x16500;
	v6 =	vshll.u32 v6, $0x10;
	v15 =	vmul.f32 v23, v15;
	v7 =	vmul.f32 v7, v10  }
0x602: {  	s29 =	simm.s32 $0x0;
	v10 =	vshll.u32 v8, $0x10;
	v20 =	vshll.u32 v9, $0x10;
	v8 =	vand.u32 $0xFFFF0000, v8;
	[tilespmem:s18+$0x180] =	vst v11  }
0x603: {  	v23 =	vld.idx.msk [tilespmem:v12+s7+$0x0], $0xffff;
	v9 =	vand.u32 $0xFFFF0000, v9;
	v6 =	vmul.f32 v6, v19;
	v12 =	vadd.s32 s29, v3;
	[tilespmem:s18+$0xFFFFFF00] =	vst v15  }
0x604: {  	v19 =	vand.u32 $0xFFFF0000, v22;
	v8 =	vmul.f32 v9, v8;
	v11 =	vmul.f32 v20, v10;
	v10 =	vld.idx.msk [tilespmem:v16+s7+$0x0], $0xffff;
	[tilespmem:s18+$0xFFFFFF80] =	vst v7  }
0x605: {  	v9 =	vshll.u32 v18, $0x10;
	v18 =	vand.u32 $0xFFFF0000, v18;
	v7 =	vld.idx.msk [tilespmem:v21+s7+$0x0], $0xffff;
	v15 =	vadd.s32 s29, v2;
	[tilespmem:s18+$0x100] =	vst v6  }
0x606: {  	s30 =	simm.s32 $0x9;
	v13 =	vld.idx.msk [tilespmem:v13+s7+$0x0], $0xffff;
	v16 =	vshll.u32 v22, $0x10;
	v21 =	vmul.f32 v19, v18;
	[tilespmem:s18+$0x80] =	vst v8  }
0x607: {  	s31 =	simm.s32 $0xA;
	s24 =	simm.s32 $0xB;
	v20 =	vmul.f32 v16, v9;
	v16 =	vadd.s32 s30, v5;
	v9 =	vadd.s32 s30, v4;
	[tilespmem:s18+$0x0] =	vst v11;
	v11 =	vld.idx.msk [tilespmem:v14+s7+$0x0], $0xffff  }
0x608: {  	v6 =	vadd.s32 s31, v4;
	v8 =	vadd.s32 s31, v5;
	v14 =	vld.idx.msk [tilespmem:v17+s7+$0x0], $0xffff;
	v17 =	vadd.s32 s24, v5;
	[tilespmem:s18+$0xFFFFFE80] =	vst v21  }
0x609: {  	s20 =	simm.s32 $0x4;
	s22 =	simm.s32 $0x8;
	s23 =	simm.s32 $0xC;
	v19 =	vshll.u32 v23, $0x10;
	[tilespmem:s18+$0xFFFFFE00] =	vst v20;
	v12 =	vld.idx.msk [tilespmem:v12+s7+$0x0], $0xffff;
	v20 =	vand.u32 $0xFFFF0000, v23;
	v18 =	vshll.u32 v10, $0x10  }
.LBB2_19:
0x60a: {  	p0 =	slt.u32 s23, $0x1C;
	v21 =	vadd.s32 s24, v4;
	v22 =	vld.idx.msk [tilespmem:v15+s7+$0x0], $0xffff;
	v10 =	vand.u32 $0xFFFF0000, v10;
	v15 =	vand.u32 $0xFFFF0000, v7  }
0x60b: {  	v23 =	vshll.u32 v13, $0x10;
	v7 =	vshll.u32 v7, $0x10;
	v10 =	vmul.f32 v15, v10  }
0x60c: {  	v13 =	vand.u32 $0xFFFF0000, v13;
	s18 =	sadd.s32 $0x400, s18;
	v15 =	vmul.f32 v23, v19;
	v18 =	vmul.f32 v7, v18  }
0x60d: {  	v13 =	vmul.f32 v13, v20;
	v7 =	vshll.u32 v11, $0x10;
	v23 =	vld.idx.msk [tilespmem:v16+s7+$0x0], $0xffff;
	v16 =	vshll.u32 v14, $0x10;
	[tilespmem:s18+$0x180] =	vst v10  }
0x60e: {  	v11 =	vand.u32 $0xFFFF0000, v11;
	v14 =	vand.u32 $0xFFFF0000, v14;
	v10 =	vld.idx.msk [tilespmem:v17+s7+$0x0], $0xffff;
	[tilespmem:s18+$0xFFFFFF00] =	vst v15;
	v16 =	vmul.f32 v16, v7  }
0x60f: {  	v20 =	vadd.s32 s20, v3;
	v14 =	vmul.f32 v14, v11;
	v7 =	vld.idx.msk [tilespmem:v21+s7+$0x0], $0xffff;
	[tilespmem:s18+$0xFFFFFF80] =	vst v13  }
.Ltmp8:
0x610: {  	v15 =	vadd.s32 s20, v2;
	s20 =	smov.u32 s22;
	s22 =	smov.u32 s23;
	v17 =	vshll.u32 v22, $0x10;
	v13 =	vld.idx.msk [tilespmem:v9+s7+$0x0], $0xffff;
	v9 =	vshll.u32 v12, $0x10;
	[tilespmem:s18+$0x0] =	vst v16;
	(pc) =	sbr.rel @p0 .LBB2_19-.Ltmp8, $4  }
0x611: {  	s0 =	sadd.s32 $0x1, s23;
	v11 =	vld.idx.msk [tilespmem:v8+s7+$0x0], $0xffff;
	v8 =	vand.u32 $0xFFFF0000, v12;
	v12 =	vand.u32 $0xFFFF0000, v22;
	v17 =	vmul.f32 v17, v9;
	[tilespmem:s18+$0x80] =	vst v14  }
0x612: {  	v16 =	vadd.s32 s0, v5;
	v9 =	vadd.s32 s0, v4;
	s0 =	sadd.s32 $0x2, s23;
	v14 =	vld.idx.msk [tilespmem:v6+s7+$0x0], $0xffff;
	v21 =	vmul.f32 v12, v8;
	[tilespmem:s18+$0x100] =	vst v18  }
0x613: {  	s24 =	sadd.s32 $0x3, s23;
	v8 =	vadd.s32 s0, v5;
	v6 =	vadd.s32 s0, v4;
	v19 =	vshll.u32 v23, $0x10;
	[tilespmem:s18+$0xFFFFFE00] =	vst v17  }
0x614: {  	s23 =	sadd.s32 $0x4, s23;
	v17 =	vadd.s32 s24, v5;
	v18 =	vshll.u32 v10, $0x10;
	v12 =	vld.idx.msk [tilespmem:v20+s7+$0x0], $0xffff;
	v20 =	vand.u32 $0xFFFF0000, v23;
	[tilespmem:s18+$0xFFFFFE80] =	vst v21  }
0x615: {  	_ =	sdelay $0x2  }
0x616: {  	v4 =	vadd.s32 s24, v4  }
0x617: {  	v5 =	vld.idx.msk [tilespmem:v15+s7+$0x0], $0xffff;
	v10 =	vand.u32 $0xFFFF0000, v10;
	v15 =	vand.u32 $0xFFFF0000, v7;
	v21 =	vshll.u32 v13, $0x10  }
0x618: {  	v13 =	vand.u32 $0xFFFF0000, v13;
	v17 =	vld.idx.msk [tilespmem:v17+s7+$0x0], $0xffff;
	v3 =	vadd.s32 s20, v3;
	v10 =	vmul.f32 v15, v10  }
0x619: {  	s0 =	sadd.s32 $0x400, s18;
	v2 =	vadd.s32 s20, v2;
	v7 =	vshll.u32 v7, $0x10;
	v15 =	vld.idx.msk [tilespmem:v16+s7+$0x0], $0xffff;
	v16 =	vmul.f32 v21, v19  }
0x61a: {  	v9 =	vld.idx.msk [tilespmem:v9+s7+$0x0], $0xffff;
	v13 =	vmul.f32 v13, v20;
	v19 =	vshll.u32 v11, $0x10;
	v7 =	vmul.f32 v7, v18;
	[tilespmem:s0+$0x180] =	vst v10  }
0x61b: {  	v20 =	vshll.u32 v14, $0x10;
	v10 =	vand.u32 $0xFFFF0000, v11;
	[tilespmem:s0+$0xFFFFFF00] =	vst v16;
	v11 =	vand.u32 $0xFFFF0000, v14;
	v4 =	vld.idx.msk [tilespmem:v4+s7+$0x0], $0xffff  }
0x61c: {  	[tilespmem:s0+$0xFFFFFF80] =	vst v13;
	v10 =	vmul.f32 v11, v10;
	v11 =	vshll.u32 v12, $0x10;
	v13 =	vshll.u32 v5, $0x10  }
0x61d: {  	v8 =	vld.idx.msk [tilespmem:v8+s7+$0x0], $0xffff;
	[tilespmem:s0+$0x100] =	vst v7;
	v12 =	vand.u32 $0xFFFF0000, v12;
	v5 =	vand.u32 $0xFFFF0000, v5;
	v11 =	vmul.f32 v13, v11  }
0x61e: {  	v6 =	vld.idx.msk [tilespmem:v6+s7+$0x0], $0xffff;
	v14 =	vmul.f32 v20, v19;
	[tilespmem:s0+$0x80] =	vst v10;
	v5 =	vmul.f32 v5, v12  }
0x61f: {  	v3 =	vld.idx.msk [tilespmem:v3+s7+$0x0], $0xffff;
	v7 =	vand.u32 $0xFFFF0000, v17;
	v12 =	vshll.u32 v15, $0x10;
	[tilespmem:s0+$0xFFFFFE00] =	vst v11;
	v11 =	vshll.u32 v9, $0x10  }
0x620: {  	v2 =	vld.idx.msk [tilespmem:v2+s7+$0x0], $0xffff;
	[tilespmem:s0+$0xFFFFFE80] =	vst v5;
	v5 =	vand.u32 $0xFFFF0000, v9;
	v9 =	vmul.f32 v11, v12;
	v10 =	vand.u32 $0xFFFF0000, v4  }
0x621: {  	[tilespmem:s0+$0x0] =	vst v14;
	s0 =	sadd.s32 $0x400, s0;
	v7 =	vmul.f32 v10, v7;
	v10 =	vand.u32 $0xFFFF0000, v15  }
0x622: {  	v4 =	vshll.u32 v4, $0x10;
	[tilespmem:s0+$0xFFFFFF00] =	vst v9;
	v9 =	vshll.u32 v17, $0x10;
	v5 =	vmul.f32 v5, v10  }
0x623: {  	v11 =	vshll.u32 v6, $0x10;
	v10 =	vshll.u32 v8, $0x10;
	v4 =	vmul.f32 v4, v9;
	[tilespmem:s0+$0x180] =	vst v7  }
0x624: {  	v6 =	vand.u32 $0xFFFF0000, v6;
	v7 =	vand.u32 $0xFFFF0000, v8;
	v8 =	vmul.f32 v11, v10;
	[tilespmem:s0+$0xFFFFFF80] =	vst v5  }
0x625: {  	v5 =	vmul.f32 v6, v7;
	v6 =	vshll.u32 v3, $0x10;
	v7 =	vshll.u32 v2, $0x10;
	[tilespmem:s0+$0x100] =	vst v4  }
0x626: {  	v3 =	vand.u32 $0xFFFF0000, v3;
	v2 =	vand.u32 $0xFFFF0000, v2;
	[tilespmem:s0+$0x0] =	vst v8;
	v6 =	vmul.f32 v7, v6  }
0x627: {  	v2 =	vmul.f32 v2, v3;
	[tilespmem:s0+$0x80] =	vst v5  }
0x628: {  	[tilespmem:s0+$0xFFFFFE00] =	vst v6  }
0x629: {  	[tilespmem:s0+$0xFFFFFE80] =	vst v2  }
0x62a: {  	v5 =	vld [tilespmem:$0x14210];
	_ =	sdelay $0x1  }
0x62b: {  	v4 =	vld [tilespmem:$0x14290];
	_ =	sdelay $0x1  }
0x62c: {  	s23 =	simm.s32 $0x1  }
0x62d: {  	s1 =	simm.s32 $0x3;
	v2 =	vadd.s32 s23, v5  }
0x62e: {  	v3 =	vadd.s32 s1, v5  }
0x62f: {  	v6 =	vadd.s32 s1, v4  }
0x630: {  	s24 =	simm.s32 $0x2;
	v7 =	vadd.s32 s23, v4  }
0x631: {  	v8 =	vadd.s32 s24, v5  }
0x632: {  	v9 =	vadd.s32 s24, v4;
	v10 =	vld.idx.msk [tilespmem:v2+s7+$0x0], $0xffff  }
0x633: {  	v11 =	vld.idx.msk [tilespmem:v3+s7+$0x0], $0xffff  }
0x634: {  	s25 =	simm.s32 $0x5;
	v6 =	vld.idx.msk [tilespmem:v6+s7+$0x0], $0xffff  }
0x635: {  	s26 =	simm.s32 $0x6;
	v12 =	vadd.s32 s25, v5;
	v7 =	vld.idx.msk [tilespmem:v7+s7+$0x0], $0xffff  }
0x636: {  	s28 =	simm.s32 $0x7;
	v13 =	vadd.s32 s25, v4;
	v14 =	vadd.s32 s26, v5;
	v17 =	vadd.s32 s26, v4;
	v8 =	vld.idx.msk [tilespmem:v8+s7+$0x0], $0xffff  }
0x637: {  	v16 =	vadd.s32 s28, v5;
	v21 =	vadd.s32 s28, v4;
	v3 =	vadd.s32 $0x4, v5;
	v9 =	vld.idx.msk [tilespmem:v9+s7+$0x0], $0xffff  }
0x638: {  	v2 =	vadd.s32 $0x4, v4;
	v15 =	vshll.u32 v10, $0x10;
	v10 =	vand.u32 $0xFFFF0000, v10  }
0x639: {  	v22 =	vld.idx.msk [tilespmem:v4+s7+$0x0], $0xffff;
	v19 =	vshll.u32 v11, $0x10;
	v11 =	vand.u32 $0xFFFF0000, v11;
	v20 =	vand.u32 $0xFFFF0000, v6  }
0x63a: {  	v18 =	vld.idx.msk [tilespmem:v5+s7+$0x0], $0xffff;
	v23 =	vshll.u32 v7, $0x10;
	v7 =	vand.u32 $0xFFFF0000, v7;
	v11 =	vmul.f32 v20, v11  }
0x63b: {  	s18 =	simm.s32 $0x16510;
	v6 =	vshll.u32 v6, $0x10;
	v15 =	vmul.f32 v23, v15;
	v7 =	vmul.f32 v7, v10  }
0x63c: {  	s29 =	simm.s32 $0x0;
	v10 =	vshll.u32 v8, $0x10;
	v20 =	vshll.u32 v9, $0x10;
	v8 =	vand.u32 $0xFFFF0000, v8;
	[tilespmem:s18+$0x180] =	vst v11  }
0x63d: {  	v23 =	vld.idx.msk [tilespmem:v12+s7+$0x0], $0xffff;
	v9 =	vand.u32 $0xFFFF0000, v9;
	v6 =	vmul.f32 v6, v19;
	v12 =	vadd.s32 s29, v3;
	[tilespmem:s18+$0xFFFFFF00] =	vst v15  }
0x63e: {  	v19 =	vand.u32 $0xFFFF0000, v22;
	v8 =	vmul.f32 v9, v8;
	v11 =	vmul.f32 v20, v10;
	v10 =	vld.idx.msk [tilespmem:v16+s7+$0x0], $0xffff;
	[tilespmem:s18+$0xFFFFFF80] =	vst v7  }
0x63f: {  	v9 =	vshll.u32 v18, $0x10;
	v18 =	vand.u32 $0xFFFF0000, v18;
	v7 =	vld.idx.msk [tilespmem:v21+s7+$0x0], $0xffff;
	v15 =	vadd.s32 s29, v2;
	[tilespmem:s18+$0x100] =	vst v6  }
0x640: {  	s30 =	simm.s32 $0x9;
	v13 =	vld.idx.msk [tilespmem:v13+s7+$0x0], $0xffff;
	v16 =	vshll.u32 v22, $0x10;
	v21 =	vmul.f32 v19, v18;
	[tilespmem:s18+$0x80] =	vst v8  }
0x641: {  	s31 =	simm.s32 $0xA;
	s24 =	simm.s32 $0xB;
	v20 =	vmul.f32 v16, v9;
	v16 =	vadd.s32 s30, v5;
	v9 =	vadd.s32 s30, v4;
	[tilespmem:s18+$0x0] =	vst v11;
	v11 =	vld.idx.msk [tilespmem:v14+s7+$0x0], $0xffff  }
0x642: {  	v6 =	vadd.s32 s31, v4;
	v8 =	vadd.s32 s31, v5;
	v14 =	vld.idx.msk [tilespmem:v17+s7+$0x0], $0xffff;
	v17 =	vadd.s32 s24, v5;
	[tilespmem:s18+$0xFFFFFE80] =	vst v21  }
0x643: {  	s20 =	simm.s32 $0x4;
	s22 =	simm.s32 $0x8;
	s23 =	simm.s32 $0xC;
	v19 =	vshll.u32 v23, $0x10;
	[tilespmem:s18+$0xFFFFFE00] =	vst v20;
	v12 =	vld.idx.msk [tilespmem:v12+s7+$0x0], $0xffff;
	v20 =	vand.u32 $0xFFFF0000, v23;
	v18 =	vshll.u32 v10, $0x10  }
.LBB2_21:
0x644: {  	p0 =	slt.u32 s23, $0x1C;
	v21 =	vadd.s32 s24, v4;
	v22 =	vld.idx.msk [tilespmem:v15+s7+$0x0], $0xffff;
	v10 =	vand.u32 $0xFFFF0000, v10;
	v15 =	vand.u32 $0xFFFF0000, v7  }
0x645: {  	v23 =	vshll.u32 v13, $0x10;
	v7 =	vshll.u32 v7, $0x10;
	v10 =	vmul.f32 v15, v10  }
0x646: {  	v13 =	vand.u32 $0xFFFF0000, v13;
	s18 =	sadd.s32 $0x400, s18;
	v15 =	vmul.f32 v23, v19;
	v18 =	vmul.f32 v7, v18  }
0x647: {  	v13 =	vmul.f32 v13, v20;
	v7 =	vshll.u32 v11, $0x10;
	v23 =	vld.idx.msk [tilespmem:v16+s7+$0x0], $0xffff;
	v16 =	vshll.u32 v14, $0x10;
	[tilespmem:s18+$0x180] =	vst v10  }
0x648: {  	v11 =	vand.u32 $0xFFFF0000, v11;
	v14 =	vand.u32 $0xFFFF0000, v14;
	v10 =	vld.idx.msk [tilespmem:v17+s7+$0x0], $0xffff;
	[tilespmem:s18+$0xFFFFFF00] =	vst v15;
	v16 =	vmul.f32 v16, v7  }
0x649: {  	v20 =	vadd.s32 s20, v3;
	v14 =	vmul.f32 v14, v11;
	v7 =	vld.idx.msk [tilespmem:v21+s7+$0x0], $0xffff;
	[tilespmem:s18+$0xFFFFFF80] =	vst v13  }
.Ltmp9:
0x64a: {  	v15 =	vadd.s32 s20, v2;
	s20 =	smov.u32 s22;
	s22 =	smov.u32 s23;
	v17 =	vshll.u32 v22, $0x10;
	v13 =	vld.idx.msk [tilespmem:v9+s7+$0x0], $0xffff;
	v9 =	vshll.u32 v12, $0x10;
	[tilespmem:s18+$0x0] =	vst v16;
	(pc) =	sbr.rel @p0 .LBB2_21-.Ltmp9, $4  }
0x64b: {  	s0 =	sadd.s32 $0x1, s23;
	v11 =	vld.idx.msk [tilespmem:v8+s7+$0x0], $0xffff;
	v8 =	vand.u32 $0xFFFF0000, v12;
	v12 =	vand.u32 $0xFFFF0000, v22;
	v17 =	vmul.f32 v17, v9;
	[tilespmem:s18+$0x80] =	vst v14  }
0x64c: {  	v16 =	vadd.s32 s0, v5;
	v9 =	vadd.s32 s0, v4;
	s0 =	sadd.s32 $0x2, s23;
	v14 =	vld.idx.msk [tilespmem:v6+s7+$0x0], $0xffff;
	v21 =	vmul.f32 v12, v8;
	[tilespmem:s18+$0x100] =	vst v18  }
0x64d: {  	s24 =	sadd.s32 $0x3, s23;
	v8 =	vadd.s32 s0, v5;
	v6 =	vadd.s32 s0, v4;
	v19 =	vshll.u32 v23, $0x10;
	[tilespmem:s18+$0xFFFFFE00] =	vst v17  }
0x64e: {  	s23 =	sadd.s32 $0x4, s23;
	v17 =	vadd.s32 s24, v5;
	v18 =	vshll.u32 v10, $0x10;
	v12 =	vld.idx.msk [tilespmem:v20+s7+$0x0], $0xffff;
	v20 =	vand.u32 $0xFFFF0000, v23;
	[tilespmem:s18+$0xFFFFFE80] =	vst v21  }
0x64f: {  	_ =	sdelay $0x2  }
0x650: {  	v4 =	vadd.s32 s24, v4  }
0x651: {  	v5 =	vld.idx.msk [tilespmem:v15+s7+$0x0], $0xffff;
	v10 =	vand.u32 $0xFFFF0000, v10;
	v15 =	vand.u32 $0xFFFF0000, v7;
	v21 =	vshll.u32 v13, $0x10  }
0x652: {  	v13 =	vand.u32 $0xFFFF0000, v13;
	v17 =	vld.idx.msk [tilespmem:v17+s7+$0x0], $0xffff;
	v3 =	vadd.s32 s20, v3;
	v10 =	vmul.f32 v15, v10  }
0x653: {  	s0 =	sadd.s32 $0x400, s18;
	v2 =	vadd.s32 s20, v2;
	v7 =	vshll.u32 v7, $0x10;
	v15 =	vld.idx.msk [tilespmem:v16+s7+$0x0], $0xffff;
	v16 =	vmul.f32 v21, v19  }
0x654: {  	v9 =	vld.idx.msk [tilespmem:v9+s7+$0x0], $0xffff;
	v13 =	vmul.f32 v13, v20;
	v19 =	vshll.u32 v11, $0x10;
	v7 =	vmul.f32 v7, v18;
	[tilespmem:s0+$0x180] =	vst v10  }
0x655: {  	v20 =	vshll.u32 v14, $0x10;
	v10 =	vand.u32 $0xFFFF0000, v11;
	[tilespmem:s0+$0xFFFFFF00] =	vst v16;
	v11 =	vand.u32 $0xFFFF0000, v14;
	v4 =	vld.idx.msk [tilespmem:v4+s7+$0x0], $0xffff  }
0x656: {  	[tilespmem:s0+$0xFFFFFF80] =	vst v13;
	v10 =	vmul.f32 v11, v10;
	v11 =	vshll.u32 v12, $0x10;
	v13 =	vshll.u32 v5, $0x10  }
0x657: {  	v8 =	vld.idx.msk [tilespmem:v8+s7+$0x0], $0xffff;
	[tilespmem:s0+$0x100] =	vst v7;
	v12 =	vand.u32 $0xFFFF0000, v12;
	v5 =	vand.u32 $0xFFFF0000, v5;
	v11 =	vmul.f32 v13, v11  }
0x658: {  	v6 =	vld.idx.msk [tilespmem:v6+s7+$0x0], $0xffff;
	v14 =	vmul.f32 v20, v19;
	[tilespmem:s0+$0x80] =	vst v10;
	v5 =	vmul.f32 v5, v12  }
0x659: {  	v3 =	vld.idx.msk [tilespmem:v3+s7+$0x0], $0xffff;
	v7 =	vand.u32 $0xFFFF0000, v17;
	v12 =	vshll.u32 v15, $0x10;
	[tilespmem:s0+$0xFFFFFE00] =	vst v11;
	v11 =	vshll.u32 v9, $0x10  }
0x65a: {  	v2 =	vld.idx.msk [tilespmem:v2+s7+$0x0], $0xffff;
	[tilespmem:s0+$0xFFFFFE80] =	vst v5;
	v5 =	vand.u32 $0xFFFF0000, v9;
	v9 =	vmul.f32 v11, v12;
	v10 =	vand.u32 $0xFFFF0000, v4  }
0x65b: {  	[tilespmem:s0+$0x0] =	vst v14;
	s0 =	sadd.s32 $0x400, s0;
	v7 =	vmul.f32 v10, v7;
	v10 =	vand.u32 $0xFFFF0000, v15  }
0x65c: {  	v4 =	vshll.u32 v4, $0x10;
	[tilespmem:s0+$0xFFFFFF00] =	vst v9;
	v9 =	vshll.u32 v17, $0x10;
	v5 =	vmul.f32 v5, v10  }
0x65d: {  	v11 =	vshll.u32 v6, $0x10;
	v10 =	vshll.u32 v8, $0x10;
	v4 =	vmul.f32 v4, v9;
	[tilespmem:s0+$0x180] =	vst v7  }
0x65e: {  	v6 =	vand.u32 $0xFFFF0000, v6;
	v7 =	vand.u32 $0xFFFF0000, v8;
	v8 =	vmul.f32 v11, v10;
	[tilespmem:s0+$0xFFFFFF80] =	vst v5  }
0x65f: {  	v5 =	vmul.f32 v6, v7;
	v6 =	vshll.u32 v3, $0x10;
	v7 =	vshll.u32 v2, $0x10;
	[tilespmem:s0+$0x100] =	vst v4  }
0x660: {  	v3 =	vand.u32 $0xFFFF0000, v3;
	v2 =	vand.u32 $0xFFFF0000, v2;
	[tilespmem:s0+$0x0] =	vst v8;
	v6 =	vmul.f32 v7, v6  }
0x661: {  	v2 =	vmul.f32 v2, v3;
	[tilespmem:s0+$0x80] =	vst v5  }
0x662: {  	[tilespmem:s0+$0xFFFFFE00] =	vst v6  }
0x663: {  	[tilespmem:s0+$0xFFFFFE80] =	vst v2  }
0x664: {  	v5 =	vld [tilespmem:$0x14220];
	_ =	sdelay $0x1  }
0x665: {  	v4 =	vld [tilespmem:$0x142A0];
	_ =	sdelay $0x1  }
0x666: {  	s23 =	simm.s32 $0x1  }
0x667: {  	s1 =	simm.s32 $0x3;
	v2 =	vadd.s32 s23, v5  }
0x668: {  	v3 =	vadd.s32 s1, v5  }
0x669: {  	v6 =	vadd.s32 s1, v4  }
0x66a: {  	s24 =	simm.s32 $0x2;
	v7 =	vadd.s32 s23, v4  }
0x66b: {  	v8 =	vadd.s32 s24, v5  }
0x66c: {  	v9 =	vadd.s32 s24, v4;
	v10 =	vld.idx.msk [tilespmem:v2+s7+$0x0], $0xffff  }
0x66d: {  	v11 =	vld.idx.msk [tilespmem:v3+s7+$0x0], $0xffff  }
0x66e: {  	v6 =	vld.idx.msk [tilespmem:v6+s7+$0x0], $0xffff  }
0x66f: {  	s25 =	simm.s32 $0x5;
	s26 =	simm.s32 $0x6;
	v7 =	vld.idx.msk [tilespmem:v7+s7+$0x0], $0xffff  }
0x670: {  	s28 =	simm.s32 $0x7;
	v12 =	vadd.s32 s25, v5;
	v13 =	vadd.s32 s25, v4;
	v14 =	vadd.s32 s26, v5;
	v8 =	vld.idx.msk [tilespmem:v8+s7+$0x0], $0xffff  }
0x671: {  	v17 =	vadd.s32 s26, v4;
	v16 =	vadd.s32 s28, v5;
	v21 =	vadd.s32 s28, v4;
	v9 =	vld.idx.msk [tilespmem:v9+s7+$0x0], $0xffff  }
0x672: {  	v3 =	vadd.s32 $0x4, v5;
	v2 =	vadd.s32 $0x4, v4;
	v15 =	vshll.u32 v10, $0x10  }
0x673: {  	v22 =	vld.idx.msk [tilespmem:v4+s7+$0x0], $0xffff;
	v19 =	vshll.u32 v11, $0x10;
	v11 =	vand.u32 $0xFFFF0000, v11;
	v20 =	vand.u32 $0xFFFF0000, v6  }
0x674: {  	v18 =	vld.idx.msk [tilespmem:v5+s7+$0x0], $0xffff;
	v10 =	vand.u32 $0xFFFF0000, v10;
	v23 =	vshll.u32 v7, $0x10;
	v11 =	vmul.f32 v20, v11  }
0x675: {  	s18 =	simm.s32 $0x16520;
	v6 =	vshll.u32 v6, $0x10;
	v7 =	vand.u32 $0xFFFF0000, v7;
	v15 =	vmul.f32 v23, v15  }
0x676: {  	v7 =	vmul.f32 v7, v10;
	v10 =	vshll.u32 v8, $0x10;
	v20 =	vshll.u32 v9, $0x10;
	[tilespmem:s18+$0x180] =	vst v11  }
0x677: {  	s29 =	simm.s32 $0x0;
	v8 =	vand.u32 $0xFFFF0000, v8;
	v9 =	vand.u32 $0xFFFF0000, v9;
	v6 =	vmul.f32 v6, v19;
	[tilespmem:s18+$0xFFFFFF00] =	vst v15  }
0x678: {  	v23 =	vld.idx.msk [tilespmem:v12+s7+$0x0], $0xffff;
	v12 =	vadd.s32 s29, v3;
	v19 =	vand.u32 $0xFFFF0000, v22;
	v8 =	vmul.f32 v9, v8;
	[tilespmem:s18+$0xFFFFFF80] =	vst v7  }
0x679: {  	v9 =	vshll.u32 v18, $0x10;
	v18 =	vand.u32 $0xFFFF0000, v18;
	v11 =	vmul.f32 v20, v10;
	v10 =	vld.idx.msk [tilespmem:v16+s7+$0x0], $0xffff;
	[tilespmem:s18+$0x100] =	vst v6  }
0x67a: {  	v7 =	vld.idx.msk [tilespmem:v21+s7+$0x0], $0xffff;
	v15 =	vadd.s32 s29, v2;
	v16 =	vshll.u32 v22, $0x10;
	v21 =	vmul.f32 v19, v18;
	[tilespmem:s18+$0x80] =	vst v8  }
0x67b: {  	s30 =	simm.s32 $0x9;
	v13 =	vld.idx.msk [tilespmem:v13+s7+$0x0], $0xffff;
	v20 =	vmul.f32 v16, v9;
	[tilespmem:s18+$0x0] =	vst v11  }
0x67c: {  	s31 =	simm.s32 $0xA;
	s24 =	simm.s32 $0xB;
	v16 =	vadd.s32 s30, v5;
	v9 =	vadd.s32 s30, v4;
	v11 =	vld.idx.msk [tilespmem:v14+s7+$0x0], $0xffff;
	[tilespmem:s18+$0xFFFFFE80] =	vst v21  }
0x67d: {  	s20 =	simm.s32 $0x4;
	v6 =	vadd.s32 s31, v4;
	v8 =	vadd.s32 s31, v5;
	v14 =	vld.idx.msk [tilespmem:v17+s7+$0x0], $0xffff;
	v17 =	vadd.s32 s24, v5;
	[tilespmem:s18+$0xFFFFFE00] =	vst v20  }
0x67e: {  	s22 =	simm.s32 $0x8;
	s23 =	simm.s32 $0xC;
	v19 =	vshll.u32 v23, $0x10;
	v12 =	vld.idx.msk [tilespmem:v12+s7+$0x0], $0xffff;
	v20 =	vand.u32 $0xFFFF0000, v23;
	s5 =	rddreg [dreg:$0x5];
	v18 =	vshll.u32 v10, $0x10  }
.LBB2_23:
0x67f: {  	p0 =	slt.u32 s23, $0x1C;
	v21 =	vadd.s32 s24, v4;
	v22 =	vld.idx.msk [tilespmem:v15+s7+$0x0], $0xffff;
	v10 =	vand.u32 $0xFFFF0000, v10;
	v15 =	vand.u32 $0xFFFF0000, v7  }
0x680: {  	v23 =	vshll.u32 v13, $0x10;
	v7 =	vshll.u32 v7, $0x10;
	v10 =	vmul.f32 v15, v10  }
0x681: {  	v13 =	vand.u32 $0xFFFF0000, v13;
	s18 =	sadd.s32 $0x400, s18;
	v15 =	vmul.f32 v23, v19;
	v18 =	vmul.f32 v7, v18  }
0x682: {  	v13 =	vmul.f32 v13, v20;
	v7 =	vshll.u32 v11, $0x10;
	v23 =	vld.idx.msk [tilespmem:v16+s7+$0x0], $0xffff;
	v16 =	vshll.u32 v14, $0x10;
	[tilespmem:s18+$0x180] =	vst v10  }
0x683: {  	v11 =	vand.u32 $0xFFFF0000, v11;
	v14 =	vand.u32 $0xFFFF0000, v14;
	v10 =	vld.idx.msk [tilespmem:v17+s7+$0x0], $0xffff;
	[tilespmem:s18+$0xFFFFFF00] =	vst v15;
	v16 =	vmul.f32 v16, v7  }
0x684: {  	v20 =	vadd.s32 s20, v3;
	v14 =	vmul.f32 v14, v11;
	v7 =	vld.idx.msk [tilespmem:v21+s7+$0x0], $0xffff;
	[tilespmem:s18+$0xFFFFFF80] =	vst v13  }
.Ltmp10:
0x685: {  	v15 =	vadd.s32 s20, v2;
	s20 =	smov.u32 s22;
	s22 =	smov.u32 s23;
	v17 =	vshll.u32 v22, $0x10;
	v13 =	vld.idx.msk [tilespmem:v9+s7+$0x0], $0xffff;
	v9 =	vshll.u32 v12, $0x10;
	[tilespmem:s18+$0x0] =	vst v16;
	(pc) =	sbr.rel @p0 .LBB2_23-.Ltmp10, $4  }
0x686: {  	s0 =	sadd.s32 $0x1, s23;
	v11 =	vld.idx.msk [tilespmem:v8+s7+$0x0], $0xffff;
	v8 =	vand.u32 $0xFFFF0000, v12;
	v12 =	vand.u32 $0xFFFF0000, v22;
	v17 =	vmul.f32 v17, v9;
	[tilespmem:s18+$0x80] =	vst v14  }
0x687: {  	v16 =	vadd.s32 s0, v5;
	v9 =	vadd.s32 s0, v4;
	s0 =	sadd.s32 $0x2, s23;
	v14 =	vld.idx.msk [tilespmem:v6+s7+$0x0], $0xffff;
	v21 =	vmul.f32 v12, v8;
	[tilespmem:s18+$0x100] =	vst v18  }
0x688: {  	s24 =	sadd.s32 $0x3, s23;
	v8 =	vadd.s32 s0, v5;
	v6 =	vadd.s32 s0, v4;
	v19 =	vshll.u32 v23, $0x10;
	[tilespmem:s18+$0xFFFFFE00] =	vst v17  }
0x689: {  	s23 =	sadd.s32 $0x4, s23;
	v17 =	vadd.s32 s24, v5;
	v18 =	vshll.u32 v10, $0x10;
	v12 =	vld.idx.msk [tilespmem:v20+s7+$0x0], $0xffff;
	v20 =	vand.u32 $0xFFFF0000, v23;
	[tilespmem:s18+$0xFFFFFE80] =	vst v21  }
0x68a: {  	_ =	sdelay $0x2  }
0x68b: {  	v4 =	vadd.s32 s24, v4  }
0x68c: {  	v5 =	vld.idx.msk [tilespmem:v15+s7+$0x0], $0xffff;
	v10 =	vand.u32 $0xFFFF0000, v10;
	v15 =	vand.u32 $0xFFFF0000, v7;
	v21 =	vshll.u32 v13, $0x10  }
0x68d: {  	v13 =	vand.u32 $0xFFFF0000, v13;
	v17 =	vld.idx.msk [tilespmem:v17+s7+$0x0], $0xffff;
	v3 =	vadd.s32 s20, v3;
	v10 =	vmul.f32 v15, v10  }
0x68e: {  	s0 =	sadd.s32 $0x400, s18;
	v2 =	vadd.s32 s20, v2;
	v7 =	vshll.u32 v7, $0x10;
	v15 =	vld.idx.msk [tilespmem:v16+s7+$0x0], $0xffff;
	v16 =	vmul.f32 v21, v19  }
0x68f: {  	v9 =	vld.idx.msk [tilespmem:v9+s7+$0x0], $0xffff;
	v13 =	vmul.f32 v13, v20;
	v19 =	vshll.u32 v11, $0x10;
	v7 =	vmul.f32 v7, v18;
	[tilespmem:s0+$0x180] =	vst v10  }
0x690: {  	v20 =	vshll.u32 v14, $0x10;
	v10 =	vand.u32 $0xFFFF0000, v11;
	[tilespmem:s0+$0xFFFFFF00] =	vst v16;
	v11 =	vand.u32 $0xFFFF0000, v14;
	v4 =	vld.idx.msk [tilespmem:v4+s7+$0x0], $0xffff  }
0x691: {  	[tilespmem:s0+$0xFFFFFF80] =	vst v13;
	v10 =	vmul.f32 v11, v10;
	v11 =	vshll.u32 v12, $0x10;
	v13 =	vshll.u32 v5, $0x10  }
0x692: {  	v8 =	vld.idx.msk [tilespmem:v8+s7+$0x0], $0xffff;
	[tilespmem:s0+$0x100] =	vst v7;
	v12 =	vand.u32 $0xFFFF0000, v12;
	v5 =	vand.u32 $0xFFFF0000, v5;
	v11 =	vmul.f32 v13, v11  }
0x693: {  	v6 =	vld.idx.msk [tilespmem:v6+s7+$0x0], $0xffff;
	v14 =	vmul.f32 v20, v19;
	[tilespmem:s0+$0x80] =	vst v10;
	v5 =	vmul.f32 v5, v12  }
0x694: {  	v3 =	vld.idx.msk [tilespmem:v3+s7+$0x0], $0xffff;
	v7 =	vand.u32 $0xFFFF0000, v17;
	v12 =	vshll.u32 v15, $0x10;
	[tilespmem:s0+$0xFFFFFE00] =	vst v11;
	v11 =	vshll.u32 v9, $0x10  }
0x695: {  	v2 =	vld.idx.msk [tilespmem:v2+s7+$0x0], $0xffff;
	[tilespmem:s0+$0xFFFFFE80] =	vst v5;
	v5 =	vand.u32 $0xFFFF0000, v9;
	v9 =	vmul.f32 v11, v12;
	v10 =	vand.u32 $0xFFFF0000, v4  }
0x696: {  	[tilespmem:s0+$0x0] =	vst v14;
	s0 =	sadd.s32 $0x400, s0;
	v7 =	vmul.f32 v10, v7;
	v10 =	vand.u32 $0xFFFF0000, v15  }
0x697: {  	v4 =	vshll.u32 v4, $0x10;
	[tilespmem:s0+$0xFFFFFF00] =	vst v9;
	v9 =	vshll.u32 v17, $0x10;
	v5 =	vmul.f32 v5, v10  }
0x698: {  	v11 =	vshll.u32 v6, $0x10;
	v10 =	vshll.u32 v8, $0x10;
	v4 =	vmul.f32 v4, v9;
	[tilespmem:s0+$0x180] =	vst v7  }
0x699: {  	v6 =	vand.u32 $0xFFFF0000, v6;
	v7 =	vand.u32 $0xFFFF0000, v8;
	v8 =	vmul.f32 v11, v10;
	[tilespmem:s0+$0xFFFFFF80] =	vst v5  }
0x69a: {  	v5 =	vmul.f32 v6, v7;
	v6 =	vshll.u32 v3, $0x10;
	v7 =	vshll.u32 v2, $0x10;
	[tilespmem:s0+$0x100] =	vst v4  }
0x69b: {  	v3 =	vand.u32 $0xFFFF0000, v3;
	v2 =	vand.u32 $0xFFFF0000, v2;
	[tilespmem:s0+$0x0] =	vst v8;
	v6 =	vmul.f32 v7, v6  }
0x69c: {  	v2 =	vmul.f32 v2, v3;
	[tilespmem:s0+$0x80] =	vst v5  }
0x69d: {  	[tilespmem:s0+$0xFFFFFE00] =	vst v6  }
0x69e: {  	[tilespmem:s0+$0xFFFFFE80] =	vst v2  }
0x69f: {  	v5 =	vld [tilespmem:$0x14230];
	_ =	sdelay $0x1  }
0x6a0: {  	v4 =	vld [tilespmem:$0x142B0];
	_ =	sdelay $0x1  }
0x6a1: {  	s23 =	simm.s32 $0x1  }
0x6a2: {  	s1 =	simm.s32 $0x3;
	v2 =	vadd.s32 s23, v5  }
0x6a3: {  	v3 =	vadd.s32 s1, v5  }
0x6a4: {  	v6 =	vadd.s32 s1, v4  }
0x6a5: {  	s24 =	simm.s32 $0x2;
	v7 =	vadd.s32 s23, v4  }
0x6a6: {  	v8 =	vadd.s32 s24, v5  }
0x6a7: {  	v9 =	vadd.s32 s24, v4;
	v10 =	vld.idx.msk [tilespmem:v2+s7+$0x0], $0xffff  }
0x6a8: {  	v11 =	vld.idx.msk [tilespmem:v3+s7+$0x0], $0xffff  }
0x6a9: {  	s25 =	simm.s32 $0x5;
	v6 =	vld.idx.msk [tilespmem:v6+s7+$0x0], $0xffff  }
0x6aa: {  	s26 =	simm.s32 $0x6;
	v12 =	vadd.s32 s25, v5;
	v7 =	vld.idx.msk [tilespmem:v7+s7+$0x0], $0xffff  }
0x6ab: {  	s28 =	simm.s32 $0x7;
	v13 =	vadd.s32 s25, v4;
	v14 =	vadd.s32 s26, v5;
	v17 =	vadd.s32 s26, v4;
	v8 =	vld.idx.msk [tilespmem:v8+s7+$0x0], $0xffff  }
0x6ac: {  	v16 =	vadd.s32 s28, v5;
	v21 =	vadd.s32 s28, v4;
	v3 =	vadd.s32 $0x4, v5;
	v9 =	vld.idx.msk [tilespmem:v9+s7+$0x0], $0xffff  }
0x6ad: {  	v2 =	vadd.s32 $0x4, v4;
	v15 =	vshll.u32 v10, $0x10;
	v10 =	vand.u32 $0xFFFF0000, v10  }
0x6ae: {  	v22 =	vld.idx.msk [tilespmem:v4+s7+$0x0], $0xffff;
	v19 =	vshll.u32 v11, $0x10;
	v11 =	vand.u32 $0xFFFF0000, v11;
	v20 =	vand.u32 $0xFFFF0000, v6  }
0x6af: {  	v18 =	vld.idx.msk [tilespmem:v5+s7+$0x0], $0xffff;
	v23 =	vshll.u32 v7, $0x10;
	v7 =	vand.u32 $0xFFFF0000, v7;
	v11 =	vmul.f32 v20, v11  }
0x6b0: {  	s18 =	simm.s32 $0x16530;
	v6 =	vshll.u32 v6, $0x10;
	v15 =	vmul.f32 v23, v15;
	v7 =	vmul.f32 v7, v10  }
0x6b1: {  	s29 =	simm.s32 $0x0;
	v10 =	vshll.u32 v8, $0x10;
	v20 =	vshll.u32 v9, $0x10;
	v8 =	vand.u32 $0xFFFF0000, v8;
	[tilespmem:s18+$0x180] =	vst v11  }
0x6b2: {  	v23 =	vld.idx.msk [tilespmem:v12+s7+$0x0], $0xffff;
	v9 =	vand.u32 $0xFFFF0000, v9;
	v6 =	vmul.f32 v6, v19;
	v12 =	vadd.s32 s29, v3;
	[tilespmem:s18+$0xFFFFFF00] =	vst v15  }
0x6b3: {  	v19 =	vand.u32 $0xFFFF0000, v22;
	v8 =	vmul.f32 v9, v8;
	v11 =	vmul.f32 v20, v10;
	v10 =	vld.idx.msk [tilespmem:v16+s7+$0x0], $0xffff;
	[tilespmem:s18+$0xFFFFFF80] =	vst v7  }
0x6b4: {  	v9 =	vshll.u32 v18, $0x10;
	v18 =	vand.u32 $0xFFFF0000, v18;
	v7 =	vld.idx.msk [tilespmem:v21+s7+$0x0], $0xffff;
	v15 =	vadd.s32 s29, v2;
	[tilespmem:s18+$0x100] =	vst v6  }
0x6b5: {  	s30 =	simm.s32 $0x9;
	v13 =	vld.idx.msk [tilespmem:v13+s7+$0x0], $0xffff;
	v16 =	vshll.u32 v22, $0x10;
	v21 =	vmul.f32 v19, v18;
	[tilespmem:s18+$0x80] =	vst v8  }
0x6b6: {  	s31 =	simm.s32 $0xA;
	s24 =	simm.s32 $0xB;
	v20 =	vmul.f32 v16, v9;
	v16 =	vadd.s32 s30, v5;
	v9 =	vadd.s32 s30, v4;
	[tilespmem:s18+$0x0] =	vst v11;
	v11 =	vld.idx.msk [tilespmem:v14+s7+$0x0], $0xffff  }
0x6b7: {  	v6 =	vadd.s32 s31, v4;
	v8 =	vadd.s32 s31, v5;
	v14 =	vld.idx.msk [tilespmem:v17+s7+$0x0], $0xffff;
	v17 =	vadd.s32 s24, v5;
	[tilespmem:s18+$0xFFFFFE80] =	vst v21  }
0x6b8: {  	s20 =	simm.s32 $0x4;
	s22 =	simm.s32 $0x8;
	s23 =	simm.s32 $0xC;
	v19 =	vshll.u32 v23, $0x10;
	[tilespmem:s18+$0xFFFFFE00] =	vst v20;
	v12 =	vld.idx.msk [tilespmem:v12+s7+$0x0], $0xffff;
	v20 =	vand.u32 $0xFFFF0000, v23;
	v18 =	vshll.u32 v10, $0x10  }
.LBB2_25:
0x6b9: {  	p0 =	slt.u32 s23, $0x1C;
	v21 =	vadd.s32 s24, v4;
	v22 =	vld.idx.msk [tilespmem:v15+s7+$0x0], $0xffff;
	v10 =	vand.u32 $0xFFFF0000, v10;
	v15 =	vand.u32 $0xFFFF0000, v7  }
0x6ba: {  	v23 =	vshll.u32 v13, $0x10;
	v7 =	vshll.u32 v7, $0x10;
	v10 =	vmul.f32 v15, v10  }
0x6bb: {  	v13 =	vand.u32 $0xFFFF0000, v13;
	s18 =	sadd.s32 $0x400, s18;
	v15 =	vmul.f32 v23, v19;
	v18 =	vmul.f32 v7, v18  }
0x6bc: {  	v13 =	vmul.f32 v13, v20;
	v7 =	vshll.u32 v11, $0x10;
	v23 =	vld.idx.msk [tilespmem:v16+s7+$0x0], $0xffff;
	v16 =	vshll.u32 v14, $0x10;
	[tilespmem:s18+$0x180] =	vst v10  }
0x6bd: {  	v11 =	vand.u32 $0xFFFF0000, v11;
	v14 =	vand.u32 $0xFFFF0000, v14;
	v10 =	vld.idx.msk [tilespmem:v17+s7+$0x0], $0xffff;
	[tilespmem:s18+$0xFFFFFF00] =	vst v15;
	v16 =	vmul.f32 v16, v7  }
0x6be: {  	v20 =	vadd.s32 s20, v3;
	v14 =	vmul.f32 v14, v11;
	v7 =	vld.idx.msk [tilespmem:v21+s7+$0x0], $0xffff;
	[tilespmem:s18+$0xFFFFFF80] =	vst v13  }
.Ltmp11:
0x6bf: {  	v15 =	vadd.s32 s20, v2;
	s20 =	smov.u32 s22;
	s22 =	smov.u32 s23;
	v17 =	vshll.u32 v22, $0x10;
	v13 =	vld.idx.msk [tilespmem:v9+s7+$0x0], $0xffff;
	v9 =	vshll.u32 v12, $0x10;
	[tilespmem:s18+$0x0] =	vst v16;
	(pc) =	sbr.rel @p0 .LBB2_25-.Ltmp11, $4  }
0x6c0: {  	s0 =	sadd.s32 $0x1, s23;
	v11 =	vld.idx.msk [tilespmem:v8+s7+$0x0], $0xffff;
	v8 =	vand.u32 $0xFFFF0000, v12;
	v12 =	vand.u32 $0xFFFF0000, v22;
	v17 =	vmul.f32 v17, v9;
	[tilespmem:s18+$0x80] =	vst v14  }
0x6c1: {  	v16 =	vadd.s32 s0, v5;
	v9 =	vadd.s32 s0, v4;
	s0 =	sadd.s32 $0x2, s23;
	v14 =	vld.idx.msk [tilespmem:v6+s7+$0x0], $0xffff;
	v21 =	vmul.f32 v12, v8;
	[tilespmem:s18+$0x100] =	vst v18  }
0x6c2: {  	s24 =	sadd.s32 $0x3, s23;
	v8 =	vadd.s32 s0, v5;
	v6 =	vadd.s32 s0, v4;
	v19 =	vshll.u32 v23, $0x10;
	[tilespmem:s18+$0xFFFFFE00] =	vst v17  }
0x6c3: {  	s23 =	sadd.s32 $0x4, s23;
	v17 =	vadd.s32 s24, v5;
	v18 =	vshll.u32 v10, $0x10;
	v12 =	vld.idx.msk [tilespmem:v20+s7+$0x0], $0xffff;
	v20 =	vand.u32 $0xFFFF0000, v23;
	[tilespmem:s18+$0xFFFFFE80] =	vst v21  }
0x6c4: {  	_ =	sdelay $0x2  }
0x6c5: {  	v4 =	vadd.s32 s24, v4  }
0x6c6: {  	v5 =	vld.idx.msk [tilespmem:v15+s7+$0x0], $0xffff;
	v10 =	vand.u32 $0xFFFF0000, v10;
	v15 =	vand.u32 $0xFFFF0000, v7;
	v21 =	vshll.u32 v13, $0x10  }
0x6c7: {  	v13 =	vand.u32 $0xFFFF0000, v13;
	v17 =	vld.idx.msk [tilespmem:v17+s7+$0x0], $0xffff;
	v3 =	vadd.s32 s20, v3;
	v10 =	vmul.f32 v15, v10  }
0x6c8: {  	s0 =	sadd.s32 $0x400, s18;
	v2 =	vadd.s32 s20, v2;
	v7 =	vshll.u32 v7, $0x10;
	v15 =	vld.idx.msk [tilespmem:v16+s7+$0x0], $0xffff;
	v16 =	vmul.f32 v21, v19  }
0x6c9: {  	v9 =	vld.idx.msk [tilespmem:v9+s7+$0x0], $0xffff;
	v13 =	vmul.f32 v13, v20;
	v19 =	vshll.u32 v11, $0x10;
	v7 =	vmul.f32 v7, v18;
	[tilespmem:s0+$0x180] =	vst v10  }
0x6ca: {  	v20 =	vshll.u32 v14, $0x10;
	v10 =	vand.u32 $0xFFFF0000, v11;
	[tilespmem:s0+$0xFFFFFF00] =	vst v16;
	v11 =	vand.u32 $0xFFFF0000, v14;
	v4 =	vld.idx.msk [tilespmem:v4+s7+$0x0], $0xffff  }
0x6cb: {  	[tilespmem:s0+$0xFFFFFF80] =	vst v13;
	v10 =	vmul.f32 v11, v10;
	v11 =	vshll.u32 v12, $0x10;
	v13 =	vshll.u32 v5, $0x10  }
0x6cc: {  	v8 =	vld.idx.msk [tilespmem:v8+s7+$0x0], $0xffff;
	[tilespmem:s0+$0x100] =	vst v7;
	v12 =	vand.u32 $0xFFFF0000, v12;
	v5 =	vand.u32 $0xFFFF0000, v5;
	v11 =	vmul.f32 v13, v11  }
0x6cd: {  	v6 =	vld.idx.msk [tilespmem:v6+s7+$0x0], $0xffff;
	v14 =	vmul.f32 v20, v19;
	[tilespmem:s0+$0x80] =	vst v10;
	v5 =	vmul.f32 v5, v12  }
0x6ce: {  	v3 =	vld.idx.msk [tilespmem:v3+s7+$0x0], $0xffff;
	v7 =	vand.u32 $0xFFFF0000, v17;
	v12 =	vshll.u32 v15, $0x10;
	[tilespmem:s0+$0xFFFFFE00] =	vst v11;
	v11 =	vshll.u32 v9, $0x10  }
0x6cf: {  	v2 =	vld.idx.msk [tilespmem:v2+s7+$0x0], $0xffff;
	[tilespmem:s0+$0xFFFFFE80] =	vst v5;
	v5 =	vand.u32 $0xFFFF0000, v9;
	v9 =	vmul.f32 v11, v12;
	v10 =	vand.u32 $0xFFFF0000, v4  }
0x6d0: {  	[tilespmem:s0+$0x0] =	vst v14;
	s0 =	sadd.s32 $0x400, s0;
	v7 =	vmul.f32 v10, v7;
	v10 =	vand.u32 $0xFFFF0000, v15  }
0x6d1: {  	v4 =	vshll.u32 v4, $0x10;
	[tilespmem:s0+$0xFFFFFF00] =	vst v9;
	v9 =	vshll.u32 v17, $0x10;
	v5 =	vmul.f32 v5, v10  }
0x6d2: {  	v11 =	vshll.u32 v6, $0x10;
	v10 =	vshll.u32 v8, $0x10;
	v4 =	vmul.f32 v4, v9;
	[tilespmem:s0+$0x180] =	vst v7  }
0x6d3: {  	v6 =	vand.u32 $0xFFFF0000, v6;
	v7 =	vand.u32 $0xFFFF0000, v8;
	v8 =	vmul.f32 v11, v10;
	[tilespmem:s0+$0xFFFFFF80] =	vst v5  }
0x6d4: {  	v5 =	vmul.f32 v6, v7;
	v6 =	vshll.u32 v3, $0x10;
	v7 =	vshll.u32 v2, $0x10;
	[tilespmem:s0+$0x100] =	vst v4  }
0x6d5: {  	v3 =	vand.u32 $0xFFFF0000, v3;
	v2 =	vand.u32 $0xFFFF0000, v2;
	[tilespmem:s0+$0x0] =	vst v8;
	v6 =	vmul.f32 v7, v6  }
0x6d6: {  	v2 =	vmul.f32 v2, v3;
	[tilespmem:s0+$0x80] =	vst v5  }
0x6d7: {  	[tilespmem:s0+$0xFFFFFE00] =	vst v6  }
0x6d8: {  	[tilespmem:s0+$0xFFFFFE80] =	vst v2  }
0x6d9: {  	v5 =	vld [tilespmem:$0x14240];
	_ =	sdelay $0x1  }
0x6da: {  	v4 =	vld [tilespmem:$0x142C0];
	_ =	sdelay $0x1  }
0x6db: {  	s23 =	simm.s32 $0x1  }
0x6dc: {  	s1 =	simm.s32 $0x3;
	v2 =	vadd.s32 s23, v5  }
0x6dd: {  	v3 =	vadd.s32 s1, v5  }
0x6de: {  	v6 =	vadd.s32 s1, v4  }
0x6df: {  	s24 =	simm.s32 $0x2;
	v7 =	vadd.s32 s23, v4  }
0x6e0: {  	v8 =	vadd.s32 s24, v5  }
0x6e1: {  	v9 =	vadd.s32 s24, v4;
	v10 =	vld.idx.msk [tilespmem:v2+s7+$0x0], $0xffff  }
0x6e2: {  	v11 =	vld.idx.msk [tilespmem:v3+s7+$0x0], $0xffff  }
0x6e3: {  	s25 =	simm.s32 $0x5;
	v6 =	vld.idx.msk [tilespmem:v6+s7+$0x0], $0xffff  }
0x6e4: {  	s26 =	simm.s32 $0x6;
	v12 =	vadd.s32 s25, v5;
	v7 =	vld.idx.msk [tilespmem:v7+s7+$0x0], $0xffff  }
0x6e5: {  	s28 =	simm.s32 $0x7;
	v13 =	vadd.s32 s25, v4;
	v14 =	vadd.s32 s26, v5;
	v17 =	vadd.s32 s26, v4;
	v8 =	vld.idx.msk [tilespmem:v8+s7+$0x0], $0xffff  }
0x6e6: {  	v16 =	vadd.s32 s28, v5;
	v21 =	vadd.s32 s28, v4;
	v3 =	vadd.s32 $0x4, v5;
	v9 =	vld.idx.msk [tilespmem:v9+s7+$0x0], $0xffff  }
0x6e7: {  	v2 =	vadd.s32 $0x4, v4;
	v15 =	vshll.u32 v10, $0x10;
	v10 =	vand.u32 $0xFFFF0000, v10  }
0x6e8: {  	v22 =	vld.idx.msk [tilespmem:v4+s7+$0x0], $0xffff;
	v19 =	vshll.u32 v11, $0x10;
	v11 =	vand.u32 $0xFFFF0000, v11;
	v20 =	vand.u32 $0xFFFF0000, v6  }
0x6e9: {  	v18 =	vld.idx.msk [tilespmem:v5+s7+$0x0], $0xffff;
	v23 =	vshll.u32 v7, $0x10;
	v7 =	vand.u32 $0xFFFF0000, v7;
	v11 =	vmul.f32 v20, v11  }
0x6ea: {  	s18 =	simm.s32 $0x16540;
	v6 =	vshll.u32 v6, $0x10;
	v15 =	vmul.f32 v23, v15;
	v7 =	vmul.f32 v7, v10  }
0x6eb: {  	s29 =	simm.s32 $0x0;
	v10 =	vshll.u32 v8, $0x10;
	v20 =	vshll.u32 v9, $0x10;
	v8 =	vand.u32 $0xFFFF0000, v8;
	[tilespmem:s18+$0x180] =	vst v11  }
0x6ec: {  	v23 =	vld.idx.msk [tilespmem:v12+s7+$0x0], $0xffff;
	v9 =	vand.u32 $0xFFFF0000, v9;
	v6 =	vmul.f32 v6, v19;
	v12 =	vadd.s32 s29, v3;
	[tilespmem:s18+$0xFFFFFF00] =	vst v15  }
0x6ed: {  	v19 =	vand.u32 $0xFFFF0000, v22;
	v8 =	vmul.f32 v9, v8;
	v11 =	vmul.f32 v20, v10;
	v10 =	vld.idx.msk [tilespmem:v16+s7+$0x0], $0xffff;
	[tilespmem:s18+$0xFFFFFF80] =	vst v7  }
0x6ee: {  	v9 =	vshll.u32 v18, $0x10;
	v18 =	vand.u32 $0xFFFF0000, v18;
	v7 =	vld.idx.msk [tilespmem:v21+s7+$0x0], $0xffff;
	v15 =	vadd.s32 s29, v2;
	[tilespmem:s18+$0x100] =	vst v6  }
0x6ef: {  	s30 =	simm.s32 $0x9;
	v13 =	vld.idx.msk [tilespmem:v13+s7+$0x0], $0xffff;
	v16 =	vshll.u32 v22, $0x10;
	v21 =	vmul.f32 v19, v18;
	[tilespmem:s18+$0x80] =	vst v8  }
0x6f0: {  	s31 =	simm.s32 $0xA;
	s24 =	simm.s32 $0xB;
	v20 =	vmul.f32 v16, v9;
	v16 =	vadd.s32 s30, v5;
	v9 =	vadd.s32 s30, v4;
	[tilespmem:s18+$0x0] =	vst v11;
	v11 =	vld.idx.msk [tilespmem:v14+s7+$0x0], $0xffff  }
0x6f1: {  	v6 =	vadd.s32 s31, v4;
	v8 =	vadd.s32 s31, v5;
	v14 =	vld.idx.msk [tilespmem:v17+s7+$0x0], $0xffff;
	v17 =	vadd.s32 s24, v5;
	[tilespmem:s18+$0xFFFFFE80] =	vst v21  }
0x6f2: {  	s20 =	simm.s32 $0x4;
	s22 =	simm.s32 $0x8;
	s23 =	simm.s32 $0xC;
	v19 =	vshll.u32 v23, $0x10;
	[tilespmem:s18+$0xFFFFFE00] =	vst v20;
	v12 =	vld.idx.msk [tilespmem:v12+s7+$0x0], $0xffff;
	v20 =	vand.u32 $0xFFFF0000, v23;
	v18 =	vshll.u32 v10, $0x10  }
.LBB2_27:
0x6f3: {  	p0 =	slt.u32 s23, $0x1C;
	v21 =	vadd.s32 s24, v4;
	v22 =	vld.idx.msk [tilespmem:v15+s7+$0x0], $0xffff;
	v10 =	vand.u32 $0xFFFF0000, v10;
	v15 =	vand.u32 $0xFFFF0000, v7  }
0x6f4: {  	v23 =	vshll.u32 v13, $0x10;
	v7 =	vshll.u32 v7, $0x10;
	v10 =	vmul.f32 v15, v10  }
0x6f5: {  	v13 =	vand.u32 $0xFFFF0000, v13;
	s18 =	sadd.s32 $0x400, s18;
	v15 =	vmul.f32 v23, v19;
	v18 =	vmul.f32 v7, v18  }
0x6f6: {  	v13 =	vmul.f32 v13, v20;
	v7 =	vshll.u32 v11, $0x10;
	v23 =	vld.idx.msk [tilespmem:v16+s7+$0x0], $0xffff;
	v16 =	vshll.u32 v14, $0x10;
	[tilespmem:s18+$0x180] =	vst v10  }
0x6f7: {  	v11 =	vand.u32 $0xFFFF0000, v11;
	v14 =	vand.u32 $0xFFFF0000, v14;
	v10 =	vld.idx.msk [tilespmem:v17+s7+$0x0], $0xffff;
	[tilespmem:s18+$0xFFFFFF00] =	vst v15;
	v16 =	vmul.f32 v16, v7  }
0x6f8: {  	v20 =	vadd.s32 s20, v3;
	v14 =	vmul.f32 v14, v11;
	v7 =	vld.idx.msk [tilespmem:v21+s7+$0x0], $0xffff;
	[tilespmem:s18+$0xFFFFFF80] =	vst v13  }
.Ltmp12:
0x6f9: {  	v15 =	vadd.s32 s20, v2;
	s20 =	smov.u32 s22;
	s22 =	smov.u32 s23;
	v17 =	vshll.u32 v22, $0x10;
	v13 =	vld.idx.msk [tilespmem:v9+s7+$0x0], $0xffff;
	v9 =	vshll.u32 v12, $0x10;
	[tilespmem:s18+$0x0] =	vst v16;
	(pc) =	sbr.rel @p0 .LBB2_27-.Ltmp12, $4  }
0x6fa: {  	s0 =	sadd.s32 $0x1, s23;
	v11 =	vld.idx.msk [tilespmem:v8+s7+$0x0], $0xffff;
	v8 =	vand.u32 $0xFFFF0000, v12;
	v12 =	vand.u32 $0xFFFF0000, v22;
	v17 =	vmul.f32 v17, v9;
	[tilespmem:s18+$0x80] =	vst v14  }
0x6fb: {  	v16 =	vadd.s32 s0, v5;
	v9 =	vadd.s32 s0, v4;
	s0 =	sadd.s32 $0x2, s23;
	v14 =	vld.idx.msk [tilespmem:v6+s7+$0x0], $0xffff;
	v21 =	vmul.f32 v12, v8;
	[tilespmem:s18+$0x100] =	vst v18  }
0x6fc: {  	s24 =	sadd.s32 $0x3, s23;
	v8 =	vadd.s32 s0, v5;
	v6 =	vadd.s32 s0, v4;
	v19 =	vshll.u32 v23, $0x10;
	[tilespmem:s18+$0xFFFFFE00] =	vst v17  }
0x6fd: {  	s23 =	sadd.s32 $0x4, s23;
	v17 =	vadd.s32 s24, v5;
	v18 =	vshll.u32 v10, $0x10;
	v12 =	vld.idx.msk [tilespmem:v20+s7+$0x0], $0xffff;
	v20 =	vand.u32 $0xFFFF0000, v23;
	[tilespmem:s18+$0xFFFFFE80] =	vst v21  }
0x6fe: {  	_ =	sdelay $0x2  }
0x6ff: {  	v4 =	vadd.s32 s24, v4  }
0x700: {  	v5 =	vld.idx.msk [tilespmem:v15+s7+$0x0], $0xffff;
	v10 =	vand.u32 $0xFFFF0000, v10;
	v15 =	vand.u32 $0xFFFF0000, v7;
	v21 =	vshll.u32 v13, $0x10  }
0x701: {  	v13 =	vand.u32 $0xFFFF0000, v13;
	v17 =	vld.idx.msk [tilespmem:v17+s7+$0x0], $0xffff;
	v3 =	vadd.s32 s20, v3;
	v10 =	vmul.f32 v15, v10  }
0x702: {  	s0 =	sadd.s32 $0x400, s18;
	v2 =	vadd.s32 s20, v2;
	v7 =	vshll.u32 v7, $0x10;
	v15 =	vld.idx.msk [tilespmem:v16+s7+$0x0], $0xffff;
	v16 =	vmul.f32 v21, v19  }
0x703: {  	v9 =	vld.idx.msk [tilespmem:v9+s7+$0x0], $0xffff;
	v13 =	vmul.f32 v13, v20;
	v19 =	vshll.u32 v11, $0x10;
	v7 =	vmul.f32 v7, v18;
	[tilespmem:s0+$0x180] =	vst v10  }
0x704: {  	v20 =	vshll.u32 v14, $0x10;
	v10 =	vand.u32 $0xFFFF0000, v11;
	[tilespmem:s0+$0xFFFFFF00] =	vst v16;
	v11 =	vand.u32 $0xFFFF0000, v14;
	v4 =	vld.idx.msk [tilespmem:v4+s7+$0x0], $0xffff  }
0x705: {  	[tilespmem:s0+$0xFFFFFF80] =	vst v13;
	v10 =	vmul.f32 v11, v10;
	v11 =	vshll.u32 v12, $0x10;
	v13 =	vshll.u32 v5, $0x10  }
0x706: {  	v8 =	vld.idx.msk [tilespmem:v8+s7+$0x0], $0xffff;
	[tilespmem:s0+$0x100] =	vst v7;
	v12 =	vand.u32 $0xFFFF0000, v12;
	v5 =	vand.u32 $0xFFFF0000, v5;
	v11 =	vmul.f32 v13, v11  }
0x707: {  	v6 =	vld.idx.msk [tilespmem:v6+s7+$0x0], $0xffff;
	v14 =	vmul.f32 v20, v19;
	[tilespmem:s0+$0x80] =	vst v10;
	v5 =	vmul.f32 v5, v12  }
0x708: {  	v3 =	vld.idx.msk [tilespmem:v3+s7+$0x0], $0xffff;
	v7 =	vand.u32 $0xFFFF0000, v17;
	v12 =	vshll.u32 v15, $0x10;
	[tilespmem:s0+$0xFFFFFE00] =	vst v11;
	v11 =	vshll.u32 v9, $0x10  }
0x709: {  	v2 =	vld.idx.msk [tilespmem:v2+s7+$0x0], $0xffff;
	[tilespmem:s0+$0xFFFFFE80] =	vst v5;
	v5 =	vand.u32 $0xFFFF0000, v9;
	v9 =	vmul.f32 v11, v12;
	v10 =	vand.u32 $0xFFFF0000, v4  }
0x70a: {  	[tilespmem:s0+$0x0] =	vst v14;
	s0 =	sadd.s32 $0x400, s0;
	v7 =	vmul.f32 v10, v7;
	v10 =	vand.u32 $0xFFFF0000, v15  }
0x70b: {  	v4 =	vshll.u32 v4, $0x10;
	[tilespmem:s0+$0xFFFFFF00] =	vst v9;
	v9 =	vshll.u32 v17, $0x10;
	v5 =	vmul.f32 v5, v10  }
0x70c: {  	v11 =	vshll.u32 v6, $0x10;
	v10 =	vshll.u32 v8, $0x10;
	v4 =	vmul.f32 v4, v9;
	[tilespmem:s0+$0x180] =	vst v7  }
0x70d: {  	v6 =	vand.u32 $0xFFFF0000, v6;
	v7 =	vand.u32 $0xFFFF0000, v8;
	v8 =	vmul.f32 v11, v10;
	[tilespmem:s0+$0xFFFFFF80] =	vst v5  }
0x70e: {  	v5 =	vmul.f32 v6, v7;
	v6 =	vshll.u32 v3, $0x10;
	v7 =	vshll.u32 v2, $0x10;
	[tilespmem:s0+$0x100] =	vst v4  }
0x70f: {  	v3 =	vand.u32 $0xFFFF0000, v3;
	v2 =	vand.u32 $0xFFFF0000, v2;
	[tilespmem:s0+$0x0] =	vst v8;
	v6 =	vmul.f32 v7, v6  }
0x710: {  	v2 =	vmul.f32 v2, v3;
	[tilespmem:s0+$0x80] =	vst v5  }
0x711: {  	[tilespmem:s0+$0xFFFFFE00] =	vst v6  }
0x712: {  	[tilespmem:s0+$0xFFFFFE80] =	vst v2  }
0x713: {  	v5 =	vld [tilespmem:$0x14250];
	_ =	sdelay $0x1  }
0x714: {  	v4 =	vld [tilespmem:$0x142D0];
	_ =	sdelay $0x1  }
0x715: {  	s23 =	simm.s32 $0x1  }
0x716: {  	s1 =	simm.s32 $0x3;
	v2 =	vadd.s32 s23, v5  }
0x717: {  	v3 =	vadd.s32 s1, v5  }
0x718: {  	v6 =	vadd.s32 s1, v4  }
0x719: {  	s24 =	simm.s32 $0x2;
	v7 =	vadd.s32 s23, v4  }
0x71a: {  	v8 =	vadd.s32 s24, v5  }
0x71b: {  	v9 =	vadd.s32 s24, v4;
	v10 =	vld.idx.msk [tilespmem:v2+s7+$0x0], $0xffff  }
0x71c: {  	v11 =	vld.idx.msk [tilespmem:v3+s7+$0x0], $0xffff  }
0x71d: {  	s25 =	simm.s32 $0x5;
	v6 =	vld.idx.msk [tilespmem:v6+s7+$0x0], $0xffff  }
0x71e: {  	s26 =	simm.s32 $0x6;
	v12 =	vadd.s32 s25, v5;
	v7 =	vld.idx.msk [tilespmem:v7+s7+$0x0], $0xffff  }
0x71f: {  	s28 =	simm.s32 $0x7;
	v13 =	vadd.s32 s25, v4;
	v14 =	vadd.s32 s26, v5;
	v17 =	vadd.s32 s26, v4;
	v8 =	vld.idx.msk [tilespmem:v8+s7+$0x0], $0xffff  }
0x720: {  	v16 =	vadd.s32 s28, v5;
	v21 =	vadd.s32 s28, v4;
	v3 =	vadd.s32 $0x4, v5;
	v9 =	vld.idx.msk [tilespmem:v9+s7+$0x0], $0xffff  }
0x721: {  	v2 =	vadd.s32 $0x4, v4;
	v15 =	vshll.u32 v10, $0x10;
	v10 =	vand.u32 $0xFFFF0000, v10  }
0x722: {  	v22 =	vld.idx.msk [tilespmem:v4+s7+$0x0], $0xffff;
	v19 =	vshll.u32 v11, $0x10;
	v11 =	vand.u32 $0xFFFF0000, v11;
	v20 =	vand.u32 $0xFFFF0000, v6  }
0x723: {  	v18 =	vld.idx.msk [tilespmem:v5+s7+$0x0], $0xffff;
	v23 =	vshll.u32 v7, $0x10;
	v7 =	vand.u32 $0xFFFF0000, v7;
	v11 =	vmul.f32 v20, v11  }
0x724: {  	s18 =	simm.s32 $0x16550;
	v6 =	vshll.u32 v6, $0x10;
	v15 =	vmul.f32 v23, v15;
	v7 =	vmul.f32 v7, v10  }
0x725: {  	s29 =	simm.s32 $0x0;
	v10 =	vshll.u32 v8, $0x10;
	v20 =	vshll.u32 v9, $0x10;
	v8 =	vand.u32 $0xFFFF0000, v8;
	[tilespmem:s18+$0x180] =	vst v11  }
0x726: {  	v23 =	vld.idx.msk [tilespmem:v12+s7+$0x0], $0xffff;
	v9 =	vand.u32 $0xFFFF0000, v9;
	v6 =	vmul.f32 v6, v19;
	v12 =	vadd.s32 s29, v3;
	[tilespmem:s18+$0xFFFFFF00] =	vst v15  }
0x727: {  	v19 =	vand.u32 $0xFFFF0000, v22;
	v8 =	vmul.f32 v9, v8;
	v11 =	vmul.f32 v20, v10;
	v10 =	vld.idx.msk [tilespmem:v16+s7+$0x0], $0xffff;
	[tilespmem:s18+$0xFFFFFF80] =	vst v7  }
0x728: {  	v9 =	vshll.u32 v18, $0x10;
	v18 =	vand.u32 $0xFFFF0000, v18;
	v7 =	vld.idx.msk [tilespmem:v21+s7+$0x0], $0xffff;
	v15 =	vadd.s32 s29, v2;
	[tilespmem:s18+$0x100] =	vst v6  }
0x729: {  	s30 =	simm.s32 $0x9;
	v13 =	vld.idx.msk [tilespmem:v13+s7+$0x0], $0xffff;
	v16 =	vshll.u32 v22, $0x10;
	v21 =	vmul.f32 v19, v18;
	[tilespmem:s18+$0x80] =	vst v8  }
0x72a: {  	s31 =	simm.s32 $0xA;
	s24 =	simm.s32 $0xB;
	v20 =	vmul.f32 v16, v9;
	v16 =	vadd.s32 s30, v5;
	v9 =	vadd.s32 s30, v4;
	[tilespmem:s18+$0x0] =	vst v11;
	v11 =	vld.idx.msk [tilespmem:v14+s7+$0x0], $0xffff  }
0x72b: {  	v6 =	vadd.s32 s31, v4;
	v8 =	vadd.s32 s31, v5;
	v14 =	vld.idx.msk [tilespmem:v17+s7+$0x0], $0xffff;
	v17 =	vadd.s32 s24, v5;
	[tilespmem:s18+$0xFFFFFE80] =	vst v21  }
0x72c: {  	s20 =	simm.s32 $0x4;
	s22 =	simm.s32 $0x8;
	s23 =	simm.s32 $0xC;
	v19 =	vshll.u32 v23, $0x10;
	[tilespmem:s18+$0xFFFFFE00] =	vst v20;
	v12 =	vld.idx.msk [tilespmem:v12+s7+$0x0], $0xffff;
	v20 =	vand.u32 $0xFFFF0000, v23;
	v18 =	vshll.u32 v10, $0x10  }
.LBB2_29:
0x72d: {  	p0 =	slt.u32 s23, $0x1C;
	v21 =	vadd.s32 s24, v4;
	v22 =	vld.idx.msk [tilespmem:v15+s7+$0x0], $0xffff;
	v10 =	vand.u32 $0xFFFF0000, v10;
	v15 =	vand.u32 $0xFFFF0000, v7  }
0x72e: {  	v23 =	vshll.u32 v13, $0x10;
	v7 =	vshll.u32 v7, $0x10;
	v10 =	vmul.f32 v15, v10  }
0x72f: {  	v13 =	vand.u32 $0xFFFF0000, v13;
	s18 =	sadd.s32 $0x400, s18;
	v15 =	vmul.f32 v23, v19;
	v18 =	vmul.f32 v7, v18  }
0x730: {  	v13 =	vmul.f32 v13, v20;
	v7 =	vshll.u32 v11, $0x10;
	v23 =	vld.idx.msk [tilespmem:v16+s7+$0x0], $0xffff;
	v16 =	vshll.u32 v14, $0x10;
	[tilespmem:s18+$0x180] =	vst v10  }
0x731: {  	v11 =	vand.u32 $0xFFFF0000, v11;
	v14 =	vand.u32 $0xFFFF0000, v14;
	v10 =	vld.idx.msk [tilespmem:v17+s7+$0x0], $0xffff;
	[tilespmem:s18+$0xFFFFFF00] =	vst v15;
	v16 =	vmul.f32 v16, v7  }
0x732: {  	v20 =	vadd.s32 s20, v3;
	v14 =	vmul.f32 v14, v11;
	v7 =	vld.idx.msk [tilespmem:v21+s7+$0x0], $0xffff;
	[tilespmem:s18+$0xFFFFFF80] =	vst v13  }
.Ltmp13:
0x733: {  	v15 =	vadd.s32 s20, v2;
	s20 =	smov.u32 s22;
	s22 =	smov.u32 s23;
	v17 =	vshll.u32 v22, $0x10;
	v13 =	vld.idx.msk [tilespmem:v9+s7+$0x0], $0xffff;
	v9 =	vshll.u32 v12, $0x10;
	[tilespmem:s18+$0x0] =	vst v16;
	(pc) =	sbr.rel @p0 .LBB2_29-.Ltmp13, $4  }
0x734: {  	s0 =	sadd.s32 $0x1, s23;
	v11 =	vld.idx.msk [tilespmem:v8+s7+$0x0], $0xffff;
	v8 =	vand.u32 $0xFFFF0000, v12;
	v12 =	vand.u32 $0xFFFF0000, v22;
	v17 =	vmul.f32 v17, v9;
	[tilespmem:s18+$0x80] =	vst v14  }
0x735: {  	v16 =	vadd.s32 s0, v5;
	v9 =	vadd.s32 s0, v4;
	s0 =	sadd.s32 $0x2, s23;
	v14 =	vld.idx.msk [tilespmem:v6+s7+$0x0], $0xffff;
	v21 =	vmul.f32 v12, v8;
	[tilespmem:s18+$0x100] =	vst v18  }
0x736: {  	s24 =	sadd.s32 $0x3, s23;
	v8 =	vadd.s32 s0, v5;
	v6 =	vadd.s32 s0, v4;
	v19 =	vshll.u32 v23, $0x10;
	[tilespmem:s18+$0xFFFFFE00] =	vst v17  }
0x737: {  	s23 =	sadd.s32 $0x4, s23;
	v17 =	vadd.s32 s24, v5;
	v18 =	vshll.u32 v10, $0x10;
	v12 =	vld.idx.msk [tilespmem:v20+s7+$0x0], $0xffff;
	v20 =	vand.u32 $0xFFFF0000, v23;
	[tilespmem:s18+$0xFFFFFE80] =	vst v21  }
0x738: {  	_ =	sdelay $0x2  }
0x739: {  	v4 =	vadd.s32 s24, v4  }
0x73a: {  	v5 =	vld.idx.msk [tilespmem:v15+s7+$0x0], $0xffff;
	v10 =	vand.u32 $0xFFFF0000, v10;
	v15 =	vand.u32 $0xFFFF0000, v7;
	v21 =	vshll.u32 v13, $0x10  }
0x73b: {  	v13 =	vand.u32 $0xFFFF0000, v13;
	v17 =	vld.idx.msk [tilespmem:v17+s7+$0x0], $0xffff;
	v3 =	vadd.s32 s20, v3;
	v10 =	vmul.f32 v15, v10  }
0x73c: {  	s0 =	sadd.s32 $0x400, s18;
	v2 =	vadd.s32 s20, v2;
	v7 =	vshll.u32 v7, $0x10;
	v15 =	vld.idx.msk [tilespmem:v16+s7+$0x0], $0xffff;
	v16 =	vmul.f32 v21, v19  }
0x73d: {  	v9 =	vld.idx.msk [tilespmem:v9+s7+$0x0], $0xffff;
	v13 =	vmul.f32 v13, v20;
	v19 =	vshll.u32 v11, $0x10;
	v7 =	vmul.f32 v7, v18;
	[tilespmem:s0+$0x180] =	vst v10  }
0x73e: {  	v20 =	vshll.u32 v14, $0x10;
	v10 =	vand.u32 $0xFFFF0000, v11;
	[tilespmem:s0+$0xFFFFFF00] =	vst v16;
	v11 =	vand.u32 $0xFFFF0000, v14;
	v4 =	vld.idx.msk [tilespmem:v4+s7+$0x0], $0xffff  }
0x73f: {  	[tilespmem:s0+$0xFFFFFF80] =	vst v13;
	v10 =	vmul.f32 v11, v10;
	v11 =	vshll.u32 v12, $0x10;
	v13 =	vshll.u32 v5, $0x10  }
0x740: {  	v8 =	vld.idx.msk [tilespmem:v8+s7+$0x0], $0xffff;
	[tilespmem:s0+$0x100] =	vst v7;
	v12 =	vand.u32 $0xFFFF0000, v12;
	v5 =	vand.u32 $0xFFFF0000, v5;
	v11 =	vmul.f32 v13, v11  }
0x741: {  	v6 =	vld.idx.msk [tilespmem:v6+s7+$0x0], $0xffff;
	v14 =	vmul.f32 v20, v19;
	[tilespmem:s0+$0x80] =	vst v10;
	v5 =	vmul.f32 v5, v12  }
0x742: {  	v3 =	vld.idx.msk [tilespmem:v3+s7+$0x0], $0xffff;
	v7 =	vand.u32 $0xFFFF0000, v17;
	v12 =	vshll.u32 v15, $0x10;
	[tilespmem:s0+$0xFFFFFE00] =	vst v11;
	v11 =	vshll.u32 v9, $0x10  }
0x743: {  	v2 =	vld.idx.msk [tilespmem:v2+s7+$0x0], $0xffff;
	[tilespmem:s0+$0xFFFFFE80] =	vst v5;
	v5 =	vand.u32 $0xFFFF0000, v9;
	v9 =	vmul.f32 v11, v12;
	v10 =	vand.u32 $0xFFFF0000, v4  }
0x744: {  	[tilespmem:s0+$0x0] =	vst v14;
	s0 =	sadd.s32 $0x400, s0;
	v7 =	vmul.f32 v10, v7;
	v10 =	vand.u32 $0xFFFF0000, v15  }
0x745: {  	v4 =	vshll.u32 v4, $0x10;
	[tilespmem:s0+$0xFFFFFF00] =	vst v9;
	v9 =	vshll.u32 v17, $0x10;
	v5 =	vmul.f32 v5, v10  }
0x746: {  	v11 =	vshll.u32 v6, $0x10;
	v10 =	vshll.u32 v8, $0x10;
	v4 =	vmul.f32 v4, v9;
	[tilespmem:s0+$0x180] =	vst v7  }
0x747: {  	v6 =	vand.u32 $0xFFFF0000, v6;
	v7 =	vand.u32 $0xFFFF0000, v8;
	v8 =	vmul.f32 v11, v10;
	[tilespmem:s0+$0xFFFFFF80] =	vst v5  }
0x748: {  	v5 =	vmul.f32 v6, v7;
	v6 =	vshll.u32 v3, $0x10;
	v7 =	vshll.u32 v2, $0x10;
	[tilespmem:s0+$0x100] =	vst v4  }
0x749: {  	v3 =	vand.u32 $0xFFFF0000, v3;
	v2 =	vand.u32 $0xFFFF0000, v2;
	[tilespmem:s0+$0x0] =	vst v8;
	v6 =	vmul.f32 v7, v6  }
0x74a: {  	v2 =	vmul.f32 v2, v3;
	[tilespmem:s0+$0x80] =	vst v5  }
0x74b: {  	[tilespmem:s0+$0xFFFFFE00] =	vst v6  }
0x74c: {  	[tilespmem:s0+$0xFFFFFE80] =	vst v2  }
0x74d: {  	v5 =	vld [tilespmem:$0x14260];
	_ =	sdelay $0x1  }
0x74e: {  	v4 =	vld [tilespmem:$0x142E0];
	_ =	sdelay $0x1  }
0x74f: {  	s23 =	simm.s32 $0x1  }
0x750: {  	s1 =	simm.s32 $0x3;
	v2 =	vadd.s32 s23, v5  }
0x751: {  	v3 =	vadd.s32 s1, v5  }
0x752: {  	v6 =	vadd.s32 s1, v4  }
0x753: {  	s24 =	simm.s32 $0x2;
	v7 =	vadd.s32 s23, v4  }
0x754: {  	v8 =	vadd.s32 s24, v5  }
0x755: {  	v9 =	vadd.s32 s24, v4;
	v10 =	vld.idx.msk [tilespmem:v2+s7+$0x0], $0xffff  }
0x756: {  	v11 =	vld.idx.msk [tilespmem:v3+s7+$0x0], $0xffff  }
0x757: {  	s25 =	simm.s32 $0x5;
	v6 =	vld.idx.msk [tilespmem:v6+s7+$0x0], $0xffff  }
0x758: {  	s26 =	simm.s32 $0x6;
	v12 =	vadd.s32 s25, v5;
	v7 =	vld.idx.msk [tilespmem:v7+s7+$0x0], $0xffff  }
0x759: {  	s28 =	simm.s32 $0x7;
	v13 =	vadd.s32 s25, v4;
	v14 =	vadd.s32 s26, v5;
	v17 =	vadd.s32 s26, v4;
	v8 =	vld.idx.msk [tilespmem:v8+s7+$0x0], $0xffff  }
0x75a: {  	v16 =	vadd.s32 s28, v5;
	v21 =	vadd.s32 s28, v4;
	v3 =	vadd.s32 $0x4, v5;
	v9 =	vld.idx.msk [tilespmem:v9+s7+$0x0], $0xffff  }
0x75b: {  	v2 =	vadd.s32 $0x4, v4;
	v15 =	vshll.u32 v10, $0x10;
	v10 =	vand.u32 $0xFFFF0000, v10  }
0x75c: {  	v22 =	vld.idx.msk [tilespmem:v4+s7+$0x0], $0xffff;
	v19 =	vshll.u32 v11, $0x10;
	v11 =	vand.u32 $0xFFFF0000, v11;
	v20 =	vand.u32 $0xFFFF0000, v6  }
0x75d: {  	v18 =	vld.idx.msk [tilespmem:v5+s7+$0x0], $0xffff;
	v23 =	vshll.u32 v7, $0x10;
	v7 =	vand.u32 $0xFFFF0000, v7;
	v11 =	vmul.f32 v20, v11  }
0x75e: {  	s18 =	simm.s32 $0x16560;
	v6 =	vshll.u32 v6, $0x10;
	v15 =	vmul.f32 v23, v15;
	v7 =	vmul.f32 v7, v10  }
0x75f: {  	s29 =	simm.s32 $0x0;
	v10 =	vshll.u32 v8, $0x10;
	v20 =	vshll.u32 v9, $0x10;
	v8 =	vand.u32 $0xFFFF0000, v8;
	[tilespmem:s18+$0x180] =	vst v11  }
0x760: {  	v23 =	vld.idx.msk [tilespmem:v12+s7+$0x0], $0xffff;
	v9 =	vand.u32 $0xFFFF0000, v9;
	v6 =	vmul.f32 v6, v19;
	v12 =	vadd.s32 s29, v3;
	[tilespmem:s18+$0xFFFFFF00] =	vst v15  }
0x761: {  	v19 =	vand.u32 $0xFFFF0000, v22;
	v8 =	vmul.f32 v9, v8;
	v11 =	vmul.f32 v20, v10;
	v10 =	vld.idx.msk [tilespmem:v16+s7+$0x0], $0xffff;
	[tilespmem:s18+$0xFFFFFF80] =	vst v7  }
0x762: {  	v9 =	vshll.u32 v18, $0x10;
	v18 =	vand.u32 $0xFFFF0000, v18;
	v7 =	vld.idx.msk [tilespmem:v21+s7+$0x0], $0xffff;
	v15 =	vadd.s32 s29, v2;
	[tilespmem:s18+$0x100] =	vst v6  }
0x763: {  	s30 =	simm.s32 $0x9;
	v13 =	vld.idx.msk [tilespmem:v13+s7+$0x0], $0xffff;
	v16 =	vshll.u32 v22, $0x10;
	v21 =	vmul.f32 v19, v18;
	[tilespmem:s18+$0x80] =	vst v8  }
0x764: {  	s31 =	simm.s32 $0xA;
	s24 =	simm.s32 $0xB;
	v20 =	vmul.f32 v16, v9;
	v16 =	vadd.s32 s30, v5;
	v9 =	vadd.s32 s30, v4;
	[tilespmem:s18+$0x0] =	vst v11;
	v11 =	vld.idx.msk [tilespmem:v14+s7+$0x0], $0xffff  }
0x765: {  	v6 =	vadd.s32 s31, v4;
	v8 =	vadd.s32 s31, v5;
	v14 =	vld.idx.msk [tilespmem:v17+s7+$0x0], $0xffff;
	v17 =	vadd.s32 s24, v5;
	[tilespmem:s18+$0xFFFFFE80] =	vst v21  }
0x766: {  	s20 =	simm.s32 $0x4;
	s22 =	simm.s32 $0x8;
	s23 =	simm.s32 $0xC;
	v19 =	vshll.u32 v23, $0x10;
	[tilespmem:s18+$0xFFFFFE00] =	vst v20;
	v12 =	vld.idx.msk [tilespmem:v12+s7+$0x0], $0xffff;
	v20 =	vand.u32 $0xFFFF0000, v23;
	v18 =	vshll.u32 v10, $0x10  }
.LBB2_31:
0x767: {  	p0 =	slt.u32 s23, $0x1C;
	v21 =	vadd.s32 s24, v4;
	v22 =	vld.idx.msk [tilespmem:v15+s7+$0x0], $0xffff;
	v10 =	vand.u32 $0xFFFF0000, v10;
	v15 =	vand.u32 $0xFFFF0000, v7  }
0x768: {  	v23 =	vshll.u32 v13, $0x10;
	v7 =	vshll.u32 v7, $0x10;
	v10 =	vmul.f32 v15, v10  }
0x769: {  	v13 =	vand.u32 $0xFFFF0000, v13;
	s18 =	sadd.s32 $0x400, s18;
	v15 =	vmul.f32 v23, v19;
	v18 =	vmul.f32 v7, v18  }
0x76a: {  	v13 =	vmul.f32 v13, v20;
	v7 =	vshll.u32 v11, $0x10;
	v23 =	vld.idx.msk [tilespmem:v16+s7+$0x0], $0xffff;
	v16 =	vshll.u32 v14, $0x10;
	[tilespmem:s18+$0x180] =	vst v10  }
0x76b: {  	v11 =	vand.u32 $0xFFFF0000, v11;
	v14 =	vand.u32 $0xFFFF0000, v14;
	v10 =	vld.idx.msk [tilespmem:v17+s7+$0x0], $0xffff;
	[tilespmem:s18+$0xFFFFFF00] =	vst v15;
	v16 =	vmul.f32 v16, v7  }
0x76c: {  	v20 =	vadd.s32 s20, v3;
	v14 =	vmul.f32 v14, v11;
	v7 =	vld.idx.msk [tilespmem:v21+s7+$0x0], $0xffff;
	[tilespmem:s18+$0xFFFFFF80] =	vst v13  }
.Ltmp14:
0x76d: {  	v15 =	vadd.s32 s20, v2;
	s20 =	smov.u32 s22;
	s22 =	smov.u32 s23;
	v17 =	vshll.u32 v22, $0x10;
	v13 =	vld.idx.msk [tilespmem:v9+s7+$0x0], $0xffff;
	v9 =	vshll.u32 v12, $0x10;
	[tilespmem:s18+$0x0] =	vst v16;
	(pc) =	sbr.rel @p0 .LBB2_31-.Ltmp14, $4  }
0x76e: {  	s0 =	sadd.s32 $0x1, s23;
	v11 =	vld.idx.msk [tilespmem:v8+s7+$0x0], $0xffff;
	v8 =	vand.u32 $0xFFFF0000, v12;
	v12 =	vand.u32 $0xFFFF0000, v22;
	v17 =	vmul.f32 v17, v9;
	[tilespmem:s18+$0x80] =	vst v14  }
0x76f: {  	v16 =	vadd.s32 s0, v5;
	v9 =	vadd.s32 s0, v4;
	s0 =	sadd.s32 $0x2, s23;
	v14 =	vld.idx.msk [tilespmem:v6+s7+$0x0], $0xffff;
	v21 =	vmul.f32 v12, v8;
	[tilespmem:s18+$0x100] =	vst v18  }
0x770: {  	s24 =	sadd.s32 $0x3, s23;
	v8 =	vadd.s32 s0, v5;
	v6 =	vadd.s32 s0, v4;
	v19 =	vshll.u32 v23, $0x10;
	[tilespmem:s18+$0xFFFFFE00] =	vst v17  }
0x771: {  	s23 =	sadd.s32 $0x4, s23;
	v17 =	vadd.s32 s24, v5;
	v18 =	vshll.u32 v10, $0x10;
	v12 =	vld.idx.msk [tilespmem:v20+s7+$0x0], $0xffff;
	v20 =	vand.u32 $0xFFFF0000, v23;
	[tilespmem:s18+$0xFFFFFE80] =	vst v21  }
0x772: {  	_ =	sdelay $0x2  }
0x773: {  	v4 =	vadd.s32 s24, v4  }
0x774: {  	v5 =	vld.idx.msk [tilespmem:v15+s7+$0x0], $0xffff;
	v10 =	vand.u32 $0xFFFF0000, v10;
	v15 =	vand.u32 $0xFFFF0000, v7;
	v21 =	vshll.u32 v13, $0x10  }
0x775: {  	v13 =	vand.u32 $0xFFFF0000, v13;
	v17 =	vld.idx.msk [tilespmem:v17+s7+$0x0], $0xffff;
	v3 =	vadd.s32 s20, v3;
	v10 =	vmul.f32 v15, v10  }
0x776: {  	s0 =	sadd.s32 $0x400, s18;
	v2 =	vadd.s32 s20, v2;
	v7 =	vshll.u32 v7, $0x10;
	v15 =	vld.idx.msk [tilespmem:v16+s7+$0x0], $0xffff;
	v16 =	vmul.f32 v21, v19  }
0x777: {  	v9 =	vld.idx.msk [tilespmem:v9+s7+$0x0], $0xffff;
	v13 =	vmul.f32 v13, v20;
	v19 =	vshll.u32 v11, $0x10;
	v7 =	vmul.f32 v7, v18;
	[tilespmem:s0+$0x180] =	vst v10  }
0x778: {  	v20 =	vshll.u32 v14, $0x10;
	v10 =	vand.u32 $0xFFFF0000, v11;
	[tilespmem:s0+$0xFFFFFF00] =	vst v16;
	v11 =	vand.u32 $0xFFFF0000, v14;
	v4 =	vld.idx.msk [tilespmem:v4+s7+$0x0], $0xffff  }
0x779: {  	[tilespmem:s0+$0xFFFFFF80] =	vst v13;
	v10 =	vmul.f32 v11, v10;
	v11 =	vshll.u32 v12, $0x10;
	v13 =	vshll.u32 v5, $0x10  }
0x77a: {  	v8 =	vld.idx.msk [tilespmem:v8+s7+$0x0], $0xffff;
	[tilespmem:s0+$0x100] =	vst v7;
	v12 =	vand.u32 $0xFFFF0000, v12;
	v5 =	vand.u32 $0xFFFF0000, v5;
	v11 =	vmul.f32 v13, v11  }
0x77b: {  	v6 =	vld.idx.msk [tilespmem:v6+s7+$0x0], $0xffff;
	v14 =	vmul.f32 v20, v19;
	[tilespmem:s0+$0x80] =	vst v10;
	v5 =	vmul.f32 v5, v12  }
0x77c: {  	v3 =	vld.idx.msk [tilespmem:v3+s7+$0x0], $0xffff;
	v7 =	vand.u32 $0xFFFF0000, v17;
	v12 =	vshll.u32 v15, $0x10;
	[tilespmem:s0+$0xFFFFFE00] =	vst v11;
	v11 =	vshll.u32 v9, $0x10  }
0x77d: {  	v2 =	vld.idx.msk [tilespmem:v2+s7+$0x0], $0xffff;
	[tilespmem:s0+$0xFFFFFE80] =	vst v5;
	v5 =	vand.u32 $0xFFFF0000, v9;
	v9 =	vmul.f32 v11, v12;
	v10 =	vand.u32 $0xFFFF0000, v4  }
0x77e: {  	[tilespmem:s0+$0x0] =	vst v14;
	s0 =	sadd.s32 $0x400, s0;
	v7 =	vmul.f32 v10, v7;
	v10 =	vand.u32 $0xFFFF0000, v15  }
0x77f: {  	v4 =	vshll.u32 v4, $0x10;
	[tilespmem:s0+$0xFFFFFF00] =	vst v9;
	v9 =	vshll.u32 v17, $0x10;
	v5 =	vmul.f32 v5, v10  }
0x780: {  	v11 =	vshll.u32 v6, $0x10;
	v10 =	vshll.u32 v8, $0x10;
	v4 =	vmul.f32 v4, v9;
	[tilespmem:s0+$0x180] =	vst v7  }
0x781: {  	v6 =	vand.u32 $0xFFFF0000, v6;
	v7 =	vand.u32 $0xFFFF0000, v8;
	v8 =	vmul.f32 v11, v10;
	[tilespmem:s0+$0xFFFFFF80] =	vst v5  }
0x782: {  	v5 =	vmul.f32 v6, v7;
	v6 =	vshll.u32 v3, $0x10;
	v7 =	vshll.u32 v2, $0x10;
	[tilespmem:s0+$0x100] =	vst v4  }
0x783: {  	v3 =	vand.u32 $0xFFFF0000, v3;
	v2 =	vand.u32 $0xFFFF0000, v2;
	[tilespmem:s0+$0x0] =	vst v8;
	v6 =	vmul.f32 v7, v6  }
0x784: {  	v2 =	vmul.f32 v2, v3;
	[tilespmem:s0+$0x80] =	vst v5  }
0x785: {  	[tilespmem:s0+$0xFFFFFE00] =	vst v6  }
0x786: {  	[tilespmem:s0+$0xFFFFFE80] =	vst v2  }
0x787: {  	v5 =	vld [tilespmem:$0x14270];
	_ =	sdelay $0x1  }
0x788: {  	v4 =	vld [tilespmem:$0x142F0];
	_ =	sdelay $0x1  }
0x789: {  	s23 =	simm.s32 $0x1  }
0x78a: {  	s1 =	simm.s32 $0x3;
	v2 =	vadd.s32 s23, v5  }
0x78b: {  	v3 =	vadd.s32 s1, v5  }
0x78c: {  	v6 =	vadd.s32 s1, v4  }
0x78d: {  	s24 =	simm.s32 $0x2;
	v7 =	vadd.s32 s23, v4  }
0x78e: {  	v8 =	vadd.s32 s24, v5  }
0x78f: {  	v9 =	vadd.s32 s24, v4;
	v10 =	vld.idx.msk [tilespmem:v2+s7+$0x0], $0xffff  }
0x790: {  	v11 =	vld.idx.msk [tilespmem:v3+s7+$0x0], $0xffff  }
0x791: {  	s25 =	simm.s32 $0x5;
	v6 =	vld.idx.msk [tilespmem:v6+s7+$0x0], $0xffff  }
0x792: {  	s26 =	simm.s32 $0x6;
	v12 =	vadd.s32 s25, v5;
	v7 =	vld.idx.msk [tilespmem:v7+s7+$0x0], $0xffff  }
0x793: {  	s28 =	simm.s32 $0x7;
	v13 =	vadd.s32 s25, v4;
	v14 =	vadd.s32 s26, v5;
	v17 =	vadd.s32 s26, v4;
	v8 =	vld.idx.msk [tilespmem:v8+s7+$0x0], $0xffff  }
0x794: {  	v16 =	vadd.s32 s28, v5;
	v21 =	vadd.s32 s28, v4;
	v3 =	vadd.s32 $0x4, v5;
	v9 =	vld.idx.msk [tilespmem:v9+s7+$0x0], $0xffff  }
0x795: {  	v2 =	vadd.s32 $0x4, v4;
	v15 =	vshll.u32 v10, $0x10;
	v10 =	vand.u32 $0xFFFF0000, v10  }
0x796: {  	v22 =	vld.idx.msk [tilespmem:v4+s7+$0x0], $0xffff;
	v19 =	vshll.u32 v11, $0x10;
	v11 =	vand.u32 $0xFFFF0000, v11;
	v20 =	vand.u32 $0xFFFF0000, v6  }
0x797: {  	v18 =	vld.idx.msk [tilespmem:v5+s7+$0x0], $0xffff;
	v23 =	vshll.u32 v7, $0x10;
	v7 =	vand.u32 $0xFFFF0000, v7;
	v11 =	vmul.f32 v20, v11  }
0x798: {  	s18 =	simm.s32 $0x16570;
	v6 =	vshll.u32 v6, $0x10;
	v15 =	vmul.f32 v23, v15;
	v7 =	vmul.f32 v7, v10  }
0x799: {  	s29 =	simm.s32 $0x0;
	v10 =	vshll.u32 v8, $0x10;
	v20 =	vshll.u32 v9, $0x10;
	v8 =	vand.u32 $0xFFFF0000, v8;
	[tilespmem:s18+$0x180] =	vst v11  }
0x79a: {  	v23 =	vld.idx.msk [tilespmem:v12+s7+$0x0], $0xffff;
	v9 =	vand.u32 $0xFFFF0000, v9;
	v6 =	vmul.f32 v6, v19;
	v12 =	vadd.s32 s29, v3;
	[tilespmem:s18+$0xFFFFFF00] =	vst v15  }
0x79b: {  	v19 =	vand.u32 $0xFFFF0000, v22;
	v8 =	vmul.f32 v9, v8;
	v11 =	vmul.f32 v20, v10;
	v10 =	vld.idx.msk [tilespmem:v16+s7+$0x0], $0xffff;
	[tilespmem:s18+$0xFFFFFF80] =	vst v7  }
0x79c: {  	v9 =	vshll.u32 v18, $0x10;
	v18 =	vand.u32 $0xFFFF0000, v18;
	v7 =	vld.idx.msk [tilespmem:v21+s7+$0x0], $0xffff;
	v15 =	vadd.s32 s29, v2;
	[tilespmem:s18+$0x100] =	vst v6  }
0x79d: {  	s30 =	simm.s32 $0x9;
	v13 =	vld.idx.msk [tilespmem:v13+s7+$0x0], $0xffff;
	v16 =	vshll.u32 v22, $0x10;
	v21 =	vmul.f32 v19, v18;
	[tilespmem:s18+$0x80] =	vst v8  }
0x79e: {  	s31 =	simm.s32 $0xA;
	s24 =	simm.s32 $0xB;
	v20 =	vmul.f32 v16, v9;
	v16 =	vadd.s32 s30, v5;
	v9 =	vadd.s32 s30, v4;
	[tilespmem:s18+$0x0] =	vst v11;
	v11 =	vld.idx.msk [tilespmem:v14+s7+$0x0], $0xffff  }
0x79f: {  	v6 =	vadd.s32 s31, v4;
	v8 =	vadd.s32 s31, v5;
	v14 =	vld.idx.msk [tilespmem:v17+s7+$0x0], $0xffff;
	v17 =	vadd.s32 s24, v5;
	[tilespmem:s18+$0xFFFFFE80] =	vst v21  }
0x7a0: {  	s20 =	simm.s32 $0x4;
	s22 =	simm.s32 $0x8;
	s23 =	simm.s32 $0xC;
	v19 =	vshll.u32 v23, $0x10;
	[tilespmem:s18+$0xFFFFFE00] =	vst v20;
	v12 =	vld.idx.msk [tilespmem:v12+s7+$0x0], $0xffff;
	v20 =	vand.u32 $0xFFFF0000, v23;
	v18 =	vshll.u32 v10, $0x10  }
.LBB2_33:
0x7a1: {  	p0 =	slt.u32 s23, $0x1C;
	v21 =	vadd.s32 s24, v4;
	v22 =	vld.idx.msk [tilespmem:v15+s7+$0x0], $0xffff;
	v10 =	vand.u32 $0xFFFF0000, v10;
	v15 =	vand.u32 $0xFFFF0000, v7  }
0x7a2: {  	v23 =	vshll.u32 v13, $0x10;
	v7 =	vshll.u32 v7, $0x10;
	v10 =	vmul.f32 v15, v10  }
0x7a3: {  	v13 =	vand.u32 $0xFFFF0000, v13;
	s18 =	sadd.s32 $0x400, s18;
	v15 =	vmul.f32 v23, v19;
	v18 =	vmul.f32 v7, v18  }
0x7a4: {  	v13 =	vmul.f32 v13, v20;
	v7 =	vshll.u32 v11, $0x10;
	v23 =	vld.idx.msk [tilespmem:v16+s7+$0x0], $0xffff;
	v16 =	vshll.u32 v14, $0x10;
	[tilespmem:s18+$0x180] =	vst v10  }
0x7a5: {  	v11 =	vand.u32 $0xFFFF0000, v11;
	v14 =	vand.u32 $0xFFFF0000, v14;
	v10 =	vld.idx.msk [tilespmem:v17+s7+$0x0], $0xffff;
	[tilespmem:s18+$0xFFFFFF00] =	vst v15;
	v16 =	vmul.f32 v16, v7  }
0x7a6: {  	v20 =	vadd.s32 s20, v3;
	v14 =	vmul.f32 v14, v11;
	v7 =	vld.idx.msk [tilespmem:v21+s7+$0x0], $0xffff;
	[tilespmem:s18+$0xFFFFFF80] =	vst v13  }
.Ltmp15:
0x7a7: {  	v15 =	vadd.s32 s20, v2;
	s20 =	smov.u32 s22;
	s22 =	smov.u32 s23;
	v17 =	vshll.u32 v22, $0x10;
	v13 =	vld.idx.msk [tilespmem:v9+s7+$0x0], $0xffff;
	v9 =	vshll.u32 v12, $0x10;
	[tilespmem:s18+$0x0] =	vst v16;
	(pc) =	sbr.rel @p0 .LBB2_33-.Ltmp15, $4  }
0x7a8: {  	s0 =	sadd.s32 $0x1, s23;
	v11 =	vld.idx.msk [tilespmem:v8+s7+$0x0], $0xffff;
	v8 =	vand.u32 $0xFFFF0000, v12;
	v12 =	vand.u32 $0xFFFF0000, v22;
	v17 =	vmul.f32 v17, v9;
	[tilespmem:s18+$0x80] =	vst v14  }
0x7a9: {  	v16 =	vadd.s32 s0, v5;
	v9 =	vadd.s32 s0, v4;
	s0 =	sadd.s32 $0x2, s23;
	v14 =	vld.idx.msk [tilespmem:v6+s7+$0x0], $0xffff;
	v21 =	vmul.f32 v12, v8;
	[tilespmem:s18+$0x100] =	vst v18  }
0x7aa: {  	s24 =	sadd.s32 $0x3, s23;
	v8 =	vadd.s32 s0, v5;
	v6 =	vadd.s32 s0, v4;
	v19 =	vshll.u32 v23, $0x10;
	[tilespmem:s18+$0xFFFFFE00] =	vst v17  }
0x7ab: {  	s23 =	sadd.s32 $0x4, s23;
	v17 =	vadd.s32 s24, v5;
	v18 =	vshll.u32 v10, $0x10;
	v12 =	vld.idx.msk [tilespmem:v20+s7+$0x0], $0xffff;
	v20 =	vand.u32 $0xFFFF0000, v23;
	[tilespmem:s18+$0xFFFFFE80] =	vst v21  }
0x7ac: {  	_ =	sdelay $0x3  }
0x7ad: {  	v5 =	vld.idx.msk [tilespmem:v15+s7+$0x0], $0xffff;
	v10 =	vand.u32 $0xFFFF0000, v10;
	v36 =	vand.u32 $0xFFFF0000, v7  }
0x7ae: {  	v4 =	vadd.s32 s24, v4;
	v21 =	vshll.u32 v13, $0x10;
	v38 =	vld.idx.msk [tilespmem:v16+s7+$0x0], $0xffff;
	v10 =	vmul.f32 v36, v10  }
0x7af: {  	v37 =	vand.u32 $0xFFFF0000, v13;
	s0 =	sadd.s32 $0x400, s18;
	v3 =	vadd.s32 s20, v3;
	v9 =	vld.idx.msk [tilespmem:v9+s7+$0x0], $0xffff;
	v39 =	vmul.f32 v21, v19  }
0x7b0: {  	v2 =	vadd.s32 s20, v2;
	v45 =	vshll.u32 v7, $0x10;
	v8 =	vld.idx.msk [tilespmem:v8+s7+$0x0], $0xffff;
	v13 =	vmul.f32 v37, v20;
	[tilespmem:s0+$0x180] =	vst v10  }
0x7b1: {  	v6 =	vld.idx.msk [tilespmem:v6+s7+$0x0], $0xffff;
	v40 =	vshll.u32 v11, $0x10;
	v7 =	vmul.f32 v45, v18;
	v41 =	vshll.u32 v14, $0x10;
	[tilespmem:s0+$0xFFFFFF00] =	vst v39  }
0x7b2: {  	v42 =	vand.u32 $0xFFFF0000, v11;
	v43 =	vand.u32 $0xFFFF0000, v14;
	v44 =	vmul.f32 v41, v40;
	[tilespmem:s0+$0xFFFFFF80] =	vst v13  }
0x7b3: {  	v17 =	vld.idx.msk [tilespmem:v17+s7+$0x0], $0xffff;
	v10 =	vmul.f32 v43, v42;
	[tilespmem:s0+$0x100] =	vst v7;
	v46 =	vshll.u32 v12, $0x10;
	v47 =	vshll.u32 v5, $0x10  }
0x7b4: {  	v48 =	vand.u32 $0xFFFF0000, v12;
	v4 =	vld.idx.msk [tilespmem:v4+s7+$0x0], $0xffff;
	[tilespmem:s0+$0x0] =	vst v44;
	v5 =	vand.u32 $0xFFFF0000, v5;
	v11 =	vmul.f32 v47, v46  }
0x7b5: {  	[tilespmem:s0+$0x80] =	vst v10;
	v3 =	vld.idx.msk [tilespmem:v3+s7+$0x0], $0xffff;
	v51 =	vshll.u32 v38, $0x10;
	v52 =	vshll.u32 v9, $0x10;
	v5 =	vmul.f32 v5, v48  }
0x7b6: {  	v2 =	vld.idx.msk [tilespmem:v2+s7+$0x0], $0xffff;
	v56 =	vshll.u32 v8, $0x10;
	v57 =	vshll.u32 v6, $0x10;
	v55 =	vmul.f32 v52, v51;
	[tilespmem:s0+$0xFFFFFE00] =	vst v11  }
0x7b7: {  	v58 =	vand.u32 $0xFFFF0000, v8;
	v6 =	vand.u32 $0xFFFF0000, v6;
	v59 =	vmul.f32 v57, v56;
	[tilespmem:s0+$0xFFFFFE80] =	vst v5;
	s0 =	sadd.s32 $0x400, s0  }
0x7b8: {  	v53 =	vand.u32 $0xFFFF0000, v38;
	v54 =	vand.u32 $0xFFFF0000, v9;
	v61 =	vmul.f32 v6, v58;
	[tilespmem:s0+$0xFFFFFF00] =	vst v55  }
0x7b9: {  	v49 =	vand.u32 $0xFFFF0000, v17;
	v5 =	vmul.f32 v54, v53;
	[tilespmem:s0+$0x0] =	vst v59;
	v50 =	vand.u32 $0xFFFF0000, v4  }
0x7ba: {  	v60 =	vshll.u32 v17, $0x10;
	[tilespmem:s0+$0x80] =	vst v61;
	v4 =	vshll.u32 v4, $0x10;
	v7 =	vmul.f32 v50, v49  }
0x7bb: {  	[tilespmem:s0+$0xFFFFFF80] =	vst v5;
	v62 =	vshll.u32 v3, $0x10;
	v63 =	vshll.u32 v2, $0x10;
	v4 =	vmul.f32 v4, v60  }
0x7bc: {  	v6 =	vmul.f32 v63, v62;
	[tilespmem:s0+$0x180] =	vst v7  }
0x7bd: {  	v3 =	vand.u32 $0xFFFF0000, v3;
	v2 =	vand.u32 $0xFFFF0000, v2;
	[tilespmem:s0+$0x100] =	vst v4  }
0x7be: {  	v2 =	vmul.f32 v2, v3;
	[tilespmem:s0+$0xFFFFFE00] =	vst v6  }
0x7bf: {  	s1 =	rddreg [dreg:$0xc]  }
0x7c0: {  	s2 =	rddreg [dreg:$0xd];
	[tilespmem:s0+$0xFFFFFE80] =	vst v2  }
0x7c1: {  	s17 =	rddreg [dreg:$0x8]  }
0x7c2: {  	s17 =	sadd.s32 $0x1, s17  }
0x7c3: {  	p0 =	sne.s32 s17, $0x34  }
.Ltmp16:
0x7c4: {  	_ = 	snop;
	(pc) =	sbr.rel @p0 .LBB2_2-.Ltmp16, $4  }
0x7c5: {  	_ = 	snop  }
0x7c6: {  	s30 =	simm.s32 $0x20000;
	s1 =	sor.u32 s2, s1  }
0x7c7: {  	s31 =	simm.s32 $0x400;
	s3 =	simm.s32 $0x16300;
	s29 =	sadd.s32 s1, s5  }
0x7c8: {  	[hbm4b:s29+s31] =	stream.strided.scatter [tilespmem:s3], [sflag:$0x2], $0x2000, s30, s31, $0x38;
	[tilespmem:$0x18300] =	vst v63  }
0x7c9: {  	s0 =	simm.s32 $0x1  }
0x7ca: {  	_ =	swait.ge [sflag:s0], $0x2000  }
0x7cb: {  	[sflag:s0] =	ssyncset.done $0x0  }
0x7cc: {  	s1 =	simm.s32 $0x2;
	[sflag:s0] =	ssyncadd.s32 $0xFFFFE000  }
0x7cd: {  	_ =	swait.ge [sflag:s1], $0x2000  }
0x7ce: {  	s2 =	rddreg [dreg:$0x7]  }
0x7cf: {  	s31 =	rddreg [dreg:$0x6];
	s2 =	sadd.s32 $0x1, s2  }
0x7d0: {  	p0 =	sne.s32 s2, s31  }
.Ltmp17:
0x7d1: {  	_ = 	snop;
	(pc) =	sbr.rel @p0 .LBB2_1-.Ltmp17, $3  }
0x7d2: {  	_ =	sdelay $0x1  }
0x7d3: {  	[sflag:s1] =	ssyncset.done $0x0  }
0x7d4: {  	[sflag:s1] =	ssyncadd.s32 $0xFFFFE000  }
0x7d5: {  	_ =	sfence.sel $0x180000  }
0x7d6: {  	[bflag:$0x0] =	sbarrier.arrive $0xFFFF  }
0x7d7: {  	_ =	strace $0x90000047  }
0x7d8: {  	s0 =	stileid.u32;
	[bflag:$0x2] =	sbarrier.arrive $0xFFFF  }
0x7d9: {  	p0 =	sne.s32 s0, $0x0;
	s0 =	rddreg [dreg:$0x3]  }
0x7da: {  	s0 =	sadd.s32 @!p0 $0x100000, s0  }
0x7db: {  	[sflag:s0] =	ssyncadd.tile.s32 @!p0 $0x1;
	_ =	shalt  }
.Lfunc_end2:
_tile_overlayer_lowered:
.L_overlay_start_2:
0x7dc: {  	(tag) =	ssettag $0x2  }
0x7dd: {  	s0 =	rddreg [dreg:$0x0];
	s2 =	stileid.u32  }
0x7de: {  	s1 =	rddreg [dreg:$0x1];
	p0 =	sne.s32 s2, $0x0  }
0x7df: {  	s3 =	rddreg [dreg:$0x2];
	[bflag:$0x3] =	sbarrier.arrive $0xFFFF;
	s2 =	simm.s32 @!p0 $0x1C03  }
0x7e0: {  	[timem:s3], [sflag:s2] =	dma.local @!p0 [hbm:s0], s1  }
0x7e1: {  	s0 =	simm.s32 @!p0 $0x3  }
0x7e2: {  	_ =	swait.ge @!p0 [sflag:s0], s1  }
0x7e3: {  	s1 =	ssub.s32 @!p0 $0x0, s1;
	[sflag:s0] =	ssyncset.done @!p0 $0x0  }
0x7e4: {  	[sflag:s0] =	ssyncadd.s32 @!p0 s1  }
0x7e5: {  	[bflag:$0x3] =	sbarrier.arrive $0xFFFF  }
0x7e6: {  	_ =	shalt  }

</sc_bundles>
